<compile_context>
chip_gen: v7x
topology: tpu7x:2x2x1
jax: 0.10.2.dev20260603
libtpu: 0.0.44.dev20260713+nightly
codegen_flags: <defaults>
</compile_context>

<pallas_src>
import functools

import jax
import jax.numpy as jnp
from jax import lax
from jax.experimental import pallas as pl
from jax.experimental.pallas import tpu as pltpu
from jax.experimental.pallas import tpu_sc as plsc

NC, NS, L = 2, 16, 16
NW = NC * NS

R_MAX = 6.0
CHUNK = 800
ZCH = 1600


def _rbin(rr, NR, rmax_c, inv_dr):
    idxf = jnp.minimum(rr, rmax_c) * inv_dr
    idx = idxf.astype(jnp.int32)
    frac = idxf - idx.astype(jnp.float32)
    nidx = jnp.minimum(idx + 1, NR - 1)
    return idx, nidx, frac


def _types(pk_t, aa):
    word = plsc.load_gather(pk_t, [lax.shift_right_logical(aa, 4)])
    return jnp.bitwise_and(
        lax.shift_right_logical(word, jnp.bitwise_and(aa, 15) * 2), 3)


def _interp(tab, base, idx, nidx, frac):
    v0 = plsc.load_gather(tab, [base + idx])
    v1 = plsc.load_gather(tab, [base + nidx])
    return v0 + frac * (v1 - v0)


def _bf16_sel(w, par):
    amt = jnp.left_shift(jnp.bitwise_xor(par, 1), 4)
    return lax.bitcast_convert_type(
        jnp.bitwise_and(jnp.left_shift(w, amt), jnp.int32(-65536)),
        jnp.float32)


def _interp_bf16(tab_pk, base, idx, nidx, frac):
    k0 = base + idx
    k1 = base + nidx
    w0 = plsc.load_gather(tab_pk, [lax.shift_right_logical(k0, 1)])
    w1 = plsc.load_gather(tab_pk, [lax.shift_right_logical(k1, 1)])
    v0 = _bf16_sel(w0, jnp.bitwise_and(k0, 1))
    v1 = _bf16_sel(w1, jnp.bitwise_and(k1, 1))
    return v0 + frac * (v1 - v0)


def _fp_lookup(fp_t, a):
    wi = jnp.bitwise_or(
        lax.shift_right_logical(jnp.bitwise_and(a, jnp.int32(-32)), 1),
        jnp.bitwise_and(a, 15))
    w = plsc.load_gather(fp_t, [wi])
    return _bf16_sel(w, jnp.bitwise_and(lax.shift_right_logical(a, 4), 1))


@functools.lru_cache(maxsize=None)
def _make_k1(NP, NA_PAD, NR, ET):
    PER = NP // NW
    NCHUNK = PER // CHUNK
    STEPS = CHUNK // L
    SLICE = NA_PAD // NS
    inv_dr = (NR - 1) / R_MAX
    rmax_c = R_MAX * (1.0 - 1e-07)
    mesh = plsc.VectorSubcoreMesh(core_axis_name="c", subcore_axis_name="s")
    f32 = jnp.float32

    @functools.partial(
        pl.kernel,
        out_type=(jax.ShapeDtypeStruct((NC, NA_PAD), f32),
                  jax.ShapeDtypeStruct((NC, NA_PAD), f32)),
        mesh=mesh,
        compiler_params=pltpu.CompilerParams(needs_layout_passes=False),
        scratch_types=[
            pltpu.VMEM((ET * NR,), f32),
            pltpu.VMEM((ET * ET * NR,), f32),
            pltpu.VMEM((NA_PAD // 16,), jnp.int32),
            pltpu.VMEM((CHUNK,), f32),
            pltpu.VMEM((CHUNK,), f32),
            pltpu.VMEM((CHUNK,), jnp.int32),
            pltpu.VMEM((CHUNK,), jnp.int32),
            pltpu.VMEM((CHUNK,), jnp.int32),
            pltpu.VMEM((CHUNK,), jnp.int32),
            pltpu.VMEM((CHUNK,), jnp.int32),
            pltpu.VMEM((CHUNK,), f32),
            pltpu.VMEM((CHUNK,), f32),
            pltpu.VMEM((CHUNK,), f32),
            pltpu.VMEM((CHUNK,), f32),
            pltpu.VMEM((ZCH,), f32),
            pltpu.SemaphoreType.DMA,
            pltpu.SemaphoreType.DMA,
            pltpu.SemaphoreType.DMA,
            pltpu.SemaphoreType.DMA,
            pltpu.SemaphoreType.DMA,
            pltpu.SemaphoreType.DMA,
            pltpu.SemaphoreType.DMA,
            pltpu.VMEM_SHARED((NA_PAD,), f32),
            pltpu.VMEM_SHARED((NA_PAD,), f32),
        ],
    )
    def k1(r_hbm, src_hbm, dst_hbm, pk_hbm, dens_hbm, pair_hbm,
           rho_out, pe_out,
           dens_t, pair_t, pk_t, r_b0, r_b1, s_b0, s_b1, s_b2, d_b0, d_b1,
           dv0, dv1, pv0, pv1, zb, rdsem0, rdsem1, ssem0, ssem1, ssem2,
           scsem0, scsem1, rho_sh, pe_sh):
        c = lax.axis_index("c")
        s = lax.axis_index("s")
        wid = c * NS + s
        rbs, dbs, sbs = [r_b0, r_b1], [d_b0, d_b1], [s_b0, s_b1, s_b2]
        dvs, pvs = [dv0, dv1], [pv0, pv1]
        rdsems, ssems = [rdsem0, rdsem1], [ssem0, ssem1, ssem2]
        scsems = [scsem0, scsem1]
        pltpu.sync_copy(dens_hbm, dens_t)
        pltpu.sync_copy(pair_hbm, pair_t)
        pltpu.sync_copy(pk_hbm, pk_t)

        def zfill(j, carry):
            zb[pl.ds(j * L, L)] = jnp.zeros((L,), f32)
            return carry
        lax.fori_loop(0, ZCH // L, zfill, 0)

        def zcopy(q, carry):
            off = s * SLICE + q * ZCH
            pltpu.sync_copy(zb, rho_sh.at[pl.ds(off, ZCH)])
            pltpu.sync_copy(zb, pe_sh.at[pl.ds(off, ZCH)])
            return carry
        lax.fori_loop(0, SLICE // ZCH, zcopy, 0)
        plsc.subcore_barrier()

        base0 = wid * PER

        def start_in(i, bp, bs):
            base = base0 + i * CHUNK
            pltpu.async_copy(r_hbm.at[pl.ds(base, CHUNK)], rbs[bp],
                             rdsems[bp])
            pltpu.async_copy(dst_hbm.at[pl.ds(base, CHUNK)], dbs[bp],
                             rdsems[bp])
            pltpu.async_copy(src_hbm.at[pl.ds(base, CHUNK)], sbs[bs],
                             ssems[bs])

        def wait_in(bp, bs):
            pltpu.make_async_copy(
                r_hbm.at[pl.ds(0, CHUNK)], rbs[bp], rdsems[bp]).wait()
            pltpu.make_async_copy(
                dst_hbm.at[pl.ds(0, CHUNK)], dbs[bp], rdsems[bp]).wait()
            pltpu.make_async_copy(
                src_hbm.at[pl.ds(0, CHUNK)], sbs[bs], ssems[bs]).wait()

        def wait_scatter(bp, bs):
            pltpu.make_async_copy(
                dvs[bp], rho_sh.at[sbs[bs]], scsems[bp]).wait()
            pltpu.make_async_copy(
                pvs[bp], pe_sh.at[sbs[bs]], scsems[bp]).wait()

        def do_chunk(bp, bs):
            wait_in(bp, bs)

            def step(j, carry2):
                sl = pl.ds(j * L, L)
                idx, nidx, frac = _rbin(rbs[bp][sl], NR, rmax_c, inv_dr)
                tj = _types(pk_t, dbs[bp][sl])
                ti = _types(pk_t, sbs[bs][sl])
                dvs[bp][sl] = _interp(dens_t, tj * NR, idx, nidx, frac)
                pvs[bp][sl] = _interp(pair_t, (ti * 3 + tj) * NR,
                                      idx, nidx, frac)
                return carry2
            lax.fori_loop(0, STEPS, step, 0)
            pltpu.async_copy(dvs[bp], rho_sh.at[sbs[bs]], scsems[bp],
                             add=True)
            pltpu.async_copy(pvs[bp], pe_sh.at[sbs[bs]], scsems[bp],
                             add=True)

        start_in(jnp.int32(0), 0, 0)
        start_in(jnp.int32(1), 1, 1)

        NFULL = (NCHUNK // 6) * 6
        if NFULL > NCHUNK - 2:
            NFULL -= 6
        assert NFULL >= 2

        def outer(q, carry):
            for k in range(6):
                i = q * 6 + k
                bp, bs = k % 2, k % 3
                do_chunk(bp, bs)

                @pl.when(i >= 1)
                def _():
                    wait_scatter((k - 1) % 2, (k - 1) % 3)
                start_in(i + 2, bp, (k + 2) % 3)
            return carry
        lax.fori_loop(0, NFULL // 6, outer, 0)
        for ii in range(NFULL, NCHUNK):
            bp, bs = ii % 2, ii % 3
            do_chunk(bp, bs)
            wait_scatter((ii - 1) % 2, (ii - 1) % 3)
            if ii + 2 < NCHUNK:
                start_in(jnp.int32(ii + 2), bp, (ii + 2) % 3)
        wait_scatter((NCHUNK - 1) % 2, (NCHUNK - 1) % 3)
        plsc.subcore_barrier()
        pltpu.sync_copy(rho_sh.at[pl.ds(s * SLICE, SLICE)],
                        rho_out.at[c, pl.ds(s * SLICE, SLICE)])
        pltpu.sync_copy(pe_sh.at[pl.ds(s * SLICE, SLICE)],
                        pe_out.at[c, pl.ds(s * SLICE, SLICE)])

    return k1


@functools.lru_cache(maxsize=None)
def _make_k2(NA_PAD, NRHO, ET):
    PER = NA_PAD // NW
    STEPS = PER // L
    mesh = plsc.VectorSubcoreMesh(core_axis_name="c", subcore_axis_name="s")
    f32 = jnp.float32

    @functools.partial(
        pl.kernel,
        out_type=(jax.ShapeDtypeStruct((NA_PAD,), f32),
                  jax.ShapeDtypeStruct((NA_PAD // 2,), jnp.int32)),
        mesh=mesh,
        compiler_params=pltpu.CompilerParams(needs_layout_passes=False),
        scratch_types=[
            pltpu.VMEM((ET * NRHO,), f32),
            pltpu.VMEM((ET * NRHO,), f32),
            pltpu.VMEM((16,), f32),
            pltpu.VMEM((16,), f32),
            pltpu.VMEM((PER,), f32),
            pltpu.VMEM((PER,), f32),
            pltpu.VMEM((PER,), f32),
            pltpu.VMEM((PER,), f32),
            pltpu.VMEM((PER,), jnp.int32),
            pltpu.VMEM((PER,), f32),
            pltpu.VMEM((PER // 2,), jnp.int32),
        ],
    )
    def k2(rho_p, pe_p, types_hbm, emb_hbm, embd_hbm, rm_hbm, iv_hbm,
           en_out, fp_out,
           emb_t, embd_t, rm_t, iv_t, rho0, rho1, pe0, pe1, tt, en_b, fp_b):
        c = lax.axis_index("c")
        s = lax.axis_index("s")
        wid = c * NS + s
        base = wid * PER
        pltpu.sync_copy(emb_hbm, emb_t)
        pltpu.sync_copy(embd_hbm, embd_t)
        pltpu.sync_copy(rm_hbm, rm_t)
        pltpu.sync_copy(iv_hbm, iv_t)
        pltpu.sync_copy(rho_p.at[0, pl.ds(base, PER)], rho0)
        pltpu.sync_copy(rho_p.at[1, pl.ds(base, PER)], rho1)
        pltpu.sync_copy(pe_p.at[0, pl.ds(base, PER)], pe0)
        pltpu.sync_copy(pe_p.at[1, pl.ds(base, PER)], pe1)
        pltpu.sync_copy(types_hbm.at[pl.ds(base, PER)], tt)

        def halfstep(j):
            sl = pl.ds(j * L, L)
            rho = rho0[sl] + rho1[sl]
            t = tt[sl]
            rmv = plsc.load_gather(rm_t, [t])
            ivv = plsc.load_gather(iv_t, [t])
            idxf = jnp.clip((rho - rmv) * ivv, 0.0, NRHO - 1 - 1e-04)
            idx = idxf.astype(jnp.int32)
            frac = idxf - idx.astype(f32)
            nidx = jnp.minimum(idx + 1, NRHO - 1)
            tb = t * NRHO
            e0 = plsc.load_gather(emb_t, [tb + idx])
            e1 = plsc.load_gather(emb_t, [tb + nidx])
            f0 = plsc.load_gather(embd_t, [tb + idx])
            f1 = plsc.load_gather(embd_t, [tb + nidx])
            en_b[sl] = e0 + frac * (e1 - e0) + 0.5 * (pe0[sl] + pe1[sl])
            return f0 + frac * (f1 - f0)

        def step(m, carry):
            fpa = halfstep(2 * m)
            fpb = halfstep(2 * m + 1)
            pk2 = plsc.pack(fpa, fpb, format=plsc.PackFormat.INTERLEAVED)
            fp_b[pl.ds(m * L, L)] = plsc.bitcast(pk2, jnp.int32)
            return carry
        lax.fori_loop(0, STEPS // 2, step, 0)
        pltpu.sync_copy(en_b, en_out.at[pl.ds(base, PER)])
        pltpu.sync_copy(fp_b, fp_out.at[pl.ds(wid * (PER // 2), PER // 2)])

    return k2


@functools.lru_cache(maxsize=None)
def _make_k3(NP, NA_PAD, NR, ET):
    PER = NP // NW
    NCHUNK = PER // CHUNK
    STEPS = CHUNK // L
    SLICE = NA_PAD // NS
    inv_dr = (NR - 1) / R_MAX
    rmax_c = R_MAX * (1.0 - 1e-07)
    mesh = plsc.VectorSubcoreMesh(core_axis_name="c", subcore_axis_name="s")
    f32 = jnp.float32

    @functools.partial(
        pl.kernel,
        out_type=jax.ShapeDtypeStruct((NP,), f32),
        mesh=mesh,
        compiler_params=pltpu.CompilerParams(needs_layout_passes=False),
        scratch_types=[
            pltpu.VMEM((ET * ET * NR // 2,), jnp.int32),
            pltpu.VMEM((ET * NR,), f32),
            pltpu.VMEM((NA_PAD // 16,), jnp.int32),
            pltpu.VMEM((NA_PAD // 2,), jnp.int32),
            pltpu.VMEM((CHUNK,), f32),
            pltpu.VMEM((CHUNK,), f32),
            pltpu.VMEM((CHUNK,), jnp.int32),
            pltpu.VMEM((CHUNK,), jnp.int32),
            pltpu.VMEM((CHUNK,), jnp.int32),
            pltpu.VMEM((CHUNK,), jnp.int32),
            pltpu.VMEM((CHUNK,), f32),
            pltpu.VMEM((CHUNK,), f32),
            pltpu.SemaphoreType.DMA,
            pltpu.SemaphoreType.DMA,
            pltpu.SemaphoreType.DMA,
            pltpu.SemaphoreType.DMA,
        ],
    )
    def k3(r_hbm, src_hbm, dst_hbm, pk_hbm, densd_hbm, paird_hbm, fp_hbm,
           fe_out,
           paird_t, densd_t, pk_t, fp_t, r_b0, r_b1, s_b0, s_b1, d_b0, d_b1,
           fe_b0, fe_b1, sem0, sem1, osem0, osem1):
        c = lax.axis_index("c")
        s = lax.axis_index("s")
        wid = c * NS + s
        rbs, sbs, dbs = [r_b0, r_b1], [s_b0, s_b1], [d_b0, d_b1]
        febs, sems, osems = [fe_b0, fe_b1], [sem0, sem1], [osem0, osem1]
        pltpu.sync_copy(paird_hbm, paird_t)
        pltpu.sync_copy(densd_hbm, densd_t)
        pltpu.sync_copy(pk_hbm, pk_t)
        pltpu.sync_copy(fp_hbm, fp_t)

        base0 = wid * PER

        def start_in(i, b):
            base = base0 + i * CHUNK
            pltpu.async_copy(r_hbm.at[pl.ds(base, CHUNK)], rbs[b], sems[b])
            pltpu.async_copy(src_hbm.at[pl.ds(base, CHUNK)], sbs[b], sems[b])
            pltpu.async_copy(dst_hbm.at[pl.ds(base, CHUNK)], dbs[b], sems[b])

        def wait_in(b):
            pltpu.make_async_copy(
                r_hbm.at[pl.ds(0, CHUNK)], rbs[b], sems[b]).wait()
            pltpu.make_async_copy(
                src_hbm.at[pl.ds(0, CHUNK)], sbs[b], sems[b]).wait()
            pltpu.make_async_copy(
                dst_hbm.at[pl.ds(0, CHUNK)], dbs[b], sems[b]).wait()

        def wait_out(b):
            pltpu.make_async_copy(
                febs[b], fe_out.at[pl.ds(0, CHUNK)], osems[b]).wait()

        def do_chunk(i, b):
            wait_in(b)

            @pl.when(i >= 2)
            def _():
                wait_out(b)

            def step(j, carry2):
                sl = pl.ds(j * L, L)
                ss = sbs[b][sl]
                dd = dbs[b][sl]
                idx, nidx, frac = _rbin(rbs[b][sl], NR, rmax_c, inv_dr)
                tj = _types(pk_t, dd)
                ti = _types(pk_t, ss)
                phip = _interp_bf16(paird_t, (ti * 3 + tj) * NR,
                                    idx, nidx, frac)
                rpj = _interp(densd_t, tj * NR, idx, nidx, frac)
                rpi = _interp(densd_t, ti * NR, idx, nidx, frac)
                febs[b][sl] = (phip + _fp_lookup(fp_t, ss) * rpj
                               + _fp_lookup(fp_t, dd) * rpi)
                return carry2
            lax.fori_loop(0, STEPS, step, 0)
            pltpu.async_copy(febs[b],
                             fe_out.at[pl.ds(base0 + i * CHUNK, CHUNK)],
                             osems[b])

        start_in(jnp.int32(0), 0)
        start_in(jnp.int32(1), 1)

        def outer(q, carry):
            for b in range(2):
                i = q * 2 + b
                do_chunk(i, b)
                start_in(jnp.minimum(i + 2, NCHUNK - 1), b)
            return carry
        lax.fori_loop(0, NCHUNK // 2, outer, 0)
        if NCHUNK % 2:
            do_chunk(jnp.int32(NCHUNK - 1), 0)
            wait_in(1)
        else:
            wait_in(0)
            wait_in(1)
        wait_out((NCHUNK - 2) % 2)
        wait_out((NCHUNK - 1) % 2)

    return k3


def kernel(r, edge_index, atom_type_indices, density_table,
           density_deriv_table, pair_table, pair_deriv_table, embed_table,
           embed_deriv_table, embed_rho_min, embed_inv_drho):
    NP = r.shape[0]
    NA = atom_type_indices.shape[0]
    ET, NR = density_table.shape
    NRHO = embed_table.shape[1]
    NA_PAD = -(-NA // (NS * ZCH)) * (NS * ZCH)

    src = edge_index[0]
    dst = edge_index[1]

    tpad = jnp.pad(atom_type_indices, (0, NA_PAD - NA)).astype(jnp.uint32)
    shifts = (2 * jnp.arange(16, dtype=jnp.uint32))[None, :]
    pk = jnp.sum(tpad.reshape(-1, 16) << shifts, axis=1).astype(jnp.int32)
    types_pad = jnp.pad(atom_type_indices, (0, NA_PAD - NA))

    rm16 = jnp.pad(embed_rho_min, (0, 16 - ET))
    iv16 = jnp.pad(embed_inv_drho, (0, 16 - ET))

    pd_bits = lax.bitcast_convert_type(
        pair_deriv_table.reshape(-1).astype(jnp.bfloat16),
        jnp.uint16).astype(jnp.uint32)
    paird_pk = (pd_bits[0::2] | (pd_bits[1::2] << 16)).astype(jnp.int32)

    k1 = _make_k1(NP, NA_PAD, NR, ET)
    k2 = _make_k2(NA_PAD, NRHO, ET)
    k3 = _make_k3(NP, NA_PAD, NR, ET)

    rho_p, pe_p = k1(r, src, dst, pk,
                     density_table.reshape(-1), pair_table.reshape(-1))
    energy_pad, fp_pk = k2(rho_p, pe_p, types_pad,
                           embed_table.reshape(-1),
                           embed_deriv_table.reshape(-1), rm16, iv16)
    f_edge = k3(r, src, dst, pk, density_deriv_table.reshape(-1),
                paird_pk, fp_pk)
    return jnp.concatenate([energy_pad[:NA], f_edge])

# --- scband reference (transcript-rebuilt; emitter-appended) ---
"""Pipeline reference for scband-eamforce-11854109737005 (READ-ONLY COPY).

The authoritative reference and input builder live on the scoring server;
editing this copy changes nothing except your own understanding.
"""

import jax, jax.numpy as jnp
import numpy as np

N_ATOMS = 100000
N_PAIRS = 3200000
E_TYPES = 3
N_R = 8192
N_RHO = 4096
R_MAX = 6.0
INV_DR = (N_R - 1) / R_MAX
RHO_MIN = -100.0
RHO_MAX = 100.0
INV_DRHO = (N_RHO - 1) / (RHO_MAX - RHO_MIN)


def setup_inputs(seed: int = 0) -> dict:
    key = jax.random.key(seed)
    ks = jax.random.split(key, 12)
    r = jax.random.uniform(ks[0], (N_PAIRS,), minval=0.05, maxval=R_MAX, dtype=jnp.float32)
    edge_index = jax.random.randint(ks[1], (2, N_PAIRS), 0, N_ATOMS, dtype=jnp.int32)
    atom_type_indices = jax.random.randint(ks[2], (N_ATOMS,), 0, E_TYPES, dtype=jnp.int32)
    density_table = jax.random.normal(ks[3], (E_TYPES, N_R), dtype=jnp.float32) * 0.1
    density_deriv_table = jax.random.normal(ks[4], (E_TYPES, N_R), dtype=jnp.float32) * 0.1
    pair_table = jax.random.normal(ks[5], (E_TYPES, E_TYPES, N_R), dtype=jnp.float32) * 0.1
    pair_deriv_table = jax.random.normal(ks[6], (E_TYPES, E_TYPES, N_R), dtype=jnp.float32) * 0.1
    embed_table = jax.random.normal(ks[7], (E_TYPES, N_RHO), dtype=jnp.float32) * 0.1
    embed_deriv_table = jax.random.normal(ks[8], (E_TYPES, N_RHO), dtype=jnp.float32) * 0.1
    embed_rho_min = jnp.full((E_TYPES,), RHO_MIN, dtype=jnp.float32)
    embed_inv_drho = jnp.full((E_TYPES,), INV_DRHO, dtype=jnp.float32)
    return {
        'r': r,
        'edge_index': edge_index,
        'atom_type_indices': atom_type_indices,
        'density_table': density_table,
        'density_deriv_table': density_deriv_table,
        'pair_table': pair_table,
        'pair_deriv_table': pair_deriv_table,
        'embed_table': embed_table,
        'embed_deriv_table': embed_deriv_table,
        'embed_rho_min': embed_rho_min,
        'embed_inv_drho': embed_inv_drho,
    }


def _r_bin(r):
    rc = jnp.clip(r, 0.0, R_MAX * (1.0 - 1e-07))
    idx_f = rc * INV_DR
    idx = idx_f.astype(jnp.int32)
    frac = idx_f - idx.astype(jnp.float32)
    nidx = jnp.minimum(idx + 1, N_R - 1)
    return idx, nidx, frac


def _interp_r1(table, t, r):
    idx, nidx, frac = _r_bin(r)
    v0 = table[t, idx]
    v1 = table[t, nidx]
    return v0 + frac * (v1 - v0)


def _interp_r2(table, ti, tj, r):
    idx, nidx, frac = _r_bin(r)
    v0 = table[ti, tj, idx]
    v1 = table[ti, tj, nidx]
    return v0 + frac * (v1 - v0)


def _interp_rho(table, t, rho, rho_min, inv_drho):
    rm = rho_min[t]
    iv = inv_drho[t]
    idx_f = jnp.clip((rho - rm) * iv, 0.0, N_RHO - 1 - 1e-04)
    idx = idx_f.astype(jnp.int32)
    frac = idx_f - idx.astype(jnp.float32)
    nidx = jnp.minimum(idx + 1, N_RHO - 1)
    v0 = table[t, idx]
    v1 = table[t, nidx]
    return v0 + frac * (v1 - v0)


def reference(r, edge_index, atom_type_indices, density_table, density_deriv_table, pair_table, pair_deriv_table, embed_table, embed_deriv_table, embed_rho_min, embed_inv_drho):
    src = edge_index[0]
    dst = edge_index[1]
    ti = atom_type_indices[src]
    tj = atom_type_indices[dst]
    # electron density contributions from neighbors (histogram-bin + linear interp lookup)
    dens = _interp_r1(density_table, tj, r)
    rho = jax.ops.segment_sum(dens, src, num_segments=N_ATOMS)
    # embedding energy F(rho) and its derivative F'(rho)
    Fe = _interp_rho(embed_table, atom_type_indices, rho, embed_rho_min, embed_inv_drho)
    Fp = _interp_rho(embed_deriv_table, atom_type_indices, rho, embed_rho_min, embed_inv_drho)
    # pair potential energy
    phi = _interp_r2(pair_table, ti, tj, r)
    pair_e = 0.5 * jax.ops.segment_sum(phi, src, num_segments=N_ATOMS)
    energy = Fe + pair_e
    # radial force magnitude per pair: phi'(r) + F'(rho_i) rho_j'(r) + F'(rho_j) rho_i'(r)
    phip = _interp_r2(pair_deriv_table, ti, tj, r)
    rhop_j = _interp_r1(density_deriv_table, tj, r)
    rhop_i = _interp_r1(density_deriv_table, ti, r)
    f_edge = phip + Fp[src] * rhop_j + Fp[dst] * rhop_i
    return jnp.concatenate([energy, f_edge])

if __name__ == "__main__":
    import jax
    _d = setup_inputs()
    print(jax.jit(kernel)(*tuple(_d.values())))

</pallas_src>

<mosaic_0001>
#map = affine_map<(d0, d1) -> (0)>
#map1 = affine_map<(d0, d1) -> (0, 0)>
module attributes {stable_mosaic.version = 14 : i64} {
  func.func @k1(%arg0: i32, %arg1: i32, %arg2: memref<3200000xf32, #tpu.memory_space<hbm>>, %arg3: memref<3200000xi32, #tpu.memory_space<hbm>>, %arg4: memref<3200000xi32, #tpu.memory_space<hbm>>, %arg5: memref<6400xi32, #tpu.memory_space<hbm>>, %arg6: memref<24576xf32, #tpu.memory_space<hbm>>, %arg7: memref<73728xf32, #tpu.memory_space<hbm>>, %arg8: memref<2x102400xf32, #tpu.memory_space<hbm>>, %arg9: memref<2x102400xf32, #tpu.memory_space<hbm>>, %arg10: memref<24576xf32, #tpu.memory_space<vmem>>, %arg11: memref<73728xf32, #tpu.memory_space<vmem>>, %arg12: memref<6400xi32, #tpu.memory_space<vmem>>, %arg13: memref<800xf32, #tpu.memory_space<vmem>>, %arg14: memref<800xf32, #tpu.memory_space<vmem>>, %arg15: memref<800xi32, #tpu.memory_space<vmem>>, %arg16: memref<800xi32, #tpu.memory_space<vmem>>, %arg17: memref<800xi32, #tpu.memory_space<vmem>>, %arg18: memref<800xi32, #tpu.memory_space<vmem>>, %arg19: memref<800xi32, #tpu.memory_space<vmem>>, %arg20: memref<800xf32, #tpu.memory_space<vmem>>, %arg21: memref<800xf32, #tpu.memory_space<vmem>>, %arg22: memref<800xf32, #tpu.memory_space<vmem>>, %arg23: memref<800xf32, #tpu.memory_space<vmem>>, %arg24: memref<1600xf32, #tpu.memory_space<vmem>>, %arg25: memref<!tpu.dma_semaphore, #tpu.memory_space<semaphore_mem>>, %arg26: memref<!tpu.dma_semaphore, #tpu.memory_space<semaphore_mem>>, %arg27: memref<!tpu.dma_semaphore, #tpu.memory_space<semaphore_mem>>, %arg28: memref<!tpu.dma_semaphore, #tpu.memory_space<semaphore_mem>>, %arg29: memref<!tpu.dma_semaphore, #tpu.memory_space<semaphore_mem>>, %arg30: memref<!tpu.dma_semaphore, #tpu.memory_space<semaphore_mem>>, %arg31: memref<!tpu.dma_semaphore, #tpu.memory_space<semaphore_mem>>, %arg32: memref<102400xf32, #tpu.memory_space<vmem_shared>>, %arg33: memref<102400xf32, #tpu.memory_space<vmem_shared>>) attributes {dimension_semantics = [#tpu.dimension_semantics<core_parallel>, #tpu.dimension_semantics<subcore_parallel>], iteration_bounds = array<i64: 2, 16>, scalar_prefetch = 0 : i64, scratch_operands = 24 : i64, tpu.core_type = #tpu.core_type<sc_vector_subcore>, window_params = [{transform_indices = #map}, {transform_indices = #map}, {transform_indices = #map}, {transform_indices = #map}, {transform_indices = #map}, {transform_indices = #map}, {transform_indices = #map1}, {transform_indices = #map1}]} {
    %mul3A = arith.constant 16 : i32
    %mul3A_0 = arith.muli %arg0, %mul3A : i32
    %add3A = arith.addi %mul3A_0, %arg1 : i32
    "tpu.region"() ({
      %run_scoped3A = tpu.sem_alloc : memref<!tpu.dma_semaphore, #tpu.memory_space<semaphore_mem>>
      tpu.enqueue_dma source(%arg6 : memref<24576xf32, #tpu.memory_space<hbm>>) target(%arg10 : memref<24576xf32, #tpu.memory_space<vmem>>) target_semaphore(%run_scoped3A : memref<!tpu.dma_semaphore, #tpu.memory_space<semaphore_mem>>)
      tpu.wait_dma2 semaphore(%run_scoped3A : memref<!tpu.dma_semaphore, #tpu.memory_space<semaphore_mem>>) src(%arg6 : memref<24576xf32, #tpu.memory_space<hbm>>) dst(%arg10 : memref<24576xf32, #tpu.memory_space<vmem>>)
      tpu.yield
    }) : () -> ()
    "tpu.region"() ({
      %run_scoped3A = tpu.sem_alloc : memref<!tpu.dma_semaphore, #tpu.memory_space<semaphore_mem>>
      tpu.enqueue_dma source(%arg7 : memref<73728xf32, #tpu.memory_space<hbm>>) target(%arg11 : memref<73728xf32, #tpu.memory_space<vmem>>) target_semaphore(%run_scoped3A : memref<!tpu.dma_semaphore, #tpu.memory_space<semaphore_mem>>)
      tpu.wait_dma2 semaphore(%run_scoped3A : memref<!tpu.dma_semaphore, #tpu.memory_space<semaphore_mem>>) src(%arg7 : memref<73728xf32, #tpu.memory_space<hbm>>) dst(%arg11 : memref<73728xf32, #tpu.memory_space<vmem>>)
      tpu.yield
    }) : () -> ()
    "tpu.region"() ({
      %run_scoped3A = tpu.sem_alloc : memref<!tpu.dma_semaphore, #tpu.memory_space<semaphore_mem>>
      tpu.enqueue_dma source(%arg5 : memref<6400xi32, #tpu.memory_space<hbm>>) target(%arg12 : memref<6400xi32, #tpu.memory_space<vmem>>) target_semaphore(%run_scoped3A : memref<!tpu.dma_semaphore, #tpu.memory_space<semaphore_mem>>)
      tpu.wait_dma2 semaphore(%run_scoped3A : memref<!tpu.dma_semaphore, #tpu.memory_space<semaphore_mem>>) src(%arg5 : memref<6400xi32, #tpu.memory_space<hbm>>) dst(%arg12 : memref<6400xi32, #tpu.memory_space<vmem>>)
      tpu.yield
    }) : () -> ()
    %scan3A = arith.constant 0 : i32
    %scan3A_1 = arith.constant 0 : i32
    %scan3A_2 = arith.constant 100 : i32
    %scan3A_3 = arith.addi %scan3A_1, %scan3A_2 : i32
    %scan3A_4 = arith.constant 1 : i32
    scf.for %scan3A_211 = %scan3A_1 to %scan3A_3 step %scan3A_4  : i32 {
      %broadcast_in_dim3A = arith.constant 0.000000e+00 : f32
      %broadcast_in_dim3A_212 = vector.broadcast %broadcast_in_dim3A : f32 to vector<16xf32>
      %mul3A_213 = arith.constant 16 : i32
      %mul3A_214 = arith.muli %scan3A_211, %mul3A_213 : i32
      %swap3A = arith.index_cast %mul3A_214 : i32 to index
      %swap3A_215 = tpu.vector_load %arg24[%swap3A] {strides = array<i32>} : memref<1600xf32, #tpu.memory_space<vmem>>, vector<16xf32>,
      tpu.vector_store %arg24[%swap3A], %broadcast_in_dim3A_212 {strides = array<i32>} : memref<1600xf32, #tpu.memory_space<vmem>>, vector<16xf32>,
    }
    %scan3A_5 = arith.constant 100 : i32
    %scan3A_6 = arith.constant 0 : i32
    %scan3A_7 = arith.constant 0 : i32
    %scan3A_8 = arith.constant 4 : i32
    %scan3A_9 = arith.addi %scan3A_7, %scan3A_8 : i32
    %scan3A_10 = arith.constant 1 : i32
    scf.for %scan3A_211 = %scan3A_7 to %scan3A_9 step %scan3A_10  : i32 {
      %mul3A_212 = arith.constant 6400 : i32
      %mul3A_213 = arith.muli %arg1, %mul3A_212 : i32
      %mul3A_214 = arith.constant 1600 : i32
      %mul3A_215 = arith.muli %scan3A_211, %mul3A_214 : i32
      %add3A_216 = arith.addi %mul3A_213, %mul3A_215 : i32
      "tpu.region"() ({
        %run_scoped3A = tpu.sem_alloc : memref<!tpu.dma_semaphore, #tpu.memory_space<semaphore_mem>>
        %dma_start3A_217 = tpu.memref_slice %arg32[%add3A_216] : memref<102400xf32, #tpu.memory_space<vmem_shared>> -> memref<1600xf32, #tpu.memory_space<vmem_shared>>
        %dma_start3A_218 = tpu.memref_slice %arg32[%add3A_216] : memref<102400xf32, #tpu.memory_space<vmem_shared>> -> memref<1600xf32, #tpu.memory_space<vmem_shared>>
        tpu.enqueue_dma source(%arg24 : memref<1600xf32, #tpu.memory_space<vmem>>) target(%dma_start3A_218 : memref<1600xf32, #tpu.memory_space<vmem_shared>>) target_semaphore(%run_scoped3A : memref<!tpu.dma_semaphore, #tpu.memory_space<semaphore_mem>>)
        %dma_wait3A_219 = tpu.memref_slice %arg32[%add3A_216] : memref<102400xf32, #tpu.memory_space<vmem_shared>> -> memref<1600xf32, #tpu.memory_space<vmem_shared>>
        %dma_wait3A_220 = tpu.memref_slice %arg32[%add3A_216] : memref<102400xf32, #tpu.memory_space<vmem_shared>> -> memref<1600xf32, #tpu.memory_space<vmem_shared>>
        tpu.wait_dma2 semaphore(%run_scoped3A : memref<!tpu.dma_semaphore, #tpu.memory_space<semaphore_mem>>) src(%arg24 : memref<1600xf32, #tpu.memory_space<vmem>>) dst(%dma_wait3A_220 : memref<1600xf32, #tpu.memory_space<vmem_shared>>)
        tpu.yield
      }) : () -> ()
      "tpu.region"() ({
        %run_scoped3A = tpu.sem_alloc : memref<!tpu.dma_semaphore, #tpu.memory_space<semaphore_mem>>
        %dma_start3A_217 = tpu.memref_slice %arg33[%add3A_216] : memref<102400xf32, #tpu.memory_space<vmem_shared>> -> memref<1600xf32, #tpu.memory_space<vmem_shared>>
        %dma_start3A_218 = tpu.memref_slice %arg33[%add3A_216] : memref<102400xf32, #tpu.memory_space<vmem_shared>> -> memref<1600xf32, #tpu.memory_space<vmem_shared>>
        tpu.enqueue_dma source(%arg24 : memref<1600xf32, #tpu.memory_space<vmem>>) target(%dma_start3A_218 : memref<1600xf32, #tpu.memory_space<vmem_shared>>) target_semaphore(%run_scoped3A : memref<!tpu.dma_semaphore, #tpu.memory_space<semaphore_mem>>)
        %dma_wait3A_219 = tpu.memref_slice %arg33[%add3A_216] : memref<102400xf32, #tpu.memory_space<vmem_shared>> -> memref<1600xf32, #tpu.memory_space<vmem_shared>>
        %dma_wait3A_220 = tpu.memref_slice %arg33[%add3A_216] : memref<102400xf32, #tpu.memory_space<vmem_shared>> -> memref<1600xf32, #tpu.memory_space<vmem_shared>>
        tpu.wait_dma2 semaphore(%run_scoped3A : memref<!tpu.dma_semaphore, #tpu.memory_space<semaphore_mem>>) src(%arg24 : memref<1600xf32, #tpu.memory_space<vmem>>) dst(%dma_wait3A_220 : memref<1600xf32, #tpu.memory_space<vmem_shared>>)
        tpu.yield
      }) : () -> ()
    }
    %scan3A_11 = arith.constant 4 : i32
    %barrier3A = arith.constant 0 : index
    tpu.barrier barrier_id(%barrier3A)
    %mul3A_12 = arith.constant 100000 : i32
    %mul3A_13 = arith.muli %add3A, %mul3A_12 : i32
    %mul3A_14 = arith.constant 0 : i32
    %mul3A_15 = arith.constant 800 : i32
    %mul3A_16 = arith.muli %mul3A_14, %mul3A_15 : i32
    %add3A_17 = arith.addi %mul3A_13, %mul3A_16 : i32
    %dma_start3A = tpu.memref_slice %arg2[%add3A_17] : memref<3200000xf32, #tpu.memory_space<hbm>> -> memref<800xf32, #tpu.memory_space<hbm>>
    %dma_start3A_18 = tpu.memref_slice %arg2[%add3A_17] : memref<3200000xf32, #tpu.memory_space<hbm>> -> memref<800xf32, #tpu.memory_space<hbm>>
    tpu.enqueue_dma source(%dma_start3A_18 : memref<800xf32, #tpu.memory_space<hbm>>) target(%arg13 : memref<800xf32, #tpu.memory_space<vmem>>) target_semaphore(%arg25 : memref<!tpu.dma_semaphore, #tpu.memory_space<semaphore_mem>>)
    %dma_start3A_19 = tpu.memref_slice %arg4[%add3A_17] : memref<3200000xi32, #tpu.memory_space<hbm>> -> memref<800xi32, #tpu.memory_space<hbm>>
    %dma_start3A_20 = tpu.memref_slice %arg4[%add3A_17] : memref<3200000xi32, #tpu.memory_space<hbm>> -> memref<800xi32, #tpu.memory_space<hbm>>
    tpu.enqueue_dma source(%dma_start3A_20 : memref<800xi32, #tpu.memory_space<hbm>>) target(%arg18 : memref<800xi32, #tpu.memory_space<vmem>>) target_semaphore(%arg25 : memref<!tpu.dma_semaphore, #tpu.memory_space<semaphore_mem>>)
    %dma_start3A_21 = tpu.memref_slice %arg3[%add3A_17] : memref<3200000xi32, #tpu.memory_space<hbm>> -> memref<800xi32, #tpu.memory_space<hbm>>
    %dma_start3A_22 = tpu.memref_slice %arg3[%add3A_17] : memref<3200000xi32, #tpu.memory_space<hbm>> -> memref<800xi32, #tpu.memory_space<hbm>>
    tpu.enqueue_dma source(%dma_start3A_22 : memref<800xi32, #tpu.memory_space<hbm>>) target(%arg15 : memref<800xi32, #tpu.memory_space<vmem>>) target_semaphore(%arg27 : memref<!tpu.dma_semaphore, #tpu.memory_space<semaphore_mem>>)
    %mul3A_23 = arith.constant 1 : i32
    %mul3A_24 = arith.constant 800 : i32
    %mul3A_25 = arith.muli %mul3A_23, %mul3A_24 : i32
    %add3A_26 = arith.addi %mul3A_13, %mul3A_25 : i32
    %dma_start3A_27 = tpu.memref_slice %arg2[%add3A_26] : memref<3200000xf32, #tpu.memory_space<hbm>> -> memref<800xf32, #tpu.memory_space<hbm>>
    %dma_start3A_28 = tpu.memref_slice %arg2[%add3A_26] : memref<3200000xf32, #tpu.memory_space<hbm>> -> memref<800xf32, #tpu.memory_space<hbm>>
    tpu.enqueue_dma source(%dma_start3A_28 : memref<800xf32, #tpu.memory_space<hbm>>) target(%arg14 : memref<800xf32, #tpu.memory_space<vmem>>) target_semaphore(%arg26 : memref<!tpu.dma_semaphore, #tpu.memory_space<semaphore_mem>>)
    %dma_start3A_29 = tpu.memref_slice %arg4[%add3A_26] : memref<3200000xi32, #tpu.memory_space<hbm>> -> memref<800xi32, #tpu.memory_space<hbm>>
    %dma_start3A_30 = tpu.memref_slice %arg4[%add3A_26] : memref<3200000xi32, #tpu.memory_space<hbm>> -> memref<800xi32, #tpu.memory_space<hbm>>
    tpu.enqueue_dma source(%dma_start3A_30 : memref<800xi32, #tpu.memory_space<hbm>>) target(%arg19 : memref<800xi32, #tpu.memory_space<vmem>>) target_semaphore(%arg26 : memref<!tpu.dma_semaphore, #tpu.memory_space<semaphore_mem>>)
    %dma_start3A_31 = tpu.memref_slice %arg3[%add3A_26] : memref<3200000xi32, #tpu.memory_space<hbm>> -> memref<800xi32, #tpu.memory_space<hbm>>
    %dma_start3A_32 = tpu.memref_slice %arg3[%add3A_26] : memref<3200000xi32, #tpu.memory_space<hbm>> -> memref<800xi32, #tpu.memory_space<hbm>>
    tpu.enqueue_dma source(%dma_start3A_32 : memref<800xi32, #tpu.memory_space<hbm>>) target(%arg16 : memref<800xi32, #tpu.memory_space<vmem>>) target_semaphore(%arg28 : memref<!tpu.dma_semaphore, #tpu.memory_space<semaphore_mem>>)
    %scan3A_33 = arith.constant 0 : i32
    %scan3A_34 = arith.constant 0 : i32
    %scan3A_35 = arith.constant 20 : i32
    %scan3A_36 = arith.addi %scan3A_34, %scan3A_35 : i32
    %scan3A_37 = arith.constant 1 : i32
    scf.for %scan3A_211 = %scan3A_34 to %scan3A_36 step %scan3A_37  : i32 {
      %mul3A_212 = arith.constant 6 : i32
      %mul3A_213 = arith.muli %scan3A_211, %mul3A_212 : i32
      %add3A_214 = arith.constant 0 : i32
      %add3A_215 = arith.addi %mul3A_213, %add3A_214 : i32
      %dma_wait3A_216 = arith.constant 0 : i32
      %dma_wait3A_217 = tpu.memref_slice %arg2[%dma_wait3A_216] : memref<3200000xf32, #tpu.memory_space<hbm>> -> memref<800xf32, #tpu.memory_space<hbm>>
      %dma_wait3A_218 = arith.constant 0 : i32
      %dma_wait3A_219 = tpu.memref_slice %arg2[%dma_wait3A_218] : memref<3200000xf32, #tpu.memory_space<hbm>> -> memref<800xf32, #tpu.memory_space<hbm>>
      tpu.wait_dma2 semaphore(%arg25 : memref<!tpu.dma_semaphore, #tpu.memory_space<semaphore_mem>>) src(%dma_wait3A_219 : memref<800xf32, #tpu.memory_space<hbm>>) dst(%arg13 : memref<800xf32, #tpu.memory_space<vmem>>)
      %dma_wait3A_220 = arith.constant 0 : i32
      %dma_wait3A_221 = tpu.memref_slice %arg4[%dma_wait3A_220] : memref<3200000xi32, #tpu.memory_space<hbm>> -> memref<800xi32, #tpu.memory_space<hbm>>
      %dma_wait3A_222 = arith.constant 0 : i32
      %dma_wait3A_223 = tpu.memref_slice %arg4[%dma_wait3A_222] : memref<3200000xi32, #tpu.memory_space<hbm>> -> memref<800xi32, #tpu.memory_space<hbm>>
      tpu.wait_dma2 semaphore(%arg25 : memref<!tpu.dma_semaphore, #tpu.memory_space<semaphore_mem>>) src(%dma_wait3A_223 : memref<800xi32, #tpu.memory_space<hbm>>) dst(%arg18 : memref<800xi32, #tpu.memory_space<vmem>>)
      %dma_wait3A_224 = arith.constant 0 : i32
      %dma_wait3A_225 = tpu.memref_slice %arg3[%dma_wait3A_224] : memref<3200000xi32, #tpu.memory_space<hbm>> -> memref<800xi32, #tpu.memory_space<hbm>>
      %dma_wait3A_226 = arith.constant 0 : i32
      %dma_wait3A_227 = tpu.memref_slice %arg3[%dma_wait3A_226] : memref<3200000xi32, #tpu.memory_space<hbm>> -> memref<800xi32, #tpu.memory_space<hbm>>
      tpu.wait_dma2 semaphore(%arg27 : memref<!tpu.dma_semaphore, #tpu.memory_space<semaphore_mem>>) src(%dma_wait3A_227 : memref<800xi32, #tpu.memory_space<hbm>>) dst(%arg15 : memref<800xi32, #tpu.memory_space<vmem>>)
      %scan3A_228 = arith.constant 0 : i32
      %scan3A_229 = arith.constant 0 : i32
      %scan3A_230 = arith.constant 50 : i32
      %scan3A_231 = arith.addi %scan3A_229, %scan3A_230 : i32
      %scan3A_232 = arith.constant 1 : i32
      scf.for %scan3A_461 = %scan3A_229 to %scan3A_231 step %scan3A_232  : i32 {
        %mul3A_462 = arith.constant 16 : i32
        %mul3A_463 = arith.muli %scan3A_461, %mul3A_462 : i32
        %get3A = arith.index_cast %mul3A_463 : i32 to index
        %get3A_464 = tpu.vector_load %arg13[%get3A] {strides = array<i32>} : memref<800xf32, #tpu.memory_space<vmem>>, vector<16xf32>,
        %min3A = arith.constant 5.99999952 : f32
        %min3A_465 = vector.broadcast %min3A : f32 to vector<16xf32>
        %min3A_466 = arith.minimumf %get3A_464, %min3A_465 : vector<16xf32>
        %mul3A_467 = arith.constant 1365.16663 : f32
        %mul3A_468 = vector.broadcast %mul3A_467 : f32 to vector<16xf32>
        %mul3A_469 = arith.mulf %min3A_466, %mul3A_468 : vector<16xf32>
        %convert_element_type3A_470 = arith.fptosi %mul3A_469 : vector<16xf32> to vector<16xi32>
        %convert_element_type3A_471 = arith.sitofp %convert_element_type3A_470 : vector<16xi32> to vector<16xf32>
        %sub3A = arith.subf %mul3A_469, %convert_element_type3A_471 : vector<16xf32>
        %add3A_472 = arith.constant 1 : i32
        %add3A_473 = vector.broadcast %add3A_472 : i32 to vector<16xi32>
        %add3A_474 = arith.addi %convert_element_type3A_470, %add3A_473 : vector<16xi32>
        %min3A_475 = arith.constant 8191 : i32
        %min3A_476 = vector.broadcast %min3A_475 : i32 to vector<16xi32>
        %min3A_477 = arith.minsi %add3A_474, %min3A_476 : vector<16xi32>
        %get3A_478 = arith.index_cast %mul3A_463 : i32 to index
        %get3A_479 = tpu.vector_load %arg18[%get3A_478] {strides = array<i32>} : memref<800xi32, #tpu.memory_space<vmem>>, vector<16xi32>,
        %shift_right_logical3A = arith.constant 4 : i32
        %shift_right_logical3A_480 = vector.broadcast %shift_right_logical3A : i32 to vector<16xi32>
        %shift_right_logical3A_481 = arith.shrui %get3A_479, %shift_right_logical3A_480 : vector<16xi32>
        %gather3A = tpu.vector_load_idx %arg12[%shift_right_logical3A_481] : memref<6400xi32, #tpu.memory_space<vmem>>[vector<16xi32>], vector<16xi32>,
        %and3A = arith.constant 15 : i32
        %and3A_482 = vector.broadcast %and3A : i32 to vector<16xi32>
        %and3A_483 = arith.andi %get3A_479, %and3A_482 : vector<16xi32>
        %mul3A_484 = arith.constant 2 : i32
        %mul3A_485 = vector.broadcast %mul3A_484 : i32 to vector<16xi32>
        %mul3A_486 = arith.muli %and3A_483, %mul3A_485 : vector<16xi32>
        %shift_right_logical3A_487 = arith.shrui %gather3A, %mul3A_486 : vector<16xi32>
        %and3A_488 = arith.constant 3 : i32
        %and3A_489 = vector.broadcast %and3A_488 : i32 to vector<16xi32>
        %and3A_490 = arith.andi %shift_right_logical3A_487, %and3A_489 : vector<16xi32>
        %get3A_491 = arith.index_cast %mul3A_463 : i32 to index
        %get3A_492 = tpu.vector_load %arg15[%get3A_491] {strides = array<i32>} : memref<800xi32, #tpu.memory_space<vmem>>, vector<16xi32>,
        %shift_right_logical3A_493 = arith.constant 4 : i32
        %shift_right_logical3A_494 = vector.broadcast %shift_right_logical3A_493 : i32 to vector<16xi32>
        %shift_right_logical3A_495 = arith.shrui %get3A_492, %shift_right_logical3A_494 : vector<16xi32>
        %gather3A_496 = tpu.vector_load_idx %arg12[%shift_right_logical3A_495] : memref<6400xi32, #tpu.memory_space<vmem>>[vector<16xi32>], vector<16xi32>,
        %and3A_497 = arith.constant 15 : i32
        %and3A_498 = vector.broadcast %and3A_497 : i32 to vector<16xi32>
        %and3A_499 = arith.andi %get3A_492, %and3A_498 : vector<16xi32>
        %mul3A_500 = arith.constant 2 : i32
        %mul3A_501 = vector.broadcast %mul3A_500 : i32 to vector<16xi32>
        %mul3A_502 = arith.muli %and3A_499, %mul3A_501 : vector<16xi32>
        %shift_right_logical3A_503 = arith.shrui %gather3A_496, %mul3A_502 : vector<16xi32>
        %and3A_504 = arith.constant 3 : i32
        %and3A_505 = vector.broadcast %and3A_504 : i32 to vector<16xi32>
        %and3A_506 = arith.andi %shift_right_logical3A_503, %and3A_505 : vector<16xi32>
        %mul3A_507 = arith.constant 8192 : i32
        %mul3A_508 = vector.broadcast %mul3A_507 : i32 to vector<16xi32>
        %mul3A_509 = arith.muli %and3A_490, %mul3A_508 : vector<16xi32>
        %add3A_510 = arith.addi %mul3A_509, %convert_element_type3A_470 : vector<16xi32>
        %gather3A_511 = tpu.vector_load_idx %arg10[%add3A_510] : memref<24576xf32, #tpu.memory_space<vmem>>[vector<16xi32>], vector<16xf32>,
        %add3A_512 = arith.addi %mul3A_509, %min3A_477 : vector<16xi32>
        %gather3A_513 = tpu.vector_load_idx %arg10[%add3A_512] : memref<24576xf32, #tpu.memory_space<vmem>>[vector<16xi32>], vector<16xf32>,
        %sub3A_514 = arith.subf %gather3A_513, %gather3A_511 : vector<16xf32>
        %mul3A_515 = arith.mulf %sub3A, %sub3A_514 : vector<16xf32>
        %add3A_516 = arith.addf %gather3A_511, %mul3A_515 : vector<16xf32>
        %swap3A = arith.index_cast %mul3A_463 : i32 to index
        %swap3A_517 = tpu.vector_load %arg20[%swap3A] {strides = array<i32>} : memref<800xf32, #tpu.memory_space<vmem>>, vector<16xf32>,
        tpu.vector_store %arg20[%swap3A], %add3A_516 {strides = array<i32>} : memref<800xf32, #tpu.memory_space<vmem>>, vector<16xf32>,
        %mul3A_518 = arith.constant 3 : i32
        %mul3A_519 = vector.broadcast %mul3A_518 : i32 to vector<16xi32>
        %mul3A_520 = arith.muli %and3A_506, %mul3A_519 : vector<16xi32>
        %add3A_521 = arith.addi %mul3A_520, %and3A_490 : vector<16xi32>
        %mul3A_522 = arith.constant 8192 : i32
        %mul3A_523 = vector.broadcast %mul3A_522 : i32 to vector<16xi32>
        %mul3A_524 = arith.muli %add3A_521, %mul3A_523 : vector<16xi32>
        %add3A_525 = arith.addi %mul3A_524, %convert_element_type3A_470 : vector<16xi32>
        %gather3A_526 = tpu.vector_load_idx %arg11[%add3A_525] : memref<73728xf32, #tpu.memory_space<vmem>>[vector<16xi32>], vector<16xf32>,
        %add3A_527 = arith.addi %mul3A_524, %min3A_477 : vector<16xi32>
        %gather3A_528 = tpu.vector_load_idx %arg11[%add3A_527] : memref<73728xf32, #tpu.memory_space<vmem>>[vector<16xi32>], vector<16xf32>,
        %sub3A_529 = arith.subf %gather3A_528, %gather3A_526 : vector<16xf32>
        %mul3A_530 = arith.mulf %sub3A, %sub3A_529 : vector<16xf32>
        %add3A_531 = arith.addf %gather3A_526, %mul3A_530 : vector<16xf32>
        %swap3A_532 = arith.index_cast %mul3A_463 : i32 to index
        %swap3A_533 = tpu.vector_load %arg22[%swap3A_532] {strides = array<i32>} : memref<800xf32, #tpu.memory_space<vmem>>, vector<16xf32>,
        tpu.vector_store %arg22[%swap3A_532], %add3A_531 {strides = array<i32>} : memref<800xf32, #tpu.memory_space<vmem>>, vector<16xf32>,
      }
      %scan3A_233 = arith.constant 50 : i32
      %dma_start3A_234 = arith.constant 0 : i32
      %dma_start3A_235 = tpu.memref_slice %arg32[%dma_start3A_234] : memref<102400xf32, #tpu.memory_space<vmem_shared>> -> memref<102400xf32, #tpu.memory_space<vmem_shared>>
      tpu.enqueue_indirect_dma source(%arg20 : memref<800xf32, #tpu.memory_space<vmem>>) target(%dma_start3A_235 : memref<102400xf32, #tpu.memory_space<vmem_shared>>) offsets(%arg15 : memref<800xi32, #tpu.memory_space<vmem>>) semaphore(%arg30 : memref<!tpu.dma_semaphore, #tpu.memory_space<semaphore_mem>>) {add = true}
      %dma_start3A_236 = arith.constant 0 : i32
      %dma_start3A_237 = tpu.memref_slice %arg33[%dma_start3A_236] : memref<102400xf32, #tpu.memory_space<vmem_shared>> -> memref<102400xf32, #tpu.memory_space<vmem_shared>>
      tpu.enqueue_indirect_dma source(%arg22 : memref<800xf32, #tpu.memory_space<vmem>>) target(%dma_start3A_237 : memref<102400xf32, #tpu.memory_space<vmem_shared>>) offsets(%arg15 : memref<800xi32, #tpu.memory_space<vmem>>) semaphore(%arg30 : memref<!tpu.dma_semaphore, #tpu.memory_space<semaphore_mem>>) {add = true}
      %ge3A = arith.constant 1 : i32
      %ge3A_238 = arith.cmpi sge, %add3A_215, %ge3A : i32
      %convert_element_type3A = arith.extui %ge3A_238 : i1 to i32
      %cond3A = arith.constant 0 : i32
      %cond3A_239 = arith.cmpi ne, %convert_element_type3A, %cond3A : i32
      scf.if %cond3A_239 {
        %dma_wait3A_461 = arith.constant 0 : i32
        %dma_wait3A_462 = tpu.memref_slice %arg32[%dma_wait3A_461] : memref<102400xf32, #tpu.memory_space<vmem_shared>> -> memref<102400xf32, #tpu.memory_space<vmem_shared>>
        tpu.wait_indirect_dma semaphore(%arg31 : memref<!tpu.dma_semaphore, #tpu.memory_space<semaphore_mem>>) src(%arg21 : memref<800xf32, #tpu.memory_space<vmem>>) dst(%dma_wait3A_462 : memref<102400xf32, #tpu.memory_space<vmem_shared>>)
        %dma_wait3A_463 = arith.constant 0 : i32
        %dma_wait3A_464 = tpu.memref_slice %arg33[%dma_wait3A_463] : memref<102400xf32, #tpu.memory_space<vmem_shared>> -> memref<102400xf32, #tpu.memory_space<vmem_shared>>
        tpu.wait_indirect_dma semaphore(%arg31 : memref<!tpu.dma_semaphore, #tpu.memory_space<semaphore_mem>>) src(%arg23 : memref<800xf32, #tpu.memory_space<vmem>>) dst(%dma_wait3A_464 : memref<102400xf32, #tpu.memory_space<vmem_shared>>)
      } else {
      }
      %add3A_240 = arith.constant 2 : i32
      %add3A_241 = arith.addi %add3A_215, %add3A_240 : i32
      %mul3A_242 = arith.constant 800 : i32
      %mul3A_243 = arith.muli %add3A_241, %mul3A_242 : i32
      %add3A_244 = arith.addi %mul3A_13, %mul3A_243 : i32
      %dma_start3A_245 = tpu.memref_slice %arg2[%add3A_244] : memref<3200000xf32, #tpu.memory_space<hbm>> -> memref<800xf32, #tpu.memory_space<hbm>>
      %dma_start3A_246 = tpu.memref_slice %arg2[%add3A_244] : memref<3200000xf32, #tpu.memory_space<hbm>> -> memref<800xf32, #tpu.memory_space<hbm>>
      tpu.enqueue_dma source(%dma_start3A_246 : memref<800xf32, #tpu.memory_space<hbm>>) target(%arg13 : memref<800xf32, #tpu.memory_space<vmem>>) target_semaphore(%arg25 : memref<!tpu.dma_semaphore, #tpu.memory_space<semaphore_mem>>)
      %dma_start3A_247 = tpu.memref_slice %arg4[%add3A_244] : memref<3200000xi32, #tpu.memory_space<hbm>> -> memref<800xi32, #tpu.memory_space<hbm>>
      %dma_start3A_248 = tpu.memref_slice %arg4[%add3A_244] : memref<3200000xi32, #tpu.memory_space<hbm>> -> memref<800xi32, #tpu.memory_space<hbm>>
      tpu.enqueue_dma source(%dma_start3A_248 : memref<800xi32, #tpu.memory_space<hbm>>) target(%arg18 : memref<800xi32, #tpu.memory_space<vmem>>) target_semaphore(%arg25 : memref<!tpu.dma_semaphore, #tpu.memory_space<semaphore_mem>>)
      %dma_start3A_249 = tpu.memref_slice %arg3[%add3A_244] : memref<3200000xi32, #tpu.memory_space<hbm>> -> memref<800xi32, #tpu.memory_space<hbm>>
      %dma_start3A_250 = tpu.memref_slice %arg3[%add3A_244] : memref<3200000xi32, #tpu.memory_space<hbm>> -> memref<800xi32, #tpu.memory_space<hbm>>
      tpu.enqueue_dma source(%dma_start3A_250 : memref<800xi32, #tpu.memory_space<hbm>>) target(%arg17 : memref<800xi32, #tpu.memory_space<vmem>>) target_semaphore(%arg29 : memref<!tpu.dma_semaphore, #tpu.memory_space<semaphore_mem>>)
      %mul3A_251 = arith.constant 6 : i32
      %mul3A_252 = arith.muli %scan3A_211, %mul3A_251 : i32
      %add3A_253 = arith.constant 1 : i32
      %add3A_254 = arith.addi %mul3A_252, %add3A_253 : i32
      %dma_wait3A_255 = arith.constant 0 : i32
      %dma_wait3A_256 = tpu.memref_slice %arg2[%dma_wait3A_255] : memref<3200000xf32, #tpu.memory_space<hbm>> -> memref<800xf32, #tpu.memory_space<hbm>>
      %dma_wait3A_257 = arith.constant 0 : i32
      %dma_wait3A_258 = tpu.memref_slice %arg2[%dma_wait3A_257] : memref<3200000xf32, #tpu.memory_space<hbm>> -> memref<800xf32, #tpu.memory_space<hbm>>
      tpu.wait_dma2 semaphore(%arg26 : memref<!tpu.dma_semaphore, #tpu.memory_space<semaphore_mem>>) src(%dma_wait3A_258 : memref<800xf32, #tpu.memory_space<hbm>>) dst(%arg14 : memref<800xf32, #tpu.memory_space<vmem>>)
      %dma_wait3A_259 = arith.constant 0 : i32
      %dma_wait3A_260 = tpu.memref_slice %arg4[%dma_wait3A_259] : memref<3200000xi32, #tpu.memory_space<hbm>> -> memref<800xi32, #tpu.memory_space<hbm>>
      %dma_wait3A_261 = arith.constant 0 : i32
      %dma_wait3A_262 = tpu.memref_slice %arg4[%dma_wait3A_261] : memref<3200000xi32, #tpu.memory_space<hbm>> -> memref<800xi32, #tpu.memory_space<hbm>>
      tpu.wait_dma2 semaphore(%arg26 : memref<!tpu.dma_semaphore, #tpu.memory_space<semaphore_mem>>) src(%dma_wait3A_262 : memref<800xi32, #tpu.memory_space<hbm>>) dst(%arg19 : memref<800xi32, #tpu.memory_space<vmem>>)
      %dma_wait3A_263 = arith.constant 0 : i32
      %dma_wait3A_264 = tpu.memref_slice %arg3[%dma_wait3A_263] : memref<3200000xi32, #tpu.memory_space<hbm>> -> memref<800xi32, #tpu.memory_space<hbm>>
      %dma_wait3A_265 = arith.constant 0 : i32
      %dma_wait3A_266 = tpu.memref_slice %arg3[%dma_wait3A_265] : memref<3200000xi32, #tpu.memory_space<hbm>> -> memref<800xi32, #tpu.memory_space<hbm>>
      tpu.wait_dma2 semaphore(%arg28 : memref<!tpu.dma_semaphore, #tpu.memory_space<semaphore_mem>>) src(%dma_wait3A_266 : memref<800xi32, #tpu.memory_space<hbm>>) dst(%arg16 : memref<800xi32, #tpu.memory_space<vmem>>)
      %scan3A_267 = arith.constant 0 : i32
      %scan3A_268 = arith.constant 0 : i32
      %scan3A_269 = arith.constant 50 : i32
      %scan3A_270 = arith.addi %scan3A_268, %scan3A_269 : i32
      %scan3A_271 = arith.constant 1 : i32
      scf.for %scan3A_461 = %scan3A_268 to %scan3A_270 step %scan3A_271  : i32 {
        %mul3A_462 = arith.constant 16 : i32
        %mul3A_463 = arith.muli %scan3A_461, %mul3A_462 : i32
        %get3A = arith.index_cast %mul3A_463 : i32 to index
        %get3A_464 = tpu.vector_load %arg14[%get3A] {strides = array<i32>} : memref<800xf32, #tpu.memory_space<vmem>>, vector<16xf32>,
        %min3A = arith.constant 5.99999952 : f32
        %min3A_465 = vector.broadcast %min3A : f32 to vector<16xf32>
        %min3A_466 = arith.minimumf %get3A_464, %min3A_465 : vector<16xf32>
        %mul3A_467 = arith.constant 1365.16663 : f32
        %mul3A_468 = vector.broadcast %mul3A_467 : f32 to vector<16xf32>
        %mul3A_469 = arith.mulf %min3A_466, %mul3A_468 : vector<16xf32>
        %convert_element_type3A_470 = arith.fptosi %mul3A_469 : vector<16xf32> to vector<16xi32>
        %convert_element_type3A_471 = arith.sitofp %convert_element_type3A_470 : vector<16xi32> to vector<16xf32>
        %sub3A = arith.subf %mul3A_469, %convert_element_type3A_471 : vector<16xf32>
        %add3A_472 = arith.constant 1 : i32
        %add3A_473 = vector.broadcast %add3A_472 : i32 to vector<16xi32>
        %add3A_474 = arith.addi %convert_element_type3A_470, %add3A_473 : vector<16xi32>
        %min3A_475 = arith.constant 8191 : i32
        %min3A_476 = vector.broadcast %min3A_475 : i32 to vector<16xi32>
        %min3A_477 = arith.minsi %add3A_474, %min3A_476 : vector<16xi32>
        %get3A_478 = arith.index_cast %mul3A_463 : i32 to index
        %get3A_479 = tpu.vector_load %arg19[%get3A_478] {strides = array<i32>} : memref<800xi32, #tpu.memory_space<vmem>>, vector<16xi32>,
        %shift_right_logical3A = arith.constant 4 : i32
        %shift_right_logical3A_480 = vector.broadcast %shift_right_logical3A : i32 to vector<16xi32>
        %shift_right_logical3A_481 = arith.shrui %get3A_479, %shift_right_logical3A_480 : vector<16xi32>
        %gather3A = tpu.vector_load_idx %arg12[%shift_right_logical3A_481] : memref<6400xi32, #tpu.memory_space<vmem>>[vector<16xi32>], vector<16xi32>,
        %and3A = arith.constant 15 : i32
        %and3A_482 = vector.broadcast %and3A : i32 to vector<16xi32>
        %and3A_483 = arith.andi %get3A_479, %and3A_482 : vector<16xi32>
        %mul3A_484 = arith.constant 2 : i32
        %mul3A_485 = vector.broadcast %mul3A_484 : i32 to vector<16xi32>
        %mul3A_486 = arith.muli %and3A_483, %mul3A_485 : vector<16xi32>
        %shift_right_logical3A_487 = arith.shrui %gather3A, %mul3A_486 : vector<16xi32>
        %and3A_488 = arith.constant 3 : i32
        %and3A_489 = vector.broadcast %and3A_488 : i32 to vector<16xi32>
        %and3A_490 = arith.andi %shift_right_logical3A_487, %and3A_489 : vector<16xi32>
        %get3A_491 = arith.index_cast %mul3A_463 : i32 to index
        %get3A_492 = tpu.vector_load %arg16[%get3A_491] {strides = array<i32>} : memref<800xi32, #tpu.memory_space<vmem>>, vector<16xi32>,
        %shift_right_logical3A_493 = arith.constant 4 : i32
        %shift_right_logical3A_494 = vector.broadcast %shift_right_logical3A_493 : i32 to vector<16xi32>
        %shift_right_logical3A_495 = arith.shrui %get3A_492, %shift_right_logical3A_494 : vector<16xi32>
        %gather3A_496 = tpu.vector_load_idx %arg12[%shift_right_logical3A_495] : memref<6400xi32, #tpu.memory_space<vmem>>[vector<16xi32>], vector<16xi32>,
        %and3A_497 = arith.constant 15 : i32
        %and3A_498 = vector.broadcast %and3A_497 : i32 to vector<16xi32>
        %and3A_499 = arith.andi %get3A_492, %and3A_498 : vector<16xi32>
        %mul3A_500 = arith.constant 2 : i32
        %mul3A_501 = vector.broadcast %mul3A_500 : i32 to vector<16xi32>
        %mul3A_502 = arith.muli %and3A_499, %mul3A_501 : vector<16xi32>
        %shift_right_logical3A_503 = arith.shrui %gather3A_496, %mul3A_502 : vector<16xi32>
        %and3A_504 = arith.constant 3 : i32
        %and3A_505 = vector.broadcast %and3A_504 : i32 to vector<16xi32>
        %and3A_506 = arith.andi %shift_right_logical3A_503, %and3A_505 : vector<16xi32>
        %mul3A_507 = arith.constant 8192 : i32
        %mul3A_508 = vector.broadcast %mul3A_507 : i32 to vector<16xi32>
        %mul3A_509 = arith.muli %and3A_490, %mul3A_508 : vector<16xi32>
        %add3A_510 = arith.addi %mul3A_509, %convert_element_type3A_470 : vector<16xi32>
        %gather3A_511 = tpu.vector_load_idx %arg10[%add3A_510] : memref<24576xf32, #tpu.memory_space<vmem>>[vector<16xi32>], vector<16xf32>,
        %add3A_512 = arith.addi %mul3A_509, %min3A_477 : vector<16xi32>
        %gather3A_513 = tpu.vector_load_idx %arg10[%add3A_512] : memref<24576xf32, #tpu.memory_space<vmem>>[vector<16xi32>], vector<16xf32>,
        %sub3A_514 = arith.subf %gather3A_513, %gather3A_511 : vector<16xf32>
        %mul3A_515 = arith.mulf %sub3A, %sub3A_514 : vector<16xf32>
        %add3A_516 = arith.addf %gather3A_511, %mul3A_515 : vector<16xf32>
        %swap3A = arith.index_cast %mul3A_463 : i32 to index
        %swap3A_517 = tpu.vector_load %arg21[%swap3A] {strides = array<i32>} : memref<800xf32, #tpu.memory_space<vmem>>, vector<16xf32>,
        tpu.vector_store %arg21[%swap3A], %add3A_516 {strides = array<i32>} : memref<800xf32, #tpu.memory_space<vmem>>, vector<16xf32>,
        %mul3A_518 = arith.constant 3 : i32
        %mul3A_519 = vector.broadcast %mul3A_518 : i32 to vector<16xi32>
        %mul3A_520 = arith.muli %and3A_506, %mul3A_519 : vector<16xi32>
        %add3A_521 = arith.addi %mul3A_520, %and3A_490 : vector<16xi32>
        %mul3A_522 = arith.constant 8192 : i32
        %mul3A_523 = vector.broadcast %mul3A_522 : i32 to vector<16xi32>
        %mul3A_524 = arith.muli %add3A_521, %mul3A_523 : vector<16xi32>
        %add3A_525 = arith.addi %mul3A_524, %convert_element_type3A_470 : vector<16xi32>
        %gather3A_526 = tpu.vector_load_idx %arg11[%add3A_525] : memref<73728xf32, #tpu.memory_space<vmem>>[vector<16xi32>], vector<16xf32>,
        %add3A_527 = arith.addi %mul3A_524, %min3A_477 : vector<16xi32>
        %gather3A_528 = tpu.vector_load_idx %arg11[%add3A_527] : memref<73728xf32, #tpu.memory_space<vmem>>[vector<16xi32>], vector<16xf32>,
        %sub3A_529 = arith.subf %gather3A_528, %gather3A_526 : vector<16xf32>
        %mul3A_530 = arith.mulf %sub3A, %sub3A_529 : vector<16xf32>
        %add3A_531 = arith.addf %gather3A_526, %mul3A_530 : vector<16xf32>
        %swap3A_532 = arith.index_cast %mul3A_463 : i32 to index
        %swap3A_533 = tpu.vector_load %arg23[%swap3A_532] {strides = array<i32>} : memref<800xf32, #tpu.memory_space<vmem>>, vector<16xf32>,
        tpu.vector_store %arg23[%swap3A_532], %add3A_531 {strides = array<i32>} : memref<800xf32, #tpu.memory_space<vmem>>, vector<16xf32>,
      }
      %scan3A_272 = arith.constant 50 : i32
      %dma_start3A_273 = arith.constant 0 : i32
      %dma_start3A_274 = tpu.memref_slice %arg32[%dma_start3A_273] : memref<102400xf32, #tpu.memory_space<vmem_shared>> -> memref<102400xf32, #tpu.memory_space<vmem_shared>>
      tpu.enqueue_indirect_dma source(%arg21 : memref<800xf32, #tpu.memory_space<vmem>>) target(%dma_start3A_274 : memref<102400xf32, #tpu.memory_space<vmem_shared>>) offsets(%arg16 : memref<800xi32, #tpu.memory_space<vmem>>) semaphore(%arg31 : memref<!tpu.dma_semaphore, #tpu.memory_space<semaphore_mem>>) {add = true}
      %dma_start3A_275 = arith.constant 0 : i32
      %dma_start3A_276 = tpu.memref_slice %arg33[%dma_start3A_275] : memref<102400xf32, #tpu.memory_space<vmem_shared>> -> memref<102400xf32, #tpu.memory_space<vmem_shared>>
      tpu.enqueue_indirect_dma source(%arg23 : memref<800xf32, #tpu.memory_space<vmem>>) target(%dma_start3A_276 : memref<102400xf32, #tpu.memory_space<vmem_shared>>) offsets(%arg16 : memref<800xi32, #tpu.memory_space<vmem>>) semaphore(%arg31 : memref<!tpu.dma_semaphore, #tpu.memory_space<semaphore_mem>>) {add = true}
      %ge3A_277 = arith.constant 1 : i32
      %ge3A_278 = arith.cmpi sge, %add3A_254, %ge3A_277 : i32
      %convert_element_type3A_279 = arith.extui %ge3A_278 : i1 to i32
      %cond3A_280 = arith.constant 0 : i32
      %cond3A_281 = arith.cmpi ne, %convert_element_type3A_279, %cond3A_280 : i32
      scf.if %cond3A_281 {
        %dma_wait3A_461 = arith.constant 0 : i32
        %dma_wait3A_462 = tpu.memref_slice %arg32[%dma_wait3A_461] : memref<102400xf32, #tpu.memory_space<vmem_shared>> -> memref<102400xf32, #tpu.memory_space<vmem_shared>>
        tpu.wait_indirect_dma semaphore(%arg30 : memref<!tpu.dma_semaphore, #tpu.memory_space<semaphore_mem>>) src(%arg20 : memref<800xf32, #tpu.memory_space<vmem>>) dst(%dma_wait3A_462 : memref<102400xf32, #tpu.memory_space<vmem_shared>>)
        %dma_wait3A_463 = arith.constant 0 : i32
        %dma_wait3A_464 = tpu.memref_slice %arg33[%dma_wait3A_463] : memref<102400xf32, #tpu.memory_space<vmem_shared>> -> memref<102400xf32, #tpu.memory_space<vmem_shared>>
        tpu.wait_indirect_dma semaphore(%arg30 : memref<!tpu.dma_semaphore, #tpu.memory_space<semaphore_mem>>) src(%arg22 : memref<800xf32, #tpu.memory_space<vmem>>) dst(%dma_wait3A_464 : memref<102400xf32, #tpu.memory_space<vmem_shared>>)
      } else {
      }
      %add3A_282 = arith.constant 2 : i32
      %add3A_283 = arith.addi %add3A_254, %add3A_282 : i32
      %mul3A_284 = arith.constant 800 : i32
      %mul3A_285 = arith.muli %add3A_283, %mul3A_284 : i32
      %add3A_286 = arith.addi %mul3A_13, %mul3A_285 : i32
      %dma_start3A_287 = tpu.memref_slice %arg2[%add3A_286] : memref<3200000xf32, #tpu.memory_space<hbm>> -> memref<800xf32, #tpu.memory_space<hbm>>
      %dma_start3A_288 = tpu.memref_slice %arg2[%add3A_286] : memref<3200000xf32, #tpu.memory_space<hbm>> -> memref<800xf32, #tpu.memory_space<hbm>>
      tpu.enqueue_dma source(%dma_start3A_288 : memref<800xf32, #tpu.memory_space<hbm>>) target(%arg14 : memref<800xf32, #tpu.memory_space<vmem>>) target_semaphore(%arg26 : memref<!tpu.dma_semaphore, #tpu.memory_space<semaphore_mem>>)
      %dma_start3A_289 = tpu.memref_slice %arg4[%add3A_286] : memref<3200000xi32, #tpu.memory_space<hbm>> -> memref<800xi32, #tpu.memory_space<hbm>>
      %dma_start3A_290 = tpu.memref_slice %arg4[%add3A_286] : memref<3200000xi32, #tpu.memory_space<hbm>> -> memref<800xi32, #tpu.memory_space<hbm>>
      tpu.enqueue_dma source(%dma_start3A_290 : memref<800xi32, #tpu.memory_space<hbm>>) target(%arg19 : memref<800xi32, #tpu.memory_space<vmem>>) target_semaphore(%arg26 : memref<!tpu.dma_semaphore, #tpu.memory_space<semaphore_mem>>)
      %dma_start3A_291 = tpu.memref_slice %arg3[%add3A_286] : memref<3200000xi32, #tpu.memory_space<hbm>> -> memref<800xi32, #tpu.memory_space<hbm>>
      %dma_start3A_292 = tpu.memref_slice %arg3[%add3A_286] : memref<3200000xi32, #tpu.memory_space<hbm>> -> memref<800xi32, #tpu.memory_space<hbm>>
      tpu.enqueue_dma source(%dma_start3A_292 : memref<800xi32, #tpu.memory_space<hbm>>) target(%arg15 : memref<800xi32, #tpu.memory_space<vmem>>) target_semaphore(%arg27 : memref<!tpu.dma_semaphore, #tpu.memory_space<semaphore_mem>>)
      %mul3A_293 = arith.constant 6 : i32
      %mul3A_294 = arith.muli %scan3A_211, %mul3A_293 : i32
      %add3A_295 = arith.constant 2 : i32
      %add3A_296 = arith.addi %mul3A_294, %add3A_295 : i32
      %dma_wait3A_297 = arith.constant 0 : i32
      %dma_wait3A_298 = tpu.memref_slice %arg2[%dma_wait3A_297] : memref<3200000xf32, #tpu.memory_space<hbm>> -> memref<800xf32, #tpu.memory_space<hbm>>
      %dma_wait3A_299 = arith.constant 0 : i32
      %dma_wait3A_300 = tpu.memref_slice %arg2[%dma_wait3A_299] : memref<3200000xf32, #tpu.memory_space<hbm>> -> memref<800xf32, #tpu.memory_space<hbm>>
      tpu.wait_dma2 semaphore(%arg25 : memref<!tpu.dma_semaphore, #tpu.memory_space<semaphore_mem>>) src(%dma_wait3A_300 : memref<800xf32, #tpu.memory_space<hbm>>) dst(%arg13 : memref<800xf32, #tpu.memory_space<vmem>>)
      %dma_wait3A_301 = arith.constant 0 : i32
      %dma_wait3A_302 = tpu.memref_slice %arg4[%dma_wait3A_301] : memref<3200000xi32, #tpu.memory_space<hbm>> -> memref<800xi32, #tpu.memory_space<hbm>>
      %dma_wait3A_303 = arith.constant 0 : i32
      %dma_wait3A_304 = tpu.memref_slice %arg4[%dma_wait3A_303] : memref<3200000xi32, #tpu.memory_space<hbm>> -> memref<800xi32, #tpu.memory_space<hbm>>
      tpu.wait_dma2 semaphore(%arg25 : memref<!tpu.dma_semaphore, #tpu.memory_space<semaphore_mem>>) src(%dma_wait3A_304 : memref<800xi32, #tpu.memory_space<hbm>>) dst(%arg18 : memref<800xi32, #tpu.memory_space<vmem>>)
      %dma_wait3A_305 = arith.constant 0 : i32
      %dma_wait3A_306 = tpu.memref_slice %arg3[%dma_wait3A_305] : memref<3200000xi32, #tpu.memory_space<hbm>> -> memref<800xi32, #tpu.memory_space<hbm>>
      %dma_wait3A_307 = arith.constant 0 : i32
      %dma_wait3A_308 = tpu.memref_slice %arg3[%dma_wait3A_307] : memref<3200000xi32, #tpu.memory_space<hbm>> -> memref<800xi32, #tpu.memory_space<hbm>>
      tpu.wait_dma2 semaphore(%arg29 : memref<!tpu.dma_semaphore, #tpu.memory_space<semaphore_mem>>) src(%dma_wait3A_308 : memref<800xi32, #tpu.memory_space<hbm>>) dst(%arg17 : memref<800xi32, #tpu.memory_space<vmem>>)
      %scan3A_309 = arith.constant 0 : i32
      %scan3A_310 = arith.constant 0 : i32
      %scan3A_311 = arith.constant 50 : i32
      %scan3A_312 = arith.addi %scan3A_310, %scan3A_311 : i32
      %scan3A_313 = arith.constant 1 : i32
      scf.for %scan3A_461 = %scan3A_310 to %scan3A_312 step %scan3A_313  : i32 {
        %mul3A_462 = arith.constant 16 : i32
        %mul3A_463 = arith.muli %scan3A_461, %mul3A_462 : i32
        %get3A = arith.index_cast %mul3A_463 : i32 to index
        %get3A_464 = tpu.vector_load %arg13[%get3A] {strides = array<i32>} : memref<800xf32, #tpu.memory_space<vmem>>, vector<16xf32>,
        %min3A = arith.constant 5.99999952 : f32
        %min3A_465 = vector.broadcast %min3A : f32 to vector<16xf32>
        %min3A_466 = arith.minimumf %get3A_464, %min3A_465 : vector<16xf32>
        %mul3A_467 = arith.constant 1365.16663 : f32
        %mul3A_468 = vector.broadcast %mul3A_467 : f32 to vector<16xf32>
        %mul3A_469 = arith.mulf %min3A_466, %mul3A_468 : vector<16xf32>
        %convert_element_type3A_470 = arith.fptosi %mul3A_469 : vector<16xf32> to vector<16xi32>
        %convert_element_type3A_471 = arith.sitofp %convert_element_type3A_470 : vector<16xi32> to vector<16xf32>
        %sub3A = arith.subf %mul3A_469, %convert_element_type3A_471 : vector<16xf32>
        %add3A_472 = arith.constant 1 : i32
        %add3A_473 = vector.broadcast %add3A_472 : i32 to vector<16xi32>
        %add3A_474 = arith.addi %convert_element_type3A_470, %add3A_473 : vector<16xi32>
        %min3A_475 = arith.constant 8191 : i32
        %min3A_476 = vector.broadcast %min3A_475 : i32 to vector<16xi32>
        %min3A_477 = arith.minsi %add3A_474, %min3A_476 : vector<16xi32>
        %get3A_478 = arith.index_cast %mul3A_463 : i32 to index
        %get3A_479 = tpu.vector_load %arg18[%get3A_478] {strides = array<i32>} : memref<800xi32, #tpu.memory_space<vmem>>, vector<16xi32>,
        %shift_right_logical3A = arith.constant 4 : i32
        %shift_right_logical3A_480 = vector.broadcast %shift_right_logical3A : i32 to vector<16xi32>
        %shift_right_logical3A_481 = arith.shrui %get3A_479, %shift_right_logical3A_480 : vector<16xi32>
        %gather3A = tpu.vector_load_idx %arg12[%shift_right_logical3A_481] : memref<6400xi32, #tpu.memory_space<vmem>>[vector<16xi32>], vector<16xi32>,
        %and3A = arith.constant 15 : i32
        %and3A_482 = vector.broadcast %and3A : i32 to vector<16xi32>
        %and3A_483 = arith.andi %get3A_479, %and3A_482 : vector<16xi32>
        %mul3A_484 = arith.constant 2 : i32
        %mul3A_485 = vector.broadcast %mul3A_484 : i32 to vector<16xi32>
        %mul3A_486 = arith.muli %and3A_483, %mul3A_485 : vector<16xi32>
        %shift_right_logical3A_487 = arith.shrui %gather3A, %mul3A_486 : vector<16xi32>
        %and3A_488 = arith.constant 3 : i32
        %and3A_489 = vector.broadcast %and3A_488 : i32 to vector<16xi32>
        %and3A_490 = arith.andi %shift_right_logical3A_487, %and3A_489 : vector<16xi32>
        %get3A_491 = arith.index_cast %mul3A_463 : i32 to index
        %get3A_492 = tpu.vector_load %arg17[%get3A_491] {strides = array<i32>} : memref<800xi32, #tpu.memory_space<vmem>>, vector<16xi32>,
        %shift_right_logical3A_493 = arith.constant 4 : i32
        %shift_right_logical3A_494 = vector.broadcast %shift_right_logical3A_493 : i32 to vector<16xi32>
        %shift_right_logical3A_495 = arith.shrui %get3A_492, %shift_right_logical3A_494 : vector<16xi32>
        %gather3A_496 = tpu.vector_load_idx %arg12[%shift_right_logical3A_495] : memref<6400xi32, #tpu.memory_space<vmem>>[vector<16xi32>], vector<16xi32>,
        %and3A_497 = arith.constant 15 : i32
        %and3A_498 = vector.broadcast %and3A_497 : i32 to vector<16xi32>
        %and3A_499 = arith.andi %get3A_492, %and3A_498 : vector<16xi32>
        %mul3A_500 = arith.constant 2 : i32
        %mul3A_501 = vector.broadcast %mul3A_500 : i32 to vector<16xi32>
        %mul3A_502 = arith.muli %and3A_499, %mul3A_501 : vector<16xi32>
        %shift_right_logical3A_503 = arith.shrui %gather3A_496, %mul3A_502 : vector<16xi32>
        %and3A_504 = arith.constant 3 : i32
        %and3A_505 = vector.broadcast %and3A_504 : i32 to vector<16xi32>
        %and3A_506 = arith.andi %shift_right_logical3A_503, %and3A_505 : vector<16xi32>
        %mul3A_507 = arith.constant 8192 : i32
        %mul3A_508 = vector.broadcast %mul3A_507 : i32 to vector<16xi32>
        %mul3A_509 = arith.muli %and3A_490, %mul3A_508 : vector<16xi32>
        %add3A_510 = arith.addi %mul3A_509, %convert_element_type3A_470 : vector<16xi32>
        %gather3A_511 = tpu.vector_load_idx %arg10[%add3A_510] : memref<24576xf32, #tpu.memory_space<vmem>>[vector<16xi32>], vector<16xf32>,
        %add3A_512 = arith.addi %mul3A_509, %min3A_477 : vector<16xi32>
        %gather3A_513 = tpu.vector_load_idx %arg10[%add3A_512] : memref<24576xf32, #tpu.memory_space<vmem>>[vector<16xi32>], vector<16xf32>,
        %sub3A_514 = arith.subf %gather3A_513, %gather3A_511 : vector<16xf32>
        %mul3A_515 = arith.mulf %sub3A, %sub3A_514 : vector<16xf32>
        %add3A_516 = arith.addf %gather3A_511, %mul3A_515 : vector<16xf32>
        %swap3A = arith.index_cast %mul3A_463 : i32 to index
        %swap3A_517 = tpu.vector_load %arg20[%swap3A] {strides = array<i32>} : memref<800xf32, #tpu.memory_space<vmem>>, vector<16xf32>,
        tpu.vector_store %arg20[%swap3A], %add3A_516 {strides = array<i32>} : memref<800xf32, #tpu.memory_space<vmem>>, vector<16xf32>,
        %mul3A_518 = arith.constant 3 : i32
        %mul3A_519 = vector.broadcast %mul3A_518 : i32 to vector<16xi32>
        %mul3A_520 = arith.muli %and3A_506, %mul3A_519 : vector<16xi32>
        %add3A_521 = arith.addi %mul3A_520, %and3A_490 : vector<16xi32>
        %mul3A_522 = arith.constant 8192 : i32
        %mul3A_523 = vector.broadcast %mul3A_522 : i32 to vector<16xi32>
        %mul3A_524 = arith.muli %add3A_521, %mul3A_523 : vector<16xi32>
        %add3A_525 = arith.addi %mul3A_524, %convert_element_type3A_470 : vector<16xi32>
        %gather3A_526 = tpu.vector_load_idx %arg11[%add3A_525] : memref<73728xf32, #tpu.memory_space<vmem>>[vector<16xi32>], vector<16xf32>,
        %add3A_527 = arith.addi %mul3A_524, %min3A_477 : vector<16xi32>
        %gather3A_528 = tpu.vector_load_idx %arg11[%add3A_527] : memref<73728xf32, #tpu.memory_space<vmem>>[vector<16xi32>], vector<16xf32>,
        %sub3A_529 = arith.subf %gather3A_528, %gather3A_526 : vector<16xf32>
        %mul3A_530 = arith.mulf %sub3A, %sub3A_529 : vector<16xf32>
        %add3A_531 = arith.addf %gather3A_526, %mul3A_530 : vector<16xf32>
        %swap3A_532 = arith.index_cast %mul3A_463 : i32 to index
        %swap3A_533 = tpu.vector_load %arg22[%swap3A_532] {strides = array<i32>} : memref<800xf32, #tpu.memory_space<vmem>>, vector<16xf32>,
        tpu.vector_store %arg22[%swap3A_532], %add3A_531 {strides = array<i32>} : memref<800xf32, #tpu.memory_space<vmem>>, vector<16xf32>,
      }
      %scan3A_314 = arith.constant 50 : i32
      %dma_start3A_315 = arith.constant 0 : i32
      %dma_start3A_316 = tpu.memref_slice %arg32[%dma_start3A_315] : memref<102400xf32, #tpu.memory_space<vmem_shared>> -> memref<102400xf32, #tpu.memory_space<vmem_shared>>
      tpu.enqueue_indirect_dma source(%arg20 : memref<800xf32, #tpu.memory_space<vmem>>) target(%dma_start3A_316 : memref<102400xf32, #tpu.memory_space<vmem_shared>>) offsets(%arg17 : memref<800xi32, #tpu.memory_space<vmem>>) semaphore(%arg30 : memref<!tpu.dma_semaphore, #tpu.memory_space<semaphore_mem>>) {add = true}
      %dma_start3A_317 = arith.constant 0 : i32
      %dma_start3A_318 = tpu.memref_slice %arg33[%dma_start3A_317] : memref<102400xf32, #tpu.memory_space<vmem_shared>> -> memref<102400xf32, #tpu.memory_space<vmem_shared>>
      tpu.enqueue_indirect_dma source(%arg22 : memref<800xf32, #tpu.memory_space<vmem>>) target(%dma_start3A_318 : memref<102400xf32, #tpu.memory_space<vmem_shared>>) offsets(%arg17 : memref<800xi32, #tpu.memory_space<vmem>>) semaphore(%arg30 : memref<!tpu.dma_semaphore, #tpu.memory_space<semaphore_mem>>) {add = true}
      %ge3A_319 = arith.constant 1 : i32
      %ge3A_320 = arith.cmpi sge, %add3A_296, %ge3A_319 : i32
      %convert_element_type3A_321 = arith.extui %ge3A_320 : i1 to i32
      %cond3A_322 = arith.constant 0 : i32
      %cond3A_323 = arith.cmpi ne, %convert_element_type3A_321, %cond3A_322 : i32
      scf.if %cond3A_323 {
        %dma_wait3A_461 = arith.constant 0 : i32
        %dma_wait3A_462 = tpu.memref_slice %arg32[%dma_wait3A_461] : memref<102400xf32, #tpu.memory_space<vmem_shared>> -> memref<102400xf32, #tpu.memory_space<vmem_shared>>
        tpu.wait_indirect_dma semaphore(%arg31 : memref<!tpu.dma_semaphore, #tpu.memory_space<semaphore_mem>>) src(%arg21 : memref<800xf32, #tpu.memory_space<vmem>>) dst(%dma_wait3A_462 : memref<102400xf32, #tpu.memory_space<vmem_shared>>)
        %dma_wait3A_463 = arith.constant 0 : i32
        %dma_wait3A_464 = tpu.memref_slice %arg33[%dma_wait3A_463] : memref<102400xf32, #tpu.memory_space<vmem_shared>> -> memref<102400xf32, #tpu.memory_space<vmem_shared>>
        tpu.wait_indirect_dma semaphore(%arg31 : memref<!tpu.dma_semaphore, #tpu.memory_space<semaphore_mem>>) src(%arg23 : memref<800xf32, #tpu.memory_space<vmem>>) dst(%dma_wait3A_464 : memref<102400xf32, #tpu.memory_space<vmem_shared>>)
      } else {
      }
      %add3A_324 = arith.constant 2 : i32
      %add3A_325 = arith.addi %add3A_296, %add3A_324 : i32
      %mul3A_326 = arith.constant 800 : i32
      %mul3A_327 = arith.muli %add3A_325, %mul3A_326 : i32
      %add3A_328 = arith.addi %mul3A_13, %mul3A_327 : i32
      %dma_start3A_329 = tpu.memref_slice %arg2[%add3A_328] : memref<3200000xf32, #tpu.memory_space<hbm>> -> memref<800xf32, #tpu.memory_space<hbm>>
      %dma_start3A_330 = tpu.memref_slice %arg2[%add3A_328] : memref<3200000xf32, #tpu.memory_space<hbm>> -> memref<800xf32, #tpu.memory_space<hbm>>
      tpu.enqueue_dma source(%dma_start3A_330 : memref<800xf32, #tpu.memory_space<hbm>>) target(%arg13 : memref<800xf32, #tpu.memory_space<vmem>>) target_semaphore(%arg25 : memref<!tpu.dma_semaphore, #tpu.memory_space<semaphore_mem>>)
      %dma_start3A_331 = tpu.memref_slice %arg4[%add3A_328] : memref<3200000xi32, #tpu.memory_space<hbm>> -> memref<800xi32, #tpu.memory_space<hbm>>
      %dma_start3A_332 = tpu.memref_slice %arg4[%add3A_328] : memref<3200000xi32, #tpu.memory_space<hbm>> -> memref<800xi32, #tpu.memory_space<hbm>>
      tpu.enqueue_dma source(%dma_start3A_332 : memref<800xi32, #tpu.memory_space<hbm>>) target(%arg18 : memref<800xi32, #tpu.memory_space<vmem>>) target_semaphore(%arg25 : memref<!tpu.dma_semaphore, #tpu.memory_space<semaphore_mem>>)
      %dma_start3A_333 = tpu.memref_slice %arg3[%add3A_328] : memref<3200000xi32, #tpu.memory_space<hbm>> -> memref<800xi32, #tpu.memory_space<hbm>>
      %dma_start3A_334 = tpu.memref_slice %arg3[%add3A_328] : memref<3200000xi32, #tpu.memory_space<hbm>> -> memref<800xi32, #tpu.memory_space<hbm>>
      tpu.enqueue_dma source(%dma_start3A_334 : memref<800xi32, #tpu.memory_space<hbm>>) target(%arg16 : memref<800xi32, #tpu.memory_space<vmem>>) target_semaphore(%arg28 : memref<!tpu.dma_semaphore, #tpu.memory_space<semaphore_mem>>)
      %mul3A_335 = arith.constant 6 : i32
      %mul3A_336 = arith.muli %scan3A_211, %mul3A_335 : i32
      %add3A_337 = arith.constant 3 : i32
      %add3A_338 = arith.addi %mul3A_336, %add3A_337 : i32
      %dma_wait3A_339 = arith.constant 0 : i32
      %dma_wait3A_340 = tpu.memref_slice %arg2[%dma_wait3A_339] : memref<3200000xf32, #tpu.memory_space<hbm>> -> memref<800xf32, #tpu.memory_space<hbm>>
      %dma_wait3A_341 = arith.constant 0 : i32
      %dma_wait3A_342 = tpu.memref_slice %arg2[%dma_wait3A_341] : memref<3200000xf32, #tpu.memory_space<hbm>> -> memref<800xf32, #tpu.memory_space<hbm>>
      tpu.wait_dma2 semaphore(%arg26 : memref<!tpu.dma_semaphore, #tpu.memory_space<semaphore_mem>>) src(%dma_wait3A_342 : memref<800xf32, #tpu.memory_space<hbm>>) dst(%arg14 : memref<800xf32, #tpu.memory_space<vmem>>)
      %dma_wait3A_343 = arith.constant 0 : i32
      %dma_wait3A_344 = tpu.memref_slice %arg4[%dma_wait3A_343] : memref<3200000xi32, #tpu.memory_space<hbm>> -> memref<800xi32, #tpu.memory_space<hbm>>
      %dma_wait3A_345 = arith.constant 0 : i32
      %dma_wait3A_346 = tpu.memref_slice %arg4[%dma_wait3A_345] : memref<3200000xi32, #tpu.memory_space<hbm>> -> memref<800xi32, #tpu.memory_space<hbm>>
      tpu.wait_dma2 semaphore(%arg26 : memref<!tpu.dma_semaphore, #tpu.memory_space<semaphore_mem>>) src(%dma_wait3A_346 : memref<800xi32, #tpu.memory_space<hbm>>) dst(%arg19 : memref<800xi32, #tpu.memory_space<vmem>>)
      %dma_wait3A_347 = arith.constant 0 : i32
      %dma_wait3A_348 = tpu.memref_slice %arg3[%dma_wait3A_347] : memref<3200000xi32, #tpu.memory_space<hbm>> -> memref<800xi32, #tpu.memory_space<hbm>>
      %dma_wait3A_349 = arith.constant 0 : i32
      %dma_wait3A_350 = tpu.memref_slice %arg3[%dma_wait3A_349] : memref<3200000xi32, #tpu.memory_space<hbm>> -> memref<800xi32, #tpu.memory_space<hbm>>
      tpu.wait_dma2 semaphore(%arg27 : memref<!tpu.dma_semaphore, #tpu.memory_space<semaphore_mem>>) src(%dma_wait3A_350 : memref<800xi32, #tpu.memory_space<hbm>>) dst(%arg15 : memref<800xi32, #tpu.memory_space<vmem>>)
      %scan3A_351 = arith.constant 0 : i32
      %scan3A_352 = arith.constant 0 : i32
      %scan3A_353 = arith.constant 50 : i32
      %scan3A_354 = arith.addi %scan3A_352, %scan3A_353 : i32
      %scan3A_355 = arith.constant 1 : i32
      scf.for %scan3A_461 = %scan3A_352 to %scan3A_354 step %scan3A_355  : i32 {
        %mul3A_462 = arith.constant 16 : i32
        %mul3A_463 = arith.muli %scan3A_461, %mul3A_462 : i32
        %get3A = arith.index_cast %mul3A_463 : i32 to index
        %get3A_464 = tpu.vector_load %arg14[%get3A] {strides = array<i32>} : memref<800xf32, #tpu.memory_space<vmem>>, vector<16xf32>,
        %min3A = arith.constant 5.99999952 : f32
        %min3A_465 = vector.broadcast %min3A : f32 to vector<16xf32>
        %min3A_466 = arith.minimumf %get3A_464, %min3A_465 : vector<16xf32>
        %mul3A_467 = arith.constant 1365.16663 : f32
        %mul3A_468 = vector.broadcast %mul3A_467 : f32 to vector<16xf32>
        %mul3A_469 = arith.mulf %min3A_466, %mul3A_468 : vector<16xf32>
        %convert_element_type3A_470 = arith.fptosi %mul3A_469 : vector<16xf32> to vector<16xi32>
        %convert_element_type3A_471 = arith.sitofp %convert_element_type3A_470 : vector<16xi32> to vector<16xf32>
        %sub3A = arith.subf %mul3A_469, %convert_element_type3A_471 : vector<16xf32>
        %add3A_472 = arith.constant 1 : i32
        %add3A_473 = vector.broadcast %add3A_472 : i32 to vector<16xi32>
        %add3A_474 = arith.addi %convert_element_type3A_470, %add3A_473 : vector<16xi32>
        %min3A_475 = arith.constant 8191 : i32
        %min3A_476 = vector.broadcast %min3A_475 : i32 to vector<16xi32>
        %min3A_477 = arith.minsi %add3A_474, %min3A_476 : vector<16xi32>
        %get3A_478 = arith.index_cast %mul3A_463 : i32 to index
        %get3A_479 = tpu.vector_load %arg19[%get3A_478] {strides = array<i32>} : memref<800xi32, #tpu.memory_space<vmem>>, vector<16xi32>,
        %shift_right_logical3A = arith.constant 4 : i32
        %shift_right_logical3A_480 = vector.broadcast %shift_right_logical3A : i32 to vector<16xi32>
        %shift_right_logical3A_481 = arith.shrui %get3A_479, %shift_right_logical3A_480 : vector<16xi32>
        %gather3A = tpu.vector_load_idx %arg12[%shift_right_logical3A_481] : memref<6400xi32, #tpu.memory_space<vmem>>[vector<16xi32>], vector<16xi32>,
        %and3A = arith.constant 15 : i32
        %and3A_482 = vector.broadcast %and3A : i32 to vector<16xi32>
        %and3A_483 = arith.andi %get3A_479, %and3A_482 : vector<16xi32>
        %mul3A_484 = arith.constant 2 : i32
        %mul3A_485 = vector.broadcast %mul3A_484 : i32 to vector<16xi32>
        %mul3A_486 = arith.muli %and3A_483, %mul3A_485 : vector<16xi32>
        %shift_right_logical3A_487 = arith.shrui %gather3A, %mul3A_486 : vector<16xi32>
        %and3A_488 = arith.constant 3 : i32
        %and3A_489 = vector.broadcast %and3A_488 : i32 to vector<16xi32>
        %and3A_490 = arith.andi %shift_right_logical3A_487, %and3A_489 : vector<16xi32>
        %get3A_491 = arith.index_cast %mul3A_463 : i32 to index
        %get3A_492 = tpu.vector_load %arg15[%get3A_491] {strides = array<i32>} : memref<800xi32, #tpu.memory_space<vmem>>, vector<16xi32>,
        %shift_right_logical3A_493 = arith.constant 4 : i32
        %shift_right_logical3A_494 = vector.broadcast %shift_right_logical3A_493 : i32 to vector<16xi32>
        %shift_right_logical3A_495 = arith.shrui %get3A_492, %shift_right_logical3A_494 : vector<16xi32>
        %gather3A_496 = tpu.vector_load_idx %arg12[%shift_right_logical3A_495] : memref<6400xi32, #tpu.memory_space<vmem>>[vector<16xi32>], vector<16xi32>,
        %and3A_497 = arith.constant 15 : i32
        %and3A_498 = vector.broadcast %and3A_497 : i32 to vector<16xi32>
        %and3A_499 = arith.andi %get3A_492, %and3A_498 : vector<16xi32>
        %mul3A_500 = arith.constant 2 : i32
        %mul3A_501 = vector.broadcast %mul3A_500 : i32 to vector<16xi32>
        %mul3A_502 = arith.muli %and3A_499, %mul3A_501 : vector<16xi32>
        %shift_right_logical3A_503 = arith.shrui %gather3A_496, %mul3A_502 : vector<16xi32>
        %and3A_504 = arith.constant 3 : i32
        %and3A_505 = vector.broadcast %and3A_504 : i32 to vector<16xi32>
        %and3A_506 = arith.andi %shift_right_logical3A_503, %and3A_505 : vector<16xi32>
        %mul3A_507 = arith.constant 8192 : i32
        %mul3A_508 = vector.broadcast %mul3A_507 : i32 to vector<16xi32>
        %mul3A_509 = arith.muli %and3A_490, %mul3A_508 : vector<16xi32>
        %add3A_510 = arith.addi %mul3A_509, %convert_element_type3A_470 : vector<16xi32>
        %gather3A_511 = tpu.vector_load_idx %arg10[%add3A_510] : memref<24576xf32, #tpu.memory_space<vmem>>[vector<16xi32>], vector<16xf32>,
        %add3A_512 = arith.addi %mul3A_509, %min3A_477 : vector<16xi32>
        %gather3A_513 = tpu.vector_load_idx %arg10[%add3A_512] : memref<24576xf32, #tpu.memory_space<vmem>>[vector<16xi32>], vector<16xf32>,
        %sub3A_514 = arith.subf %gather3A_513, %gather3A_511 : vector<16xf32>
        %mul3A_515 = arith.mulf %sub3A, %sub3A_514 : vector<16xf32>
        %add3A_516 = arith.addf %gather3A_511, %mul3A_515 : vector<16xf32>
        %swap3A = arith.index_cast %mul3A_463 : i32 to index
        %swap3A_517 = tpu.vector_load %arg21[%swap3A] {strides = array<i32>} : memref<800xf32, #tpu.memory_space<vmem>>, vector<16xf32>,
        tpu.vector_store %arg21[%swap3A], %add3A_516 {strides = array<i32>} : memref<800xf32, #tpu.memory_space<vmem>>, vector<16xf32>,
        %mul3A_518 = arith.constant 3 : i32
        %mul3A_519 = vector.broadcast %mul3A_518 : i32 to vector<16xi32>
        %mul3A_520 = arith.muli %and3A_506, %mul3A_519 : vector<16xi32>
        %add3A_521 = arith.addi %mul3A_520, %and3A_490 : vector<16xi32>
        %mul3A_522 = arith.constant 8192 : i32
        %mul3A_523 = vector.broadcast %mul3A_522 : i32 to vector<16xi32>
        %mul3A_524 = arith.muli %add3A_521, %mul3A_523 : vector<16xi32>
        %add3A_525 = arith.addi %mul3A_524, %convert_element_type3A_470 : vector<16xi32>
        %gather3A_526 = tpu.vector_load_idx %arg11[%add3A_525] : memref<73728xf32, #tpu.memory_space<vmem>>[vector<16xi32>], vector<16xf32>,
        %add3A_527 = arith.addi %mul3A_524, %min3A_477 : vector<16xi32>
        %gather3A_528 = tpu.vector_load_idx %arg11[%add3A_527] : memref<73728xf32, #tpu.memory_space<vmem>>[vector<16xi32>], vector<16xf32>,
        %sub3A_529 = arith.subf %gather3A_528, %gather3A_526 : vector<16xf32>
        %mul3A_530 = arith.mulf %sub3A, %sub3A_529 : vector<16xf32>
        %add3A_531 = arith.addf %gather3A_526, %mul3A_530 : vector<16xf32>
        %swap3A_532 = arith.index_cast %mul3A_463 : i32 to index
        %swap3A_533 = tpu.vector_load %arg23[%swap3A_532] {strides = array<i32>} : memref<800xf32, #tpu.memory_space<vmem>>, vector<16xf32>,
        tpu.vector_store %arg23[%swap3A_532], %add3A_531 {strides = array<i32>} : memref<800xf32, #tpu.memory_space<vmem>>, vector<16xf32>,
      }
      %scan3A_356 = arith.constant 50 : i32
      %dma_start3A_357 = arith.constant 0 : i32
      %dma_start3A_358 = tpu.memref_slice %arg32[%dma_start3A_357] : memref<102400xf32, #tpu.memory_space<vmem_shared>> -> memref<102400xf32, #tpu.memory_space<vmem_shared>>
      tpu.enqueue_indirect_dma source(%arg21 : memref<800xf32, #tpu.memory_space<vmem>>) target(%dma_start3A_358 : memref<102400xf32, #tpu.memory_space<vmem_shared>>) offsets(%arg15 : memref<800xi32, #tpu.memory_space<vmem>>) semaphore(%arg31 : memref<!tpu.dma_semaphore, #tpu.memory_space<semaphore_mem>>) {add = true}
      %dma_start3A_359 = arith.constant 0 : i32
      %dma_start3A_360 = tpu.memref_slice %arg33[%dma_start3A_359] : memref<102400xf32, #tpu.memory_space<vmem_shared>> -> memref<102400xf32, #tpu.memory_space<vmem_shared>>
      tpu.enqueue_indirect_dma source(%arg23 : memref<800xf32, #tpu.memory_space<vmem>>) target(%dma_start3A_360 : memref<102400xf32, #tpu.memory_space<vmem_shared>>) offsets(%arg15 : memref<800xi32, #tpu.memory_space<vmem>>) semaphore(%arg31 : memref<!tpu.dma_semaphore, #tpu.memory_space<semaphore_mem>>) {add = true}
      %ge3A_361 = arith.constant 1 : i32
      %ge3A_362 = arith.cmpi sge, %add3A_338, %ge3A_361 : i32
      %convert_element_type3A_363 = arith.extui %ge3A_362 : i1 to i32
      %cond3A_364 = arith.constant 0 : i32
      %cond3A_365 = arith.cmpi ne, %convert_element_type3A_363, %cond3A_364 : i32
      scf.if %cond3A_365 {
        %dma_wait3A_461 = arith.constant 0 : i32
        %dma_wait3A_462 = tpu.memref_slice %arg32[%dma_wait3A_461] : memref<102400xf32, #tpu.memory_space<vmem_shared>> -> memref<102400xf32, #tpu.memory_space<vmem_shared>>
        tpu.wait_indirect_dma semaphore(%arg30 : memref<!tpu.dma_semaphore, #tpu.memory_space<semaphore_mem>>) src(%arg20 : memref<800xf32, #tpu.memory_space<vmem>>) dst(%dma_wait3A_462 : memref<102400xf32, #tpu.memory_space<vmem_shared>>)
        %dma_wait3A_463 = arith.constant 0 : i32
        %dma_wait3A_464 = tpu.memref_slice %arg33[%dma_wait3A_463] : memref<102400xf32, #tpu.memory_space<vmem_shared>> -> memref<102400xf32, #tpu.memory_space<vmem_shared>>
        tpu.wait_indirect_dma semaphore(%arg30 : memref<!tpu.dma_semaphore, #tpu.memory_space<semaphore_mem>>) src(%arg22 : memref<800xf32, #tpu.memory_space<vmem>>) dst(%dma_wait3A_464 : memref<102400xf32, #tpu.memory_space<vmem_shared>>)
      } else {
      }
      %add3A_366 = arith.constant 2 : i32
      %add3A_367 = arith.addi %add3A_338, %add3A_366 : i32
      %mul3A_368 = arith.constant 800 : i32
      %mul3A_369 = arith.muli %add3A_367, %mul3A_368 : i32
      %add3A_370 = arith.addi %mul3A_13, %mul3A_369 : i32
      %dma_start3A_371 = tpu.memref_slice %arg2[%add3A_370] : memref<3200000xf32, #tpu.memory_space<hbm>> -> memref<800xf32, #tpu.memory_space<hbm>>
      %dma_start3A_372 = tpu.memref_slice %arg2[%add3A_370] : memref<3200000xf32, #tpu.memory_space<hbm>> -> memref<800xf32, #tpu.memory_space<hbm>>
      tpu.enqueue_dma source(%dma_start3A_372 : memref<800xf32, #tpu.memory_space<hbm>>) target(%arg14 : memref<800xf32, #tpu.memory_space<vmem>>) target_semaphore(%arg26 : memref<!tpu.dma_semaphore, #tpu.memory_space<semaphore_mem>>)
      %dma_start3A_373 = tpu.memref_slice %arg4[%add3A_370] : memref<3200000xi32, #tpu.memory_space<hbm>> -> memref<800xi32, #tpu.memory_space<hbm>>
      %dma_start3A_374 = tpu.memref_slice %arg4[%add3A_370] : memref<3200000xi32, #tpu.memory_space<hbm>> -> memref<800xi32, #tpu.memory_space<hbm>>
      tpu.enqueue_dma source(%dma_start3A_374 : memref<800xi32, #tpu.memory_space<hbm>>) target(%arg19 : memref<800xi32, #tpu.memory_space<vmem>>) target_semaphore(%arg26 : memref<!tpu.dma_semaphore, #tpu.memory_space<semaphore_mem>>)
      %dma_start3A_375 = tpu.memref_slice %arg3[%add3A_370] : memref<3200000xi32, #tpu.memory_space<hbm>> -> memref<800xi32, #tpu.memory_space<hbm>>
      %dma_start3A_376 = tpu.memref_slice %arg3[%add3A_370] : memref<3200000xi32, #tpu.memory_space<hbm>> -> memref<800xi32, #tpu.memory_space<hbm>>
      tpu.enqueue_dma source(%dma_start3A_376 : memref<800xi32, #tpu.memory_space<hbm>>) target(%arg17 : memref<800xi32, #tpu.memory_space<vmem>>) target_semaphore(%arg29 : memref<!tpu.dma_semaphore, #tpu.memory_space<semaphore_mem>>)
      %mul3A_377 = arith.constant 6 : i32
      %mul3A_378 = arith.muli %scan3A_211, %mul3A_377 : i32
      %add3A_379 = arith.constant 4 : i32
      %add3A_380 = arith.addi %mul3A_378, %add3A_379 : i32
      %dma_wait3A_381 = arith.constant 0 : i32
      %dma_wait3A_382 = tpu.memref_slice %arg2[%dma_wait3A_381] : memref<3200000xf32, #tpu.memory_space<hbm>> -> memref<800xf32, #tpu.memory_space<hbm>>
      %dma_wait3A_383 = arith.constant 0 : i32
      %dma_wait3A_384 = tpu.memref_slice %arg2[%dma_wait3A_383] : memref<3200000xf32, #tpu.memory_space<hbm>> -> memref<800xf32, #tpu.memory_space<hbm>>
      tpu.wait_dma2 semaphore(%arg25 : memref<!tpu.dma_semaphore, #tpu.memory_space<semaphore_mem>>) src(%dma_wait3A_384 : memref<800xf32, #tpu.memory_space<hbm>>) dst(%arg13 : memref<800xf32, #tpu.memory_space<vmem>>)
      %dma_wait3A_385 = arith.constant 0 : i32
      %dma_wait3A_386 = tpu.memref_slice %arg4[%dma_wait3A_385] : memref<3200000xi32, #tpu.memory_space<hbm>> -> memref<800xi32, #tpu.memory_space<hbm>>
      %dma_wait3A_387 = arith.constant 0 : i32
      %dma_wait3A_388 = tpu.memref_slice %arg4[%dma_wait3A_387] : memref<3200000xi32, #tpu.memory_space<hbm>> -> memref<800xi32, #tpu.memory_space<hbm>>
      tpu.wait_dma2 semaphore(%arg25 : memref<!tpu.dma_semaphore, #tpu.memory_space<semaphore_mem>>) src(%dma_wait3A_388 : memref<800xi32, #tpu.memory_space<hbm>>) dst(%arg18 : memref<800xi32, #tpu.memory_space<vmem>>)
      %dma_wait3A_389 = arith.constant 0 : i32
      %dma_wait3A_390 = tpu.memref_slice %arg3[%dma_wait3A_389] : memref<3200000xi32, #tpu.memory_space<hbm>> -> memref<800xi32, #tpu.memory_space<hbm>>
      %dma_wait3A_391 = arith.constant 0 : i32
      %dma_wait3A_392 = tpu.memref_slice %arg3[%dma_wait3A_391] : memref<3200000xi32, #tpu.memory_space<hbm>> -> memref<800xi32, #tpu.memory_space<hbm>>
      tpu.wait_dma2 semaphore(%arg28 : memref<!tpu.dma_semaphore, #tpu.memory_space<semaphore_mem>>) src(%dma_wait3A_392 : memref<800xi32, #tpu.memory_space<hbm>>) dst(%arg16 : memref<800xi32, #tpu.memory_space<vmem>>)
      %scan3A_393 = arith.constant 0 : i32
      %scan3A_394 = arith.constant 0 : i32
      %scan3A_395 = arith.constant 50 : i32
      %scan3A_396 = arith.addi %scan3A_394, %scan3A_395 : i32
      %scan3A_397 = arith.constant 1 : i32
      scf.for %scan3A_461 = %scan3A_394 to %scan3A_396 step %scan3A_397  : i32 {
        %mul3A_462 = arith.constant 16 : i32
        %mul3A_463 = arith.muli %scan3A_461, %mul3A_462 : i32
        %get3A = arith.index_cast %mul3A_463 : i32 to index
        %get3A_464 = tpu.vector_load %arg13[%get3A] {strides = array<i32>} : memref<800xf32, #tpu.memory_space<vmem>>, vector<16xf32>,
        %min3A = arith.constant 5.99999952 : f32
        %min3A_465 = vector.broadcast %min3A : f32 to vector<16xf32>
        %min3A_466 = arith.minimumf %get3A_464, %min3A_465 : vector<16xf32>
        %mul3A_467 = arith.constant 1365.16663 : f32
        %mul3A_468 = vector.broadcast %mul3A_467 : f32 to vector<16xf32>
        %mul3A_469 = arith.mulf %min3A_466, %mul3A_468 : vector<16xf32>
        %convert_element_type3A_470 = arith.fptosi %mul3A_469 : vector<16xf32> to vector<16xi32>
        %convert_element_type3A_471 = arith.sitofp %convert_element_type3A_470 : vector<16xi32> to vector<16xf32>
        %sub3A = arith.subf %mul3A_469, %convert_element_type3A_471 : vector<16xf32>
        %add3A_472 = arith.constant 1 : i32
        %add3A_473 = vector.broadcast %add3A_472 : i32 to vector<16xi32>
        %add3A_474 = arith.addi %convert_element_type3A_470, %add3A_473 : vector<16xi32>
        %min3A_475 = arith.constant 8191 : i32
        %min3A_476 = vector.broadcast %min3A_475 : i32 to vector<16xi32>
        %min3A_477 = arith.minsi %add3A_474, %min3A_476 : vector<16xi32>
        %get3A_478 = arith.index_cast %mul3A_463 : i32 to index
        %get3A_479 = tpu.vector_load %arg18[%get3A_478] {strides = array<i32>} : memref<800xi32, #tpu.memory_space<vmem>>, vector<16xi32>,
        %shift_right_logical3A = arith.constant 4 : i32
        %shift_right_logical3A_480 = vector.broadcast %shift_right_logical3A : i32 to vector<16xi32>
        %shift_right_logical3A_481 = arith.shrui %get3A_479, %shift_right_logical3A_480 : vector<16xi32>
        %gather3A = tpu.vector_load_idx %arg12[%shift_right_logical3A_481] : memref<6400xi32, #tpu.memory_space<vmem>>[vector<16xi32>], vector<16xi32>,
        %and3A = arith.constant 15 : i32
        %and3A_482 = vector.broadcast %and3A : i32 to vector<16xi32>
        %and3A_483 = arith.andi %get3A_479, %and3A_482 : vector<16xi32>
        %mul3A_484 = arith.constant 2 : i32
        %mul3A_485 = vector.broadcast %mul3A_484 : i32 to vector<16xi32>
        %mul3A_486 = arith.muli %and3A_483, %mul3A_485 : vector<16xi32>
        %shift_right_logical3A_487 = arith.shrui %gather3A, %mul3A_486 : vector<16xi32>
        %and3A_488 = arith.constant 3 : i32
        %and3A_489 = vector.broadcast %and3A_488 : i32 to vector<16xi32>
        %and3A_490 = arith.andi %shift_right_logical3A_487, %and3A_489 : vector<16xi32>
        %get3A_491 = arith.index_cast %mul3A_463 : i32 to index
        %get3A_492 = tpu.vector_load %arg16[%get3A_491] {strides = array<i32>} : memref<800xi32, #tpu.memory_space<vmem>>, vector<16xi32>,
        %shift_right_logical3A_493 = arith.constant 4 : i32
        %shift_right_logical3A_494 = vector.broadcast %shift_right_logical3A_493 : i32 to vector<16xi32>
        %shift_right_logical3A_495 = arith.shrui %get3A_492, %shift_right_logical3A_494 : vector<16xi32>
        %gather3A_496 = tpu.vector_load_idx %arg12[%shift_right_logical3A_495] : memref<6400xi32, #tpu.memory_space<vmem>>[vector<16xi32>], vector<16xi32>,
        %and3A_497 = arith.constant 15 : i32
        %and3A_498 = vector.broadcast %and3A_497 : i32 to vector<16xi32>
        %and3A_499 = arith.andi %get3A_492, %and3A_498 : vector<16xi32>
        %mul3A_500 = arith.constant 2 : i32
        %mul3A_501 = vector.broadcast %mul3A_500 : i32 to vector<16xi32>
        %mul3A_502 = arith.muli %and3A_499, %mul3A_501 : vector<16xi32>
        %shift_right_logical3A_503 = arith.shrui %gather3A_496, %mul3A_502 : vector<16xi32>
        %and3A_504 = arith.constant 3 : i32
        %and3A_505 = vector.broadcast %and3A_504 : i32 to vector<16xi32>
        %and3A_506 = arith.andi %shift_right_logical3A_503, %and3A_505 : vector<16xi32>
        %mul3A_507 = arith.constant 8192 : i32
        %mul3A_508 = vector.broadcast %mul3A_507 : i32 to vector<16xi32>
        %mul3A_509 = arith.muli %and3A_490, %mul3A_508 : vector<16xi32>
        %add3A_510 = arith.addi %mul3A_509, %convert_element_type3A_470 : vector<16xi32>
        %gather3A_511 = tpu.vector_load_idx %arg10[%add3A_510] : memref<24576xf32, #tpu.memory_space<vmem>>[vector<16xi32>], vector<16xf32>,
        %add3A_512 = arith.addi %mul3A_509, %min3A_477 : vector<16xi32>
        %gather3A_513 = tpu.vector_load_idx %arg10[%add3A_512] : memref<24576xf32, #tpu.memory_space<vmem>>[vector<16xi32>], vector<16xf32>,
        %sub3A_514 = arith.subf %gather3A_513, %gather3A_511 : vector<16xf32>
        %mul3A_515 = arith.mulf %sub3A, %sub3A_514 : vector<16xf32>
        %add3A_516 = arith.addf %gather3A_511, %mul3A_515 : vector<16xf32>
        %swap3A = arith.index_cast %mul3A_463 : i32 to index
        %swap3A_517 = tpu.vector_load %arg20[%swap3A] {strides = array<i32>} : memref<800xf32, #tpu.memory_space<vmem>>, vector<16xf32>,
        tpu.vector_store %arg20[%swap3A], %add3A_516 {strides = array<i32>} : memref<800xf32, #tpu.memory_space<vmem>>, vector<16xf32>,
        %mul3A_518 = arith.constant 3 : i32
        %mul3A_519 = vector.broadcast %mul3A_518 : i32 to vector<16xi32>
        %mul3A_520 = arith.muli %and3A_506, %mul3A_519 : vector<16xi32>
        %add3A_521 = arith.addi %mul3A_520, %and3A_490 : vector<16xi32>
        %mul3A_522 = arith.constant 8192 : i32
        %mul3A_523 = vector.broadcast %mul3A_522 : i32 to vector<16xi32>
        %mul3A_524 = arith.muli %add3A_521, %mul3A_523 : vector<16xi32>
        %add3A_525 = arith.addi %mul3A_524, %convert_element_type3A_470 : vector<16xi32>
        %gather3A_526 = tpu.vector_load_idx %arg11[%add3A_525] : memref<73728xf32, #tpu.memory_space<vmem>>[vector<16xi32>], vector<16xf32>,
        %add3A_527 = arith.addi %mul3A_524, %min3A_477 : vector<16xi32>
        %gather3A_528 = tpu.vector_load_idx %arg11[%add3A_527] : memref<73728xf32, #tpu.memory_space<vmem>>[vector<16xi32>], vector<16xf32>,
        %sub3A_529 = arith.subf %gather3A_528, %gather3A_526 : vector<16xf32>
        %mul3A_530 = arith.mulf %sub3A, %sub3A_529 : vector<16xf32>
        %add3A_531 = arith.addf %gather3A_526, %mul3A_530 : vector<16xf32>
        %swap3A_532 = arith.index_cast %mul3A_463 : i32 to index
        %swap3A_533 = tpu.vector_load %arg22[%swap3A_532] {strides = array<i32>} : memref<800xf32, #tpu.memory_space<vmem>>, vector<16xf32>,
        tpu.vector_store %arg22[%swap3A_532], %add3A_531 {strides = array<i32>} : memref<800xf32, #tpu.memory_space<vmem>>, vector<16xf32>,
      }
      %scan3A_398 = arith.constant 50 : i32
      %dma_start3A_399 = arith.constant 0 : i32
      %dma_start3A_400 = tpu.memref_slice %arg32[%dma_start3A_399] : memref<102400xf32, #tpu.memory_space<vmem_shared>> -> memref<102400xf32, #tpu.memory_space<vmem_shared>>
      tpu.enqueue_indirect_dma source(%arg20 : memref<800xf32, #tpu.memory_space<vmem>>) target(%dma_start3A_400 : memref<102400xf32, #tpu.memory_space<vmem_shared>>) offsets(%arg16 : memref<800xi32, #tpu.memory_space<vmem>>) semaphore(%arg30 : memref<!tpu.dma_semaphore, #tpu.memory_space<semaphore_mem>>) {add = true}
      %dma_start3A_401 = arith.constant 0 : i32
      %dma_start3A_402 = tpu.memref_slice %arg33[%dma_start3A_401] : memref<102400xf32, #tpu.memory_space<vmem_shared>> -> memref<102400xf32, #tpu.memory_space<vmem_shared>>
      tpu.enqueue_indirect_dma source(%arg22 : memref<800xf32, #tpu.memory_space<vmem>>) target(%dma_start3A_402 : memref<102400xf32, #tpu.memory_space<vmem_shared>>) offsets(%arg16 : memref<800xi32, #tpu.memory_space<vmem>>) semaphore(%arg30 : memref<!tpu.dma_semaphore, #tpu.memory_space<semaphore_mem>>) {add = true}
      %ge3A_403 = arith.constant 1 : i32
      %ge3A_404 = arith.cmpi sge, %add3A_380, %ge3A_403 : i32
      %convert_element_type3A_405 = arith.extui %ge3A_404 : i1 to i32
      %cond3A_406 = arith.constant 0 : i32
      %cond3A_407 = arith.cmpi ne, %convert_element_type3A_405, %cond3A_406 : i32
      scf.if %cond3A_407 {
        %dma_wait3A_461 = arith.constant 0 : i32
        %dma_wait3A_462 = tpu.memref_slice %arg32[%dma_wait3A_461] : memref<102400xf32, #tpu.memory_space<vmem_shared>> -> memref<102400xf32, #tpu.memory_space<vmem_shared>>
        tpu.wait_indirect_dma semaphore(%arg31 : memref<!tpu.dma_semaphore, #tpu.memory_space<semaphore_mem>>) src(%arg21 : memref<800xf32, #tpu.memory_space<vmem>>) dst(%dma_wait3A_462 : memref<102400xf32, #tpu.memory_space<vmem_shared>>)
        %dma_wait3A_463 = arith.constant 0 : i32
        %dma_wait3A_464 = tpu.memref_slice %arg33[%dma_wait3A_463] : memref<102400xf32, #tpu.memory_space<vmem_shared>> -> memref<102400xf32, #tpu.memory_space<vmem_shared>>
        tpu.wait_indirect_dma semaphore(%arg31 : memref<!tpu.dma_semaphore, #tpu.memory_space<semaphore_mem>>) src(%arg23 : memref<800xf32, #tpu.memory_space<vmem>>) dst(%dma_wait3A_464 : memref<102400xf32, #tpu.memory_space<vmem_shared>>)
      } else {
      }
      %add3A_408 = arith.constant 2 : i32
      %add3A_409 = arith.addi %add3A_380, %add3A_408 : i32
      %mul3A_410 = arith.constant 800 : i32
      %mul3A_411 = arith.muli %add3A_409, %mul3A_410 : i32
      %add3A_412 = arith.addi %mul3A_13, %mul3A_411 : i32
      %dma_start3A_413 = tpu.memref_slice %arg2[%add3A_412] : memref<3200000xf32, #tpu.memory_space<hbm>> -> memref<800xf32, #tpu.memory_space<hbm>>
      %dma_start3A_414 = tpu.memref_slice %arg2[%add3A_412] : memref<3200000xf32, #tpu.memory_space<hbm>> -> memref<800xf32, #tpu.memory_space<hbm>>
      tpu.enqueue_dma source(%dma_start3A_414 : memref<800xf32, #tpu.memory_space<hbm>>) target(%arg13 : memref<800xf32, #tpu.memory_space<vmem>>) target_semaphore(%arg25 : memref<!tpu.dma_semaphore, #tpu.memory_space<semaphore_mem>>)
      %dma_start3A_415 = tpu.memref_slice %arg4[%add3A_412] : memref<3200000xi32, #tpu.memory_space<hbm>> -> memref<800xi32, #tpu.memory_space<hbm>>
      %dma_start3A_416 = tpu.memref_slice %arg4[%add3A_412] : memref<3200000xi32, #tpu.memory_space<hbm>> -> memref<800xi32, #tpu.memory_space<hbm>>
      tpu.enqueue_dma source(%dma_start3A_416 : memref<800xi32, #tpu.memory_space<hbm>>) target(%arg18 : memref<800xi32, #tpu.memory_space<vmem>>) target_semaphore(%arg25 : memref<!tpu.dma_semaphore, #tpu.memory_space<semaphore_mem>>)
      %dma_start3A_417 = tpu.memref_slice %arg3[%add3A_412] : memref<3200000xi32, #tpu.memory_space<hbm>> -> memref<800xi32, #tpu.memory_space<hbm>>
      %dma_start3A_418 = tpu.memref_slice %arg3[%add3A_412] : memref<3200000xi32, #tpu.memory_space<hbm>> -> memref<800xi32, #tpu.memory_space<hbm>>
      tpu.enqueue_dma source(%dma_start3A_418 : memref<800xi32, #tpu.memory_space<hbm>>) target(%arg15 : memref<800xi32, #tpu.memory_space<vmem>>) target_semaphore(%arg27 : memref<!tpu.dma_semaphore, #tpu.memory_space<semaphore_mem>>)
      %mul3A_419 = arith.constant 6 : i32
      %mul3A_420 = arith.muli %scan3A_211, %mul3A_419 : i32
      %add3A_421 = arith.constant 5 : i32
      %add3A_422 = arith.addi %mul3A_420, %add3A_421 : i32
      %dma_wait3A_423 = arith.constant 0 : i32
      %dma_wait3A_424 = tpu.memref_slice %arg2[%dma_wait3A_423] : memref<3200000xf32, #tpu.memory_space<hbm>> -> memref<800xf32, #tpu.memory_space<hbm>>
      %dma_wait3A_425 = arith.constant 0 : i32
      %dma_wait3A_426 = tpu.memref_slice %arg2[%dma_wait3A_425] : memref<3200000xf32, #tpu.memory_space<hbm>> -> memref<800xf32, #tpu.memory_space<hbm>>
      tpu.wait_dma2 semaphore(%arg26 : memref<!tpu.dma_semaphore, #tpu.memory_space<semaphore_mem>>) src(%dma_wait3A_426 : memref<800xf32, #tpu.memory_space<hbm>>) dst(%arg14 : memref<800xf32, #tpu.memory_space<vmem>>)
      %dma_wait3A_427 = arith.constant 0 : i32
      %dma_wait3A_428 = tpu.memref_slice %arg4[%dma_wait3A_427] : memref<3200000xi32, #tpu.memory_space<hbm>> -> memref<800xi32, #tpu.memory_space<hbm>>
      %dma_wait3A_429 = arith.constant 0 : i32
      %dma_wait3A_430 = tpu.memref_slice %arg4[%dma_wait3A_429] : memref<3200000xi32, #tpu.memory_space<hbm>> -> memref<800xi32, #tpu.memory_space<hbm>>
      tpu.wait_dma2 semaphore(%arg26 : memref<!tpu.dma_semaphore, #tpu.memory_space<semaphore_mem>>) src(%dma_wait3A_430 : memref<800xi32, #tpu.memory_space<hbm>>) dst(%arg19 : memref<800xi32, #tpu.memory_space<vmem>>)
      %dma_wait3A_431 = arith.constant 0 : i32
      %dma_wait3A_432 = tpu.memref_slice %arg3[%dma_wait3A_431] : memref<3200000xi32, #tpu.memory_space<hbm>> -> memref<800xi32, #tpu.memory_space<hbm>>
      %dma_wait3A_433 = arith.constant 0 : i32
      %dma_wait3A_434 = tpu.memref_slice %arg3[%dma_wait3A_433] : memref<3200000xi32, #tpu.memory_space<hbm>> -> memref<800xi32, #tpu.memory_space<hbm>>
      tpu.wait_dma2 semaphore(%arg29 : memref<!tpu.dma_semaphore, #tpu.memory_space<semaphore_mem>>) src(%dma_wait3A_434 : memref<800xi32, #tpu.memory_space<hbm>>) dst(%arg17 : memref<800xi32, #tpu.memory_space<vmem>>)
      %scan3A_435 = arith.constant 0 : i32
      %scan3A_436 = arith.constant 0 : i32
      %scan3A_437 = arith.constant 50 : i32
      %scan3A_438 = arith.addi %scan3A_436, %scan3A_437 : i32
      %scan3A_439 = arith.constant 1 : i32
      scf.for %scan3A_461 = %scan3A_436 to %scan3A_438 step %scan3A_439  : i32 {
        %mul3A_462 = arith.constant 16 : i32
        %mul3A_463 = arith.muli %scan3A_461, %mul3A_462 : i32
        %get3A = arith.index_cast %mul3A_463 : i32 to index
        %get3A_464 = tpu.vector_load %arg14[%get3A] {strides = array<i32>} : memref<800xf32, #tpu.memory_space<vmem>>, vector<16xf32>,
        %min3A = arith.constant 5.99999952 : f32
        %min3A_465 = vector.broadcast %min3A : f32 to vector<16xf32>
        %min3A_466 = arith.minimumf %get3A_464, %min3A_465 : vector<16xf32>
        %mul3A_467 = arith.constant 1365.16663 : f32
        %mul3A_468 = vector.broadcast %mul3A_467 : f32 to vector<16xf32>
        %mul3A_469 = arith.mulf %min3A_466, %mul3A_468 : vector<16xf32>
        %convert_element_type3A_470 = arith.fptosi %mul3A_469 : vector<16xf32> to vector<16xi32>
        %convert_element_type3A_471 = arith.sitofp %convert_element_type3A_470 : vector<16xi32> to vector<16xf32>
        %sub3A = arith.subf %mul3A_469, %convert_element_type3A_471 : vector<16xf32>
        %add3A_472 = arith.constant 1 : i32
        %add3A_473 = vector.broadcast %add3A_472 : i32 to vector<16xi32>
        %add3A_474 = arith.addi %convert_element_type3A_470, %add3A_473 : vector<16xi32>
        %min3A_475 = arith.constant 8191 : i32
        %min3A_476 = vector.broadcast %min3A_475 : i32 to vector<16xi32>
        %min3A_477 = arith.minsi %add3A_474, %min3A_476 : vector<16xi32>
        %get3A_478 = arith.index_cast %mul3A_463 : i32 to index
        %get3A_479 = tpu.vector_load %arg19[%get3A_478] {strides = array<i32>} : memref<800xi32, #tpu.memory_space<vmem>>, vector<16xi32>,
        %shift_right_logical3A = arith.constant 4 : i32
        %shift_right_logical3A_480 = vector.broadcast %shift_right_logical3A : i32 to vector<16xi32>
        %shift_right_logical3A_481 = arith.shrui %get3A_479, %shift_right_logical3A_480 : vector<16xi32>
        %gather3A = tpu.vector_load_idx %arg12[%shift_right_logical3A_481] : memref<6400xi32, #tpu.memory_space<vmem>>[vector<16xi32>], vector<16xi32>,
        %and3A = arith.constant 15 : i32
        %and3A_482 = vector.broadcast %and3A : i32 to vector<16xi32>
        %and3A_483 = arith.andi %get3A_479, %and3A_482 : vector<16xi32>
        %mul3A_484 = arith.constant 2 : i32
        %mul3A_485 = vector.broadcast %mul3A_484 : i32 to vector<16xi32>
        %mul3A_486 = arith.muli %and3A_483, %mul3A_485 : vector<16xi32>
        %shift_right_logical3A_487 = arith.shrui %gather3A, %mul3A_486 : vector<16xi32>
        %and3A_488 = arith.constant 3 : i32
        %and3A_489 = vector.broadcast %and3A_488 : i32 to vector<16xi32>
        %and3A_490 = arith.andi %shift_right_logical3A_487, %and3A_489 : vector<16xi32>
        %get3A_491 = arith.index_cast %mul3A_463 : i32 to index
        %get3A_492 = tpu.vector_load %arg17[%get3A_491] {strides = array<i32>} : memref<800xi32, #tpu.memory_space<vmem>>, vector<16xi32>,
        %shift_right_logical3A_493 = arith.constant 4 : i32
        %shift_right_logical3A_494 = vector.broadcast %shift_right_logical3A_493 : i32 to vector<16xi32>
        %shift_right_logical3A_495 = arith.shrui %get3A_492, %shift_right_logical3A_494 : vector<16xi32>
        %gather3A_496 = tpu.vector_load_idx %arg12[%shift_right_logical3A_495] : memref<6400xi32, #tpu.memory_space<vmem>>[vector<16xi32>], vector<16xi32>,
        %and3A_497 = arith.constant 15 : i32
        %and3A_498 = vector.broadcast %and3A_497 : i32 to vector<16xi32>
        %and3A_499 = arith.andi %get3A_492, %and3A_498 : vector<16xi32>
        %mul3A_500 = arith.constant 2 : i32
        %mul3A_501 = vector.broadcast %mul3A_500 : i32 to vector<16xi32>
        %mul3A_502 = arith.muli %and3A_499, %mul3A_501 : vector<16xi32>
        %shift_right_logical3A_503 = arith.shrui %gather3A_496, %mul3A_502 : vector<16xi32>
        %and3A_504 = arith.constant 3 : i32
        %and3A_505 = vector.broadcast %and3A_504 : i32 to vector<16xi32>
        %and3A_506 = arith.andi %shift_right_logical3A_503, %and3A_505 : vector<16xi32>
        %mul3A_507 = arith.constant 8192 : i32
        %mul3A_508 = vector.broadcast %mul3A_507 : i32 to vector<16xi32>
        %mul3A_509 = arith.muli %and3A_490, %mul3A_508 : vector<16xi32>
        %add3A_510 = arith.addi %mul3A_509, %convert_element_type3A_470 : vector<16xi32>
        %gather3A_511 = tpu.vector_load_idx %arg10[%add3A_510] : memref<24576xf32, #tpu.memory_space<vmem>>[vector<16xi32>], vector<16xf32>,
        %add3A_512 = arith.addi %mul3A_509, %min3A_477 : vector<16xi32>
        %gather3A_513 = tpu.vector_load_idx %arg10[%add3A_512] : memref<24576xf32, #tpu.memory_space<vmem>>[vector<16xi32>], vector<16xf32>,
        %sub3A_514 = arith.subf %gather3A_513, %gather3A_511 : vector<16xf32>
        %mul3A_515 = arith.mulf %sub3A, %sub3A_514 : vector<16xf32>
        %add3A_516 = arith.addf %gather3A_511, %mul3A_515 : vector<16xf32>
        %swap3A = arith.index_cast %mul3A_463 : i32 to index
        %swap3A_517 = tpu.vector_load %arg21[%swap3A] {strides = array<i32>} : memref<800xf32, #tpu.memory_space<vmem>>, vector<16xf32>,
        tpu.vector_store %arg21[%swap3A], %add3A_516 {strides = array<i32>} : memref<800xf32, #tpu.memory_space<vmem>>, vector<16xf32>,
        %mul3A_518 = arith.constant 3 : i32
        %mul3A_519 = vector.broadcast %mul3A_518 : i32 to vector<16xi32>
        %mul3A_520 = arith.muli %and3A_506, %mul3A_519 : vector<16xi32>
        %add3A_521 = arith.addi %mul3A_520, %and3A_490 : vector<16xi32>
        %mul3A_522 = arith.constant 8192 : i32
        %mul3A_523 = vector.broadcast %mul3A_522 : i32 to vector<16xi32>
        %mul3A_524 = arith.muli %add3A_521, %mul3A_523 : vector<16xi32>
        %add3A_525 = arith.addi %mul3A_524, %convert_element_type3A_470 : vector<16xi32>
        %gather3A_526 = tpu.vector_load_idx %arg11[%add3A_525] : memref<73728xf32, #tpu.memory_space<vmem>>[vector<16xi32>], vector<16xf32>,
        %add3A_527 = arith.addi %mul3A_524, %min3A_477 : vector<16xi32>
        %gather3A_528 = tpu.vector_load_idx %arg11[%add3A_527] : memref<73728xf32, #tpu.memory_space<vmem>>[vector<16xi32>], vector<16xf32>,
        %sub3A_529 = arith.subf %gather3A_528, %gather3A_526 : vector<16xf32>
        %mul3A_530 = arith.mulf %sub3A, %sub3A_529 : vector<16xf32>
        %add3A_531 = arith.addf %gather3A_526, %mul3A_530 : vector<16xf32>
        %swap3A_532 = arith.index_cast %mul3A_463 : i32 to index
        %swap3A_533 = tpu.vector_load %arg23[%swap3A_532] {strides = array<i32>} : memref<800xf32, #tpu.memory_space<vmem>>, vector<16xf32>,
        tpu.vector_store %arg23[%swap3A_532], %add3A_531 {strides = array<i32>} : memref<800xf32, #tpu.memory_space<vmem>>, vector<16xf32>,
      }
      %scan3A_440 = arith.constant 50 : i32
      %dma_start3A_441 = arith.constant 0 : i32
      %dma_start3A_442 = tpu.memref_slice %arg32[%dma_start3A_441] : memref<102400xf32, #tpu.memory_space<vmem_shared>> -> memref<102400xf32, #tpu.memory_space<vmem_shared>>
      tpu.enqueue_indirect_dma source(%arg21 : memref<800xf32, #tpu.memory_space<vmem>>) target(%dma_start3A_442 : memref<102400xf32, #tpu.memory_space<vmem_shared>>) offsets(%arg17 : memref<800xi32, #tpu.memory_space<vmem>>) semaphore(%arg31 : memref<!tpu.dma_semaphore, #tpu.memory_space<semaphore_mem>>) {add = true}
      %dma_start3A_443 = arith.constant 0 : i32
      %dma_start3A_444 = tpu.memref_slice %arg33[%dma_start3A_443] : memref<102400xf32, #tpu.memory_space<vmem_shared>> -> memref<102400xf32, #tpu.memory_space<vmem_shared>>
      tpu.enqueue_indirect_dma source(%arg23 : memref<800xf32, #tpu.memory_space<vmem>>) target(%dma_start3A_444 : memref<102400xf32, #tpu.memory_space<vmem_shared>>) offsets(%arg17 : memref<800xi32, #tpu.memory_space<vmem>>) semaphore(%arg31 : memref<!tpu.dma_semaphore, #tpu.memory_space<semaphore_mem>>) {add = true}
      %ge3A_445 = arith.constant 1 : i32
      %ge3A_446 = arith.cmpi sge, %add3A_422, %ge3A_445 : i32
      %convert_element_type3A_447 = arith.extui %ge3A_446 : i1 to i32
      %cond3A_448 = arith.constant 0 : i32
      %cond3A_449 = arith.cmpi ne, %convert_element_type3A_447, %cond3A_448 : i32
      scf.if %cond3A_449 {
        %dma_wait3A_461 = arith.constant 0 : i32
        %dma_wait3A_462 = tpu.memref_slice %arg32[%dma_wait3A_461] : memref<102400xf32, #tpu.memory_space<vmem_shared>> -> memref<102400xf32, #tpu.memory_space<vmem_shared>>
        tpu.wait_indirect_dma semaphore(%arg30 : memref<!tpu.dma_semaphore, #tpu.memory_space<semaphore_mem>>) src(%arg20 : memref<800xf32, #tpu.memory_space<vmem>>) dst(%dma_wait3A_462 : memref<102400xf32, #tpu.memory_space<vmem_shared>>)
        %dma_wait3A_463 = arith.constant 0 : i32
        %dma_wait3A_464 = tpu.memref_slice %arg33[%dma_wait3A_463] : memref<102400xf32, #tpu.memory_space<vmem_shared>> -> memref<102400xf32, #tpu.memory_space<vmem_shared>>
        tpu.wait_indirect_dma semaphore(%arg30 : memref<!tpu.dma_semaphore, #tpu.memory_space<semaphore_mem>>) src(%arg22 : memref<800xf32, #tpu.memory_space<vmem>>) dst(%dma_wait3A_464 : memref<102400xf32, #tpu.memory_space<vmem_shared>>)
      } else {
      }
      %add3A_450 = arith.constant 2 : i32
      %add3A_451 = arith.addi %add3A_422, %add3A_450 : i32
      %mul3A_452 = arith.constant 800 : i32
      %mul3A_453 = arith.muli %add3A_451, %mul3A_452 : i32
      %add3A_454 = arith.addi %mul3A_13, %mul3A_453 : i32
      %dma_start3A_455 = tpu.memref_slice %arg2[%add3A_454] : memref<3200000xf32, #tpu.memory_space<hbm>> -> memref<800xf32, #tpu.memory_space<hbm>>
      %dma_start3A_456 = tpu.memref_slice %arg2[%add3A_454] : memref<3200000xf32, #tpu.memory_space<hbm>> -> memref<800xf32, #tpu.memory_space<hbm>>
      tpu.enqueue_dma source(%dma_start3A_456 : memref<800xf32, #tpu.memory_space<hbm>>) target(%arg14 : memref<800xf32, #tpu.memory_space<vmem>>) target_semaphore(%arg26 : memref<!tpu.dma_semaphore, #tpu.memory_space<semaphore_mem>>)
      %dma_start3A_457 = tpu.memref_slice %arg4[%add3A_454] : memref<3200000xi32, #tpu.memory_space<hbm>> -> memref<800xi32, #tpu.memory_space<hbm>>
      %dma_start3A_458 = tpu.memref_slice %arg4[%add3A_454] : memref<3200000xi32, #tpu.memory_space<hbm>> -> memref<800xi32, #tpu.memory_space<hbm>>
      tpu.enqueue_dma source(%dma_start3A_458 : memref<800xi32, #tpu.memory_space<hbm>>) target(%arg19 : memref<800xi32, #tpu.memory_space<vmem>>) target_semaphore(%arg26 : memref<!tpu.dma_semaphore, #tpu.memory_space<semaphore_mem>>)
      %dma_start3A_459 = tpu.memref_slice %arg3[%add3A_454] : memref<3200000xi32, #tpu.memory_space<hbm>> -> memref<800xi32, #tpu.memory_space<hbm>>
      %dma_start3A_460 = tpu.memref_slice %arg3[%add3A_454] : memref<3200000xi32, #tpu.memory_space<hbm>> -> memref<800xi32, #tpu.memory_space<hbm>>
      tpu.enqueue_dma source(%dma_start3A_460 : memref<800xi32, #tpu.memory_space<hbm>>) target(%arg16 : memref<800xi32, #tpu.memory_space<vmem>>) target_semaphore(%arg28 : memref<!tpu.dma_semaphore, #tpu.memory_space<semaphore_mem>>)
    }
    %scan3A_38 = arith.constant 20 : i32
    %dma_wait3A = arith.constant 0 : i32
    %dma_wait3A_39 = tpu.memref_slice %arg2[%dma_wait3A] : memref<3200000xf32, #tpu.memory_space<hbm>> -> memref<800xf32, #tpu.memory_space<hbm>>
    %dma_wait3A_40 = arith.constant 0 : i32
    %dma_wait3A_41 = tpu.memref_slice %arg2[%dma_wait3A_40] : memref<3200000xf32, #tpu.memory_space<hbm>> -> memref<800xf32, #tpu.memory_space<hbm>>
    tpu.wait_dma2 semaphore(%arg25 : memref<!tpu.dma_semaphore, #tpu.memory_space<semaphore_mem>>) src(%dma_wait3A_41 : memref<800xf32, #tpu.memory_space<hbm>>) dst(%arg13 : memref<800xf32, #tpu.memory_space<vmem>>)
    %dma_wait3A_42 = arith.constant 0 : i32
    %dma_wait3A_43 = tpu.memref_slice %arg4[%dma_wait3A_42] : memref<3200000xi32, #tpu.memory_space<hbm>> -> memref<800xi32, #tpu.memory_space<hbm>>
    %dma_wait3A_44 = arith.constant 0 : i32
    %dma_wait3A_45 = tpu.memref_slice %arg4[%dma_wait3A_44] : memref<3200000xi32, #tpu.memory_space<hbm>> -> memref<800xi32, #tpu.memory_space<hbm>>
    tpu.wait_dma2 semaphore(%arg25 : memref<!tpu.dma_semaphore, #tpu.memory_space<semaphore_mem>>) src(%dma_wait3A_45 : memref<800xi32, #tpu.memory_space<hbm>>) dst(%arg18 : memref<800xi32, #tpu.memory_space<vmem>>)
    %dma_wait3A_46 = arith.constant 0 : i32
    %dma_wait3A_47 = tpu.memref_slice %arg3[%dma_wait3A_46] : memref<3200000xi32, #tpu.memory_space<hbm>> -> memref<800xi32, #tpu.memory_space<hbm>>
    %dma_wait3A_48 = arith.constant 0 : i32
    %dma_wait3A_49 = tpu.memref_slice %arg3[%dma_wait3A_48] : memref<3200000xi32, #tpu.memory_space<hbm>> -> memref<800xi32, #tpu.memory_space<hbm>>
    tpu.wait_dma2 semaphore(%arg27 : memref<!tpu.dma_semaphore, #tpu.memory_space<semaphore_mem>>) src(%dma_wait3A_49 : memref<800xi32, #tpu.memory_space<hbm>>) dst(%arg15 : memref<800xi32, #tpu.memory_space<vmem>>)
    %scan3A_50 = arith.constant 0 : i32
    %scan3A_51 = arith.constant 0 : i32
    %scan3A_52 = arith.constant 50 : i32
    %scan3A_53 = arith.addi %scan3A_51, %scan3A_52 : i32
    %scan3A_54 = arith.constant 1 : i32
    scf.for %scan3A_211 = %scan3A_51 to %scan3A_53 step %scan3A_54  : i32 {
      %mul3A_212 = arith.constant 16 : i32
      %mul3A_213 = arith.muli %scan3A_211, %mul3A_212 : i32
      %get3A = arith.index_cast %mul3A_213 : i32 to index
      %get3A_214 = tpu.vector_load %arg13[%get3A] {strides = array<i32>} : memref<800xf32, #tpu.memory_space<vmem>>, vector<16xf32>,
      %min3A = arith.constant 5.99999952 : f32
      %min3A_215 = vector.broadcast %min3A : f32 to vector<16xf32>
      %min3A_216 = arith.minimumf %get3A_214, %min3A_215 : vector<16xf32>
      %mul3A_217 = arith.constant 1365.16663 : f32
      %mul3A_218 = vector.broadcast %mul3A_217 : f32 to vector<16xf32>
      %mul3A_219 = arith.mulf %min3A_216, %mul3A_218 : vector<16xf32>
      %convert_element_type3A = arith.fptosi %mul3A_219 : vector<16xf32> to vector<16xi32>
      %convert_element_type3A_220 = arith.sitofp %convert_element_type3A : vector<16xi32> to vector<16xf32>
      %sub3A = arith.subf %mul3A_219, %convert_element_type3A_220 : vector<16xf32>
      %add3A_221 = arith.constant 1 : i32
      %add3A_222 = vector.broadcast %add3A_221 : i32 to vector<16xi32>
      %add3A_223 = arith.addi %convert_element_type3A, %add3A_222 : vector<16xi32>
      %min3A_224 = arith.constant 8191 : i32
      %min3A_225 = vector.broadcast %min3A_224 : i32 to vector<16xi32>
      %min3A_226 = arith.minsi %add3A_223, %min3A_225 : vector<16xi32>
      %get3A_227 = arith.index_cast %mul3A_213 : i32 to index
      %get3A_228 = tpu.vector_load %arg18[%get3A_227] {strides = array<i32>} : memref<800xi32, #tpu.memory_space<vmem>>, vector<16xi32>,
      %shift_right_logical3A = arith.constant 4 : i32
      %shift_right_logical3A_229 = vector.broadcast %shift_right_logical3A : i32 to vector<16xi32>
      %shift_right_logical3A_230 = arith.shrui %get3A_228, %shift_right_logical3A_229 : vector<16xi32>
      %gather3A = tpu.vector_load_idx %arg12[%shift_right_logical3A_230] : memref<6400xi32, #tpu.memory_space<vmem>>[vector<16xi32>], vector<16xi32>,
      %and3A = arith.constant 15 : i32
      %and3A_231 = vector.broadcast %and3A : i32 to vector<16xi32>
      %and3A_232 = arith.andi %get3A_228, %and3A_231 : vector<16xi32>
      %mul3A_233 = arith.constant 2 : i32
      %mul3A_234 = vector.broadcast %mul3A_233 : i32 to vector<16xi32>
      %mul3A_235 = arith.muli %and3A_232, %mul3A_234 : vector<16xi32>
      %shift_right_logical3A_236 = arith.shrui %gather3A, %mul3A_235 : vector<16xi32>
      %and3A_237 = arith.constant 3 : i32
      %and3A_238 = vector.broadcast %and3A_237 : i32 to vector<16xi32>
      %and3A_239 = arith.andi %shift_right_logical3A_236, %and3A_238 : vector<16xi32>
      %get3A_240 = arith.index_cast %mul3A_213 : i32 to index
      %get3A_241 = tpu.vector_load %arg15[%get3A_240] {strides = array<i32>} : memref<800xi32, #tpu.memory_space<vmem>>, vector<16xi32>,
      %shift_right_logical3A_242 = arith.constant 4 : i32
      %shift_right_logical3A_243 = vector.broadcast %shift_right_logical3A_242 : i32 to vector<16xi32>
      %shift_right_logical3A_244 = arith.shrui %get3A_241, %shift_right_logical3A_243 : vector<16xi32>
      %gather3A_245 = tpu.vector_load_idx %arg12[%shift_right_logical3A_244] : memref<6400xi32, #tpu.memory_space<vmem>>[vector<16xi32>], vector<16xi32>,
      %and3A_246 = arith.constant 15 : i32
      %and3A_247 = vector.broadcast %and3A_246 : i32 to vector<16xi32>
      %and3A_248 = arith.andi %get3A_241, %and3A_247 : vector<16xi32>
      %mul3A_249 = arith.constant 2 : i32
      %mul3A_250 = vector.broadcast %mul3A_249 : i32 to vector<16xi32>
      %mul3A_251 = arith.muli %and3A_248, %mul3A_250 : vector<16xi32>
      %shift_right_logical3A_252 = arith.shrui %gather3A_245, %mul3A_251 : vector<16xi32>
      %and3A_253 = arith.constant 3 : i32
      %and3A_254 = vector.broadcast %and3A_253 : i32 to vector<16xi32>
      %and3A_255 = arith.andi %shift_right_logical3A_252, %and3A_254 : vector<16xi32>
      %mul3A_256 = arith.constant 8192 : i32
      %mul3A_257 = vector.broadcast %mul3A_256 : i32 to vector<16xi32>
      %mul3A_258 = arith.muli %and3A_239, %mul3A_257 : vector<16xi32>
      %add3A_259 = arith.addi %mul3A_258, %convert_element_type3A : vector<16xi32>
      %gather3A_260 = tpu.vector_load_idx %arg10[%add3A_259] : memref<24576xf32, #tpu.memory_space<vmem>>[vector<16xi32>], vector<16xf32>,
      %add3A_261 = arith.addi %mul3A_258, %min3A_226 : vector<16xi32>
      %gather3A_262 = tpu.vector_load_idx %arg10[%add3A_261] : memref<24576xf32, #tpu.memory_space<vmem>>[vector<16xi32>], vector<16xf32>,
      %sub3A_263 = arith.subf %gather3A_262, %gather3A_260 : vector<16xf32>
      %mul3A_264 = arith.mulf %sub3A, %sub3A_263 : vector<16xf32>
      %add3A_265 = arith.addf %gather3A_260, %mul3A_264 : vector<16xf32>
      %swap3A = arith.index_cast %mul3A_213 : i32 to index
      %swap3A_266 = tpu.vector_load %arg20[%swap3A] {strides = array<i32>} : memref<800xf32, #tpu.memory_space<vmem>>, vector<16xf32>,
      tpu.vector_store %arg20[%swap3A], %add3A_265 {strides = array<i32>} : memref<800xf32, #tpu.memory_space<vmem>>, vector<16xf32>,
      %mul3A_267 = arith.constant 3 : i32
      %mul3A_268 = vector.broadcast %mul3A_267 : i32 to vector<16xi32>
      %mul3A_269 = arith.muli %and3A_255, %mul3A_268 : vector<16xi32>
      %add3A_270 = arith.addi %mul3A_269, %and3A_239 : vector<16xi32>
      %mul3A_271 = arith.constant 8192 : i32
      %mul3A_272 = vector.broadcast %mul3A_271 : i32 to vector<16xi32>
      %mul3A_273 = arith.muli %add3A_270, %mul3A_272 : vector<16xi32>
      %add3A_274 = arith.addi %mul3A_273, %convert_element_type3A : vector<16xi32>
      %gather3A_275 = tpu.vector_load_idx %arg11[%add3A_274] : memref<73728xf32, #tpu.memory_space<vmem>>[vector<16xi32>], vector<16xf32>,
      %add3A_276 = arith.addi %mul3A_273, %min3A_226 : vector<16xi32>
      %gather3A_277 = tpu.vector_load_idx %arg11[%add3A_276] : memref<73728xf32, #tpu.memory_space<vmem>>[vector<16xi32>], vector<16xf32>,
      %sub3A_278 = arith.subf %gather3A_277, %gather3A_275 : vector<16xf32>
      %mul3A_279 = arith.mulf %sub3A, %sub3A_278 : vector<16xf32>
      %add3A_280 = arith.addf %gather3A_275, %mul3A_279 : vector<16xf32>
      %swap3A_281 = arith.index_cast %mul3A_213 : i32 to index
      %swap3A_282 = tpu.vector_load %arg22[%swap3A_281] {strides = array<i32>} : memref<800xf32, #tpu.memory_space<vmem>>, vector<16xf32>,
      tpu.vector_store %arg22[%swap3A_281], %add3A_280 {strides = array<i32>} : memref<800xf32, #tpu.memory_space<vmem>>, vector<16xf32>,
    }
    %scan3A_55 = arith.constant 50 : i32
    %dma_start3A_56 = arith.constant 0 : i32
    %dma_start3A_57 = tpu.memref_slice %arg32[%dma_start3A_56] : memref<102400xf32, #tpu.memory_space<vmem_shared>> -> memref<102400xf32, #tpu.memory_space<vmem_shared>>
    tpu.enqueue_indirect_dma source(%arg20 : memref<800xf32, #tpu.memory_space<vmem>>) target(%dma_start3A_57 : memref<102400xf32, #tpu.memory_space<vmem_shared>>) offsets(%arg15 : memref<800xi32, #tpu.memory_space<vmem>>) semaphore(%arg30 : memref<!tpu.dma_semaphore, #tpu.memory_space<semaphore_mem>>) {add = true}
    %dma_start3A_58 = arith.constant 0 : i32
    %dma_start3A_59 = tpu.memref_slice %arg33[%dma_start3A_58] : memref<102400xf32, #tpu.memory_space<vmem_shared>> -> memref<102400xf32, #tpu.memory_space<vmem_shared>>
    tpu.enqueue_indirect_dma source(%arg22 : memref<800xf32, #tpu.memory_space<vmem>>) target(%dma_start3A_59 : memref<102400xf32, #tpu.memory_space<vmem_shared>>) offsets(%arg15 : memref<800xi32, #tpu.memory_space<vmem>>) semaphore(%arg30 : memref<!tpu.dma_semaphore, #tpu.memory_space<semaphore_mem>>) {add = true}
    %dma_wait3A_60 = arith.constant 0 : i32
    %dma_wait3A_61 = tpu.memref_slice %arg32[%dma_wait3A_60] : memref<102400xf32, #tpu.memory_space<vmem_shared>> -> memref<102400xf32, #tpu.memory_space<vmem_shared>>
    tpu.wait_indirect_dma semaphore(%arg31 : memref<!tpu.dma_semaphore, #tpu.memory_space<semaphore_mem>>) src(%arg21 : memref<800xf32, #tpu.memory_space<vmem>>) dst(%dma_wait3A_61 : memref<102400xf32, #tpu.memory_space<vmem_shared>>)
    %dma_wait3A_62 = arith.constant 0 : i32
    %dma_wait3A_63 = tpu.memref_slice %arg33[%dma_wait3A_62] : memref<102400xf32, #tpu.memory_space<vmem_shared>> -> memref<102400xf32, #tpu.memory_space<vmem_shared>>
    tpu.wait_indirect_dma semaphore(%arg31 : memref<!tpu.dma_semaphore, #tpu.memory_space<semaphore_mem>>) src(%arg23 : memref<800xf32, #tpu.memory_space<vmem>>) dst(%dma_wait3A_63 : memref<102400xf32, #tpu.memory_space<vmem_shared>>)
    %mul3A_64 = arith.constant 122 : i32
    %mul3A_65 = arith.constant 800 : i32
    %mul3A_66 = arith.muli %mul3A_64, %mul3A_65 : i32
    %add3A_67 = arith.addi %mul3A_13, %mul3A_66 : i32
    %dma_start3A_68 = tpu.memref_slice %arg2[%add3A_67] : memref<3200000xf32, #tpu.memory_space<hbm>> -> memref<800xf32, #tpu.memory_space<hbm>>
    %dma_start3A_69 = tpu.memref_slice %arg2[%add3A_67] : memref<3200000xf32, #tpu.memory_space<hbm>> -> memref<800xf32, #tpu.memory_space<hbm>>
    tpu.enqueue_dma source(%dma_start3A_69 : memref<800xf32, #tpu.memory_space<hbm>>) target(%arg13 : memref<800xf32, #tpu.memory_space<vmem>>) target_semaphore(%arg25 : memref<!tpu.dma_semaphore, #tpu.memory_space<semaphore_mem>>)
    %dma_start3A_70 = tpu.memref_slice %arg4[%add3A_67] : memref<3200000xi32, #tpu.memory_space<hbm>> -> memref<800xi32, #tpu.memory_space<hbm>>
    %dma_start3A_71 = tpu.memref_slice %arg4[%add3A_67] : memref<3200000xi32, #tpu.memory_space<hbm>> -> memref<800xi32, #tpu.memory_space<hbm>>
    tpu.enqueue_dma source(%dma_start3A_71 : memref<800xi32, #tpu.memory_space<hbm>>) target(%arg18 : memref<800xi32, #tpu.memory_space<vmem>>) target_semaphore(%arg25 : memref<!tpu.dma_semaphore, #tpu.memory_space<semaphore_mem>>)
    %dma_start3A_72 = tpu.memref_slice %arg3[%add3A_67] : memref<3200000xi32, #tpu.memory_space<hbm>> -> memref<800xi32, #tpu.memory_space<hbm>>
    %dma_start3A_73 = tpu.memref_slice %arg3[%add3A_67] : memref<3200000xi32, #tpu.memory_space<hbm>> -> memref<800xi32, #tpu.memory_space<hbm>>
    tpu.enqueue_dma source(%dma_start3A_73 : memref<800xi32, #tpu.memory_space<hbm>>) target(%arg17 : memref<800xi32, #tpu.memory_space<vmem>>) target_semaphore(%arg29 : memref<!tpu.dma_semaphore, #tpu.memory_space<semaphore_mem>>)
    %dma_wait3A_74 = arith.constant 0 : i32
    %dma_wait3A_75 = tpu.memref_slice %arg2[%dma_wait3A_74] : memref<3200000xf32, #tpu.memory_space<hbm>> -> memref<800xf32, #tpu.memory_space<hbm>>
    %dma_wait3A_76 = arith.constant 0 : i32
    %dma_wait3A_77 = tpu.memref_slice %arg2[%dma_wait3A_76] : memref<3200000xf32, #tpu.memory_space<hbm>> -> memref<800xf32, #tpu.memory_space<hbm>>
    tpu.wait_dma2 semaphore(%arg26 : memref<!tpu.dma_semaphore, #tpu.memory_space<semaphore_mem>>) src(%dma_wait3A_77 : memref<800xf32, #tpu.memory_space<hbm>>) dst(%arg14 : memref<800xf32, #tpu.memory_space<vmem>>)
    %dma_wait3A_78 = arith.constant 0 : i32
    %dma_wait3A_79 = tpu.memref_slice %arg4[%dma_wait3A_78] : memref<3200000xi32, #tpu.memory_space<hbm>> -> memref<800xi32, #tpu.memory_space<hbm>>
    %dma_wait3A_80 = arith.constant 0 : i32
    %dma_wait3A_81 = tpu.memref_slice %arg4[%dma_wait3A_80] : memref<3200000xi32, #tpu.memory_space<hbm>> -> memref<800xi32, #tpu.memory_space<hbm>>
    tpu.wait_dma2 semaphore(%arg26 : memref<!tpu.dma_semaphore, #tpu.memory_space<semaphore_mem>>) src(%dma_wait3A_81 : memref<800xi32, #tpu.memory_space<hbm>>) dst(%arg19 : memref<800xi32, #tpu.memory_space<vmem>>)
    %dma_wait3A_82 = arith.constant 0 : i32
    %dma_wait3A_83 = tpu.memref_slice %arg3[%dma_wait3A_82] : memref<3200000xi32, #tpu.memory_space<hbm>> -> memref<800xi32, #tpu.memory_space<hbm>>
    %dma_wait3A_84 = arith.constant 0 : i32
    %dma_wait3A_85 = tpu.memref_slice %arg3[%dma_wait3A_84] : memref<3200000xi32, #tpu.memory_space<hbm>> -> memref<800xi32, #tpu.memory_space<hbm>>
    tpu.wait_dma2 semaphore(%arg28 : memref<!tpu.dma_semaphore, #tpu.memory_space<semaphore_mem>>) src(%dma_wait3A_85 : memref<800xi32, #tpu.memory_space<hbm>>) dst(%arg16 : memref<800xi32, #tpu.memory_space<vmem>>)
    %scan3A_86 = arith.constant 0 : i32
    %scan3A_87 = arith.constant 0 : i32
    %scan3A_88 = arith.constant 50 : i32
    %scan3A_89 = arith.addi %scan3A_87, %scan3A_88 : i32
    %scan3A_90 = arith.constant 1 : i32
    scf.for %scan3A_211 = %scan3A_87 to %scan3A_89 step %scan3A_90  : i32 {
      %mul3A_212 = arith.constant 16 : i32
      %mul3A_213 = arith.muli %scan3A_211, %mul3A_212 : i32
      %get3A = arith.index_cast %mul3A_213 : i32 to index
      %get3A_214 = tpu.vector_load %arg14[%get3A] {strides = array<i32>} : memref<800xf32, #tpu.memory_space<vmem>>, vector<16xf32>,
      %min3A = arith.constant 5.99999952 : f32
      %min3A_215 = vector.broadcast %min3A : f32 to vector<16xf32>
      %min3A_216 = arith.minimumf %get3A_214, %min3A_215 : vector<16xf32>
      %mul3A_217 = arith.constant 1365.16663 : f32
      %mul3A_218 = vector.broadcast %mul3A_217 : f32 to vector<16xf32>
      %mul3A_219 = arith.mulf %min3A_216, %mul3A_218 : vector<16xf32>
      %convert_element_type3A = arith.fptosi %mul3A_219 : vector<16xf32> to vector<16xi32>
      %convert_element_type3A_220 = arith.sitofp %convert_element_type3A : vector<16xi32> to vector<16xf32>
      %sub3A = arith.subf %mul3A_219, %convert_element_type3A_220 : vector<16xf32>
      %add3A_221 = arith.constant 1 : i32
      %add3A_222 = vector.broadcast %add3A_221 : i32 to vector<16xi32>
      %add3A_223 = arith.addi %convert_element_type3A, %add3A_222 : vector<16xi32>
      %min3A_224 = arith.constant 8191 : i32
      %min3A_225 = vector.broadcast %min3A_224 : i32 to vector<16xi32>
      %min3A_226 = arith.minsi %add3A_223, %min3A_225 : vector<16xi32>
      %get3A_227 = arith.index_cast %mul3A_213 : i32 to index
      %get3A_228 = tpu.vector_load %arg19[%get3A_227] {strides = array<i32>} : memref<800xi32, #tpu.memory_space<vmem>>, vector<16xi32>,
      %shift_right_logical3A = arith.constant 4 : i32
      %shift_right_logical3A_229 = vector.broadcast %shift_right_logical3A : i32 to vector<16xi32>
      %shift_right_logical3A_230 = arith.shrui %get3A_228, %shift_right_logical3A_229 : vector<16xi32>
      %gather3A = tpu.vector_load_idx %arg12[%shift_right_logical3A_230] : memref<6400xi32, #tpu.memory_space<vmem>>[vector<16xi32>], vector<16xi32>,
      %and3A = arith.constant 15 : i32
      %and3A_231 = vector.broadcast %and3A : i32 to vector<16xi32>
      %and3A_232 = arith.andi %get3A_228, %and3A_231 : vector<16xi32>
      %mul3A_233 = arith.constant 2 : i32
      %mul3A_234 = vector.broadcast %mul3A_233 : i32 to vector<16xi32>
      %mul3A_235 = arith.muli %and3A_232, %mul3A_234 : vector<16xi32>
      %shift_right_logical3A_236 = arith.shrui %gather3A, %mul3A_235 : vector<16xi32>
      %and3A_237 = arith.constant 3 : i32
      %and3A_238 = vector.broadcast %and3A_237 : i32 to vector<16xi32>
      %and3A_239 = arith.andi %shift_right_logical3A_236, %and3A_238 : vector<16xi32>
      %get3A_240 = arith.index_cast %mul3A_213 : i32 to index
      %get3A_241 = tpu.vector_load %arg16[%get3A_240] {strides = array<i32>} : memref<800xi32, #tpu.memory_space<vmem>>, vector<16xi32>,
      %shift_right_logical3A_242 = arith.constant 4 : i32
      %shift_right_logical3A_243 = vector.broadcast %shift_right_logical3A_242 : i32 to vector<16xi32>
      %shift_right_logical3A_244 = arith.shrui %get3A_241, %shift_right_logical3A_243 : vector<16xi32>
      %gather3A_245 = tpu.vector_load_idx %arg12[%shift_right_logical3A_244] : memref<6400xi32, #tpu.memory_space<vmem>>[vector<16xi32>], vector<16xi32>,
      %and3A_246 = arith.constant 15 : i32
      %and3A_247 = vector.broadcast %and3A_246 : i32 to vector<16xi32>
      %and3A_248 = arith.andi %get3A_241, %and3A_247 : vector<16xi32>
      %mul3A_249 = arith.constant 2 : i32
      %mul3A_250 = vector.broadcast %mul3A_249 : i32 to vector<16xi32>
      %mul3A_251 = arith.muli %and3A_248, %mul3A_250 : vector<16xi32>
      %shift_right_logical3A_252 = arith.shrui %gather3A_245, %mul3A_251 : vector<16xi32>
      %and3A_253 = arith.constant 3 : i32
      %and3A_254 = vector.broadcast %and3A_253 : i32 to vector<16xi32>
      %and3A_255 = arith.andi %shift_right_logical3A_252, %and3A_254 : vector<16xi32>
      %mul3A_256 = arith.constant 8192 : i32
      %mul3A_257 = vector.broadcast %mul3A_256 : i32 to vector<16xi32>
      %mul3A_258 = arith.muli %and3A_239, %mul3A_257 : vector<16xi32>
      %add3A_259 = arith.addi %mul3A_258, %convert_element_type3A : vector<16xi32>
      %gather3A_260 = tpu.vector_load_idx %arg10[%add3A_259] : memref<24576xf32, #tpu.memory_space<vmem>>[vector<16xi32>], vector<16xf32>,
      %add3A_261 = arith.addi %mul3A_258, %min3A_226 : vector<16xi32>
      %gather3A_262 = tpu.vector_load_idx %arg10[%add3A_261] : memref<24576xf32, #tpu.memory_space<vmem>>[vector<16xi32>], vector<16xf32>,
      %sub3A_263 = arith.subf %gather3A_262, %gather3A_260 : vector<16xf32>
      %mul3A_264 = arith.mulf %sub3A, %sub3A_263 : vector<16xf32>
      %add3A_265 = arith.addf %gather3A_260, %mul3A_264 : vector<16xf32>
      %swap3A = arith.index_cast %mul3A_213 : i32 to index
      %swap3A_266 = tpu.vector_load %arg21[%swap3A] {strides = array<i32>} : memref<800xf32, #tpu.memory_space<vmem>>, vector<16xf32>,
      tpu.vector_store %arg21[%swap3A], %add3A_265 {strides = array<i32>} : memref<800xf32, #tpu.memory_space<vmem>>, vector<16xf32>,
      %mul3A_267 = arith.constant 3 : i32
      %mul3A_268 = vector.broadcast %mul3A_267 : i32 to vector<16xi32>
      %mul3A_269 = arith.muli %and3A_255, %mul3A_268 : vector<16xi32>
      %add3A_270 = arith.addi %mul3A_269, %and3A_239 : vector<16xi32>
      %mul3A_271 = arith.constant 8192 : i32
      %mul3A_272 = vector.broadcast %mul3A_271 : i32 to vector<16xi32>
      %mul3A_273 = arith.muli %add3A_270, %mul3A_272 : vector<16xi32>
      %add3A_274 = arith.addi %mul3A_273, %convert_element_type3A : vector<16xi32>
      %gather3A_275 = tpu.vector_load_idx %arg11[%add3A_274] : memref<73728xf32, #tpu.memory_space<vmem>>[vector<16xi32>], vector<16xf32>,
      %add3A_276 = arith.addi %mul3A_273, %min3A_226 : vector<16xi32>
      %gather3A_277 = tpu.vector_load_idx %arg11[%add3A_276] : memref<73728xf32, #tpu.memory_space<vmem>>[vector<16xi32>], vector<16xf32>,
      %sub3A_278 = arith.subf %gather3A_277, %gather3A_275 : vector<16xf32>
      %mul3A_279 = arith.mulf %sub3A, %sub3A_278 : vector<16xf32>
      %add3A_280 = arith.addf %gather3A_275, %mul3A_279 : vector<16xf32>
      %swap3A_281 = arith.index_cast %mul3A_213 : i32 to index
      %swap3A_282 = tpu.vector_load %arg23[%swap3A_281] {strides = array<i32>} : memref<800xf32, #tpu.memory_space<vmem>>, vector<16xf32>,
      tpu.vector_store %arg23[%swap3A_281], %add3A_280 {strides = array<i32>} : memref<800xf32, #tpu.memory_space<vmem>>, vector<16xf32>,
    }
    %scan3A_91 = arith.constant 50 : i32
    %dma_start3A_92 = arith.constant 0 : i32
    %dma_start3A_93 = tpu.memref_slice %arg32[%dma_start3A_92] : memref<102400xf32, #tpu.memory_space<vmem_shared>> -> memref<102400xf32, #tpu.memory_space<vmem_shared>>
    tpu.enqueue_indirect_dma source(%arg21 : memref<800xf32, #tpu.memory_space<vmem>>) target(%dma_start3A_93 : memref<102400xf32, #tpu.memory_space<vmem_shared>>) offsets(%arg16 : memref<800xi32, #tpu.memory_space<vmem>>) semaphore(%arg31 : memref<!tpu.dma_semaphore, #tpu.memory_space<semaphore_mem>>) {add = true}
    %dma_start3A_94 = arith.constant 0 : i32
    %dma_start3A_95 = tpu.memref_slice %arg33[%dma_start3A_94] : memref<102400xf32, #tpu.memory_space<vmem_shared>> -> memref<102400xf32, #tpu.memory_space<vmem_shared>>
    tpu.enqueue_indirect_dma source(%arg23 : memref<800xf32, #tpu.memory_space<vmem>>) target(%dma_start3A_95 : memref<102400xf32, #tpu.memory_space<vmem_shared>>) offsets(%arg16 : memref<800xi32, #tpu.memory_space<vmem>>) semaphore(%arg31 : memref<!tpu.dma_semaphore, #tpu.memory_space<semaphore_mem>>) {add = true}
    %dma_wait3A_96 = arith.constant 0 : i32
    %dma_wait3A_97 = tpu.memref_slice %arg32[%dma_wait3A_96] : memref<102400xf32, #tpu.memory_space<vmem_shared>> -> memref<102400xf32, #tpu.memory_space<vmem_shared>>
    tpu.wait_indirect_dma semaphore(%arg30 : memref<!tpu.dma_semaphore, #tpu.memory_space<semaphore_mem>>) src(%arg20 : memref<800xf32, #tpu.memory_space<vmem>>) dst(%dma_wait3A_97 : memref<102400xf32, #tpu.memory_space<vmem_shared>>)
    %dma_wait3A_98 = arith.constant 0 : i32
    %dma_wait3A_99 = tpu.memref_slice %arg33[%dma_wait3A_98] : memref<102400xf32, #tpu.memory_space<vmem_shared>> -> memref<102400xf32, #tpu.memory_space<vmem_shared>>
    tpu.wait_indirect_dma semaphore(%arg30 : memref<!tpu.dma_semaphore, #tpu.memory_space<semaphore_mem>>) src(%arg22 : memref<800xf32, #tpu.memory_space<vmem>>) dst(%dma_wait3A_99 : memref<102400xf32, #tpu.memory_space<vmem_shared>>)
    %mul3A_100 = arith.constant 123 : i32
    %mul3A_101 = arith.constant 800 : i32
    %mul3A_102 = arith.muli %mul3A_100, %mul3A_101 : i32
    %add3A_103 = arith.addi %mul3A_13, %mul3A_102 : i32
    %dma_start3A_104 = tpu.memref_slice %arg2[%add3A_103] : memref<3200000xf32, #tpu.memory_space<hbm>> -> memref<800xf32, #tpu.memory_space<hbm>>
    %dma_start3A_105 = tpu.memref_slice %arg2[%add3A_103] : memref<3200000xf32, #tpu.memory_space<hbm>> -> memref<800xf32, #tpu.memory_space<hbm>>
    tpu.enqueue_dma source(%dma_start3A_105 : memref<800xf32, #tpu.memory_space<hbm>>) target(%arg14 : memref<800xf32, #tpu.memory_space<vmem>>) target_semaphore(%arg26 : memref<!tpu.dma_semaphore, #tpu.memory_space<semaphore_mem>>)
    %dma_start3A_106 = tpu.memref_slice %arg4[%add3A_103] : memref<3200000xi32, #tpu.memory_space<hbm>> -> memref<800xi32, #tpu.memory_space<hbm>>
    %dma_start3A_107 = tpu.memref_slice %arg4[%add3A_103] : memref<3200000xi32, #tpu.memory_space<hbm>> -> memref<800xi32, #tpu.memory_space<hbm>>
    tpu.enqueue_dma source(%dma_start3A_107 : memref<800xi32, #tpu.memory_space<hbm>>) target(%arg19 : memref<800xi32, #tpu.memory_space<vmem>>) target_semaphore(%arg26 : memref<!tpu.dma_semaphore, #tpu.memory_space<semaphore_mem>>)
    %dma_start3A_108 = tpu.memref_slice %arg3[%add3A_103] : memref<3200000xi32, #tpu.memory_space<hbm>> -> memref<800xi32, #tpu.memory_space<hbm>>
    %dma_start3A_109 = tpu.memref_slice %arg3[%add3A_103] : memref<3200000xi32, #tpu.memory_space<hbm>> -> memref<800xi32, #tpu.memory_space<hbm>>
    tpu.enqueue_dma source(%dma_start3A_109 : memref<800xi32, #tpu.memory_space<hbm>>) target(%arg15 : memref<800xi32, #tpu.memory_space<vmem>>) target_semaphore(%arg27 : memref<!tpu.dma_semaphore, #tpu.memory_space<semaphore_mem>>)
    %dma_wait3A_110 = arith.constant 0 : i32
    %dma_wait3A_111 = tpu.memref_slice %arg2[%dma_wait3A_110] : memref<3200000xf32, #tpu.memory_space<hbm>> -> memref<800xf32, #tpu.memory_space<hbm>>
    %dma_wait3A_112 = arith.constant 0 : i32
    %dma_wait3A_113 = tpu.memref_slice %arg2[%dma_wait3A_112] : memref<3200000xf32, #tpu.memory_space<hbm>> -> memref<800xf32, #tpu.memory_space<hbm>>
    tpu.wait_dma2 semaphore(%arg25 : memref<!tpu.dma_semaphore, #tpu.memory_space<semaphore_mem>>) src(%dma_wait3A_113 : memref<800xf32, #tpu.memory_space<hbm>>) dst(%arg13 : memref<800xf32, #tpu.memory_space<vmem>>)
    %dma_wait3A_114 = arith.constant 0 : i32
    %dma_wait3A_115 = tpu.memref_slice %arg4[%dma_wait3A_114] : memref<3200000xi32, #tpu.memory_space<hbm>> -> memref<800xi32, #tpu.memory_space<hbm>>
    %dma_wait3A_116 = arith.constant 0 : i32
    %dma_wait3A_117 = tpu.memref_slice %arg4[%dma_wait3A_116] : memref<3200000xi32, #tpu.memory_space<hbm>> -> memref<800xi32, #tpu.memory_space<hbm>>
    tpu.wait_dma2 semaphore(%arg25 : memref<!tpu.dma_semaphore, #tpu.memory_space<semaphore_mem>>) src(%dma_wait3A_117 : memref<800xi32, #tpu.memory_space<hbm>>) dst(%arg18 : memref<800xi32, #tpu.memory_space<vmem>>)
    %dma_wait3A_118 = arith.constant 0 : i32
    %dma_wait3A_119 = tpu.memref_slice %arg3[%dma_wait3A_118] : memref<3200000xi32, #tpu.memory_space<hbm>> -> memref<800xi32, #tpu.memory_space<hbm>>
    %dma_wait3A_120 = arith.constant 0 : i32
    %dma_wait3A_121 = tpu.memref_slice %arg3[%dma_wait3A_120] : memref<3200000xi32, #tpu.memory_space<hbm>> -> memref<800xi32, #tpu.memory_space<hbm>>
    tpu.wait_dma2 semaphore(%arg29 : memref<!tpu.dma_semaphore, #tpu.memory_space<semaphore_mem>>) src(%dma_wait3A_121 : memref<800xi32, #tpu.memory_space<hbm>>) dst(%arg17 : memref<800xi32, #tpu.memory_space<vmem>>)
    %scan3A_122 = arith.constant 0 : i32
    %scan3A_123 = arith.constant 0 : i32
    %scan3A_124 = arith.constant 50 : i32
    %scan3A_125 = arith.addi %scan3A_123, %scan3A_124 : i32
    %scan3A_126 = arith.constant 1 : i32
    scf.for %scan3A_211 = %scan3A_123 to %scan3A_125 step %scan3A_126  : i32 {
      %mul3A_212 = arith.constant 16 : i32
      %mul3A_213 = arith.muli %scan3A_211, %mul3A_212 : i32
      %get3A = arith.index_cast %mul3A_213 : i32 to index
      %get3A_214 = tpu.vector_load %arg13[%get3A] {strides = array<i32>} : memref<800xf32, #tpu.memory_space<vmem>>, vector<16xf32>,
      %min3A = arith.constant 5.99999952 : f32
      %min3A_215 = vector.broadcast %min3A : f32 to vector<16xf32>
      %min3A_216 = arith.minimumf %get3A_214, %min3A_215 : vector<16xf32>
      %mul3A_217 = arith.constant 1365.16663 : f32
      %mul3A_218 = vector.broadcast %mul3A_217 : f32 to vector<16xf32>
      %mul3A_219 = arith.mulf %min3A_216, %mul3A_218 : vector<16xf32>
      %convert_element_type3A = arith.fptosi %mul3A_219 : vector<16xf32> to vector<16xi32>
      %convert_element_type3A_220 = arith.sitofp %convert_element_type3A : vector<16xi32> to vector<16xf32>
      %sub3A = arith.subf %mul3A_219, %convert_element_type3A_220 : vector<16xf32>
      %add3A_221 = arith.constant 1 : i32
      %add3A_222 = vector.broadcast %add3A_221 : i32 to vector<16xi32>
      %add3A_223 = arith.addi %convert_element_type3A, %add3A_222 : vector<16xi32>
      %min3A_224 = arith.constant 8191 : i32
      %min3A_225 = vector.broadcast %min3A_224 : i32 to vector<16xi32>
      %min3A_226 = arith.minsi %add3A_223, %min3A_225 : vector<16xi32>
      %get3A_227 = arith.index_cast %mul3A_213 : i32 to index
      %get3A_228 = tpu.vector_load %arg18[%get3A_227] {strides = array<i32>} : memref<800xi32, #tpu.memory_space<vmem>>, vector<16xi32>,
      %shift_right_logical3A = arith.constant 4 : i32
      %shift_right_logical3A_229 = vector.broadcast %shift_right_logical3A : i32 to vector<16xi32>
      %shift_right_logical3A_230 = arith.shrui %get3A_228, %shift_right_logical3A_229 : vector<16xi32>
      %gather3A = tpu.vector_load_idx %arg12[%shift_right_logical3A_230] : memref<6400xi32, #tpu.memory_space<vmem>>[vector<16xi32>], vector<16xi32>,
      %and3A = arith.constant 15 : i32
      %and3A_231 = vector.broadcast %and3A : i32 to vector<16xi32>
      %and3A_232 = arith.andi %get3A_228, %and3A_231 : vector<16xi32>
      %mul3A_233 = arith.constant 2 : i32
      %mul3A_234 = vector.broadcast %mul3A_233 : i32 to vector<16xi32>
      %mul3A_235 = arith.muli %and3A_232, %mul3A_234 : vector<16xi32>
      %shift_right_logical3A_236 = arith.shrui %gather3A, %mul3A_235 : vector<16xi32>
      %and3A_237 = arith.constant 3 : i32
      %and3A_238 = vector.broadcast %and3A_237 : i32 to vector<16xi32>
      %and3A_239 = arith.andi %shift_right_logical3A_236, %and3A_238 : vector<16xi32>
      %get3A_240 = arith.index_cast %mul3A_213 : i32 to index
      %get3A_241 = tpu.vector_load %arg17[%get3A_240] {strides = array<i32>} : memref<800xi32, #tpu.memory_space<vmem>>, vector<16xi32>,
      %shift_right_logical3A_242 = arith.constant 4 : i32
      %shift_right_logical3A_243 = vector.broadcast %shift_right_logical3A_242 : i32 to vector<16xi32>
      %shift_right_logical3A_244 = arith.shrui %get3A_241, %shift_right_logical3A_243 : vector<16xi32>
      %gather3A_245 = tpu.vector_load_idx %arg12[%shift_right_logical3A_244] : memref<6400xi32, #tpu.memory_space<vmem>>[vector<16xi32>], vector<16xi32>,
      %and3A_246 = arith.constant 15 : i32
      %and3A_247 = vector.broadcast %and3A_246 : i32 to vector<16xi32>
      %and3A_248 = arith.andi %get3A_241, %and3A_247 : vector<16xi32>
      %mul3A_249 = arith.constant 2 : i32
      %mul3A_250 = vector.broadcast %mul3A_249 : i32 to vector<16xi32>
      %mul3A_251 = arith.muli %and3A_248, %mul3A_250 : vector<16xi32>
      %shift_right_logical3A_252 = arith.shrui %gather3A_245, %mul3A_251 : vector<16xi32>
      %and3A_253 = arith.constant 3 : i32
      %and3A_254 = vector.broadcast %and3A_253 : i32 to vector<16xi32>
      %and3A_255 = arith.andi %shift_right_logical3A_252, %and3A_254 : vector<16xi32>
      %mul3A_256 = arith.constant 8192 : i32
      %mul3A_257 = vector.broadcast %mul3A_256 : i32 to vector<16xi32>
      %mul3A_258 = arith.muli %and3A_239, %mul3A_257 : vector<16xi32>
      %add3A_259 = arith.addi %mul3A_258, %convert_element_type3A : vector<16xi32>
      %gather3A_260 = tpu.vector_load_idx %arg10[%add3A_259] : memref<24576xf32, #tpu.memory_space<vmem>>[vector<16xi32>], vector<16xf32>,
      %add3A_261 = arith.addi %mul3A_258, %min3A_226 : vector<16xi32>
      %gather3A_262 = tpu.vector_load_idx %arg10[%add3A_261] : memref<24576xf32, #tpu.memory_space<vmem>>[vector<16xi32>], vector<16xf32>,
      %sub3A_263 = arith.subf %gather3A_262, %gather3A_260 : vector<16xf32>
      %mul3A_264 = arith.mulf %sub3A, %sub3A_263 : vector<16xf32>
      %add3A_265 = arith.addf %gather3A_260, %mul3A_264 : vector<16xf32>
      %swap3A = arith.index_cast %mul3A_213 : i32 to index
      %swap3A_266 = tpu.vector_load %arg20[%swap3A] {strides = array<i32>} : memref<800xf32, #tpu.memory_space<vmem>>, vector<16xf32>,
      tpu.vector_store %arg20[%swap3A], %add3A_265 {strides = array<i32>} : memref<800xf32, #tpu.memory_space<vmem>>, vector<16xf32>,
      %mul3A_267 = arith.constant 3 : i32
      %mul3A_268 = vector.broadcast %mul3A_267 : i32 to vector<16xi32>
      %mul3A_269 = arith.muli %and3A_255, %mul3A_268 : vector<16xi32>
      %add3A_270 = arith.addi %mul3A_269, %and3A_239 : vector<16xi32>
      %mul3A_271 = arith.constant 8192 : i32
      %mul3A_272 = vector.broadcast %mul3A_271 : i32 to vector<16xi32>
      %mul3A_273 = arith.muli %add3A_270, %mul3A_272 : vector<16xi32>
      %add3A_274 = arith.addi %mul3A_273, %convert_element_type3A : vector<16xi32>
      %gather3A_275 = tpu.vector_load_idx %arg11[%add3A_274] : memref<73728xf32, #tpu.memory_space<vmem>>[vector<16xi32>], vector<16xf32>,
      %add3A_276 = arith.addi %mul3A_273, %min3A_226 : vector<16xi32>
      %gather3A_277 = tpu.vector_load_idx %arg11[%add3A_276] : memref<73728xf32, #tpu.memory_space<vmem>>[vector<16xi32>], vector<16xf32>,
      %sub3A_278 = arith.subf %gather3A_277, %gather3A_275 : vector<16xf32>
      %mul3A_279 = arith.mulf %sub3A, %sub3A_278 : vector<16xf32>
      %add3A_280 = arith.addf %gather3A_275, %mul3A_279 : vector<16xf32>
      %swap3A_281 = arith.index_cast %mul3A_213 : i32 to index
      %swap3A_282 = tpu.vector_load %arg22[%swap3A_281] {strides = array<i32>} : memref<800xf32, #tpu.memory_space<vmem>>, vector<16xf32>,
      tpu.vector_store %arg22[%swap3A_281], %add3A_280 {strides = array<i32>} : memref<800xf32, #tpu.memory_space<vmem>>, vector<16xf32>,
    }
    %scan3A_127 = arith.constant 50 : i32
    %dma_start3A_128 = arith.constant 0 : i32
    %dma_start3A_129 = tpu.memref_slice %arg32[%dma_start3A_128] : memref<102400xf32, #tpu.memory_space<vmem_shared>> -> memref<102400xf32, #tpu.memory_space<vmem_shared>>
    tpu.enqueue_indirect_dma source(%arg20 : memref<800xf32, #tpu.memory_space<vmem>>) target(%dma_start3A_129 : memref<102400xf32, #tpu.memory_space<vmem_shared>>) offsets(%arg17 : memref<800xi32, #tpu.memory_space<vmem>>) semaphore(%arg30 : memref<!tpu.dma_semaphore, #tpu.memory_space<semaphore_mem>>) {add = true}
    %dma_start3A_130 = arith.constant 0 : i32
    %dma_start3A_131 = tpu.memref_slice %arg33[%dma_start3A_130] : memref<102400xf32, #tpu.memory_space<vmem_shared>> -> memref<102400xf32, #tpu.memory_space<vmem_shared>>
    tpu.enqueue_indirect_dma source(%arg22 : memref<800xf32, #tpu.memory_space<vmem>>) target(%dma_start3A_131 : memref<102400xf32, #tpu.memory_space<vmem_shared>>) offsets(%arg17 : memref<800xi32, #tpu.memory_space<vmem>>) semaphore(%arg30 : memref<!tpu.dma_semaphore, #tpu.memory_space<semaphore_mem>>) {add = true}
    %dma_wait3A_132 = arith.constant 0 : i32
    %dma_wait3A_133 = tpu.memref_slice %arg32[%dma_wait3A_132] : memref<102400xf32, #tpu.memory_space<vmem_shared>> -> memref<102400xf32, #tpu.memory_space<vmem_shared>>
    tpu.wait_indirect_dma semaphore(%arg31 : memref<!tpu.dma_semaphore, #tpu.memory_space<semaphore_mem>>) src(%arg21 : memref<800xf32, #tpu.memory_space<vmem>>) dst(%dma_wait3A_133 : memref<102400xf32, #tpu.memory_space<vmem_shared>>)
    %dma_wait3A_134 = arith.constant 0 : i32
    %dma_wait3A_135 = tpu.memref_slice %arg33[%dma_wait3A_134] : memref<102400xf32, #tpu.memory_space<vmem_shared>> -> memref<102400xf32, #tpu.memory_space<vmem_shared>>
    tpu.wait_indirect_dma semaphore(%arg31 : memref<!tpu.dma_semaphore, #tpu.memory_space<semaphore_mem>>) src(%arg23 : memref<800xf32, #tpu.memory_space<vmem>>) dst(%dma_wait3A_135 : memref<102400xf32, #tpu.memory_space<vmem_shared>>)
    %mul3A_136 = arith.constant 124 : i32
    %mul3A_137 = arith.constant 800 : i32
    %mul3A_138 = arith.muli %mul3A_136, %mul3A_137 : i32
    %add3A_139 = arith.addi %mul3A_13, %mul3A_138 : i32
    %dma_start3A_140 = tpu.memref_slice %arg2[%add3A_139] : memref<3200000xf32, #tpu.memory_space<hbm>> -> memref<800xf32, #tpu.memory_space<hbm>>
    %dma_start3A_141 = tpu.memref_slice %arg2[%add3A_139] : memref<3200000xf32, #tpu.memory_space<hbm>> -> memref<800xf32, #tpu.memory_space<hbm>>
    tpu.enqueue_dma source(%dma_start3A_141 : memref<800xf32, #tpu.memory_space<hbm>>) target(%arg13 : memref<800xf32, #tpu.memory_space<vmem>>) target_semaphore(%arg25 : memref<!tpu.dma_semaphore, #tpu.memory_space<semaphore_mem>>)
    %dma_start3A_142 = tpu.memref_slice %arg4[%add3A_139] : memref<3200000xi32, #tpu.memory_space<hbm>> -> memref<800xi32, #tpu.memory_space<hbm>>
    %dma_start3A_143 = tpu.memref_slice %arg4[%add3A_139] : memref<3200000xi32, #tpu.memory_space<hbm>> -> memref<800xi32, #tpu.memory_space<hbm>>
    tpu.enqueue_dma source(%dma_start3A_143 : memref<800xi32, #tpu.memory_space<hbm>>) target(%arg18 : memref<800xi32, #tpu.memory_space<vmem>>) target_semaphore(%arg25 : memref<!tpu.dma_semaphore, #tpu.memory_space<semaphore_mem>>)
    %dma_start3A_144 = tpu.memref_slice %arg3[%add3A_139] : memref<3200000xi32, #tpu.memory_space<hbm>> -> memref<800xi32, #tpu.memory_space<hbm>>
    %dma_start3A_145 = tpu.memref_slice %arg3[%add3A_139] : memref<3200000xi32, #tpu.memory_space<hbm>> -> memref<800xi32, #tpu.memory_space<hbm>>
    tpu.enqueue_dma source(%dma_start3A_145 : memref<800xi32, #tpu.memory_space<hbm>>) target(%arg16 : memref<800xi32, #tpu.memory_space<vmem>>) target_semaphore(%arg28 : memref<!tpu.dma_semaphore, #tpu.memory_space<semaphore_mem>>)
    %dma_wait3A_146 = arith.constant 0 : i32
    %dma_wait3A_147 = tpu.memref_slice %arg2[%dma_wait3A_146] : memref<3200000xf32, #tpu.memory_space<hbm>> -> memref<800xf32, #tpu.memory_space<hbm>>
    %dma_wait3A_148 = arith.constant 0 : i32
    %dma_wait3A_149 = tpu.memref_slice %arg2[%dma_wait3A_148] : memref<3200000xf32, #tpu.memory_space<hbm>> -> memref<800xf32, #tpu.memory_space<hbm>>
    tpu.wait_dma2 semaphore(%arg26 : memref<!tpu.dma_semaphore, #tpu.memory_space<semaphore_mem>>) src(%dma_wait3A_149 : memref<800xf32, #tpu.memory_space<hbm>>) dst(%arg14 : memref<800xf32, #tpu.memory_space<vmem>>)
    %dma_wait3A_150 = arith.constant 0 : i32
    %dma_wait3A_151 = tpu.memref_slice %arg4[%dma_wait3A_150] : memref<3200000xi32, #tpu.memory_space<hbm>> -> memref<800xi32, #tpu.memory_space<hbm>>
    %dma_wait3A_152 = arith.constant 0 : i32
    %dma_wait3A_153 = tpu.memref_slice %arg4[%dma_wait3A_152] : memref<3200000xi32, #tpu.memory_space<hbm>> -> memref<800xi32, #tpu.memory_space<hbm>>
    tpu.wait_dma2 semaphore(%arg26 : memref<!tpu.dma_semaphore, #tpu.memory_space<semaphore_mem>>) src(%dma_wait3A_153 : memref<800xi32, #tpu.memory_space<hbm>>) dst(%arg19 : memref<800xi32, #tpu.memory_space<vmem>>)
    %dma_wait3A_154 = arith.constant 0 : i32
    %dma_wait3A_155 = tpu.memref_slice %arg3[%dma_wait3A_154] : memref<3200000xi32, #tpu.memory_space<hbm>> -> memref<800xi32, #tpu.memory_space<hbm>>
    %dma_wait3A_156 = arith.constant 0 : i32
    %dma_wait3A_157 = tpu.memref_slice %arg3[%dma_wait3A_156] : memref<3200000xi32, #tpu.memory_space<hbm>> -> memref<800xi32, #tpu.memory_space<hbm>>
    tpu.wait_dma2 semaphore(%arg27 : memref<!tpu.dma_semaphore, #tpu.memory_space<semaphore_mem>>) src(%dma_wait3A_157 : memref<800xi32, #tpu.memory_space<hbm>>) dst(%arg15 : memref<800xi32, #tpu.memory_space<vmem>>)
    %scan3A_158 = arith.constant 0 : i32
    %scan3A_159 = arith.constant 0 : i32
    %scan3A_160 = arith.constant 50 : i32
    %scan3A_161 = arith.addi %scan3A_159, %scan3A_160 : i32
    %scan3A_162 = arith.constant 1 : i32
    scf.for %scan3A_211 = %scan3A_159 to %scan3A_161 step %scan3A_162  : i32 {
      %mul3A_212 = arith.constant 16 : i32
      %mul3A_213 = arith.muli %scan3A_211, %mul3A_212 : i32
      %get3A = arith.index_cast %mul3A_213 : i32 to index
      %get3A_214 = tpu.vector_load %arg14[%get3A] {strides = array<i32>} : memref<800xf32, #tpu.memory_space<vmem>>, vector<16xf32>,
      %min3A = arith.constant 5.99999952 : f32
      %min3A_215 = vector.broadcast %min3A : f32 to vector<16xf32>
      %min3A_216 = arith.minimumf %get3A_214, %min3A_215 : vector<16xf32>
      %mul3A_217 = arith.constant 1365.16663 : f32
      %mul3A_218 = vector.broadcast %mul3A_217 : f32 to vector<16xf32>
      %mul3A_219 = arith.mulf %min3A_216, %mul3A_218 : vector<16xf32>
      %convert_element_type3A = arith.fptosi %mul3A_219 : vector<16xf32> to vector<16xi32>
      %convert_element_type3A_220 = arith.sitofp %convert_element_type3A : vector<16xi32> to vector<16xf32>
      %sub3A = arith.subf %mul3A_219, %convert_element_type3A_220 : vector<16xf32>
      %add3A_221 = arith.constant 1 : i32
      %add3A_222 = vector.broadcast %add3A_221 : i32 to vector<16xi32>
      %add3A_223 = arith.addi %convert_element_type3A, %add3A_222 : vector<16xi32>
      %min3A_224 = arith.constant 8191 : i32
      %min3A_225 = vector.broadcast %min3A_224 : i32 to vector<16xi32>
      %min3A_226 = arith.minsi %add3A_223, %min3A_225 : vector<16xi32>
      %get3A_227 = arith.index_cast %mul3A_213 : i32 to index
      %get3A_228 = tpu.vector_load %arg19[%get3A_227] {strides = array<i32>} : memref<800xi32, #tpu.memory_space<vmem>>, vector<16xi32>,
      %shift_right_logical3A = arith.constant 4 : i32
      %shift_right_logical3A_229 = vector.broadcast %shift_right_logical3A : i32 to vector<16xi32>
      %shift_right_logical3A_230 = arith.shrui %get3A_228, %shift_right_logical3A_229 : vector<16xi32>
      %gather3A = tpu.vector_load_idx %arg12[%shift_right_logical3A_230] : memref<6400xi32, #tpu.memory_space<vmem>>[vector<16xi32>], vector<16xi32>,
      %and3A = arith.constant 15 : i32
      %and3A_231 = vector.broadcast %and3A : i32 to vector<16xi32>
      %and3A_232 = arith.andi %get3A_228, %and3A_231 : vector<16xi32>
      %mul3A_233 = arith.constant 2 : i32
      %mul3A_234 = vector.broadcast %mul3A_233 : i32 to vector<16xi32>
      %mul3A_235 = arith.muli %and3A_232, %mul3A_234 : vector<16xi32>
      %shift_right_logical3A_236 = arith.shrui %gather3A, %mul3A_235 : vector<16xi32>
      %and3A_237 = arith.constant 3 : i32
      %and3A_238 = vector.broadcast %and3A_237 : i32 to vector<16xi32>
      %and3A_239 = arith.andi %shift_right_logical3A_236, %and3A_238 : vector<16xi32>
      %get3A_240 = arith.index_cast %mul3A_213 : i32 to index
      %get3A_241 = tpu.vector_load %arg15[%get3A_240] {strides = array<i32>} : memref<800xi32, #tpu.memory_space<vmem>>, vector<16xi32>,
      %shift_right_logical3A_242 = arith.constant 4 : i32
      %shift_right_logical3A_243 = vector.broadcast %shift_right_logical3A_242 : i32 to vector<16xi32>
      %shift_right_logical3A_244 = arith.shrui %get3A_241, %shift_right_logical3A_243 : vector<16xi32>
      %gather3A_245 = tpu.vector_load_idx %arg12[%shift_right_logical3A_244] : memref<6400xi32, #tpu.memory_space<vmem>>[vector<16xi32>], vector<16xi32>,
      %and3A_246 = arith.constant 15 : i32
      %and3A_247 = vector.broadcast %and3A_246 : i32 to vector<16xi32>
      %and3A_248 = arith.andi %get3A_241, %and3A_247 : vector<16xi32>
      %mul3A_249 = arith.constant 2 : i32
      %mul3A_250 = vector.broadcast %mul3A_249 : i32 to vector<16xi32>
      %mul3A_251 = arith.muli %and3A_248, %mul3A_250 : vector<16xi32>
      %shift_right_logical3A_252 = arith.shrui %gather3A_245, %mul3A_251 : vector<16xi32>
      %and3A_253 = arith.constant 3 : i32
      %and3A_254 = vector.broadcast %and3A_253 : i32 to vector<16xi32>
      %and3A_255 = arith.andi %shift_right_logical3A_252, %and3A_254 : vector<16xi32>
      %mul3A_256 = arith.constant 8192 : i32
      %mul3A_257 = vector.broadcast %mul3A_256 : i32 to vector<16xi32>
      %mul3A_258 = arith.muli %and3A_239, %mul3A_257 : vector<16xi32>
      %add3A_259 = arith.addi %mul3A_258, %convert_element_type3A : vector<16xi32>
      %gather3A_260 = tpu.vector_load_idx %arg10[%add3A_259] : memref<24576xf32, #tpu.memory_space<vmem>>[vector<16xi32>], vector<16xf32>,
      %add3A_261 = arith.addi %mul3A_258, %min3A_226 : vector<16xi32>
      %gather3A_262 = tpu.vector_load_idx %arg10[%add3A_261] : memref<24576xf32, #tpu.memory_space<vmem>>[vector<16xi32>], vector<16xf32>,
      %sub3A_263 = arith.subf %gather3A_262, %gather3A_260 : vector<16xf32>
      %mul3A_264 = arith.mulf %sub3A, %sub3A_263 : vector<16xf32>
      %add3A_265 = arith.addf %gather3A_260, %mul3A_264 : vector<16xf32>
      %swap3A = arith.index_cast %mul3A_213 : i32 to index
      %swap3A_266 = tpu.vector_load %arg21[%swap3A] {strides = array<i32>} : memref<800xf32, #tpu.memory_space<vmem>>, vector<16xf32>,
      tpu.vector_store %arg21[%swap3A], %add3A_265 {strides = array<i32>} : memref<800xf32, #tpu.memory_space<vmem>>, vector<16xf32>,
      %mul3A_267 = arith.constant 3 : i32
      %mul3A_268 = vector.broadcast %mul3A_267 : i32 to vector<16xi32>
      %mul3A_269 = arith.muli %and3A_255, %mul3A_268 : vector<16xi32>
      %add3A_270 = arith.addi %mul3A_269, %and3A_239 : vector<16xi32>
      %mul3A_271 = arith.constant 8192 : i32
      %mul3A_272 = vector.broadcast %mul3A_271 : i32 to vector<16xi32>
      %mul3A_273 = arith.muli %add3A_270, %mul3A_272 : vector<16xi32>
      %add3A_274 = arith.addi %mul3A_273, %convert_element_type3A : vector<16xi32>
      %gather3A_275 = tpu.vector_load_idx %arg11[%add3A_274] : memref<73728xf32, #tpu.memory_space<vmem>>[vector<16xi32>], vector<16xf32>,
      %add3A_276 = arith.addi %mul3A_273, %min3A_226 : vector<16xi32>
      %gather3A_277 = tpu.vector_load_idx %arg11[%add3A_276] : memref<73728xf32, #tpu.memory_space<vmem>>[vector<16xi32>], vector<16xf32>,
      %sub3A_278 = arith.subf %gather3A_277, %gather3A_275 : vector<16xf32>
      %mul3A_279 = arith.mulf %sub3A, %sub3A_278 : vector<16xf32>
      %add3A_280 = arith.addf %gather3A_275, %mul3A_279 : vector<16xf32>
      %swap3A_281 = arith.index_cast %mul3A_213 : i32 to index
      %swap3A_282 = tpu.vector_load %arg23[%swap3A_281] {strides = array<i32>} : memref<800xf32, #tpu.memory_space<vmem>>, vector<16xf32>,
      tpu.vector_store %arg23[%swap3A_281], %add3A_280 {strides = array<i32>} : memref<800xf32, #tpu.memory_space<vmem>>, vector<16xf32>,
    }
    %scan3A_163 = arith.constant 50 : i32
    %dma_start3A_164 = arith.constant 0 : i32
    %dma_start3A_165 = tpu.memref_slice %arg32[%dma_start3A_164] : memref<102400xf32, #tpu.memory_space<vmem_shared>> -> memref<102400xf32, #tpu.memory_space<vmem_shared>>
    tpu.enqueue_indirect_dma source(%arg21 : memref<800xf32, #tpu.memory_space<vmem>>) target(%dma_start3A_165 : memref<102400xf32, #tpu.memory_space<vmem_shared>>) offsets(%arg15 : memref<800xi32, #tpu.memory_space<vmem>>) semaphore(%arg31 : memref<!tpu.dma_semaphore, #tpu.memory_space<semaphore_mem>>) {add = true}
    %dma_start3A_166 = arith.constant 0 : i32
    %dma_start3A_167 = tpu.memref_slice %arg33[%dma_start3A_166] : memref<102400xf32, #tpu.memory_space<vmem_shared>> -> memref<102400xf32, #tpu.memory_space<vmem_shared>>
    tpu.enqueue_indirect_dma source(%arg23 : memref<800xf32, #tpu.memory_space<vmem>>) target(%dma_start3A_167 : memref<102400xf32, #tpu.memory_space<vmem_shared>>) offsets(%arg15 : memref<800xi32, #tpu.memory_space<vmem>>) semaphore(%arg31 : memref<!tpu.dma_semaphore, #tpu.memory_space<semaphore_mem>>) {add = true}
    %dma_wait3A_168 = arith.constant 0 : i32
    %dma_wait3A_169 = tpu.memref_slice %arg32[%dma_wait3A_168] : memref<102400xf32, #tpu.memory_space<vmem_shared>> -> memref<102400xf32, #tpu.memory_space<vmem_shared>>
    tpu.wait_indirect_dma semaphore(%arg30 : memref<!tpu.dma_semaphore, #tpu.memory_space<semaphore_mem>>) src(%arg20 : memref<800xf32, #tpu.memory_space<vmem>>) dst(%dma_wait3A_169 : memref<102400xf32, #tpu.memory_space<vmem_shared>>)
    %dma_wait3A_170 = arith.constant 0 : i32
    %dma_wait3A_171 = tpu.memref_slice %arg33[%dma_wait3A_170] : memref<102400xf32, #tpu.memory_space<vmem_shared>> -> memref<102400xf32, #tpu.memory_space<vmem_shared>>
    tpu.wait_indirect_dma semaphore(%arg30 : memref<!tpu.dma_semaphore, #tpu.memory_space<semaphore_mem>>) src(%arg22 : memref<800xf32, #tpu.memory_space<vmem>>) dst(%dma_wait3A_171 : memref<102400xf32, #tpu.memory_space<vmem_shared>>)
    %dma_wait3A_172 = arith.constant 0 : i32
    %dma_wait3A_173 = tpu.memref_slice %arg2[%dma_wait3A_172] : memref<3200000xf32, #tpu.memory_space<hbm>> -> memref<800xf32, #tpu.memory_space<hbm>>
    %dma_wait3A_174 = arith.constant 0 : i32
    %dma_wait3A_175 = tpu.memref_slice %arg2[%dma_wait3A_174] : memref<3200000xf32, #tpu.memory_space<hbm>> -> memref<800xf32, #tpu.memory_space<hbm>>
    tpu.wait_dma2 semaphore(%arg25 : memref<!tpu.dma_semaphore, #tpu.memory_space<semaphore_mem>>) src(%dma_wait3A_175 : memref<800xf32, #tpu.memory_space<hbm>>) dst(%arg13 : memref<800xf32, #tpu.memory_space<vmem>>)
    %dma_wait3A_176 = arith.constant 0 : i32
    %dma_wait3A_177 = tpu.memref_slice %arg4[%dma_wait3A_176] : memref<3200000xi32, #tpu.memory_space<hbm>> -> memref<800xi32, #tpu.memory_space<hbm>>
    %dma_wait3A_178 = arith.constant 0 : i32
    %dma_wait3A_179 = tpu.memref_slice %arg4[%dma_wait3A_178] : memref<3200000xi32, #tpu.memory_space<hbm>> -> memref<800xi32, #tpu.memory_space<hbm>>
    tpu.wait_dma2 semaphore(%arg25 : memref<!tpu.dma_semaphore, #tpu.memory_space<semaphore_mem>>) src(%dma_wait3A_179 : memref<800xi32, #tpu.memory_space<hbm>>) dst(%arg18 : memref<800xi32, #tpu.memory_space<vmem>>)
    %dma_wait3A_180 = arith.constant 0 : i32
    %dma_wait3A_181 = tpu.memref_slice %arg3[%dma_wait3A_180] : memref<3200000xi32, #tpu.memory_space<hbm>> -> memref<800xi32, #tpu.memory_space<hbm>>
    %dma_wait3A_182 = arith.constant 0 : i32
    %dma_wait3A_183 = tpu.memref_slice %arg3[%dma_wait3A_182] : memref<3200000xi32, #tpu.memory_space<hbm>> -> memref<800xi32, #tpu.memory_space<hbm>>
    tpu.wait_dma2 semaphore(%arg28 : memref<!tpu.dma_semaphore, #tpu.memory_space<semaphore_mem>>) src(%dma_wait3A_183 : memref<800xi32, #tpu.memory_space<hbm>>) dst(%arg16 : memref<800xi32, #tpu.memory_space<vmem>>)
    %scan3A_184 = arith.constant 0 : i32
    %scan3A_185 = arith.constant 0 : i32
    %scan3A_186 = arith.constant 50 : i32
    %scan3A_187 = arith.addi %scan3A_185, %scan3A_186 : i32
    %scan3A_188 = arith.constant 1 : i32
    scf.for %scan3A_211 = %scan3A_185 to %scan3A_187 step %scan3A_188  : i32 {
      %mul3A_212 = arith.constant 16 : i32
      %mul3A_213 = arith.muli %scan3A_211, %mul3A_212 : i32
      %get3A = arith.index_cast %mul3A_213 : i32 to index
      %get3A_214 = tpu.vector_load %arg13[%get3A] {strides = array<i32>} : memref<800xf32, #tpu.memory_space<vmem>>, vector<16xf32>,
      %min3A = arith.constant 5.99999952 : f32
      %min3A_215 = vector.broadcast %min3A : f32 to vector<16xf32>
      %min3A_216 = arith.minimumf %get3A_214, %min3A_215 : vector<16xf32>
      %mul3A_217 = arith.constant 1365.16663 : f32
      %mul3A_218 = vector.broadcast %mul3A_217 : f32 to vector<16xf32>
      %mul3A_219 = arith.mulf %min3A_216, %mul3A_218 : vector<16xf32>
      %convert_element_type3A = arith.fptosi %mul3A_219 : vector<16xf32> to vector<16xi32>
      %convert_element_type3A_220 = arith.sitofp %convert_element_type3A : vector<16xi32> to vector<16xf32>
      %sub3A = arith.subf %mul3A_219, %convert_element_type3A_220 : vector<16xf32>
      %add3A_221 = arith.constant 1 : i32
      %add3A_222 = vector.broadcast %add3A_221 : i32 to vector<16xi32>
      %add3A_223 = arith.addi %convert_element_type3A, %add3A_222 : vector<16xi32>
      %min3A_224 = arith.constant 8191 : i32
      %min3A_225 = vector.broadcast %min3A_224 : i32 to vector<16xi32>
      %min3A_226 = arith.minsi %add3A_223, %min3A_225 : vector<16xi32>
      %get3A_227 = arith.index_cast %mul3A_213 : i32 to index
      %get3A_228 = tpu.vector_load %arg18[%get3A_227] {strides = array<i32>} : memref<800xi32, #tpu.memory_space<vmem>>, vector<16xi32>,
      %shift_right_logical3A = arith.constant 4 : i32
      %shift_right_logical3A_229 = vector.broadcast %shift_right_logical3A : i32 to vector<16xi32>
      %shift_right_logical3A_230 = arith.shrui %get3A_228, %shift_right_logical3A_229 : vector<16xi32>
      %gather3A = tpu.vector_load_idx %arg12[%shift_right_logical3A_230] : memref<6400xi32, #tpu.memory_space<vmem>>[vector<16xi32>], vector<16xi32>,
      %and3A = arith.constant 15 : i32
      %and3A_231 = vector.broadcast %and3A : i32 to vector<16xi32>
      %and3A_232 = arith.andi %get3A_228, %and3A_231 : vector<16xi32>
      %mul3A_233 = arith.constant 2 : i32
      %mul3A_234 = vector.broadcast %mul3A_233 : i32 to vector<16xi32>
      %mul3A_235 = arith.muli %and3A_232, %mul3A_234 : vector<16xi32>
      %shift_right_logical3A_236 = arith.shrui %gather3A, %mul3A_235 : vector<16xi32>
      %and3A_237 = arith.constant 3 : i32
      %and3A_238 = vector.broadcast %and3A_237 : i32 to vector<16xi32>
      %and3A_239 = arith.andi %shift_right_logical3A_236, %and3A_238 : vector<16xi32>
      %get3A_240 = arith.index_cast %mul3A_213 : i32 to index
      %get3A_241 = tpu.vector_load %arg16[%get3A_240] {strides = array<i32>} : memref<800xi32, #tpu.memory_space<vmem>>, vector<16xi32>,
      %shift_right_logical3A_242 = arith.constant 4 : i32
      %shift_right_logical3A_243 = vector.broadcast %shift_right_logical3A_242 : i32 to vector<16xi32>
      %shift_right_logical3A_244 = arith.shrui %get3A_241, %shift_right_logical3A_243 : vector<16xi32>
      %gather3A_245 = tpu.vector_load_idx %arg12[%shift_right_logical3A_244] : memref<6400xi32, #tpu.memory_space<vmem>>[vector<16xi32>], vector<16xi32>,
      %and3A_246 = arith.constant 15 : i32
      %and3A_247 = vector.broadcast %and3A_246 : i32 to vector<16xi32>
      %and3A_248 = arith.andi %get3A_241, %and3A_247 : vector<16xi32>
      %mul3A_249 = arith.constant 2 : i32
      %mul3A_250 = vector.broadcast %mul3A_249 : i32 to vector<16xi32>
      %mul3A_251 = arith.muli %and3A_248, %mul3A_250 : vector<16xi32>
      %shift_right_logical3A_252 = arith.shrui %gather3A_245, %mul3A_251 : vector<16xi32>
      %and3A_253 = arith.constant 3 : i32
      %and3A_254 = vector.broadcast %and3A_253 : i32 to vector<16xi32>
      %and3A_255 = arith.andi %shift_right_logical3A_252, %and3A_254 : vector<16xi32>
      %mul3A_256 = arith.constant 8192 : i32
      %mul3A_257 = vector.broadcast %mul3A_256 : i32 to vector<16xi32>
      %mul3A_258 = arith.muli %and3A_239, %mul3A_257 : vector<16xi32>
      %add3A_259 = arith.addi %mul3A_258, %convert_element_type3A : vector<16xi32>
      %gather3A_260 = tpu.vector_load_idx %arg10[%add3A_259] : memref<24576xf32, #tpu.memory_space<vmem>>[vector<16xi32>], vector<16xf32>,
      %add3A_261 = arith.addi %mul3A_258, %min3A_226 : vector<16xi32>
      %gather3A_262 = tpu.vector_load_idx %arg10[%add3A_261] : memref<24576xf32, #tpu.memory_space<vmem>>[vector<16xi32>], vector<16xf32>,
      %sub3A_263 = arith.subf %gather3A_262, %gather3A_260 : vector<16xf32>
      %mul3A_264 = arith.mulf %sub3A, %sub3A_263 : vector<16xf32>
      %add3A_265 = arith.addf %gather3A_260, %mul3A_264 : vector<16xf32>
      %swap3A = arith.index_cast %mul3A_213 : i32 to index
      %swap3A_266 = tpu.vector_load %arg20[%swap3A] {strides = array<i32>} : memref<800xf32, #tpu.memory_space<vmem>>, vector<16xf32>,
      tpu.vector_store %arg20[%swap3A], %add3A_265 {strides = array<i32>} : memref<800xf32, #tpu.memory_space<vmem>>, vector<16xf32>,
      %mul3A_267 = arith.constant 3 : i32
      %mul3A_268 = vector.broadcast %mul3A_267 : i32 to vector<16xi32>
      %mul3A_269 = arith.muli %and3A_255, %mul3A_268 : vector<16xi32>
      %add3A_270 = arith.addi %mul3A_269, %and3A_239 : vector<16xi32>
      %mul3A_271 = arith.constant 8192 : i32
      %mul3A_272 = vector.broadcast %mul3A_271 : i32 to vector<16xi32>
      %mul3A_273 = arith.muli %add3A_270, %mul3A_272 : vector<16xi32>
      %add3A_274 = arith.addi %mul3A_273, %convert_element_type3A : vector<16xi32>
      %gather3A_275 = tpu.vector_load_idx %arg11[%add3A_274] : memref<73728xf32, #tpu.memory_space<vmem>>[vector<16xi32>], vector<16xf32>,
      %add3A_276 = arith.addi %mul3A_273, %min3A_226 : vector<16xi32>
      %gather3A_277 = tpu.vector_load_idx %arg11[%add3A_276] : memref<73728xf32, #tpu.memory_space<vmem>>[vector<16xi32>], vector<16xf32>,
      %sub3A_278 = arith.subf %gather3A_277, %gather3A_275 : vector<16xf32>
      %mul3A_279 = arith.mulf %sub3A, %sub3A_278 : vector<16xf32>
      %add3A_280 = arith.addf %gather3A_275, %mul3A_279 : vector<16xf32>
      %swap3A_281 = arith.index_cast %mul3A_213 : i32 to index
      %swap3A_282 = tpu.vector_load %arg22[%swap3A_281] {strides = array<i32>} : memref<800xf32, #tpu.memory_space<vmem>>, vector<16xf32>,
      tpu.vector_store %arg22[%swap3A_281], %add3A_280 {strides = array<i32>} : memref<800xf32, #tpu.memory_space<vmem>>, vector<16xf32>,
    }
    %scan3A_189 = arith.constant 50 : i32
    %dma_start3A_190 = arith.constant 0 : i32
    %dma_start3A_191 = tpu.memref_slice %arg32[%dma_start3A_190] : memref<102400xf32, #tpu.memory_space<vmem_shared>> -> memref<102400xf32, #tpu.memory_space<vmem_shared>>
    tpu.enqueue_indirect_dma source(%arg20 : memref<800xf32, #tpu.memory_space<vmem>>) target(%dma_start3A_191 : memref<102400xf32, #tpu.memory_space<vmem_shared>>) offsets(%arg16 : memref<800xi32, #tpu.memory_space<vmem>>) semaphore(%arg30 : memref<!tpu.dma_semaphore, #tpu.memory_space<semaphore_mem>>) {add = true}
    %dma_start3A_192 = arith.constant 0 : i32
    %dma_start3A_193 = tpu.memref_slice %arg33[%dma_start3A_192] : memref<102400xf32, #tpu.memory_space<vmem_shared>> -> memref<102400xf32, #tpu.memory_space<vmem_shared>>
    tpu.enqueue_indirect_dma source(%arg22 : memref<800xf32, #tpu.memory_space<vmem>>) target(%dma_start3A_193 : memref<102400xf32, #tpu.memory_space<vmem_shared>>) offsets(%arg16 : memref<800xi32, #tpu.memory_space<vmem>>) semaphore(%arg30 : memref<!tpu.dma_semaphore, #tpu.memory_space<semaphore_mem>>) {add = true}
    %dma_wait3A_194 = arith.constant 0 : i32
    %dma_wait3A_195 = tpu.memref_slice %arg32[%dma_wait3A_194] : memref<102400xf32, #tpu.memory_space<vmem_shared>> -> memref<102400xf32, #tpu.memory_space<vmem_shared>>
    tpu.wait_indirect_dma semaphore(%arg31 : memref<!tpu.dma_semaphore, #tpu.memory_space<semaphore_mem>>) src(%arg21 : memref<800xf32, #tpu.memory_space<vmem>>) dst(%dma_wait3A_195 : memref<102400xf32, #tpu.memory_space<vmem_shared>>)
    %dma_wait3A_196 = arith.constant 0 : i32
    %dma_wait3A_197 = tpu.memref_slice %arg33[%dma_wait3A_196] : memref<102400xf32, #tpu.memory_space<vmem_shared>> -> memref<102400xf32, #tpu.memory_space<vmem_shared>>
    tpu.wait_indirect_dma semaphore(%arg31 : memref<!tpu.dma_semaphore, #tpu.memory_space<semaphore_mem>>) src(%arg23 : memref<800xf32, #tpu.memory_space<vmem>>) dst(%dma_wait3A_197 : memref<102400xf32, #tpu.memory_space<vmem_shared>>)
    %dma_wait3A_198 = arith.constant 0 : i32
    %dma_wait3A_199 = tpu.memref_slice %arg32[%dma_wait3A_198] : memref<102400xf32, #tpu.memory_space<vmem_shared>> -> memref<102400xf32, #tpu.memory_space<vmem_shared>>
    tpu.wait_indirect_dma semaphore(%arg30 : memref<!tpu.dma_semaphore, #tpu.memory_space<semaphore_mem>>) src(%arg20 : memref<800xf32, #tpu.memory_space<vmem>>) dst(%dma_wait3A_199 : memref<102400xf32, #tpu.memory_space<vmem_shared>>)
    %dma_wait3A_200 = arith.constant 0 : i32
    %dma_wait3A_201 = tpu.memref_slice %arg33[%dma_wait3A_200] : memref<102400xf32, #tpu.memory_space<vmem_shared>> -> memref<102400xf32, #tpu.memory_space<vmem_shared>>
    tpu.wait_indirect_dma semaphore(%arg30 : memref<!tpu.dma_semaphore, #tpu.memory_space<semaphore_mem>>) src(%arg22 : memref<800xf32, #tpu.memory_space<vmem>>) dst(%dma_wait3A_201 : memref<102400xf32, #tpu.memory_space<vmem_shared>>)
    %barrier3A_202 = arith.constant 0 : index
    tpu.barrier barrier_id(%barrier3A_202)
    %mul3A_203 = arith.constant 6400 : i32
    %mul3A_204 = arith.muli %arg1, %mul3A_203 : i32
    %mul3A_205 = arith.constant 6400 : i32
    %mul3A_206 = arith.muli %arg1, %mul3A_205 : i32
    "tpu.region"() ({
      %run_scoped3A = tpu.sem_alloc : memref<!tpu.dma_semaphore, #tpu.memory_space<semaphore_mem>>
      %dma_start3A_211 = tpu.memref_slice %arg8[%arg0, %mul3A_206] : memref<2x102400xf32, #tpu.memory_space<hbm>> -> memref<1x6400xf32, #tpu.memory_space<hbm>>
      %dma_start3A_212 = tpu.memref_squeeze %dma_start3A_211 : memref<1x6400xf32, #tpu.memory_space<hbm>> -> memref<6400xf32, #tpu.memory_space<hbm>>
      %dma_start3A_213 = tpu.memref_slice %arg32[%mul3A_204] : memref<102400xf32, #tpu.memory_space<vmem_shared>> -> memref<6400xf32, #tpu.memory_space<vmem_shared>>
      tpu.enqueue_dma source(%dma_start3A_213 : memref<6400xf32, #tpu.memory_space<vmem_shared>>) target(%dma_start3A_212 : memref<6400xf32, #tpu.memory_space<hbm>>) target_semaphore(%run_scoped3A : memref<!tpu.dma_semaphore, #tpu.memory_space<semaphore_mem>>)
      %dma_wait3A_214 = tpu.memref_slice %arg8[%arg0, %mul3A_206] : memref<2x102400xf32, #tpu.memory_space<hbm>> -> memref<1x6400xf32, #tpu.memory_space<hbm>>
      %dma_wait3A_215 = tpu.memref_squeeze %dma_wait3A_214 : memref<1x6400xf32, #tpu.memory_space<hbm>> -> memref<6400xf32, #tpu.memory_space<hbm>>
      %dma_wait3A_216 = tpu.memref_slice %arg32[%mul3A_204] : memref<102400xf32, #tpu.memory_space<vmem_shared>> -> memref<6400xf32, #tpu.memory_space<vmem_shared>>
      tpu.wait_dma2 semaphore(%run_scoped3A : memref<!tpu.dma_semaphore, #tpu.memory_space<semaphore_mem>>) src(%dma_wait3A_216 : memref<6400xf32, #tpu.memory_space<vmem_shared>>) dst(%dma_wait3A_215 : memref<6400xf32, #tpu.memory_space<hbm>>)
      tpu.yield
    }) : () -> ()
    %mul3A_207 = arith.constant 6400 : i32
    %mul3A_208 = arith.muli %arg1, %mul3A_207 : i32
    %mul3A_209 = arith.constant 6400 : i32
    %mul3A_210 = arith.muli %arg1, %mul3A_209 : i32
    "tpu.region"() ({
      %run_scoped3A = tpu.sem_alloc : memref<!tpu.dma_semaphore, #tpu.memory_space<semaphore_mem>>
      %dma_start3A_211 = tpu.memref_slice %arg9[%arg0, %mul3A_210] : memref<2x102400xf32, #tpu.memory_space<hbm>> -> memref<1x6400xf32, #tpu.memory_space<hbm>>
      %dma_start3A_212 = tpu.memref_squeeze %dma_start3A_211 : memref<1x6400xf32, #tpu.memory_space<hbm>> -> memref<6400xf32, #tpu.memory_space<hbm>>
      %dma_start3A_213 = tpu.memref_slice %arg33[%mul3A_208] : memref<102400xf32, #tpu.memory_space<vmem_shared>> -> memref<6400xf32, #tpu.memory_space<vmem_shared>>
      tpu.enqueue_dma source(%dma_start3A_213 : memref<6400xf32, #tpu.memory_space<vmem_shared>>) target(%dma_start3A_212 : memref<6400xf32, #tpu.memory_space<hbm>>) target_semaphore(%run_scoped3A : memref<!tpu.dma_semaphore, #tpu.memory_space<semaphore_mem>>)
      %dma_wait3A_214 = tpu.memref_slice %arg9[%arg0, %mul3A_210] : memref<2x102400xf32, #tpu.memory_space<hbm>> -> memref<1x6400xf32, #tpu.memory_space<hbm>>
      %dma_wait3A_215 = tpu.memref_squeeze %dma_wait3A_214 : memref<1x6400xf32, #tpu.memory_space<hbm>> -> memref<6400xf32, #tpu.memory_space<hbm>>
      %dma_wait3A_216 = tpu.memref_slice %arg33[%mul3A_208] : memref<102400xf32, #tpu.memory_space<vmem_shared>> -> memref<6400xf32, #tpu.memory_space<vmem_shared>>
      tpu.wait_dma2 semaphore(%run_scoped3A : memref<!tpu.dma_semaphore, #tpu.memory_space<semaphore_mem>>) src(%dma_wait3A_216 : memref<6400xf32, #tpu.memory_space<vmem_shared>>) dst(%dma_wait3A_215 : memref<6400xf32, #tpu.memory_space<hbm>>)
      tpu.yield
    }) : () -> ()
    return
  }
}

#map = affine_map<(d0, d1) -> (0, 0)>
#map1 = affine_map<(d0, d1) -> (0)>
module attributes {stable_mosaic.version = 14 : i64} {
  func.func @k2(%arg0: i32, %arg1: i32, %arg2: memref<2x102400xf32, #tpu.memory_space<hbm>>, %arg3: memref<2x102400xf32, #tpu.memory_space<hbm>>, %arg4: memref<102400xi32, #tpu.memory_space<hbm>>, %arg5: memref<12288xf32, #tpu.memory_space<hbm>>, %arg6: memref<12288xf32, #tpu.memory_space<hbm>>, %arg7: memref<16xf32, #tpu.memory_space<hbm>>, %arg8: memref<16xf32, #tpu.memory_space<hbm>>, %arg9: memref<102400xf32, #tpu.memory_space<hbm>>, %arg10: memref<51200xi32, #tpu.memory_space<hbm>>, %arg11: memref<12288xf32, #tpu.memory_space<vmem>>, %arg12: memref<12288xf32, #tpu.memory_space<vmem>>, %arg13: memref<16xf32, #tpu.memory_space<vmem>>, %arg14: memref<16xf32, #tpu.memory_space<vmem>>, %arg15: memref<3200xf32, #tpu.memory_space<vmem>>, %arg16: memref<3200xf32, #tpu.memory_space<vmem>>, %arg17: memref<3200xf32, #tpu.memory_space<vmem>>, %arg18: memref<3200xf32, #tpu.memory_space<vmem>>, %arg19: memref<3200xi32, #tpu.memory_space<vmem>>, %arg20: memref<3200xf32, #tpu.memory_space<vmem>>, %arg21: memref<1600xi32, #tpu.memory_space<vmem>>) attributes {dimension_semantics = [#tpu.dimension_semantics<core_parallel>, #tpu.dimension_semantics<subcore_parallel>], iteration_bounds = array<i64: 2, 16>, scalar_prefetch = 0 : i64, scratch_operands = 11 : i64, tpu.core_type = #tpu.core_type<sc_vector_subcore>, window_params = [{transform_indices = #map}, {transform_indices = #map}, {transform_indices = #map1}, {transform_indices = #map1}, {transform_indices = #map1}, {transform_indices = #map1}, {transform_indices = #map1}, {transform_indices = #map1}, {transform_indices = #map1}]} {
    %mul3A = arith.constant 16 : i32
    %mul3A_0 = arith.muli %arg0, %mul3A : i32
    %add3A = arith.addi %mul3A_0, %arg1 : i32
    %mul3A_1 = arith.constant 3200 : i32
    %mul3A_2 = arith.muli %add3A, %mul3A_1 : i32
    "tpu.region"() ({
      %run_scoped3A_13 = tpu.sem_alloc : memref<!tpu.dma_semaphore, #tpu.memory_space<semaphore_mem>>
      tpu.enqueue_dma source(%arg5 : memref<12288xf32, #tpu.memory_space<hbm>>) target(%arg11 : memref<12288xf32, #tpu.memory_space<vmem>>) target_semaphore(%run_scoped3A_13 : memref<!tpu.dma_semaphore, #tpu.memory_space<semaphore_mem>>)
      tpu.wait_dma2 semaphore(%run_scoped3A_13 : memref<!tpu.dma_semaphore, #tpu.memory_space<semaphore_mem>>) src(%arg5 : memref<12288xf32, #tpu.memory_space<hbm>>) dst(%arg11 : memref<12288xf32, #tpu.memory_space<vmem>>)
      tpu.yield
    }) : () -> ()
    "tpu.region"() ({
      %run_scoped3A_13 = tpu.sem_alloc : memref<!tpu.dma_semaphore, #tpu.memory_space<semaphore_mem>>
      tpu.enqueue_dma source(%arg6 : memref<12288xf32, #tpu.memory_space<hbm>>) target(%arg12 : memref<12288xf32, #tpu.memory_space<vmem>>) target_semaphore(%run_scoped3A_13 : memref<!tpu.dma_semaphore, #tpu.memory_space<semaphore_mem>>)
      tpu.wait_dma2 semaphore(%run_scoped3A_13 : memref<!tpu.dma_semaphore, #tpu.memory_space<semaphore_mem>>) src(%arg6 : memref<12288xf32, #tpu.memory_space<hbm>>) dst(%arg12 : memref<12288xf32, #tpu.memory_space<vmem>>)
      tpu.yield
    }) : () -> ()
    "tpu.region"() ({
      %run_scoped3A_13 = tpu.sem_alloc : memref<!tpu.dma_semaphore, #tpu.memory_space<semaphore_mem>>
      tpu.enqueue_dma source(%arg7 : memref<16xf32, #tpu.memory_space<hbm>>) target(%arg13 : memref<16xf32, #tpu.memory_space<vmem>>) target_semaphore(%run_scoped3A_13 : memref<!tpu.dma_semaphore, #tpu.memory_space<semaphore_mem>>)
      tpu.wait_dma2 semaphore(%run_scoped3A_13 : memref<!tpu.dma_semaphore, #tpu.memory_space<semaphore_mem>>) src(%arg7 : memref<16xf32, #tpu.memory_space<hbm>>) dst(%arg13 : memref<16xf32, #tpu.memory_space<vmem>>)
      tpu.yield
    }) : () -> ()
    "tpu.region"() ({
      %run_scoped3A_13 = tpu.sem_alloc : memref<!tpu.dma_semaphore, #tpu.memory_space<semaphore_mem>>
      tpu.enqueue_dma source(%arg8 : memref<16xf32, #tpu.memory_space<hbm>>) target(%arg14 : memref<16xf32, #tpu.memory_space<vmem>>) target_semaphore(%run_scoped3A_13 : memref<!tpu.dma_semaphore, #tpu.memory_space<semaphore_mem>>)
      tpu.wait_dma2 semaphore(%run_scoped3A_13 : memref<!tpu.dma_semaphore, #tpu.memory_space<semaphore_mem>>) src(%arg8 : memref<16xf32, #tpu.memory_space<hbm>>) dst(%arg14 : memref<16xf32, #tpu.memory_space<vmem>>)
      tpu.yield
    }) : () -> ()
    %run_scoped3A = arith.constant 0 : i32
    "tpu.region"() ({
      %run_scoped3A_13 = tpu.sem_alloc : memref<!tpu.dma_semaphore, #tpu.memory_space<semaphore_mem>>
      %dma_start3A = tpu.memref_slice %arg2[%run_scoped3A, %mul3A_2] : memref<2x102400xf32, #tpu.memory_space<hbm>> -> memref<1x3200xf32, #tpu.memory_space<hbm>>
      %dma_start3A_14 = tpu.memref_squeeze %dma_start3A : memref<1x3200xf32, #tpu.memory_space<hbm>> -> memref<3200xf32, #tpu.memory_space<hbm>>
      %dma_start3A_15 = tpu.memref_slice %arg2[%run_scoped3A, %mul3A_2] : memref<2x102400xf32, #tpu.memory_space<hbm>> -> memref<1x3200xf32, #tpu.memory_space<hbm>>
      %dma_start3A_16 = tpu.memref_squeeze %dma_start3A_15 : memref<1x3200xf32, #tpu.memory_space<hbm>> -> memref<3200xf32, #tpu.memory_space<hbm>>
      tpu.enqueue_dma source(%dma_start3A_16 : memref<3200xf32, #tpu.memory_space<hbm>>) target(%arg15 : memref<3200xf32, #tpu.memory_space<vmem>>) target_semaphore(%run_scoped3A_13 : memref<!tpu.dma_semaphore, #tpu.memory_space<semaphore_mem>>)
      %dma_wait3A = tpu.memref_slice %arg2[%run_scoped3A, %mul3A_2] : memref<2x102400xf32, #tpu.memory_space<hbm>> -> memref<1x3200xf32, #tpu.memory_space<hbm>>
      %dma_wait3A_17 = tpu.memref_squeeze %dma_wait3A : memref<1x3200xf32, #tpu.memory_space<hbm>> -> memref<3200xf32, #tpu.memory_space<hbm>>
      %dma_wait3A_18 = tpu.memref_slice %arg2[%run_scoped3A, %mul3A_2] : memref<2x102400xf32, #tpu.memory_space<hbm>> -> memref<1x3200xf32, #tpu.memory_space<hbm>>
      %dma_wait3A_19 = tpu.memref_squeeze %dma_wait3A_18 : memref<1x3200xf32, #tpu.memory_space<hbm>> -> memref<3200xf32, #tpu.memory_space<hbm>>
      tpu.wait_dma2 semaphore(%run_scoped3A_13 : memref<!tpu.dma_semaphore, #tpu.memory_space<semaphore_mem>>) src(%dma_wait3A_19 : memref<3200xf32, #tpu.memory_space<hbm>>) dst(%arg15 : memref<3200xf32, #tpu.memory_space<vmem>>)
      tpu.yield
    }) : () -> ()
    %run_scoped3A_3 = arith.constant 1 : i32
    "tpu.region"() ({
      %run_scoped3A_13 = tpu.sem_alloc : memref<!tpu.dma_semaphore, #tpu.memory_space<semaphore_mem>>
      %dma_start3A = tpu.memref_slice %arg2[%run_scoped3A_3, %mul3A_2] : memref<2x102400xf32, #tpu.memory_space<hbm>> -> memref<1x3200xf32, #tpu.memory_space<hbm>>
      %dma_start3A_14 = tpu.memref_squeeze %dma_start3A : memref<1x3200xf32, #tpu.memory_space<hbm>> -> memref<3200xf32, #tpu.memory_space<hbm>>
      %dma_start3A_15 = tpu.memref_slice %arg2[%run_scoped3A_3, %mul3A_2] : memref<2x102400xf32, #tpu.memory_space<hbm>> -> memref<1x3200xf32, #tpu.memory_space<hbm>>
      %dma_start3A_16 = tpu.memref_squeeze %dma_start3A_15 : memref<1x3200xf32, #tpu.memory_space<hbm>> -> memref<3200xf32, #tpu.memory_space<hbm>>
      tpu.enqueue_dma source(%dma_start3A_16 : memref<3200xf32, #tpu.memory_space<hbm>>) target(%arg16 : memref<3200xf32, #tpu.memory_space<vmem>>) target_semaphore(%run_scoped3A_13 : memref<!tpu.dma_semaphore, #tpu.memory_space<semaphore_mem>>)
      %dma_wait3A = tpu.memref_slice %arg2[%run_scoped3A_3, %mul3A_2] : memref<2x102400xf32, #tpu.memory_space<hbm>> -> memref<1x3200xf32, #tpu.memory_space<hbm>>
      %dma_wait3A_17 = tpu.memref_squeeze %dma_wait3A : memref<1x3200xf32, #tpu.memory_space<hbm>> -> memref<3200xf32, #tpu.memory_space<hbm>>
      %dma_wait3A_18 = tpu.memref_slice %arg2[%run_scoped3A_3, %mul3A_2] : memref<2x102400xf32, #tpu.memory_space<hbm>> -> memref<1x3200xf32, #tpu.memory_space<hbm>>
      %dma_wait3A_19 = tpu.memref_squeeze %dma_wait3A_18 : memref<1x3200xf32, #tpu.memory_space<hbm>> -> memref<3200xf32, #tpu.memory_space<hbm>>
      tpu.wait_dma2 semaphore(%run_scoped3A_13 : memref<!tpu.dma_semaphore, #tpu.memory_space<semaphore_mem>>) src(%dma_wait3A_19 : memref<3200xf32, #tpu.memory_space<hbm>>) dst(%arg16 : memref<3200xf32, #tpu.memory_space<vmem>>)
      tpu.yield
    }) : () -> ()
    %run_scoped3A_4 = arith.constant 0 : i32
    "tpu.region"() ({
      %run_scoped3A_13 = tpu.sem_alloc : memref<!tpu.dma_semaphore, #tpu.memory_space<semaphore_mem>>
      %dma_start3A = tpu.memref_slice %arg3[%run_scoped3A_4, %mul3A_2] : memref<2x102400xf32, #tpu.memory_space<hbm>> -> memref<1x3200xf32, #tpu.memory_space<hbm>>
      %dma_start3A_14 = tpu.memref_squeeze %dma_start3A : memref<1x3200xf32, #tpu.memory_space<hbm>> -> memref<3200xf32, #tpu.memory_space<hbm>>
      %dma_start3A_15 = tpu.memref_slice %arg3[%run_scoped3A_4, %mul3A_2] : memref<2x102400xf32, #tpu.memory_space<hbm>> -> memref<1x3200xf32, #tpu.memory_space<hbm>>
      %dma_start3A_16 = tpu.memref_squeeze %dma_start3A_15 : memref<1x3200xf32, #tpu.memory_space<hbm>> -> memref<3200xf32, #tpu.memory_space<hbm>>
      tpu.enqueue_dma source(%dma_start3A_16 : memref<3200xf32, #tpu.memory_space<hbm>>) target(%arg17 : memref<3200xf32, #tpu.memory_space<vmem>>) target_semaphore(%run_scoped3A_13 : memref<!tpu.dma_semaphore, #tpu.memory_space<semaphore_mem>>)
      %dma_wait3A = tpu.memref_slice %arg3[%run_scoped3A_4, %mul3A_2] : memref<2x102400xf32, #tpu.memory_space<hbm>> -> memref<1x3200xf32, #tpu.memory_space<hbm>>
      %dma_wait3A_17 = tpu.memref_squeeze %dma_wait3A : memref<1x3200xf32, #tpu.memory_space<hbm>> -> memref<3200xf32, #tpu.memory_space<hbm>>
      %dma_wait3A_18 = tpu.memref_slice %arg3[%run_scoped3A_4, %mul3A_2] : memref<2x102400xf32, #tpu.memory_space<hbm>> -> memref<1x3200xf32, #tpu.memory_space<hbm>>
      %dma_wait3A_19 = tpu.memref_squeeze %dma_wait3A_18 : memref<1x3200xf32, #tpu.memory_space<hbm>> -> memref<3200xf32, #tpu.memory_space<hbm>>
      tpu.wait_dma2 semaphore(%run_scoped3A_13 : memref<!tpu.dma_semaphore, #tpu.memory_space<semaphore_mem>>) src(%dma_wait3A_19 : memref<3200xf32, #tpu.memory_space<hbm>>) dst(%arg17 : memref<3200xf32, #tpu.memory_space<vmem>>)
      tpu.yield
    }) : () -> ()
    %run_scoped3A_5 = arith.constant 1 : i32
    "tpu.region"() ({
      %run_scoped3A_13 = tpu.sem_alloc : memref<!tpu.dma_semaphore, #tpu.memory_space<semaphore_mem>>
      %dma_start3A = tpu.memref_slice %arg3[%run_scoped3A_5, %mul3A_2] : memref<2x102400xf32, #tpu.memory_space<hbm>> -> memref<1x3200xf32, #tpu.memory_space<hbm>>
      %dma_start3A_14 = tpu.memref_squeeze %dma_start3A : memref<1x3200xf32, #tpu.memory_space<hbm>> -> memref<3200xf32, #tpu.memory_space<hbm>>
      %dma_start3A_15 = tpu.memref_slice %arg3[%run_scoped3A_5, %mul3A_2] : memref<2x102400xf32, #tpu.memory_space<hbm>> -> memref<1x3200xf32, #tpu.memory_space<hbm>>
      %dma_start3A_16 = tpu.memref_squeeze %dma_start3A_15 : memref<1x3200xf32, #tpu.memory_space<hbm>> -> memref<3200xf32, #tpu.memory_space<hbm>>
      tpu.enqueue_dma source(%dma_start3A_16 : memref<3200xf32, #tpu.memory_space<hbm>>) target(%arg18 : memref<3200xf32, #tpu.memory_space<vmem>>) target_semaphore(%run_scoped3A_13 : memref<!tpu.dma_semaphore, #tpu.memory_space<semaphore_mem>>)
      %dma_wait3A = tpu.memref_slice %arg3[%run_scoped3A_5, %mul3A_2] : memref<2x102400xf32, #tpu.memory_space<hbm>> -> memref<1x3200xf32, #tpu.memory_space<hbm>>
      %dma_wait3A_17 = tpu.memref_squeeze %dma_wait3A : memref<1x3200xf32, #tpu.memory_space<hbm>> -> memref<3200xf32, #tpu.memory_space<hbm>>
      %dma_wait3A_18 = tpu.memref_slice %arg3[%run_scoped3A_5, %mul3A_2] : memref<2x102400xf32, #tpu.memory_space<hbm>> -> memref<1x3200xf32, #tpu.memory_space<hbm>>
      %dma_wait3A_19 = tpu.memref_squeeze %dma_wait3A_18 : memref<1x3200xf32, #tpu.memory_space<hbm>> -> memref<3200xf32, #tpu.memory_space<hbm>>
      tpu.wait_dma2 semaphore(%run_scoped3A_13 : memref<!tpu.dma_semaphore, #tpu.memory_space<semaphore_mem>>) src(%dma_wait3A_19 : memref<3200xf32, #tpu.memory_space<hbm>>) dst(%arg18 : memref<3200xf32, #tpu.memory_space<vmem>>)
      tpu.yield
    }) : () -> ()
    "tpu.region"() ({
      %run_scoped3A_13 = tpu.sem_alloc : memref<!tpu.dma_semaphore, #tpu.memory_space<semaphore_mem>>
      %dma_start3A = tpu.memref_slice %arg4[%mul3A_2] : memref<102400xi32, #tpu.memory_space<hbm>> -> memref<3200xi32, #tpu.memory_space<hbm>>
      %dma_start3A_14 = tpu.memref_slice %arg4[%mul3A_2] : memref<102400xi32, #tpu.memory_space<hbm>> -> memref<3200xi32, #tpu.memory_space<hbm>>
      tpu.enqueue_dma source(%dma_start3A_14 : memref<3200xi32, #tpu.memory_space<hbm>>) target(%arg19 : memref<3200xi32, #tpu.memory_space<vmem>>) target_semaphore(%run_scoped3A_13 : memref<!tpu.dma_semaphore, #tpu.memory_space<semaphore_mem>>)
      %dma_wait3A = tpu.memref_slice %arg4[%mul3A_2] : memref<102400xi32, #tpu.memory_space<hbm>> -> memref<3200xi32, #tpu.memory_space<hbm>>
      %dma_wait3A_15 = tpu.memref_slice %arg4[%mul3A_2] : memref<102400xi32, #tpu.memory_space<hbm>> -> memref<3200xi32, #tpu.memory_space<hbm>>
      tpu.wait_dma2 semaphore(%run_scoped3A_13 : memref<!tpu.dma_semaphore, #tpu.memory_space<semaphore_mem>>) src(%dma_wait3A_15 : memref<3200xi32, #tpu.memory_space<hbm>>) dst(%arg19 : memref<3200xi32, #tpu.memory_space<vmem>>)
      tpu.yield
    }) : () -> ()
    %scan3A = arith.constant 0 : i32
    %scan3A_6 = arith.constant 0 : i32
    %scan3A_7 = arith.constant 100 : i32
    %scan3A_8 = arith.addi %scan3A_6, %scan3A_7 : i32
    %scan3A_9 = arith.constant 1 : i32
    scf.for %scan3A_13 = %scan3A_6 to %scan3A_8 step %scan3A_9  : i32 {
      %mul3A_14 = arith.constant 2 : i32
      %mul3A_15 = arith.muli %mul3A_14, %scan3A_13 : i32
      %mul3A_16 = arith.constant 16 : i32
      %mul3A_17 = arith.muli %mul3A_15, %mul3A_16 : i32
      %get3A = arith.index_cast %mul3A_17 : i32 to index
      %get3A_18 = tpu.vector_load %arg15[%get3A] {strides = array<i32>} : memref<3200xf32, #tpu.memory_space<vmem>>, vector<16xf32>,
      %get3A_19 = arith.index_cast %mul3A_17 : i32 to index
      %get3A_20 = tpu.vector_load %arg16[%get3A_19] {strides = array<i32>} : memref<3200xf32, #tpu.memory_space<vmem>>, vector<16xf32>,
      %add3A_21 = arith.addf %get3A_18, %get3A_20 : vector<16xf32>
      %get3A_22 = arith.index_cast %mul3A_17 : i32 to index
      %get3A_23 = tpu.vector_load %arg19[%get3A_22] {strides = array<i32>} : memref<3200xi32, #tpu.memory_space<vmem>>, vector<16xi32>,
      %gather3A = tpu.vector_load_idx %arg13[%get3A_23] : memref<16xf32, #tpu.memory_space<vmem>>[vector<16xi32>], vector<16xf32>,
      %gather3A_24 = tpu.vector_load_idx %arg14[%get3A_23] : memref<16xf32, #tpu.memory_space<vmem>>[vector<16xi32>], vector<16xf32>,
      %sub3A = arith.subf %add3A_21, %gather3A : vector<16xf32>
      %mul3A_25 = arith.mulf %sub3A, %gather3A_24 : vector<16xf32>
      %jit3A = arith.constant 0.000000e+00 : f32
      %jit3A_26 = arith.constant 4.095000e+03 : f32
      %max3A = vector.broadcast %jit3A : f32 to vector<16xf32>
      %max3A_27 = arith.maximumf %max3A, %mul3A_25 : vector<16xf32>
      %min3A = vector.broadcast %jit3A_26 : f32 to vector<16xf32>
      %min3A_28 = arith.minimumf %min3A, %max3A_27 : vector<16xf32>
      %convert_element_type3A = arith.fptosi %min3A_28 : vector<16xf32> to vector<16xi32>
      %convert_element_type3A_29 = arith.sitofp %convert_element_type3A : vector<16xi32> to vector<16xf32>
      %sub3A_30 = arith.subf %min3A_28, %convert_element_type3A_29 : vector<16xf32>
      %add3A_31 = arith.constant 1 : i32
      %add3A_32 = vector.broadcast %add3A_31 : i32 to vector<16xi32>
      %add3A_33 = arith.addi %convert_element_type3A, %add3A_32 : vector<16xi32>
      %min3A_34 = arith.constant 4095 : i32
      %min3A_35 = vector.broadcast %min3A_34 : i32 to vector<16xi32>
      %min3A_36 = arith.minsi %add3A_33, %min3A_35 : vector<16xi32>
      %mul3A_37 = arith.constant 4096 : i32
      %mul3A_38 = vector.broadcast %mul3A_37 : i32 to vector<16xi32>
      %mul3A_39 = arith.muli %get3A_23, %mul3A_38 : vector<16xi32>
      %add3A_40 = arith.addi %mul3A_39, %convert_element_type3A : vector<16xi32>
      %gather3A_41 = tpu.vector_load_idx %arg11[%add3A_40] : memref<12288xf32, #tpu.memory_space<vmem>>[vector<16xi32>], vector<16xf32>,
      %add3A_42 = arith.addi %mul3A_39, %min3A_36 : vector<16xi32>
      %gather3A_43 = tpu.vector_load_idx %arg11[%add3A_42] : memref<12288xf32, #tpu.memory_space<vmem>>[vector<16xi32>], vector<16xf32>,
      %add3A_44 = arith.addi %mul3A_39, %convert_element_type3A : vector<16xi32>
      %gather3A_45 = tpu.vector_load_idx %arg12[%add3A_44] : memref<12288xf32, #tpu.memory_space<vmem>>[vector<16xi32>], vector<16xf32>,
      %add3A_46 = arith.addi %mul3A_39, %min3A_36 : vector<16xi32>
      %gather3A_47 = tpu.vector_load_idx %arg12[%add3A_46] : memref<12288xf32, #tpu.memory_space<vmem>>[vector<16xi32>], vector<16xf32>,
      %sub3A_48 = arith.subf %gather3A_43, %gather3A_41 : vector<16xf32>
      %mul3A_49 = arith.mulf %sub3A_30, %sub3A_48 : vector<16xf32>
      %add3A_50 = arith.addf %gather3A_41, %mul3A_49 : vector<16xf32>
      %get3A_51 = arith.index_cast %mul3A_17 : i32 to index
      %get3A_52 = tpu.vector_load %arg17[%get3A_51] {strides = array<i32>} : memref<3200xf32, #tpu.memory_space<vmem>>, vector<16xf32>,
      %get3A_53 = arith.index_cast %mul3A_17 : i32 to index
      %get3A_54 = tpu.vector_load %arg18[%get3A_53] {strides = array<i32>} : memref<3200xf32, #tpu.memory_space<vmem>>, vector<16xf32>,
      %add3A_55 = arith.addf %get3A_52, %get3A_54 : vector<16xf32>
      %mul3A_56 = arith.constant 5.000000e-01 : f32
      %mul3A_57 = vector.broadcast %mul3A_56 : f32 to vector<16xf32>
      %mul3A_58 = arith.mulf %mul3A_57, %add3A_55 : vector<16xf32>
      %add3A_59 = arith.addf %add3A_50, %mul3A_58 : vector<16xf32>
      %swap3A = arith.index_cast %mul3A_17 : i32 to index
      %swap3A_60 = tpu.vector_load %arg20[%swap3A] {strides = array<i32>} : memref<3200xf32, #tpu.memory_space<vmem>>, vector<16xf32>,
      tpu.vector_store %arg20[%swap3A], %add3A_59 {strides = array<i32>} : memref<3200xf32, #tpu.memory_space<vmem>>, vector<16xf32>,
      %sub3A_61 = arith.subf %gather3A_47, %gather3A_45 : vector<16xf32>
      %mul3A_62 = arith.mulf %sub3A_30, %sub3A_61 : vector<16xf32>
      %add3A_63 = arith.addf %gather3A_45, %mul3A_62 : vector<16xf32>
      %mul3A_64 = arith.constant 2 : i32
      %mul3A_65 = arith.muli %mul3A_64, %scan3A_13 : i32
      %add3A_66 = arith.constant 1 : i32
      %add3A_67 = arith.addi %mul3A_65, %add3A_66 : i32
      %mul3A_68 = arith.constant 16 : i32
      %mul3A_69 = arith.muli %add3A_67, %mul3A_68 : i32
      %get3A_70 = arith.index_cast %mul3A_69 : i32 to index
      %get3A_71 = tpu.vector_load %arg15[%get3A_70] {strides = array<i32>} : memref<3200xf32, #tpu.memory_space<vmem>>, vector<16xf32>,
      %get3A_72 = arith.index_cast %mul3A_69 : i32 to index
      %get3A_73 = tpu.vector_load %arg16[%get3A_72] {strides = array<i32>} : memref<3200xf32, #tpu.memory_space<vmem>>, vector<16xf32>,
      %add3A_74 = arith.addf %get3A_71, %get3A_73 : vector<16xf32>
      %get3A_75 = arith.index_cast %mul3A_69 : i32 to index
      %get3A_76 = tpu.vector_load %arg19[%get3A_75] {strides = array<i32>} : memref<3200xi32, #tpu.memory_space<vmem>>, vector<16xi32>,
      %gather3A_77 = tpu.vector_load_idx %arg13[%get3A_76] : memref<16xf32, #tpu.memory_space<vmem>>[vector<16xi32>], vector<16xf32>,
      %gather3A_78 = tpu.vector_load_idx %arg14[%get3A_76] : memref<16xf32, #tpu.memory_space<vmem>>[vector<16xi32>], vector<16xf32>,
      %sub3A_79 = arith.subf %add3A_74, %gather3A_77 : vector<16xf32>
      %mul3A_80 = arith.mulf %sub3A_79, %gather3A_78 : vector<16xf32>
      %jit3A_81 = arith.constant 0.000000e+00 : f32
      %jit3A_82 = arith.constant 4.095000e+03 : f32
      %max3A_83 = vector.broadcast %jit3A_81 : f32 to vector<16xf32>
      %max3A_84 = arith.maximumf %max3A_83, %mul3A_80 : vector<16xf32>
      %min3A_85 = vector.broadcast %jit3A_82 : f32 to vector<16xf32>
      %min3A_86 = arith.minimumf %min3A_85, %max3A_84 : vector<16xf32>
      %convert_element_type3A_87 = arith.fptosi %min3A_86 : vector<16xf32> to vector<16xi32>
      %convert_element_type3A_88 = arith.sitofp %convert_element_type3A_87 : vector<16xi32> to vector<16xf32>
      %sub3A_89 = arith.subf %min3A_86, %convert_element_type3A_88 : vector<16xf32>
      %add3A_90 = arith.constant 1 : i32
      %add3A_91 = vector.broadcast %add3A_90 : i32 to vector<16xi32>
      %add3A_92 = arith.addi %convert_element_type3A_87, %add3A_91 : vector<16xi32>
      %min3A_93 = arith.constant 4095 : i32
      %min3A_94 = vector.broadcast %min3A_93 : i32 to vector<16xi32>
      %min3A_95 = arith.minsi %add3A_92, %min3A_94 : vector<16xi32>
      %mul3A_96 = arith.constant 4096 : i32
      %mul3A_97 = vector.broadcast %mul3A_96 : i32 to vector<16xi32>
      %mul3A_98 = arith.muli %get3A_76, %mul3A_97 : vector<16xi32>
      %add3A_99 = arith.addi %mul3A_98, %convert_element_type3A_87 : vector<16xi32>
      %gather3A_100 = tpu.vector_load_idx %arg11[%add3A_99] : memref<12288xf32, #tpu.memory_space<vmem>>[vector<16xi32>], vector<16xf32>,
      %add3A_101 = arith.addi %mul3A_98, %min3A_95 : vector<16xi32>
      %gather3A_102 = tpu.vector_load_idx %arg11[%add3A_101] : memref<12288xf32, #tpu.memory_space<vmem>>[vector<16xi32>], vector<16xf32>,
      %add3A_103 = arith.addi %mul3A_98, %convert_element_type3A_87 : vector<16xi32>
      %gather3A_104 = tpu.vector_load_idx %arg12[%add3A_103] : memref<12288xf32, #tpu.memory_space<vmem>>[vector<16xi32>], vector<16xf32>,
      %add3A_105 = arith.addi %mul3A_98, %min3A_95 : vector<16xi32>
      %gather3A_106 = tpu.vector_load_idx %arg12[%add3A_105] : memref<12288xf32, #tpu.memory_space<vmem>>[vector<16xi32>], vector<16xf32>,
      %sub3A_107 = arith.subf %gather3A_102, %gather3A_100 : vector<16xf32>
      %mul3A_108 = arith.mulf %sub3A_89, %sub3A_107 : vector<16xf32>
      %add3A_109 = arith.addf %gather3A_100, %mul3A_108 : vector<16xf32>
      %get3A_110 = arith.index_cast %mul3A_69 : i32 to index
      %get3A_111 = tpu.vector_load %arg17[%get3A_110] {strides = array<i32>} : memref<3200xf32, #tpu.memory_space<vmem>>, vector<16xf32>,
      %get3A_112 = arith.index_cast %mul3A_69 : i32 to index
      %get3A_113 = tpu.vector_load %arg18[%get3A_112] {strides = array<i32>} : memref<3200xf32, #tpu.memory_space<vmem>>, vector<16xf32>,
      %add3A_114 = arith.addf %get3A_111, %get3A_113 : vector<16xf32>
      %mul3A_115 = arith.constant 5.000000e-01 : f32
      %mul3A_116 = vector.broadcast %mul3A_115 : f32 to vector<16xf32>
      %mul3A_117 = arith.mulf %mul3A_116, %add3A_114 : vector<16xf32>
      %add3A_118 = arith.addf %add3A_109, %mul3A_117 : vector<16xf32>
      %swap3A_119 = arith.index_cast %mul3A_69 : i32 to index
      %swap3A_120 = tpu.vector_load %arg20[%swap3A_119] {strides = array<i32>} : memref<3200xf32, #tpu.memory_space<vmem>>, vector<16xf32>,
      tpu.vector_store %arg20[%swap3A_119], %add3A_118 {strides = array<i32>} : memref<3200xf32, #tpu.memory_space<vmem>>, vector<16xf32>,
      %sub3A_121 = arith.subf %gather3A_106, %gather3A_104 : vector<16xf32>
      %mul3A_122 = arith.mulf %sub3A_89, %sub3A_121 : vector<16xf32>
      %add3A_123 = arith.addf %gather3A_104, %mul3A_122 : vector<16xf32>
      %pack3A = tpu.pack_subelements %add3A_63, %add3A_123 {pack_format = #tpu.pack_format<interleaved>, positions = array<i32: 0, 1>} : vector<16xf32>, vector<16xf32> -> vector<32xbf16>
      %bitcast3A = vector.bitcast %pack3A : vector<32xbf16> to vector<16xi32>
      %mul3A_124 = arith.constant 16 : i32
      %mul3A_125 = arith.muli %scan3A_13, %mul3A_124 : i32
      %swap3A_126 = arith.index_cast %mul3A_125 : i32 to index
      %swap3A_127 = tpu.vector_load %arg21[%swap3A_126] {strides = array<i32>} : memref<1600xi32, #tpu.memory_space<vmem>>, vector<16xi32>,
      tpu.vector_store %arg21[%swap3A_126], %bitcast3A {strides = array<i32>} : memref<1600xi32, #tpu.memory_space<vmem>>, vector<16xi32>,
    }
    %scan3A_10 = arith.constant 100 : i32
    "tpu.region"() ({
      %run_scoped3A_13 = tpu.sem_alloc : memref<!tpu.dma_semaphore, #tpu.memory_space<semaphore_mem>>
      %dma_start3A = tpu.memref_slice %arg9[%mul3A_2] : memref<102400xf32, #tpu.memory_space<hbm>> -> memref<3200xf32, #tpu.memory_space<hbm>>
      %dma_start3A_14 = tpu.memref_slice %arg9[%mul3A_2] : memref<102400xf32, #tpu.memory_space<hbm>> -> memref<3200xf32, #tpu.memory_space<hbm>>
      tpu.enqueue_dma source(%arg20 : memref<3200xf32, #tpu.memory_space<vmem>>) target(%dma_start3A_14 : memref<3200xf32, #tpu.memory_space<hbm>>) target_semaphore(%run_scoped3A_13 : memref<!tpu.dma_semaphore, #tpu.memory_space<semaphore_mem>>)
      %dma_wait3A = tpu.memref_slice %arg9[%mul3A_2] : memref<102400xf32, #tpu.memory_space<hbm>> -> memref<3200xf32, #tpu.memory_space<hbm>>
      %dma_wait3A_15 = tpu.memref_slice %arg9[%mul3A_2] : memref<102400xf32, #tpu.memory_space<hbm>> -> memref<3200xf32, #tpu.memory_space<hbm>>
      tpu.wait_dma2 semaphore(%run_scoped3A_13 : memref<!tpu.dma_semaphore, #tpu.memory_space<semaphore_mem>>) src(%arg20 : memref<3200xf32, #tpu.memory_space<vmem>>) dst(%dma_wait3A_15 : memref<3200xf32, #tpu.memory_space<hbm>>)
      tpu.yield
    }) : () -> ()
    %mul3A_11 = arith.constant 1600 : i32
    %mul3A_12 = arith.muli %add3A, %mul3A_11 : i32
    "tpu.region"() ({
      %run_scoped3A_13 = tpu.sem_alloc : memref<!tpu.dma_semaphore, #tpu.memory_space<semaphore_mem>>
      %dma_start3A = tpu.memref_slice %arg10[%mul3A_12] : memref<51200xi32, #tpu.memory_space<hbm>> -> memref<1600xi32, #tpu.memory_space<hbm>>
      %dma_start3A_14 = tpu.memref_slice %arg10[%mul3A_12] : memref<51200xi32, #tpu.memory_space<hbm>> -> memref<1600xi32, #tpu.memory_space<hbm>>
      tpu.enqueue_dma source(%arg21 : memref<1600xi32, #tpu.memory_space<vmem>>) target(%dma_start3A_14 : memref<1600xi32, #tpu.memory_space<hbm>>) target_semaphore(%run_scoped3A_13 : memref<!tpu.dma_semaphore, #tpu.memory_space<semaphore_mem>>)
      %dma_wait3A = tpu.memref_slice %arg10[%mul3A_12] : memref<51200xi32, #tpu.memory_space<hbm>> -> memref<1600xi32, #tpu.memory_space<hbm>>
      %dma_wait3A_15 = tpu.memref_slice %arg10[%mul3A_12] : memref<51200xi32, #tpu.memory_space<hbm>> -> memref<1600xi32, #tpu.memory_space<hbm>>
      tpu.wait_dma2 semaphore(%run_scoped3A_13 : memref<!tpu.dma_semaphore, #tpu.memory_space<semaphore_mem>>) src(%arg21 : memref<1600xi32, #tpu.memory_space<vmem>>) dst(%dma_wait3A_15 : memref<1600xi32, #tpu.memory_space<hbm>>)
      tpu.yield
    }) : () -> ()
    return
  }
}

#map = affine_map<(d0, d1) -> (0)>
module attributes {stable_mosaic.version = 14 : i64} {
  func.func @k3(%arg0: i32, %arg1: i32, %arg2: memref<3200000xf32, #tpu.memory_space<hbm>>, %arg3: memref<3200000xi32, #tpu.memory_space<hbm>>, %arg4: memref<3200000xi32, #tpu.memory_space<hbm>>, %arg5: memref<6400xi32, #tpu.memory_space<hbm>>, %arg6: memref<24576xf32, #tpu.memory_space<hbm>>, %arg7: memref<36864xi32, #tpu.memory_space<hbm>>, %arg8: memref<51200xi32, #tpu.memory_space<hbm>>, %arg9: memref<3200000xf32, #tpu.memory_space<hbm>>, %arg10: memref<36864xi32, #tpu.memory_space<vmem>>, %arg11: memref<24576xf32, #tpu.memory_space<vmem>>, %arg12: memref<6400xi32, #tpu.memory_space<vmem>>, %arg13: memref<51200xi32, #tpu.memory_space<vmem>>, %arg14: memref<800xf32, #tpu.memory_space<vmem>>, %arg15: memref<800xf32, #tpu.memory_space<vmem>>, %arg16: memref<800xi32, #tpu.memory_space<vmem>>, %arg17: memref<800xi32, #tpu.memory_space<vmem>>, %arg18: memref<800xi32, #tpu.memory_space<vmem>>, %arg19: memref<800xi32, #tpu.memory_space<vmem>>, %arg20: memref<800xf32, #tpu.memory_space<vmem>>, %arg21: memref<800xf32, #tpu.memory_space<vmem>>, %arg22: memref<!tpu.dma_semaphore, #tpu.memory_space<semaphore_mem>>, %arg23: memref<!tpu.dma_semaphore, #tpu.memory_space<semaphore_mem>>, %arg24: memref<!tpu.dma_semaphore, #tpu.memory_space<semaphore_mem>>, %arg25: memref<!tpu.dma_semaphore, #tpu.memory_space<semaphore_mem>>) attributes {dimension_semantics = [#tpu.dimension_semantics<core_parallel>, #tpu.dimension_semantics<subcore_parallel>], iteration_bounds = array<i64: 2, 16>, scalar_prefetch = 0 : i64, scratch_operands = 16 : i64, tpu.core_type = #tpu.core_type<sc_vector_subcore>, window_params = [{transform_indices = #map}, {transform_indices = #map}, {transform_indices = #map}, {transform_indices = #map}, {transform_indices = #map}, {transform_indices = #map}, {transform_indices = #map}, {transform_indices = #map}]} {
    %mul3A = arith.constant 16 : i32
    %mul3A_0 = arith.muli %arg0, %mul3A : i32
    %add3A = arith.addi %mul3A_0, %arg1 : i32
    "tpu.region"() ({
      %run_scoped3A = tpu.sem_alloc : memref<!tpu.dma_semaphore, #tpu.memory_space<semaphore_mem>>
      tpu.enqueue_dma source(%arg7 : memref<36864xi32, #tpu.memory_space<hbm>>) target(%arg10 : memref<36864xi32, #tpu.memory_space<vmem>>) target_semaphore(%run_scoped3A : memref<!tpu.dma_semaphore, #tpu.memory_space<semaphore_mem>>)
      tpu.wait_dma2 semaphore(%run_scoped3A : memref<!tpu.dma_semaphore, #tpu.memory_space<semaphore_mem>>) src(%arg7 : memref<36864xi32, #tpu.memory_space<hbm>>) dst(%arg10 : memref<36864xi32, #tpu.memory_space<vmem>>)
      tpu.yield
    }) : () -> ()
    "tpu.region"() ({
      %run_scoped3A = tpu.sem_alloc : memref<!tpu.dma_semaphore, #tpu.memory_space<semaphore_mem>>
      tpu.enqueue_dma source(%arg6 : memref<24576xf32, #tpu.memory_space<hbm>>) target(%arg11 : memref<24576xf32, #tpu.memory_space<vmem>>) target_semaphore(%run_scoped3A : memref<!tpu.dma_semaphore, #tpu.memory_space<semaphore_mem>>)
      tpu.wait_dma2 semaphore(%run_scoped3A : memref<!tpu.dma_semaphore, #tpu.memory_space<semaphore_mem>>) src(%arg6 : memref<24576xf32, #tpu.memory_space<hbm>>) dst(%arg11 : memref<24576xf32, #tpu.memory_space<vmem>>)
      tpu.yield
    }) : () -> ()
    "tpu.region"() ({
      %run_scoped3A = tpu.sem_alloc : memref<!tpu.dma_semaphore, #tpu.memory_space<semaphore_mem>>
      tpu.enqueue_dma source(%arg5 : memref<6400xi32, #tpu.memory_space<hbm>>) target(%arg12 : memref<6400xi32, #tpu.memory_space<vmem>>) target_semaphore(%run_scoped3A : memref<!tpu.dma_semaphore, #tpu.memory_space<semaphore_mem>>)
      tpu.wait_dma2 semaphore(%run_scoped3A : memref<!tpu.dma_semaphore, #tpu.memory_space<semaphore_mem>>) src(%arg5 : memref<6400xi32, #tpu.memory_space<hbm>>) dst(%arg12 : memref<6400xi32, #tpu.memory_space<vmem>>)
      tpu.yield
    }) : () -> ()
    "tpu.region"() ({
      %run_scoped3A = tpu.sem_alloc : memref<!tpu.dma_semaphore, #tpu.memory_space<semaphore_mem>>
      tpu.enqueue_dma source(%arg8 : memref<51200xi32, #tpu.memory_space<hbm>>) target(%arg13 : memref<51200xi32, #tpu.memory_space<vmem>>) target_semaphore(%run_scoped3A : memref<!tpu.dma_semaphore, #tpu.memory_space<semaphore_mem>>)
      tpu.wait_dma2 semaphore(%run_scoped3A : memref<!tpu.dma_semaphore, #tpu.memory_space<semaphore_mem>>) src(%arg8 : memref<51200xi32, #tpu.memory_space<hbm>>) dst(%arg13 : memref<51200xi32, #tpu.memory_space<vmem>>)
      tpu.yield
    }) : () -> ()
    %mul3A_1 = arith.constant 100000 : i32
    %mul3A_2 = arith.muli %add3A, %mul3A_1 : i32
    %mul3A_3 = arith.constant 0 : i32
    %mul3A_4 = arith.constant 800 : i32
    %mul3A_5 = arith.muli %mul3A_3, %mul3A_4 : i32
    %add3A_6 = arith.addi %mul3A_2, %mul3A_5 : i32
    %dma_start3A = tpu.memref_slice %arg2[%add3A_6] : memref<3200000xf32, #tpu.memory_space<hbm>> -> memref<800xf32, #tpu.memory_space<hbm>>
    %dma_start3A_7 = tpu.memref_slice %arg2[%add3A_6] : memref<3200000xf32, #tpu.memory_space<hbm>> -> memref<800xf32, #tpu.memory_space<hbm>>
    tpu.enqueue_dma source(%dma_start3A_7 : memref<800xf32, #tpu.memory_space<hbm>>) target(%arg14 : memref<800xf32, #tpu.memory_space<vmem>>) target_semaphore(%arg22 : memref<!tpu.dma_semaphore, #tpu.memory_space<semaphore_mem>>)
    %dma_start3A_8 = tpu.memref_slice %arg3[%add3A_6] : memref<3200000xi32, #tpu.memory_space<hbm>> -> memref<800xi32, #tpu.memory_space<hbm>>
    %dma_start3A_9 = tpu.memref_slice %arg3[%add3A_6] : memref<3200000xi32, #tpu.memory_space<hbm>> -> memref<800xi32, #tpu.memory_space<hbm>>
    tpu.enqueue_dma source(%dma_start3A_9 : memref<800xi32, #tpu.memory_space<hbm>>) target(%arg16 : memref<800xi32, #tpu.memory_space<vmem>>) target_semaphore(%arg22 : memref<!tpu.dma_semaphore, #tpu.memory_space<semaphore_mem>>)
    %dma_start3A_10 = tpu.memref_slice %arg4[%add3A_6] : memref<3200000xi32, #tpu.memory_space<hbm>> -> memref<800xi32, #tpu.memory_space<hbm>>
    %dma_start3A_11 = tpu.memref_slice %arg4[%add3A_6] : memref<3200000xi32, #tpu.memory_space<hbm>> -> memref<800xi32, #tpu.memory_space<hbm>>
    tpu.enqueue_dma source(%dma_start3A_11 : memref<800xi32, #tpu.memory_space<hbm>>) target(%arg18 : memref<800xi32, #tpu.memory_space<vmem>>) target_semaphore(%arg22 : memref<!tpu.dma_semaphore, #tpu.memory_space<semaphore_mem>>)
    %mul3A_12 = arith.constant 1 : i32
    %mul3A_13 = arith.constant 800 : i32
    %mul3A_14 = arith.muli %mul3A_12, %mul3A_13 : i32
    %add3A_15 = arith.addi %mul3A_2, %mul3A_14 : i32
    %dma_start3A_16 = tpu.memref_slice %arg2[%add3A_15] : memref<3200000xf32, #tpu.memory_space<hbm>> -> memref<800xf32, #tpu.memory_space<hbm>>
    %dma_start3A_17 = tpu.memref_slice %arg2[%add3A_15] : memref<3200000xf32, #tpu.memory_space<hbm>> -> memref<800xf32, #tpu.memory_space<hbm>>
    tpu.enqueue_dma source(%dma_start3A_17 : memref<800xf32, #tpu.memory_space<hbm>>) target(%arg15 : memref<800xf32, #tpu.memory_space<vmem>>) target_semaphore(%arg23 : memref<!tpu.dma_semaphore, #tpu.memory_space<semaphore_mem>>)
    %dma_start3A_18 = tpu.memref_slice %arg3[%add3A_15] : memref<3200000xi32, #tpu.memory_space<hbm>> -> memref<800xi32, #tpu.memory_space<hbm>>
    %dma_start3A_19 = tpu.memref_slice %arg3[%add3A_15] : memref<3200000xi32, #tpu.memory_space<hbm>> -> memref<800xi32, #tpu.memory_space<hbm>>
    tpu.enqueue_dma source(%dma_start3A_19 : memref<800xi32, #tpu.memory_space<hbm>>) target(%arg17 : memref<800xi32, #tpu.memory_space<vmem>>) target_semaphore(%arg23 : memref<!tpu.dma_semaphore, #tpu.memory_space<semaphore_mem>>)
    %dma_start3A_20 = tpu.memref_slice %arg4[%add3A_15] : memref<3200000xi32, #tpu.memory_space<hbm>> -> memref<800xi32, #tpu.memory_space<hbm>>
    %dma_start3A_21 = tpu.memref_slice %arg4[%add3A_15] : memref<3200000xi32, #tpu.memory_space<hbm>> -> memref<800xi32, #tpu.memory_space<hbm>>
    tpu.enqueue_dma source(%dma_start3A_21 : memref<800xi32, #tpu.memory_space<hbm>>) target(%arg19 : memref<800xi32, #tpu.memory_space<vmem>>) target_semaphore(%arg23 : memref<!tpu.dma_semaphore, #tpu.memory_space<semaphore_mem>>)
    %scan3A = arith.constant 0 : i32
    %scan3A_22 = arith.constant 0 : i32
    %scan3A_23 = arith.constant 62 : i32
    %scan3A_24 = arith.addi %scan3A_22, %scan3A_23 : i32
    %scan3A_25 = arith.constant 1 : i32
    scf.for %scan3A_73 = %scan3A_22 to %scan3A_24 step %scan3A_25  : i32 {
      %mul3A_74 = arith.constant 2 : i32
      %mul3A_75 = arith.muli %scan3A_73, %mul3A_74 : i32
      %add3A_76 = arith.constant 0 : i32
      %add3A_77 = arith.addi %mul3A_75, %add3A_76 : i32
      %dma_wait3A_78 = arith.constant 0 : i32
      %dma_wait3A_79 = tpu.memref_slice %arg2[%dma_wait3A_78] : memref<3200000xf32, #tpu.memory_space<hbm>> -> memref<800xf32, #tpu.memory_space<hbm>>
      %dma_wait3A_80 = arith.constant 0 : i32
      %dma_wait3A_81 = tpu.memref_slice %arg2[%dma_wait3A_80] : memref<3200000xf32, #tpu.memory_space<hbm>> -> memref<800xf32, #tpu.memory_space<hbm>>
      tpu.wait_dma2 semaphore(%arg22 : memref<!tpu.dma_semaphore, #tpu.memory_space<semaphore_mem>>) src(%dma_wait3A_81 : memref<800xf32, #tpu.memory_space<hbm>>) dst(%arg14 : memref<800xf32, #tpu.memory_space<vmem>>)
      %dma_wait3A_82 = arith.constant 0 : i32
      %dma_wait3A_83 = tpu.memref_slice %arg3[%dma_wait3A_82] : memref<3200000xi32, #tpu.memory_space<hbm>> -> memref<800xi32, #tpu.memory_space<hbm>>
      %dma_wait3A_84 = arith.constant 0 : i32
      %dma_wait3A_85 = tpu.memref_slice %arg3[%dma_wait3A_84] : memref<3200000xi32, #tpu.memory_space<hbm>> -> memref<800xi32, #tpu.memory_space<hbm>>
      tpu.wait_dma2 semaphore(%arg22 : memref<!tpu.dma_semaphore, #tpu.memory_space<semaphore_mem>>) src(%dma_wait3A_85 : memref<800xi32, #tpu.memory_space<hbm>>) dst(%arg16 : memref<800xi32, #tpu.memory_space<vmem>>)
      %dma_wait3A_86 = arith.constant 0 : i32
      %dma_wait3A_87 = tpu.memref_slice %arg4[%dma_wait3A_86] : memref<3200000xi32, #tpu.memory_space<hbm>> -> memref<800xi32, #tpu.memory_space<hbm>>
      %dma_wait3A_88 = arith.constant 0 : i32
      %dma_wait3A_89 = tpu.memref_slice %arg4[%dma_wait3A_88] : memref<3200000xi32, #tpu.memory_space<hbm>> -> memref<800xi32, #tpu.memory_space<hbm>>
      tpu.wait_dma2 semaphore(%arg22 : memref<!tpu.dma_semaphore, #tpu.memory_space<semaphore_mem>>) src(%dma_wait3A_89 : memref<800xi32, #tpu.memory_space<hbm>>) dst(%arg18 : memref<800xi32, #tpu.memory_space<vmem>>)
      %ge3A_90 = arith.constant 2 : i32
      %ge3A_91 = arith.cmpi sge, %add3A_77, %ge3A_90 : i32
      %convert_element_type3A_92 = arith.extui %ge3A_91 : i1 to i32
      %cond3A_93 = arith.constant 0 : i32
      %cond3A_94 = arith.cmpi ne, %convert_element_type3A_92, %cond3A_93 : i32
      scf.if %cond3A_94 {
        %dma_wait3A_163 = arith.constant 0 : i32
        %dma_wait3A_164 = tpu.memref_slice %arg9[%dma_wait3A_163] : memref<3200000xf32, #tpu.memory_space<hbm>> -> memref<800xf32, #tpu.memory_space<hbm>>
        %dma_wait3A_165 = arith.constant 0 : i32
        %dma_wait3A_166 = tpu.memref_slice %arg9[%dma_wait3A_165] : memref<3200000xf32, #tpu.memory_space<hbm>> -> memref<800xf32, #tpu.memory_space<hbm>>
        tpu.wait_dma2 semaphore(%arg24 : memref<!tpu.dma_semaphore, #tpu.memory_space<semaphore_mem>>) src(%arg20 : memref<800xf32, #tpu.memory_space<vmem>>) dst(%dma_wait3A_166 : memref<800xf32, #tpu.memory_space<hbm>>)
      } else {
      }
      %scan3A_95 = arith.constant 0 : i32
      %scan3A_96 = arith.constant 0 : i32
      %scan3A_97 = arith.constant 50 : i32
      %scan3A_98 = arith.addi %scan3A_96, %scan3A_97 : i32
      %scan3A_99 = arith.constant 1 : i32
      scf.for %scan3A_163 = %scan3A_96 to %scan3A_98 step %scan3A_99  : i32 {
        %mul3A_164 = arith.constant 16 : i32
        %mul3A_165 = arith.muli %scan3A_163, %mul3A_164 : i32
        %get3A = arith.index_cast %mul3A_165 : i32 to index
        %get3A_166 = tpu.vector_load %arg16[%get3A] {strides = array<i32>} : memref<800xi32, #tpu.memory_space<vmem>>, vector<16xi32>,
        %get3A_167 = arith.index_cast %mul3A_165 : i32 to index
        %get3A_168 = tpu.vector_load %arg18[%get3A_167] {strides = array<i32>} : memref<800xi32, #tpu.memory_space<vmem>>, vector<16xi32>,
        %get3A_169 = arith.index_cast %mul3A_165 : i32 to index
        %get3A_170 = tpu.vector_load %arg14[%get3A_169] {strides = array<i32>} : memref<800xf32, #tpu.memory_space<vmem>>, vector<16xf32>,
        %min3A_171 = arith.constant 5.99999952 : f32
        %min3A_172 = vector.broadcast %min3A_171 : f32 to vector<16xf32>
        %min3A_173 = arith.minimumf %get3A_170, %min3A_172 : vector<16xf32>
        %mul3A_174 = arith.constant 1365.16663 : f32
        %mul3A_175 = vector.broadcast %mul3A_174 : f32 to vector<16xf32>
        %mul3A_176 = arith.mulf %min3A_173, %mul3A_175 : vector<16xf32>
        %convert_element_type3A_177 = arith.fptosi %mul3A_176 : vector<16xf32> to vector<16xi32>
        %convert_element_type3A_178 = arith.sitofp %convert_element_type3A_177 : vector<16xi32> to vector<16xf32>
        %sub3A = arith.subf %mul3A_176, %convert_element_type3A_178 : vector<16xf32>
        %add3A_179 = arith.constant 1 : i32
        %add3A_180 = vector.broadcast %add3A_179 : i32 to vector<16xi32>
        %add3A_181 = arith.addi %convert_element_type3A_177, %add3A_180 : vector<16xi32>
        %min3A_182 = arith.constant 8191 : i32
        %min3A_183 = vector.broadcast %min3A_182 : i32 to vector<16xi32>
        %min3A_184 = arith.minsi %add3A_181, %min3A_183 : vector<16xi32>
        %shift_right_logical3A = arith.constant 4 : i32
        %shift_right_logical3A_185 = vector.broadcast %shift_right_logical3A : i32 to vector<16xi32>
        %shift_right_logical3A_186 = arith.shrui %get3A_168, %shift_right_logical3A_185 : vector<16xi32>
        %gather3A = tpu.vector_load_idx %arg12[%shift_right_logical3A_186] : memref<6400xi32, #tpu.memory_space<vmem>>[vector<16xi32>], vector<16xi32>,
        %and3A = arith.constant 15 : i32
        %and3A_187 = vector.broadcast %and3A : i32 to vector<16xi32>
        %and3A_188 = arith.andi %get3A_168, %and3A_187 : vector<16xi32>
        %mul3A_189 = arith.constant 2 : i32
        %mul3A_190 = vector.broadcast %mul3A_189 : i32 to vector<16xi32>
        %mul3A_191 = arith.muli %and3A_188, %mul3A_190 : vector<16xi32>
        %shift_right_logical3A_192 = arith.shrui %gather3A, %mul3A_191 : vector<16xi32>
        %and3A_193 = arith.constant 3 : i32
        %and3A_194 = vector.broadcast %and3A_193 : i32 to vector<16xi32>
        %and3A_195 = arith.andi %shift_right_logical3A_192, %and3A_194 : vector<16xi32>
        %shift_right_logical3A_196 = arith.constant 4 : i32
        %shift_right_logical3A_197 = vector.broadcast %shift_right_logical3A_196 : i32 to vector<16xi32>
        %shift_right_logical3A_198 = arith.shrui %get3A_166, %shift_right_logical3A_197 : vector<16xi32>
        %gather3A_199 = tpu.vector_load_idx %arg12[%shift_right_logical3A_198] : memref<6400xi32, #tpu.memory_space<vmem>>[vector<16xi32>], vector<16xi32>,
        %and3A_200 = arith.constant 15 : i32
        %and3A_201 = vector.broadcast %and3A_200 : i32 to vector<16xi32>
        %and3A_202 = arith.andi %get3A_166, %and3A_201 : vector<16xi32>
        %mul3A_203 = arith.constant 2 : i32
        %mul3A_204 = vector.broadcast %mul3A_203 : i32 to vector<16xi32>
        %mul3A_205 = arith.muli %and3A_202, %mul3A_204 : vector<16xi32>
        %shift_right_logical3A_206 = arith.shrui %gather3A_199, %mul3A_205 : vector<16xi32>
        %and3A_207 = arith.constant 3 : i32
        %and3A_208 = vector.broadcast %and3A_207 : i32 to vector<16xi32>
        %and3A_209 = arith.andi %shift_right_logical3A_206, %and3A_208 : vector<16xi32>
        %mul3A_210 = arith.constant 3 : i32
        %mul3A_211 = vector.broadcast %mul3A_210 : i32 to vector<16xi32>
        %mul3A_212 = arith.muli %and3A_209, %mul3A_211 : vector<16xi32>
        %add3A_213 = arith.addi %mul3A_212, %and3A_195 : vector<16xi32>
        %mul3A_214 = arith.constant 8192 : i32
        %mul3A_215 = vector.broadcast %mul3A_214 : i32 to vector<16xi32>
        %mul3A_216 = arith.muli %add3A_213, %mul3A_215 : vector<16xi32>
        %add3A_217 = arith.addi %mul3A_216, %convert_element_type3A_177 : vector<16xi32>
        %add3A_218 = arith.addi %mul3A_216, %min3A_184 : vector<16xi32>
        %shift_right_logical3A_219 = arith.constant 1 : i32
        %shift_right_logical3A_220 = vector.broadcast %shift_right_logical3A_219 : i32 to vector<16xi32>
        %shift_right_logical3A_221 = arith.shrui %add3A_217, %shift_right_logical3A_220 : vector<16xi32>
        %gather3A_222 = tpu.vector_load_idx %arg10[%shift_right_logical3A_221] : memref<36864xi32, #tpu.memory_space<vmem>>[vector<16xi32>], vector<16xi32>,
        %shift_right_logical3A_223 = arith.constant 1 : i32
        %shift_right_logical3A_224 = vector.broadcast %shift_right_logical3A_223 : i32 to vector<16xi32>
        %shift_right_logical3A_225 = arith.shrui %add3A_218, %shift_right_logical3A_224 : vector<16xi32>
        %gather3A_226 = tpu.vector_load_idx %arg10[%shift_right_logical3A_225] : memref<36864xi32, #tpu.memory_space<vmem>>[vector<16xi32>], vector<16xi32>,
        %and3A_227 = arith.constant 1 : i32
        %and3A_228 = vector.broadcast %and3A_227 : i32 to vector<16xi32>
        %and3A_229 = arith.andi %add3A_217, %and3A_228 : vector<16xi32>
        %xor3A = arith.constant 1 : i32
        %xor3A_230 = vector.broadcast %xor3A : i32 to vector<16xi32>
        %xor3A_231 = arith.xori %and3A_229, %xor3A_230 : vector<16xi32>
        %shift_left3A = arith.constant 4 : i32
        %shift_left3A_232 = vector.broadcast %shift_left3A : i32 to vector<16xi32>
        %shift_left3A_233 = arith.shli %xor3A_231, %shift_left3A_232 : vector<16xi32>
        %shift_left3A_234 = arith.shli %gather3A_222, %shift_left3A_233 : vector<16xi32>
        %and3A_235 = arith.constant -65536 : i32
        %and3A_236 = vector.broadcast %and3A_235 : i32 to vector<16xi32>
        %and3A_237 = arith.andi %shift_left3A_234, %and3A_236 : vector<16xi32>
        %bitcast_convert_type3A = tpu.bitcast %and3A_237 : vector<16xi32> -> vector<16xf32>
        %and3A_238 = arith.constant 1 : i32
        %and3A_239 = vector.broadcast %and3A_238 : i32 to vector<16xi32>
        %and3A_240 = arith.andi %add3A_218, %and3A_239 : vector<16xi32>
        %xor3A_241 = arith.constant 1 : i32
        %xor3A_242 = vector.broadcast %xor3A_241 : i32 to vector<16xi32>
        %xor3A_243 = arith.xori %and3A_240, %xor3A_242 : vector<16xi32>
        %shift_left3A_244 = arith.constant 4 : i32
        %shift_left3A_245 = vector.broadcast %shift_left3A_244 : i32 to vector<16xi32>
        %shift_left3A_246 = arith.shli %xor3A_243, %shift_left3A_245 : vector<16xi32>
        %shift_left3A_247 = arith.shli %gather3A_226, %shift_left3A_246 : vector<16xi32>
        %and3A_248 = arith.constant -65536 : i32
        %and3A_249 = vector.broadcast %and3A_248 : i32 to vector<16xi32>
        %and3A_250 = arith.andi %shift_left3A_247, %and3A_249 : vector<16xi32>
        %bitcast_convert_type3A_251 = tpu.bitcast %and3A_250 : vector<16xi32> -> vector<16xf32>
        %sub3A_252 = arith.subf %bitcast_convert_type3A_251, %bitcast_convert_type3A : vector<16xf32>
        %mul3A_253 = arith.mulf %sub3A, %sub3A_252 : vector<16xf32>
        %add3A_254 = arith.addf %bitcast_convert_type3A, %mul3A_253 : vector<16xf32>
        %mul3A_255 = arith.constant 8192 : i32
        %mul3A_256 = vector.broadcast %mul3A_255 : i32 to vector<16xi32>
        %mul3A_257 = arith.muli %and3A_195, %mul3A_256 : vector<16xi32>
        %add3A_258 = arith.addi %mul3A_257, %convert_element_type3A_177 : vector<16xi32>
        %gather3A_259 = tpu.vector_load_idx %arg11[%add3A_258] : memref<24576xf32, #tpu.memory_space<vmem>>[vector<16xi32>], vector<16xf32>,
        %add3A_260 = arith.addi %mul3A_257, %min3A_184 : vector<16xi32>
        %gather3A_261 = tpu.vector_load_idx %arg11[%add3A_260] : memref<24576xf32, #tpu.memory_space<vmem>>[vector<16xi32>], vector<16xf32>,
        %sub3A_262 = arith.subf %gather3A_261, %gather3A_259 : vector<16xf32>
        %mul3A_263 = arith.mulf %sub3A, %sub3A_262 : vector<16xf32>
        %add3A_264 = arith.addf %gather3A_259, %mul3A_263 : vector<16xf32>
        %mul3A_265 = arith.constant 8192 : i32
        %mul3A_266 = vector.broadcast %mul3A_265 : i32 to vector<16xi32>
        %mul3A_267 = arith.muli %and3A_209, %mul3A_266 : vector<16xi32>
        %add3A_268 = arith.addi %mul3A_267, %convert_element_type3A_177 : vector<16xi32>
        %gather3A_269 = tpu.vector_load_idx %arg11[%add3A_268] : memref<24576xf32, #tpu.memory_space<vmem>>[vector<16xi32>], vector<16xf32>,
        %add3A_270 = arith.addi %mul3A_267, %min3A_184 : vector<16xi32>
        %gather3A_271 = tpu.vector_load_idx %arg11[%add3A_270] : memref<24576xf32, #tpu.memory_space<vmem>>[vector<16xi32>], vector<16xf32>,
        %sub3A_272 = arith.subf %gather3A_271, %gather3A_269 : vector<16xf32>
        %mul3A_273 = arith.mulf %sub3A, %sub3A_272 : vector<16xf32>
        %add3A_274 = arith.addf %gather3A_269, %mul3A_273 : vector<16xf32>
        %and3A_275 = arith.constant -32 : i32
        %and3A_276 = vector.broadcast %and3A_275 : i32 to vector<16xi32>
        %and3A_277 = arith.andi %get3A_166, %and3A_276 : vector<16xi32>
        %shift_right_logical3A_278 = arith.constant 1 : i32
        %shift_right_logical3A_279 = vector.broadcast %shift_right_logical3A_278 : i32 to vector<16xi32>
        %shift_right_logical3A_280 = arith.shrui %and3A_277, %shift_right_logical3A_279 : vector<16xi32>
        %and3A_281 = arith.constant 15 : i32
        %and3A_282 = vector.broadcast %and3A_281 : i32 to vector<16xi32>
        %and3A_283 = arith.andi %get3A_166, %and3A_282 : vector<16xi32>
        %or3A = arith.ori %shift_right_logical3A_280, %and3A_283 : vector<16xi32>
        %gather3A_284 = tpu.vector_load_idx %arg13[%or3A] : memref<51200xi32, #tpu.memory_space<vmem>>[vector<16xi32>], vector<16xi32>,
        %shift_right_logical3A_285 = arith.constant 4 : i32
        %shift_right_logical3A_286 = vector.broadcast %shift_right_logical3A_285 : i32 to vector<16xi32>
        %shift_right_logical3A_287 = arith.shrui %get3A_166, %shift_right_logical3A_286 : vector<16xi32>
        %and3A_288 = arith.constant 1 : i32
        %and3A_289 = vector.broadcast %and3A_288 : i32 to vector<16xi32>
        %and3A_290 = arith.andi %shift_right_logical3A_287, %and3A_289 : vector<16xi32>
        %xor3A_291 = arith.constant 1 : i32
        %xor3A_292 = vector.broadcast %xor3A_291 : i32 to vector<16xi32>
        %xor3A_293 = arith.xori %and3A_290, %xor3A_292 : vector<16xi32>
        %shift_left3A_294 = arith.constant 4 : i32
        %shift_left3A_295 = vector.broadcast %shift_left3A_294 : i32 to vector<16xi32>
        %shift_left3A_296 = arith.shli %xor3A_293, %shift_left3A_295 : vector<16xi32>
        %shift_left3A_297 = arith.shli %gather3A_284, %shift_left3A_296 : vector<16xi32>
        %and3A_298 = arith.constant -65536 : i32
        %and3A_299 = vector.broadcast %and3A_298 : i32 to vector<16xi32>
        %and3A_300 = arith.andi %shift_left3A_297, %and3A_299 : vector<16xi32>
        %bitcast_convert_type3A_301 = tpu.bitcast %and3A_300 : vector<16xi32> -> vector<16xf32>
        %mul3A_302 = arith.mulf %bitcast_convert_type3A_301, %add3A_264 : vector<16xf32>
        %add3A_303 = arith.addf %add3A_254, %mul3A_302 : vector<16xf32>
        %and3A_304 = arith.constant -32 : i32
        %and3A_305 = vector.broadcast %and3A_304 : i32 to vector<16xi32>
        %and3A_306 = arith.andi %get3A_168, %and3A_305 : vector<16xi32>
        %shift_right_logical3A_307 = arith.constant 1 : i32
        %shift_right_logical3A_308 = vector.broadcast %shift_right_logical3A_307 : i32 to vector<16xi32>
        %shift_right_logical3A_309 = arith.shrui %and3A_306, %shift_right_logical3A_308 : vector<16xi32>
        %and3A_310 = arith.constant 15 : i32
        %and3A_311 = vector.broadcast %and3A_310 : i32 to vector<16xi32>
        %and3A_312 = arith.andi %get3A_168, %and3A_311 : vector<16xi32>
        %or3A_313 = arith.ori %shift_right_logical3A_309, %and3A_312 : vector<16xi32>
        %gather3A_314 = tpu.vector_load_idx %arg13[%or3A_313] : memref<51200xi32, #tpu.memory_space<vmem>>[vector<16xi32>], vector<16xi32>,
        %shift_right_logical3A_315 = arith.constant 4 : i32
        %shift_right_logical3A_316 = vector.broadcast %shift_right_logical3A_315 : i32 to vector<16xi32>
        %shift_right_logical3A_317 = arith.shrui %get3A_168, %shift_right_logical3A_316 : vector<16xi32>
        %and3A_318 = arith.constant 1 : i32
        %and3A_319 = vector.broadcast %and3A_318 : i32 to vector<16xi32>
        %and3A_320 = arith.andi %shift_right_logical3A_317, %and3A_319 : vector<16xi32>
        %xor3A_321 = arith.constant 1 : i32
        %xor3A_322 = vector.broadcast %xor3A_321 : i32 to vector<16xi32>
        %xor3A_323 = arith.xori %and3A_320, %xor3A_322 : vector<16xi32>
        %shift_left3A_324 = arith.constant 4 : i32
        %shift_left3A_325 = vector.broadcast %shift_left3A_324 : i32 to vector<16xi32>
        %shift_left3A_326 = arith.shli %xor3A_323, %shift_left3A_325 : vector<16xi32>
        %shift_left3A_327 = arith.shli %gather3A_314, %shift_left3A_326 : vector<16xi32>
        %and3A_328 = arith.constant -65536 : i32
        %and3A_329 = vector.broadcast %and3A_328 : i32 to vector<16xi32>
        %and3A_330 = arith.andi %shift_left3A_327, %and3A_329 : vector<16xi32>
        %bitcast_convert_type3A_331 = tpu.bitcast %and3A_330 : vector<16xi32> -> vector<16xf32>
        %mul3A_332 = arith.mulf %bitcast_convert_type3A_331, %add3A_274 : vector<16xf32>
        %add3A_333 = arith.addf %add3A_303, %mul3A_332 : vector<16xf32>
        %swap3A = arith.index_cast %mul3A_165 : i32 to index
        %swap3A_334 = tpu.vector_load %arg20[%swap3A] {strides = array<i32>} : memref<800xf32, #tpu.memory_space<vmem>>, vector<16xf32>,
        tpu.vector_store %arg20[%swap3A], %add3A_333 {strides = array<i32>} : memref<800xf32, #tpu.memory_space<vmem>>, vector<16xf32>,
      }
      %scan3A_100 = arith.constant 50 : i32
      %mul3A_101 = arith.constant 800 : i32
      %mul3A_102 = arith.muli %add3A_77, %mul3A_101 : i32
      %add3A_103 = arith.addi %mul3A_2, %mul3A_102 : i32
      %dma_start3A_104 = tpu.memref_slice %arg9[%add3A_103] : memref<3200000xf32, #tpu.memory_space<hbm>> -> memref<800xf32, #tpu.memory_space<hbm>>
      %dma_start3A_105 = tpu.memref_slice %arg9[%add3A_103] : memref<3200000xf32, #tpu.memory_space<hbm>> -> memref<800xf32, #tpu.memory_space<hbm>>
      tpu.enqueue_dma source(%arg20 : memref<800xf32, #tpu.memory_space<vmem>>) target(%dma_start3A_105 : memref<800xf32, #tpu.memory_space<hbm>>) target_semaphore(%arg24 : memref<!tpu.dma_semaphore, #tpu.memory_space<semaphore_mem>>)
      %add3A_106 = arith.constant 2 : i32
      %add3A_107 = arith.addi %add3A_77, %add3A_106 : i32
      %min3A = arith.constant 124 : i32
      %min3A_108 = arith.minsi %add3A_107, %min3A : i32
      %mul3A_109 = arith.constant 800 : i32
      %mul3A_110 = arith.muli %min3A_108, %mul3A_109 : i32
      %add3A_111 = arith.addi %mul3A_2, %mul3A_110 : i32
      %dma_start3A_112 = tpu.memref_slice %arg2[%add3A_111] : memref<3200000xf32, #tpu.memory_space<hbm>> -> memref<800xf32, #tpu.memory_space<hbm>>
      %dma_start3A_113 = tpu.memref_slice %arg2[%add3A_111] : memref<3200000xf32, #tpu.memory_space<hbm>> -> memref<800xf32, #tpu.memory_space<hbm>>
      tpu.enqueue_dma source(%dma_start3A_113 : memref<800xf32, #tpu.memory_space<hbm>>) target(%arg14 : memref<800xf32, #tpu.memory_space<vmem>>) target_semaphore(%arg22 : memref<!tpu.dma_semaphore, #tpu.memory_space<semaphore_mem>>)
      %dma_start3A_114 = tpu.memref_slice %arg3[%add3A_111] : memref<3200000xi32, #tpu.memory_space<hbm>> -> memref<800xi32, #tpu.memory_space<hbm>>
      %dma_start3A_115 = tpu.memref_slice %arg3[%add3A_111] : memref<3200000xi32, #tpu.memory_space<hbm>> -> memref<800xi32, #tpu.memory_space<hbm>>
      tpu.enqueue_dma source(%dma_start3A_115 : memref<800xi32, #tpu.memory_space<hbm>>) target(%arg16 : memref<800xi32, #tpu.memory_space<vmem>>) target_semaphore(%arg22 : memref<!tpu.dma_semaphore, #tpu.memory_space<semaphore_mem>>)
      %dma_start3A_116 = tpu.memref_slice %arg4[%add3A_111] : memref<3200000xi32, #tpu.memory_space<hbm>> -> memref<800xi32, #tpu.memory_space<hbm>>
      %dma_start3A_117 = tpu.memref_slice %arg4[%add3A_111] : memref<3200000xi32, #tpu.memory_space<hbm>> -> memref<800xi32, #tpu.memory_space<hbm>>
      tpu.enqueue_dma source(%dma_start3A_117 : memref<800xi32, #tpu.memory_space<hbm>>) target(%arg18 : memref<800xi32, #tpu.memory_space<vmem>>) target_semaphore(%arg22 : memref<!tpu.dma_semaphore, #tpu.memory_space<semaphore_mem>>)
      %mul3A_118 = arith.constant 2 : i32
      %mul3A_119 = arith.muli %scan3A_73, %mul3A_118 : i32
      %add3A_120 = arith.constant 1 : i32
      %add3A_121 = arith.addi %mul3A_119, %add3A_120 : i32
      %dma_wait3A_122 = arith.constant 0 : i32
      %dma_wait3A_123 = tpu.memref_slice %arg2[%dma_wait3A_122] : memref<3200000xf32, #tpu.memory_space<hbm>> -> memref<800xf32, #tpu.memory_space<hbm>>
      %dma_wait3A_124 = arith.constant 0 : i32
      %dma_wait3A_125 = tpu.memref_slice %arg2[%dma_wait3A_124] : memref<3200000xf32, #tpu.memory_space<hbm>> -> memref<800xf32, #tpu.memory_space<hbm>>
      tpu.wait_dma2 semaphore(%arg23 : memref<!tpu.dma_semaphore, #tpu.memory_space<semaphore_mem>>) src(%dma_wait3A_125 : memref<800xf32, #tpu.memory_space<hbm>>) dst(%arg15 : memref<800xf32, #tpu.memory_space<vmem>>)
      %dma_wait3A_126 = arith.constant 0 : i32
      %dma_wait3A_127 = tpu.memref_slice %arg3[%dma_wait3A_126] : memref<3200000xi32, #tpu.memory_space<hbm>> -> memref<800xi32, #tpu.memory_space<hbm>>
      %dma_wait3A_128 = arith.constant 0 : i32
      %dma_wait3A_129 = tpu.memref_slice %arg3[%dma_wait3A_128] : memref<3200000xi32, #tpu.memory_space<hbm>> -> memref<800xi32, #tpu.memory_space<hbm>>
      tpu.wait_dma2 semaphore(%arg23 : memref<!tpu.dma_semaphore, #tpu.memory_space<semaphore_mem>>) src(%dma_wait3A_129 : memref<800xi32, #tpu.memory_space<hbm>>) dst(%arg17 : memref<800xi32, #tpu.memory_space<vmem>>)
      %dma_wait3A_130 = arith.constant 0 : i32
      %dma_wait3A_131 = tpu.memref_slice %arg4[%dma_wait3A_130] : memref<3200000xi32, #tpu.memory_space<hbm>> -> memref<800xi32, #tpu.memory_space<hbm>>
      %dma_wait3A_132 = arith.constant 0 : i32
      %dma_wait3A_133 = tpu.memref_slice %arg4[%dma_wait3A_132] : memref<3200000xi32, #tpu.memory_space<hbm>> -> memref<800xi32, #tpu.memory_space<hbm>>
      tpu.wait_dma2 semaphore(%arg23 : memref<!tpu.dma_semaphore, #tpu.memory_space<semaphore_mem>>) src(%dma_wait3A_133 : memref<800xi32, #tpu.memory_space<hbm>>) dst(%arg19 : memref<800xi32, #tpu.memory_space<vmem>>)
      %ge3A_134 = arith.constant 2 : i32
      %ge3A_135 = arith.cmpi sge, %add3A_121, %ge3A_134 : i32
      %convert_element_type3A_136 = arith.extui %ge3A_135 : i1 to i32
      %cond3A_137 = arith.constant 0 : i32
      %cond3A_138 = arith.cmpi ne, %convert_element_type3A_136, %cond3A_137 : i32
      scf.if %cond3A_138 {
        %dma_wait3A_163 = arith.constant 0 : i32
        %dma_wait3A_164 = tpu.memref_slice %arg9[%dma_wait3A_163] : memref<3200000xf32, #tpu.memory_space<hbm>> -> memref<800xf32, #tpu.memory_space<hbm>>
        %dma_wait3A_165 = arith.constant 0 : i32
        %dma_wait3A_166 = tpu.memref_slice %arg9[%dma_wait3A_165] : memref<3200000xf32, #tpu.memory_space<hbm>> -> memref<800xf32, #tpu.memory_space<hbm>>
        tpu.wait_dma2 semaphore(%arg25 : memref<!tpu.dma_semaphore, #tpu.memory_space<semaphore_mem>>) src(%arg21 : memref<800xf32, #tpu.memory_space<vmem>>) dst(%dma_wait3A_166 : memref<800xf32, #tpu.memory_space<hbm>>)
      } else {
      }
      %scan3A_139 = arith.constant 0 : i32
      %scan3A_140 = arith.constant 0 : i32
      %scan3A_141 = arith.constant 50 : i32
      %scan3A_142 = arith.addi %scan3A_140, %scan3A_141 : i32
      %scan3A_143 = arith.constant 1 : i32
      scf.for %scan3A_163 = %scan3A_140 to %scan3A_142 step %scan3A_143  : i32 {
        %mul3A_164 = arith.constant 16 : i32
        %mul3A_165 = arith.muli %scan3A_163, %mul3A_164 : i32
        %get3A = arith.index_cast %mul3A_165 : i32 to index
        %get3A_166 = tpu.vector_load %arg17[%get3A] {strides = array<i32>} : memref<800xi32, #tpu.memory_space<vmem>>, vector<16xi32>,
        %get3A_167 = arith.index_cast %mul3A_165 : i32 to index
        %get3A_168 = tpu.vector_load %arg19[%get3A_167] {strides = array<i32>} : memref<800xi32, #tpu.memory_space<vmem>>, vector<16xi32>,
        %get3A_169 = arith.index_cast %mul3A_165 : i32 to index
        %get3A_170 = tpu.vector_load %arg15[%get3A_169] {strides = array<i32>} : memref<800xf32, #tpu.memory_space<vmem>>, vector<16xf32>,
        %min3A_171 = arith.constant 5.99999952 : f32
        %min3A_172 = vector.broadcast %min3A_171 : f32 to vector<16xf32>
        %min3A_173 = arith.minimumf %get3A_170, %min3A_172 : vector<16xf32>
        %mul3A_174 = arith.constant 1365.16663 : f32
        %mul3A_175 = vector.broadcast %mul3A_174 : f32 to vector<16xf32>
        %mul3A_176 = arith.mulf %min3A_173, %mul3A_175 : vector<16xf32>
        %convert_element_type3A_177 = arith.fptosi %mul3A_176 : vector<16xf32> to vector<16xi32>
        %convert_element_type3A_178 = arith.sitofp %convert_element_type3A_177 : vector<16xi32> to vector<16xf32>
        %sub3A = arith.subf %mul3A_176, %convert_element_type3A_178 : vector<16xf32>
        %add3A_179 = arith.constant 1 : i32
        %add3A_180 = vector.broadcast %add3A_179 : i32 to vector<16xi32>
        %add3A_181 = arith.addi %convert_element_type3A_177, %add3A_180 : vector<16xi32>
        %min3A_182 = arith.constant 8191 : i32
        %min3A_183 = vector.broadcast %min3A_182 : i32 to vector<16xi32>
        %min3A_184 = arith.minsi %add3A_181, %min3A_183 : vector<16xi32>
        %shift_right_logical3A = arith.constant 4 : i32
        %shift_right_logical3A_185 = vector.broadcast %shift_right_logical3A : i32 to vector<16xi32>
        %shift_right_logical3A_186 = arith.shrui %get3A_168, %shift_right_logical3A_185 : vector<16xi32>
        %gather3A = tpu.vector_load_idx %arg12[%shift_right_logical3A_186] : memref<6400xi32, #tpu.memory_space<vmem>>[vector<16xi32>], vector<16xi32>,
        %and3A = arith.constant 15 : i32
        %and3A_187 = vector.broadcast %and3A : i32 to vector<16xi32>
        %and3A_188 = arith.andi %get3A_168, %and3A_187 : vector<16xi32>
        %mul3A_189 = arith.constant 2 : i32
        %mul3A_190 = vector.broadcast %mul3A_189 : i32 to vector<16xi32>
        %mul3A_191 = arith.muli %and3A_188, %mul3A_190 : vector<16xi32>
        %shift_right_logical3A_192 = arith.shrui %gather3A, %mul3A_191 : vector<16xi32>
        %and3A_193 = arith.constant 3 : i32
        %and3A_194 = vector.broadcast %and3A_193 : i32 to vector<16xi32>
        %and3A_195 = arith.andi %shift_right_logical3A_192, %and3A_194 : vector<16xi32>
        %shift_right_logical3A_196 = arith.constant 4 : i32
        %shift_right_logical3A_197 = vector.broadcast %shift_right_logical3A_196 : i32 to vector<16xi32>
        %shift_right_logical3A_198 = arith.shrui %get3A_166, %shift_right_logical3A_197 : vector<16xi32>
        %gather3A_199 = tpu.vector_load_idx %arg12[%shift_right_logical3A_198] : memref<6400xi32, #tpu.memory_space<vmem>>[vector<16xi32>], vector<16xi32>,
        %and3A_200 = arith.constant 15 : i32
        %and3A_201 = vector.broadcast %and3A_200 : i32 to vector<16xi32>
        %and3A_202 = arith.andi %get3A_166, %and3A_201 : vector<16xi32>
        %mul3A_203 = arith.constant 2 : i32
        %mul3A_204 = vector.broadcast %mul3A_203 : i32 to vector<16xi32>
        %mul3A_205 = arith.muli %and3A_202, %mul3A_204 : vector<16xi32>
        %shift_right_logical3A_206 = arith.shrui %gather3A_199, %mul3A_205 : vector<16xi32>
        %and3A_207 = arith.constant 3 : i32
        %and3A_208 = vector.broadcast %and3A_207 : i32 to vector<16xi32>
        %and3A_209 = arith.andi %shift_right_logical3A_206, %and3A_208 : vector<16xi32>
        %mul3A_210 = arith.constant 3 : i32
        %mul3A_211 = vector.broadcast %mul3A_210 : i32 to vector<16xi32>
        %mul3A_212 = arith.muli %and3A_209, %mul3A_211 : vector<16xi32>
        %add3A_213 = arith.addi %mul3A_212, %and3A_195 : vector<16xi32>
        %mul3A_214 = arith.constant 8192 : i32
        %mul3A_215 = vector.broadcast %mul3A_214 : i32 to vector<16xi32>
        %mul3A_216 = arith.muli %add3A_213, %mul3A_215 : vector<16xi32>
        %add3A_217 = arith.addi %mul3A_216, %convert_element_type3A_177 : vector<16xi32>
        %add3A_218 = arith.addi %mul3A_216, %min3A_184 : vector<16xi32>
        %shift_right_logical3A_219 = arith.constant 1 : i32
        %shift_right_logical3A_220 = vector.broadcast %shift_right_logical3A_219 : i32 to vector<16xi32>
        %shift_right_logical3A_221 = arith.shrui %add3A_217, %shift_right_logical3A_220 : vector<16xi32>
        %gather3A_222 = tpu.vector_load_idx %arg10[%shift_right_logical3A_221] : memref<36864xi32, #tpu.memory_space<vmem>>[vector<16xi32>], vector<16xi32>,
        %shift_right_logical3A_223 = arith.constant 1 : i32
        %shift_right_logical3A_224 = vector.broadcast %shift_right_logical3A_223 : i32 to vector<16xi32>
        %shift_right_logical3A_225 = arith.shrui %add3A_218, %shift_right_logical3A_224 : vector<16xi32>
        %gather3A_226 = tpu.vector_load_idx %arg10[%shift_right_logical3A_225] : memref<36864xi32, #tpu.memory_space<vmem>>[vector<16xi32>], vector<16xi32>,
        %and3A_227 = arith.constant 1 : i32
        %and3A_228 = vector.broadcast %and3A_227 : i32 to vector<16xi32>
        %and3A_229 = arith.andi %add3A_217, %and3A_228 : vector<16xi32>
        %xor3A = arith.constant 1 : i32
        %xor3A_230 = vector.broadcast %xor3A : i32 to vector<16xi32>
        %xor3A_231 = arith.xori %and3A_229, %xor3A_230 : vector<16xi32>
        %shift_left3A = arith.constant 4 : i32
        %shift_left3A_232 = vector.broadcast %shift_left3A : i32 to vector<16xi32>
        %shift_left3A_233 = arith.shli %xor3A_231, %shift_left3A_232 : vector<16xi32>
        %shift_left3A_234 = arith.shli %gather3A_222, %shift_left3A_233 : vector<16xi32>
        %and3A_235 = arith.constant -65536 : i32
        %and3A_236 = vector.broadcast %and3A_235 : i32 to vector<16xi32>
        %and3A_237 = arith.andi %shift_left3A_234, %and3A_236 : vector<16xi32>
        %bitcast_convert_type3A = tpu.bitcast %and3A_237 : vector<16xi32> -> vector<16xf32>
        %and3A_238 = arith.constant 1 : i32
        %and3A_239 = vector.broadcast %and3A_238 : i32 to vector<16xi32>
        %and3A_240 = arith.andi %add3A_218, %and3A_239 : vector<16xi32>
        %xor3A_241 = arith.constant 1 : i32
        %xor3A_242 = vector.broadcast %xor3A_241 : i32 to vector<16xi32>
        %xor3A_243 = arith.xori %and3A_240, %xor3A_242 : vector<16xi32>
        %shift_left3A_244 = arith.constant 4 : i32
        %shift_left3A_245 = vector.broadcast %shift_left3A_244 : i32 to vector<16xi32>
        %shift_left3A_246 = arith.shli %xor3A_243, %shift_left3A_245 : vector<16xi32>
        %shift_left3A_247 = arith.shli %gather3A_226, %shift_left3A_246 : vector<16xi32>
        %and3A_248 = arith.constant -65536 : i32
        %and3A_249 = vector.broadcast %and3A_248 : i32 to vector<16xi32>
        %and3A_250 = arith.andi %shift_left3A_247, %and3A_249 : vector<16xi32>
        %bitcast_convert_type3A_251 = tpu.bitcast %and3A_250 : vector<16xi32> -> vector<16xf32>
        %sub3A_252 = arith.subf %bitcast_convert_type3A_251, %bitcast_convert_type3A : vector<16xf32>
        %mul3A_253 = arith.mulf %sub3A, %sub3A_252 : vector<16xf32>
        %add3A_254 = arith.addf %bitcast_convert_type3A, %mul3A_253 : vector<16xf32>
        %mul3A_255 = arith.constant 8192 : i32
        %mul3A_256 = vector.broadcast %mul3A_255 : i32 to vector<16xi32>
        %mul3A_257 = arith.muli %and3A_195, %mul3A_256 : vector<16xi32>
        %add3A_258 = arith.addi %mul3A_257, %convert_element_type3A_177 : vector<16xi32>
        %gather3A_259 = tpu.vector_load_idx %arg11[%add3A_258] : memref<24576xf32, #tpu.memory_space<vmem>>[vector<16xi32>], vector<16xf32>,
        %add3A_260 = arith.addi %mul3A_257, %min3A_184 : vector<16xi32>
        %gather3A_261 = tpu.vector_load_idx %arg11[%add3A_260] : memref<24576xf32, #tpu.memory_space<vmem>>[vector<16xi32>], vector<16xf32>,
        %sub3A_262 = arith.subf %gather3A_261, %gather3A_259 : vector<16xf32>
        %mul3A_263 = arith.mulf %sub3A, %sub3A_262 : vector<16xf32>
        %add3A_264 = arith.addf %gather3A_259, %mul3A_263 : vector<16xf32>
        %mul3A_265 = arith.constant 8192 : i32
        %mul3A_266 = vector.broadcast %mul3A_265 : i32 to vector<16xi32>
        %mul3A_267 = arith.muli %and3A_209, %mul3A_266 : vector<16xi32>
        %add3A_268 = arith.addi %mul3A_267, %convert_element_type3A_177 : vector<16xi32>
        %gather3A_269 = tpu.vector_load_idx %arg11[%add3A_268] : memref<24576xf32, #tpu.memory_space<vmem>>[vector<16xi32>], vector<16xf32>,
        %add3A_270 = arith.addi %mul3A_267, %min3A_184 : vector<16xi32>
        %gather3A_271 = tpu.vector_load_idx %arg11[%add3A_270] : memref<24576xf32, #tpu.memory_space<vmem>>[vector<16xi32>], vector<16xf32>,
        %sub3A_272 = arith.subf %gather3A_271, %gather3A_269 : vector<16xf32>
        %mul3A_273 = arith.mulf %sub3A, %sub3A_272 : vector<16xf32>
        %add3A_274 = arith.addf %gather3A_269, %mul3A_273 : vector<16xf32>
        %and3A_275 = arith.constant -32 : i32
        %and3A_276 = vector.broadcast %and3A_275 : i32 to vector<16xi32>
        %and3A_277 = arith.andi %get3A_166, %and3A_276 : vector<16xi32>
        %shift_right_logical3A_278 = arith.constant 1 : i32
        %shift_right_logical3A_279 = vector.broadcast %shift_right_logical3A_278 : i32 to vector<16xi32>
        %shift_right_logical3A_280 = arith.shrui %and3A_277, %shift_right_logical3A_279 : vector<16xi32>
        %and3A_281 = arith.constant 15 : i32
        %and3A_282 = vector.broadcast %and3A_281 : i32 to vector<16xi32>
        %and3A_283 = arith.andi %get3A_166, %and3A_282 : vector<16xi32>
        %or3A = arith.ori %shift_right_logical3A_280, %and3A_283 : vector<16xi32>
        %gather3A_284 = tpu.vector_load_idx %arg13[%or3A] : memref<51200xi32, #tpu.memory_space<vmem>>[vector<16xi32>], vector<16xi32>,
        %shift_right_logical3A_285 = arith.constant 4 : i32
        %shift_right_logical3A_286 = vector.broadcast %shift_right_logical3A_285 : i32 to vector<16xi32>
        %shift_right_logical3A_287 = arith.shrui %get3A_166, %shift_right_logical3A_286 : vector<16xi32>
        %and3A_288 = arith.constant 1 : i32
        %and3A_289 = vector.broadcast %and3A_288 : i32 to vector<16xi32>
        %and3A_290 = arith.andi %shift_right_logical3A_287, %and3A_289 : vector<16xi32>
        %xor3A_291 = arith.constant 1 : i32
        %xor3A_292 = vector.broadcast %xor3A_291 : i32 to vector<16xi32>
        %xor3A_293 = arith.xori %and3A_290, %xor3A_292 : vector<16xi32>
        %shift_left3A_294 = arith.constant 4 : i32
        %shift_left3A_295 = vector.broadcast %shift_left3A_294 : i32 to vector<16xi32>
        %shift_left3A_296 = arith.shli %xor3A_293, %shift_left3A_295 : vector<16xi32>
        %shift_left3A_297 = arith.shli %gather3A_284, %shift_left3A_296 : vector<16xi32>
        %and3A_298 = arith.constant -65536 : i32
        %and3A_299 = vector.broadcast %and3A_298 : i32 to vector<16xi32>
        %and3A_300 = arith.andi %shift_left3A_297, %and3A_299 : vector<16xi32>
        %bitcast_convert_type3A_301 = tpu.bitcast %and3A_300 : vector<16xi32> -> vector<16xf32>
        %mul3A_302 = arith.mulf %bitcast_convert_type3A_301, %add3A_264 : vector<16xf32>
        %add3A_303 = arith.addf %add3A_254, %mul3A_302 : vector<16xf32>
        %and3A_304 = arith.constant -32 : i32
        %and3A_305 = vector.broadcast %and3A_304 : i32 to vector<16xi32>
        %and3A_306 = arith.andi %get3A_168, %and3A_305 : vector<16xi32>
        %shift_right_logical3A_307 = arith.constant 1 : i32
        %shift_right_logical3A_308 = vector.broadcast %shift_right_logical3A_307 : i32 to vector<16xi32>
        %shift_right_logical3A_309 = arith.shrui %and3A_306, %shift_right_logical3A_308 : vector<16xi32>
        %and3A_310 = arith.constant 15 : i32
        %and3A_311 = vector.broadcast %and3A_310 : i32 to vector<16xi32>
        %and3A_312 = arith.andi %get3A_168, %and3A_311 : vector<16xi32>
        %or3A_313 = arith.ori %shift_right_logical3A_309, %and3A_312 : vector<16xi32>
        %gather3A_314 = tpu.vector_load_idx %arg13[%or3A_313] : memref<51200xi32, #tpu.memory_space<vmem>>[vector<16xi32>], vector<16xi32>,
        %shift_right_logical3A_315 = arith.constant 4 : i32
        %shift_right_logical3A_316 = vector.broadcast %shift_right_logical3A_315 : i32 to vector<16xi32>
        %shift_right_logical3A_317 = arith.shrui %get3A_168, %shift_right_logical3A_316 : vector<16xi32>
        %and3A_318 = arith.constant 1 : i32
        %and3A_319 = vector.broadcast %and3A_318 : i32 to vector<16xi32>
        %and3A_320 = arith.andi %shift_right_logical3A_317, %and3A_319 : vector<16xi32>
        %xor3A_321 = arith.constant 1 : i32
        %xor3A_322 = vector.broadcast %xor3A_321 : i32 to vector<16xi32>
        %xor3A_323 = arith.xori %and3A_320, %xor3A_322 : vector<16xi32>
        %shift_left3A_324 = arith.constant 4 : i32
        %shift_left3A_325 = vector.broadcast %shift_left3A_324 : i32 to vector<16xi32>
        %shift_left3A_326 = arith.shli %xor3A_323, %shift_left3A_325 : vector<16xi32>
        %shift_left3A_327 = arith.shli %gather3A_314, %shift_left3A_326 : vector<16xi32>
        %and3A_328 = arith.constant -65536 : i32
        %and3A_329 = vector.broadcast %and3A_328 : i32 to vector<16xi32>
        %and3A_330 = arith.andi %shift_left3A_327, %and3A_329 : vector<16xi32>
        %bitcast_convert_type3A_331 = tpu.bitcast %and3A_330 : vector<16xi32> -> vector<16xf32>
        %mul3A_332 = arith.mulf %bitcast_convert_type3A_331, %add3A_274 : vector<16xf32>
        %add3A_333 = arith.addf %add3A_303, %mul3A_332 : vector<16xf32>
        %swap3A = arith.index_cast %mul3A_165 : i32 to index
        %swap3A_334 = tpu.vector_load %arg21[%swap3A] {strides = array<i32>} : memref<800xf32, #tpu.memory_space<vmem>>, vector<16xf32>,
        tpu.vector_store %arg21[%swap3A], %add3A_333 {strides = array<i32>} : memref<800xf32, #tpu.memory_space<vmem>>, vector<16xf32>,
      }
      %scan3A_144 = arith.constant 50 : i32
      %mul3A_145 = arith.constant 800 : i32
      %mul3A_146 = arith.muli %add3A_121, %mul3A_145 : i32
      %add3A_147 = arith.addi %mul3A_2, %mul3A_146 : i32
      %dma_start3A_148 = tpu.memref_slice %arg9[%add3A_147] : memref<3200000xf32, #tpu.memory_space<hbm>> -> memref<800xf32, #tpu.memory_space<hbm>>
      %dma_start3A_149 = tpu.memref_slice %arg9[%add3A_147] : memref<3200000xf32, #tpu.memory_space<hbm>> -> memref<800xf32, #tpu.memory_space<hbm>>
      tpu.enqueue_dma source(%arg21 : memref<800xf32, #tpu.memory_space<vmem>>) target(%dma_start3A_149 : memref<800xf32, #tpu.memory_space<hbm>>) target_semaphore(%arg25 : memref<!tpu.dma_semaphore, #tpu.memory_space<semaphore_mem>>)
      %add3A_150 = arith.constant 2 : i32
      %add3A_151 = arith.addi %add3A_121, %add3A_150 : i32
      %min3A_152 = arith.constant 124 : i32
      %min3A_153 = arith.minsi %add3A_151, %min3A_152 : i32
      %mul3A_154 = arith.constant 800 : i32
      %mul3A_155 = arith.muli %min3A_153, %mul3A_154 : i32
      %add3A_156 = arith.addi %mul3A_2, %mul3A_155 : i32
      %dma_start3A_157 = tpu.memref_slice %arg2[%add3A_156] : memref<3200000xf32, #tpu.memory_space<hbm>> -> memref<800xf32, #tpu.memory_space<hbm>>
      %dma_start3A_158 = tpu.memref_slice %arg2[%add3A_156] : memref<3200000xf32, #tpu.memory_space<hbm>> -> memref<800xf32, #tpu.memory_space<hbm>>
      tpu.enqueue_dma source(%dma_start3A_158 : memref<800xf32, #tpu.memory_space<hbm>>) target(%arg15 : memref<800xf32, #tpu.memory_space<vmem>>) target_semaphore(%arg23 : memref<!tpu.dma_semaphore, #tpu.memory_space<semaphore_mem>>)
      %dma_start3A_159 = tpu.memref_slice %arg3[%add3A_156] : memref<3200000xi32, #tpu.memory_space<hbm>> -> memref<800xi32, #tpu.memory_space<hbm>>
      %dma_start3A_160 = tpu.memref_slice %arg3[%add3A_156] : memref<3200000xi32, #tpu.memory_space<hbm>> -> memref<800xi32, #tpu.memory_space<hbm>>
      tpu.enqueue_dma source(%dma_start3A_160 : memref<800xi32, #tpu.memory_space<hbm>>) target(%arg17 : memref<800xi32, #tpu.memory_space<vmem>>) target_semaphore(%arg23 : memref<!tpu.dma_semaphore, #tpu.memory_space<semaphore_mem>>)
      %dma_start3A_161 = tpu.memref_slice %arg4[%add3A_156] : memref<3200000xi32, #tpu.memory_space<hbm>> -> memref<800xi32, #tpu.memory_space<hbm>>
      %dma_start3A_162 = tpu.memref_slice %arg4[%add3A_156] : memref<3200000xi32, #tpu.memory_space<hbm>> -> memref<800xi32, #tpu.memory_space<hbm>>
      tpu.enqueue_dma source(%dma_start3A_162 : memref<800xi32, #tpu.memory_space<hbm>>) target(%arg19 : memref<800xi32, #tpu.memory_space<vmem>>) target_semaphore(%arg23 : memref<!tpu.dma_semaphore, #tpu.memory_space<semaphore_mem>>)
    }
    %scan3A_26 = arith.constant 62 : i32
    %dma_wait3A = arith.constant 0 : i32
    %dma_wait3A_27 = tpu.memref_slice %arg2[%dma_wait3A] : memref<3200000xf32, #tpu.memory_space<hbm>> -> memref<800xf32, #tpu.memory_space<hbm>>
    %dma_wait3A_28 = arith.constant 0 : i32
    %dma_wait3A_29 = tpu.memref_slice %arg2[%dma_wait3A_28] : memref<3200000xf32, #tpu.memory_space<hbm>> -> memref<800xf32, #tpu.memory_space<hbm>>
    tpu.wait_dma2 semaphore(%arg22 : memref<!tpu.dma_semaphore, #tpu.memory_space<semaphore_mem>>) src(%dma_wait3A_29 : memref<800xf32, #tpu.memory_space<hbm>>) dst(%arg14 : memref<800xf32, #tpu.memory_space<vmem>>)
    %dma_wait3A_30 = arith.constant 0 : i32
    %dma_wait3A_31 = tpu.memref_slice %arg3[%dma_wait3A_30] : memref<3200000xi32, #tpu.memory_space<hbm>> -> memref<800xi32, #tpu.memory_space<hbm>>
    %dma_wait3A_32 = arith.constant 0 : i32
    %dma_wait3A_33 = tpu.memref_slice %arg3[%dma_wait3A_32] : memref<3200000xi32, #tpu.memory_space<hbm>> -> memref<800xi32, #tpu.memory_space<hbm>>
    tpu.wait_dma2 semaphore(%arg22 : memref<!tpu.dma_semaphore, #tpu.memory_space<semaphore_mem>>) src(%dma_wait3A_33 : memref<800xi32, #tpu.memory_space<hbm>>) dst(%arg16 : memref<800xi32, #tpu.memory_space<vmem>>)
    %dma_wait3A_34 = arith.constant 0 : i32
    %dma_wait3A_35 = tpu.memref_slice %arg4[%dma_wait3A_34] : memref<3200000xi32, #tpu.memory_space<hbm>> -> memref<800xi32, #tpu.memory_space<hbm>>
    %dma_wait3A_36 = arith.constant 0 : i32
    %dma_wait3A_37 = tpu.memref_slice %arg4[%dma_wait3A_36] : memref<3200000xi32, #tpu.memory_space<hbm>> -> memref<800xi32, #tpu.memory_space<hbm>>
    tpu.wait_dma2 semaphore(%arg22 : memref<!tpu.dma_semaphore, #tpu.memory_space<semaphore_mem>>) src(%dma_wait3A_37 : memref<800xi32, #tpu.memory_space<hbm>>) dst(%arg18 : memref<800xi32, #tpu.memory_space<vmem>>)
    %ge3A = arith.constant 124 : i32
    %ge3A_38 = arith.constant 2 : i32
    %ge3A_39 = arith.cmpi sge, %ge3A, %ge3A_38 : i32
    %convert_element_type3A = arith.extui %ge3A_39 : i1 to i32
    %cond3A = arith.constant 0 : i32
    %cond3A_40 = arith.cmpi ne, %convert_element_type3A, %cond3A : i32
    scf.if %cond3A_40 {
      %dma_wait3A_73 = arith.constant 0 : i32
      %dma_wait3A_74 = tpu.memref_slice %arg9[%dma_wait3A_73] : memref<3200000xf32, #tpu.memory_space<hbm>> -> memref<800xf32, #tpu.memory_space<hbm>>
      %dma_wait3A_75 = arith.constant 0 : i32
      %dma_wait3A_76 = tpu.memref_slice %arg9[%dma_wait3A_75] : memref<3200000xf32, #tpu.memory_space<hbm>> -> memref<800xf32, #tpu.memory_space<hbm>>
      tpu.wait_dma2 semaphore(%arg24 : memref<!tpu.dma_semaphore, #tpu.memory_space<semaphore_mem>>) src(%arg20 : memref<800xf32, #tpu.memory_space<vmem>>) dst(%dma_wait3A_76 : memref<800xf32, #tpu.memory_space<hbm>>)
    } else {
    }
    %scan3A_41 = arith.constant 0 : i32
    %scan3A_42 = arith.constant 0 : i32
    %scan3A_43 = arith.constant 50 : i32
    %scan3A_44 = arith.addi %scan3A_42, %scan3A_43 : i32
    %scan3A_45 = arith.constant 1 : i32
    scf.for %scan3A_73 = %scan3A_42 to %scan3A_44 step %scan3A_45  : i32 {
      %mul3A_74 = arith.constant 16 : i32
      %mul3A_75 = arith.muli %scan3A_73, %mul3A_74 : i32
      %get3A = arith.index_cast %mul3A_75 : i32 to index
      %get3A_76 = tpu.vector_load %arg16[%get3A] {strides = array<i32>} : memref<800xi32, #tpu.memory_space<vmem>>, vector<16xi32>,
      %get3A_77 = arith.index_cast %mul3A_75 : i32 to index
      %get3A_78 = tpu.vector_load %arg18[%get3A_77] {strides = array<i32>} : memref<800xi32, #tpu.memory_space<vmem>>, vector<16xi32>,
      %get3A_79 = arith.index_cast %mul3A_75 : i32 to index
      %get3A_80 = tpu.vector_load %arg14[%get3A_79] {strides = array<i32>} : memref<800xf32, #tpu.memory_space<vmem>>, vector<16xf32>,
      %min3A = arith.constant 5.99999952 : f32
      %min3A_81 = vector.broadcast %min3A : f32 to vector<16xf32>
      %min3A_82 = arith.minimumf %get3A_80, %min3A_81 : vector<16xf32>
      %mul3A_83 = arith.constant 1365.16663 : f32
      %mul3A_84 = vector.broadcast %mul3A_83 : f32 to vector<16xf32>
      %mul3A_85 = arith.mulf %min3A_82, %mul3A_84 : vector<16xf32>
      %convert_element_type3A_86 = arith.fptosi %mul3A_85 : vector<16xf32> to vector<16xi32>
      %convert_element_type3A_87 = arith.sitofp %convert_element_type3A_86 : vector<16xi32> to vector<16xf32>
      %sub3A = arith.subf %mul3A_85, %convert_element_type3A_87 : vector<16xf32>
      %add3A_88 = arith.constant 1 : i32
      %add3A_89 = vector.broadcast %add3A_88 : i32 to vector<16xi32>
      %add3A_90 = arith.addi %convert_element_type3A_86, %add3A_89 : vector<16xi32>
      %min3A_91 = arith.constant 8191 : i32
      %min3A_92 = vector.broadcast %min3A_91 : i32 to vector<16xi32>
      %min3A_93 = arith.minsi %add3A_90, %min3A_92 : vector<16xi32>
      %shift_right_logical3A = arith.constant 4 : i32
      %shift_right_logical3A_94 = vector.broadcast %shift_right_logical3A : i32 to vector<16xi32>
      %shift_right_logical3A_95 = arith.shrui %get3A_78, %shift_right_logical3A_94 : vector<16xi32>
      %gather3A = tpu.vector_load_idx %arg12[%shift_right_logical3A_95] : memref<6400xi32, #tpu.memory_space<vmem>>[vector<16xi32>], vector<16xi32>,
      %and3A = arith.constant 15 : i32
      %and3A_96 = vector.broadcast %and3A : i32 to vector<16xi32>
      %and3A_97 = arith.andi %get3A_78, %and3A_96 : vector<16xi32>
      %mul3A_98 = arith.constant 2 : i32
      %mul3A_99 = vector.broadcast %mul3A_98 : i32 to vector<16xi32>
      %mul3A_100 = arith.muli %and3A_97, %mul3A_99 : vector<16xi32>
      %shift_right_logical3A_101 = arith.shrui %gather3A, %mul3A_100 : vector<16xi32>
      %and3A_102 = arith.constant 3 : i32
      %and3A_103 = vector.broadcast %and3A_102 : i32 to vector<16xi32>
      %and3A_104 = arith.andi %shift_right_logical3A_101, %and3A_103 : vector<16xi32>
      %shift_right_logical3A_105 = arith.constant 4 : i32
      %shift_right_logical3A_106 = vector.broadcast %shift_right_logical3A_105 : i32 to vector<16xi32>
      %shift_right_logical3A_107 = arith.shrui %get3A_76, %shift_right_logical3A_106 : vector<16xi32>
      %gather3A_108 = tpu.vector_load_idx %arg12[%shift_right_logical3A_107] : memref<6400xi32, #tpu.memory_space<vmem>>[vector<16xi32>], vector<16xi32>,
      %and3A_109 = arith.constant 15 : i32
      %and3A_110 = vector.broadcast %and3A_109 : i32 to vector<16xi32>
      %and3A_111 = arith.andi %get3A_76, %and3A_110 : vector<16xi32>
      %mul3A_112 = arith.constant 2 : i32
      %mul3A_113 = vector.broadcast %mul3A_112 : i32 to vector<16xi32>
      %mul3A_114 = arith.muli %and3A_111, %mul3A_113 : vector<16xi32>
      %shift_right_logical3A_115 = arith.shrui %gather3A_108, %mul3A_114 : vector<16xi32>
      %and3A_116 = arith.constant 3 : i32
      %and3A_117 = vector.broadcast %and3A_116 : i32 to vector<16xi32>
      %and3A_118 = arith.andi %shift_right_logical3A_115, %and3A_117 : vector<16xi32>
      %mul3A_119 = arith.constant 3 : i32
      %mul3A_120 = vector.broadcast %mul3A_119 : i32 to vector<16xi32>
      %mul3A_121 = arith.muli %and3A_118, %mul3A_120 : vector<16xi32>
      %add3A_122 = arith.addi %mul3A_121, %and3A_104 : vector<16xi32>
      %mul3A_123 = arith.constant 8192 : i32
      %mul3A_124 = vector.broadcast %mul3A_123 : i32 to vector<16xi32>
      %mul3A_125 = arith.muli %add3A_122, %mul3A_124 : vector<16xi32>
      %add3A_126 = arith.addi %mul3A_125, %convert_element_type3A_86 : vector<16xi32>
      %add3A_127 = arith.addi %mul3A_125, %min3A_93 : vector<16xi32>
      %shift_right_logical3A_128 = arith.constant 1 : i32
      %shift_right_logical3A_129 = vector.broadcast %shift_right_logical3A_128 : i32 to vector<16xi32>
      %shift_right_logical3A_130 = arith.shrui %add3A_126, %shift_right_logical3A_129 : vector<16xi32>
      %gather3A_131 = tpu.vector_load_idx %arg10[%shift_right_logical3A_130] : memref<36864xi32, #tpu.memory_space<vmem>>[vector<16xi32>], vector<16xi32>,
      %shift_right_logical3A_132 = arith.constant 1 : i32
      %shift_right_logical3A_133 = vector.broadcast %shift_right_logical3A_132 : i32 to vector<16xi32>
      %shift_right_logical3A_134 = arith.shrui %add3A_127, %shift_right_logical3A_133 : vector<16xi32>
      %gather3A_135 = tpu.vector_load_idx %arg10[%shift_right_logical3A_134] : memref<36864xi32, #tpu.memory_space<vmem>>[vector<16xi32>], vector<16xi32>,
      %and3A_136 = arith.constant 1 : i32
      %and3A_137 = vector.broadcast %and3A_136 : i32 to vector<16xi32>
      %and3A_138 = arith.andi %add3A_126, %and3A_137 : vector<16xi32>
      %xor3A = arith.constant 1 : i32
      %xor3A_139 = vector.broadcast %xor3A : i32 to vector<16xi32>
      %xor3A_140 = arith.xori %and3A_138, %xor3A_139 : vector<16xi32>
      %shift_left3A = arith.constant 4 : i32
      %shift_left3A_141 = vector.broadcast %shift_left3A : i32 to vector<16xi32>
      %shift_left3A_142 = arith.shli %xor3A_140, %shift_left3A_141 : vector<16xi32>
      %shift_left3A_143 = arith.shli %gather3A_131, %shift_left3A_142 : vector<16xi32>
      %and3A_144 = arith.constant -65536 : i32
      %and3A_145 = vector.broadcast %and3A_144 : i32 to vector<16xi32>
      %and3A_146 = arith.andi %shift_left3A_143, %and3A_145 : vector<16xi32>
      %bitcast_convert_type3A = tpu.bitcast %and3A_146 : vector<16xi32> -> vector<16xf32>
      %and3A_147 = arith.constant 1 : i32
      %and3A_148 = vector.broadcast %and3A_147 : i32 to vector<16xi32>
      %and3A_149 = arith.andi %add3A_127, %and3A_148 : vector<16xi32>
      %xor3A_150 = arith.constant 1 : i32
      %xor3A_151 = vector.broadcast %xor3A_150 : i32 to vector<16xi32>
      %xor3A_152 = arith.xori %and3A_149, %xor3A_151 : vector<16xi32>
      %shift_left3A_153 = arith.constant 4 : i32
      %shift_left3A_154 = vector.broadcast %shift_left3A_153 : i32 to vector<16xi32>
      %shift_left3A_155 = arith.shli %xor3A_152, %shift_left3A_154 : vector<16xi32>
      %shift_left3A_156 = arith.shli %gather3A_135, %shift_left3A_155 : vector<16xi32>
      %and3A_157 = arith.constant -65536 : i32
      %and3A_158 = vector.broadcast %and3A_157 : i32 to vector<16xi32>
      %and3A_159 = arith.andi %shift_left3A_156, %and3A_158 : vector<16xi32>
      %bitcast_convert_type3A_160 = tpu.bitcast %and3A_159 : vector<16xi32> -> vector<16xf32>
      %sub3A_161 = arith.subf %bitcast_convert_type3A_160, %bitcast_convert_type3A : vector<16xf32>
      %mul3A_162 = arith.mulf %sub3A, %sub3A_161 : vector<16xf32>
      %add3A_163 = arith.addf %bitcast_convert_type3A, %mul3A_162 : vector<16xf32>
      %mul3A_164 = arith.constant 8192 : i32
      %mul3A_165 = vector.broadcast %mul3A_164 : i32 to vector<16xi32>
      %mul3A_166 = arith.muli %and3A_104, %mul3A_165 : vector<16xi32>
      %add3A_167 = arith.addi %mul3A_166, %convert_element_type3A_86 : vector<16xi32>
      %gather3A_168 = tpu.vector_load_idx %arg11[%add3A_167] : memref<24576xf32, #tpu.memory_space<vmem>>[vector<16xi32>], vector<16xf32>,
      %add3A_169 = arith.addi %mul3A_166, %min3A_93 : vector<16xi32>
      %gather3A_170 = tpu.vector_load_idx %arg11[%add3A_169] : memref<24576xf32, #tpu.memory_space<vmem>>[vector<16xi32>], vector<16xf32>,
      %sub3A_171 = arith.subf %gather3A_170, %gather3A_168 : vector<16xf32>
      %mul3A_172 = arith.mulf %sub3A, %sub3A_171 : vector<16xf32>
      %add3A_173 = arith.addf %gather3A_168, %mul3A_172 : vector<16xf32>
      %mul3A_174 = arith.constant 8192 : i32
      %mul3A_175 = vector.broadcast %mul3A_174 : i32 to vector<16xi32>
      %mul3A_176 = arith.muli %and3A_118, %mul3A_175 : vector<16xi32>
      %add3A_177 = arith.addi %mul3A_176, %convert_element_type3A_86 : vector<16xi32>
      %gather3A_178 = tpu.vector_load_idx %arg11[%add3A_177] : memref<24576xf32, #tpu.memory_space<vmem>>[vector<16xi32>], vector<16xf32>,
      %add3A_179 = arith.addi %mul3A_176, %min3A_93 : vector<16xi32>
      %gather3A_180 = tpu.vector_load_idx %arg11[%add3A_179] : memref<24576xf32, #tpu.memory_space<vmem>>[vector<16xi32>], vector<16xf32>,
      %sub3A_181 = arith.subf %gather3A_180, %gather3A_178 : vector<16xf32>
      %mul3A_182 = arith.mulf %sub3A, %sub3A_181 : vector<16xf32>
      %add3A_183 = arith.addf %gather3A_178, %mul3A_182 : vector<16xf32>
      %and3A_184 = arith.constant -32 : i32
      %and3A_185 = vector.broadcast %and3A_184 : i32 to vector<16xi32>
      %and3A_186 = arith.andi %get3A_76, %and3A_185 : vector<16xi32>
      %shift_right_logical3A_187 = arith.constant 1 : i32
      %shift_right_logical3A_188 = vector.broadcast %shift_right_logical3A_187 : i32 to vector<16xi32>
      %shift_right_logical3A_189 = arith.shrui %and3A_186, %shift_right_logical3A_188 : vector<16xi32>
      %and3A_190 = arith.constant 15 : i32
      %and3A_191 = vector.broadcast %and3A_190 : i32 to vector<16xi32>
      %and3A_192 = arith.andi %get3A_76, %and3A_191 : vector<16xi32>
      %or3A = arith.ori %shift_right_logical3A_189, %and3A_192 : vector<16xi32>
      %gather3A_193 = tpu.vector_load_idx %arg13[%or3A] : memref<51200xi32, #tpu.memory_space<vmem>>[vector<16xi32>], vector<16xi32>,
      %shift_right_logical3A_194 = arith.constant 4 : i32
      %shift_right_logical3A_195 = vector.broadcast %shift_right_logical3A_194 : i32 to vector<16xi32>
      %shift_right_logical3A_196 = arith.shrui %get3A_76, %shift_right_logical3A_195 : vector<16xi32>
      %and3A_197 = arith.constant 1 : i32
      %and3A_198 = vector.broadcast %and3A_197 : i32 to vector<16xi32>
      %and3A_199 = arith.andi %shift_right_logical3A_196, %and3A_198 : vector<16xi32>
      %xor3A_200 = arith.constant 1 : i32
      %xor3A_201 = vector.broadcast %xor3A_200 : i32 to vector<16xi32>
      %xor3A_202 = arith.xori %and3A_199, %xor3A_201 : vector<16xi32>
      %shift_left3A_203 = arith.constant 4 : i32
      %shift_left3A_204 = vector.broadcast %shift_left3A_203 : i32 to vector<16xi32>
      %shift_left3A_205 = arith.shli %xor3A_202, %shift_left3A_204 : vector<16xi32>
      %shift_left3A_206 = arith.shli %gather3A_193, %shift_left3A_205 : vector<16xi32>
      %and3A_207 = arith.constant -65536 : i32
      %and3A_208 = vector.broadcast %and3A_207 : i32 to vector<16xi32>
      %and3A_209 = arith.andi %shift_left3A_206, %and3A_208 : vector<16xi32>
      %bitcast_convert_type3A_210 = tpu.bitcast %and3A_209 : vector<16xi32> -> vector<16xf32>
      %mul3A_211 = arith.mulf %bitcast_convert_type3A_210, %add3A_173 : vector<16xf32>
      %add3A_212 = arith.addf %add3A_163, %mul3A_211 : vector<16xf32>
      %and3A_213 = arith.constant -32 : i32
      %and3A_214 = vector.broadcast %and3A_213 : i32 to vector<16xi32>
      %and3A_215 = arith.andi %get3A_78, %and3A_214 : vector<16xi32>
      %shift_right_logical3A_216 = arith.constant 1 : i32
      %shift_right_logical3A_217 = vector.broadcast %shift_right_logical3A_216 : i32 to vector<16xi32>
      %shift_right_logical3A_218 = arith.shrui %and3A_215, %shift_right_logical3A_217 : vector<16xi32>
      %and3A_219 = arith.constant 15 : i32
      %and3A_220 = vector.broadcast %and3A_219 : i32 to vector<16xi32>
      %and3A_221 = arith.andi %get3A_78, %and3A_220 : vector<16xi32>
      %or3A_222 = arith.ori %shift_right_logical3A_218, %and3A_221 : vector<16xi32>
      %gather3A_223 = tpu.vector_load_idx %arg13[%or3A_222] : memref<51200xi32, #tpu.memory_space<vmem>>[vector<16xi32>], vector<16xi32>,
      %shift_right_logical3A_224 = arith.constant 4 : i32
      %shift_right_logical3A_225 = vector.broadcast %shift_right_logical3A_224 : i32 to vector<16xi32>
      %shift_right_logical3A_226 = arith.shrui %get3A_78, %shift_right_logical3A_225 : vector<16xi32>
      %and3A_227 = arith.constant 1 : i32
      %and3A_228 = vector.broadcast %and3A_227 : i32 to vector<16xi32>
      %and3A_229 = arith.andi %shift_right_logical3A_226, %and3A_228 : vector<16xi32>
      %xor3A_230 = arith.constant 1 : i32
      %xor3A_231 = vector.broadcast %xor3A_230 : i32 to vector<16xi32>
      %xor3A_232 = arith.xori %and3A_229, %xor3A_231 : vector<16xi32>
      %shift_left3A_233 = arith.constant 4 : i32
      %shift_left3A_234 = vector.broadcast %shift_left3A_233 : i32 to vector<16xi32>
      %shift_left3A_235 = arith.shli %xor3A_232, %shift_left3A_234 : vector<16xi32>
      %shift_left3A_236 = arith.shli %gather3A_223, %shift_left3A_235 : vector<16xi32>
      %and3A_237 = arith.constant -65536 : i32
      %and3A_238 = vector.broadcast %and3A_237 : i32 to vector<16xi32>
      %and3A_239 = arith.andi %shift_left3A_236, %and3A_238 : vector<16xi32>
      %bitcast_convert_type3A_240 = tpu.bitcast %and3A_239 : vector<16xi32> -> vector<16xf32>
      %mul3A_241 = arith.mulf %bitcast_convert_type3A_240, %add3A_183 : vector<16xf32>
      %add3A_242 = arith.addf %add3A_212, %mul3A_241 : vector<16xf32>
      %swap3A = arith.index_cast %mul3A_75 : i32 to index
      %swap3A_243 = tpu.vector_load %arg20[%swap3A] {strides = array<i32>} : memref<800xf32, #tpu.memory_space<vmem>>, vector<16xf32>,
      tpu.vector_store %arg20[%swap3A], %add3A_242 {strides = array<i32>} : memref<800xf32, #tpu.memory_space<vmem>>, vector<16xf32>,
    }
    %scan3A_46 = arith.constant 50 : i32
    %mul3A_47 = arith.constant 124 : i32
    %mul3A_48 = arith.constant 800 : i32
    %mul3A_49 = arith.muli %mul3A_47, %mul3A_48 : i32
    %add3A_50 = arith.addi %mul3A_2, %mul3A_49 : i32
    %dma_start3A_51 = tpu.memref_slice %arg9[%add3A_50] : memref<3200000xf32, #tpu.memory_space<hbm>> -> memref<800xf32, #tpu.memory_space<hbm>>
    %dma_start3A_52 = tpu.memref_slice %arg9[%add3A_50] : memref<3200000xf32, #tpu.memory_space<hbm>> -> memref<800xf32, #tpu.memory_space<hbm>>
    tpu.enqueue_dma source(%arg20 : memref<800xf32, #tpu.memory_space<vmem>>) target(%dma_start3A_52 : memref<800xf32, #tpu.memory_space<hbm>>) target_semaphore(%arg24 : memref<!tpu.dma_semaphore, #tpu.memory_space<semaphore_mem>>)
    %dma_wait3A_53 = arith.constant 0 : i32
    %dma_wait3A_54 = tpu.memref_slice %arg2[%dma_wait3A_53] : memref<3200000xf32, #tpu.memory_space<hbm>> -> memref<800xf32, #tpu.memory_space<hbm>>
    %dma_wait3A_55 = arith.constant 0 : i32
    %dma_wait3A_56 = tpu.memref_slice %arg2[%dma_wait3A_55] : memref<3200000xf32, #tpu.memory_space<hbm>> -> memref<800xf32, #tpu.memory_space<hbm>>
    tpu.wait_dma2 semaphore(%arg23 : memref<!tpu.dma_semaphore, #tpu.memory_space<semaphore_mem>>) src(%dma_wait3A_56 : memref<800xf32, #tpu.memory_space<hbm>>) dst(%arg15 : memref<800xf32, #tpu.memory_space<vmem>>)
    %dma_wait3A_57 = arith.constant 0 : i32
    %dma_wait3A_58 = tpu.memref_slice %arg3[%dma_wait3A_57] : memref<3200000xi32, #tpu.memory_space<hbm>> -> memref<800xi32, #tpu.memory_space<hbm>>
    %dma_wait3A_59 = arith.constant 0 : i32
    %dma_wait3A_60 = tpu.memref_slice %arg3[%dma_wait3A_59] : memref<3200000xi32, #tpu.memory_space<hbm>> -> memref<800xi32, #tpu.memory_space<hbm>>
    tpu.wait_dma2 semaphore(%arg23 : memref<!tpu.dma_semaphore, #tpu.memory_space<semaphore_mem>>) src(%dma_wait3A_60 : memref<800xi32, #tpu.memory_space<hbm>>) dst(%arg17 : memref<800xi32, #tpu.memory_space<vmem>>)
    %dma_wait3A_61 = arith.constant 0 : i32
    %dma_wait3A_62 = tpu.memref_slice %arg4[%dma_wait3A_61] : memref<3200000xi32, #tpu.memory_space<hbm>> -> memref<800xi32, #tpu.memory_space<hbm>>
    %dma_wait3A_63 = arith.constant 0 : i32
    %dma_wait3A_64 = tpu.memref_slice %arg4[%dma_wait3A_63] : memref<3200000xi32, #tpu.memory_space<hbm>> -> memref<800xi32, #tpu.memory_space<hbm>>
    tpu.wait_dma2 semaphore(%arg23 : memref<!tpu.dma_semaphore, #tpu.memory_space<semaphore_mem>>) src(%dma_wait3A_64 : memref<800xi32, #tpu.memory_space<hbm>>) dst(%arg19 : memref<800xi32, #tpu.memory_space<vmem>>)
    %dma_wait3A_65 = arith.constant 0 : i32
    %dma_wait3A_66 = tpu.memref_slice %arg9[%dma_wait3A_65] : memref<3200000xf32, #tpu.memory_space<hbm>> -> memref<800xf32, #tpu.memory_space<hbm>>
    %dma_wait3A_67 = arith.constant 0 : i32
    %dma_wait3A_68 = tpu.memref_slice %arg9[%dma_wait3A_67] : memref<3200000xf32, #tpu.memory_space<hbm>> -> memref<800xf32, #tpu.memory_space<hbm>>
    tpu.wait_dma2 semaphore(%arg25 : memref<!tpu.dma_semaphore, #tpu.memory_space<semaphore_mem>>) src(%arg21 : memref<800xf32, #tpu.memory_space<vmem>>) dst(%dma_wait3A_68 : memref<800xf32, #tpu.memory_space<hbm>>)
    %dma_wait3A_69 = arith.constant 0 : i32
    %dma_wait3A_70 = tpu.memref_slice %arg9[%dma_wait3A_69] : memref<3200000xf32, #tpu.memory_space<hbm>> -> memref<800xf32, #tpu.memory_space<hbm>>
    %dma_wait3A_71 = arith.constant 0 : i32
    %dma_wait3A_72 = tpu.memref_slice %arg9[%dma_wait3A_71] : memref<3200000xf32, #tpu.memory_space<hbm>> -> memref<800xf32, #tpu.memory_space<hbm>>
    tpu.wait_dma2 semaphore(%arg24 : memref<!tpu.dma_semaphore, #tpu.memory_space<semaphore_mem>>) src(%arg20 : memref<800xf32, #tpu.memory_space<vmem>>) dst(%dma_wait3A_72 : memref<800xf32, #tpu.memory_space<hbm>>)
    return
  }
}

</mosaic_0001>

<sc_bundles>
// kernel: kernel.11.cloned.1.call-start
scs
__scs_entry_jumppad:
0x0: {  	(pc) =	sbr.rel $0x88, $3  }
0x1: {  	(tag) =	ssettag $0x0;
	lr =	simm.s32 $0x1  }
0x2: {  	[smem:$0x3F96] =	sst lr;
	_ =	strace $0xD0000000  }
0x3: {  	_ = 	snop  }
0x4: {  	_ = 	snop  }
0x5: {  	_ = 	snop  }
0x6: {  	_ = 	snop  }
0x7: {  	_ = 	snop  }
__scs_overlays_trampoline_lowered:
0x8: {  	[smem:$0x3FA5] =	sst s0  }
0x9: {  	[smem:$0x3FA6] =	sst s1  }
0xa: {  	[smem:$0x3FA7] =	sst s2  }
0xb: {  	[smem:$0x3FA8] =	sst s3  }
0xc: {  	[smem:$0x3FA9] =	sst s4  }
0xd: {  	[smem:$0x3FAA] =	sst s5  }
0xe: {  	[smem:$0x3FAB] =	sst s6  }
0xf: {  	[smem:$0x3FAC] =	sst s7  }
0x10: {  	[smem:$0x3FAD] =	sst s8  }
0x11: {  	[smem:$0x3FAE] =	sst s9;
	s0 =	simm.s32 @!p0 $0x0  }
0x12: {  	s1 =	sld [smem:$0x3F94];
	s0 =	simm.s32 @p0 $0x1  }
0x13: {  	[smem:$0x3FAF] =	sst s0;
	s0 =	simm.s32 @!p1 $0x0  }
0x14: {  	s2 =	sld [smem:$0x3F93];
	s0 =	simm.s32 @p1 $0x1  }
0x15: {  	[smem:$0x3FB0] =	sst s0;
	s0 =	simm.s32 @!p2 $0x0  }
0x16: {  	s3 =	sld [smem:$0x3FDB];
	s0 =	simm.s32 @p2 $0x1  }
0x17: {  	s4 =	simm.s32 $0x1BF5;
	[smem:$0x3FB2] =	sst s0  }
0x18: {  	s0 =	sld [smem:$0x3F95];
	_ =	swait.ge [sflag:s4], $0x0  }
0x19: {  	s7 =	sld [smem:$0x3F96]  }
0x1a: {  	s8 =	sadd.s32 $0xFFFFE003, lr  }
0x1b: {  	s9 =	sadd.s32 $0xFFFFFEF7, lr;
	s5 =	simm.s32 $0xFFFFFFFF;
	p2 =	slt.u32 s8, $0xFFFFF086  }
0x1c: {  	p1 =	slt.u32 s9, $0xF7A;
	s5 =	simm.s32 @!p2 $0x0  }
0x1d: {  	s5 =	simm.s32 @p1 $0x1;
	p0 =	seq.s32 s7, s2  }
0x1e: {  	s7 =	smul.u32 @!p0 $0xF7A, s2;
	p2 =	seq.s32 @!p0 s5, $0x0  }
0x1f: {  	s9 =	smul.u32 $0xF7A, s1;
	s8 =	simm.s32 @!p0 $0x1BF5;
	p2 =	por !p2, p0  }
0x20: {  	[sflag:s8] =	ssyncset.s32 @!p0 $0xFFFFF086;
	s6 =	sadd.s32 @!p0 s3, s7;
	s7 =	simm.s32 @!p0 $0x108  }
0x21: {  	s3 =	sadd.s32 s3, s9;
	s6 =	sadd.s32 @!p0 $0x88, s6;
	s7 =	simm.s32 @p2 $0x1082  }
0x22: {  	[simem:s7], [sflag:s8] =	dma.local @!p0 [hbm:s6], $0xF7A  }
0x23: {  	s9 =	sor.u32 $0xD0000000, s2;
	s6 =	simm.s32 $0x108;
	_ =	swait.ge @!p0 [sflag:s8], $0x0  }
0x24: {  	s3 =	sadd.s32 $0x88, s3;
	s6 =	simm.s32 @!p1 $0x1082;
	[sflag:s4] =	ssyncset.s32 $0xFFFFF086  }
0x25: {  	[simem:s6], [sflag:s4] =	dma.local [hbm:s3], $0xF7A  }
0x26: {  	[smem:$0x3F96] =	sst s1;
	(tag) =	ssettag s2;
	_ =	strace s9  }
0x27: {  	s1 =	sld [smem:$0x3FA6]  }
0x28: {  	s2 =	sld [smem:$0x3FA7]  }
0x29: {  	s4 =	sld [smem:$0x3FA9]  }
0x2a: {  	p0 =	seq.s32 s5, $0x0;
	s5 =	sld [smem:$0x3FAA]  }
0x2b: {  	s6 =	sld [smem:$0x3FAB]  }
0x2c: {  	s7 =	sld [smem:$0x3FAC]  }
0x2d: {  	s3 =	simm.s32 $0x108;
	s8 =	sld [smem:$0x3FAD]  }
0x2e: {  	s3 =	simm.s32 @!p0 $0x1082;
	s9 =	sld [smem:$0x3FAE]  }
0x2f: {  	lr =	sadd.s32 s0, s3;
	s0 =	sld [smem:$0x3FA5]  }
0x30: {  	s3 =	sld [smem:$0x3FA8]  }
0x31: {  	[smem:$0x3FB1] =	sst s10  }
0x32: {  	s10 =	sld [smem:$0x3FAF];
	_ =	sdelay $0x3  }
0x33: {  	p0 =	seq.s32 s10, $0x1;
	s10 =	sld [smem:$0x3FB1];
	_ =	sdelay $0x3  }
0x34: {  	[smem:$0x3FB1] =	sst s10  }
0x35: {  	s10 =	sld [smem:$0x3FB0];
	_ =	sdelay $0x3  }
0x36: {  	p1 =	seq.s32 s10, $0x1;
	s10 =	sld [smem:$0x3FB1];
	_ =	sdelay $0x3  }
0x37: {  	[smem:$0x3FB1] =	sst s10  }
0x38: {  	s10 =	sld [smem:$0x3FB2]  }
0x39: {  	_ = 	snop;
	(pc) =	sbr.ind lr, $3  }
0x3a: {  	_ = 	snop  }
0x3b: {  	_ = 	snop  }
0x3c: {  	p2 =	seq.s32 s10, $0x1;
	s10 =	sld [smem:$0x3FB1]  }
0x3d: {  	_ =	shalt  }
0x3e: {  	_ =	shalt  }
0x3f: {  	_ =	shalt  }
0x40: {  	_ =	shalt  }
0x41: {  	_ =	shalt  }
0x42: {  	_ =	shalt  }
0x43: {  	_ =	shalt  }
0x44: {  	_ =	shalt  }
0x45: {  	_ =	shalt  }
0x46: {  	_ =	shalt  }
0x47: {  	_ =	shalt  }
0x48: {  	_ =	shalt  }
0x49: {  	_ =	shalt  }
0x4a: {  	_ =	shalt  }
0x4b: {  	_ =	shalt  }
0x4c: {  	_ =	shalt  }
0x4d: {  	_ =	shalt  }
0x4e: {  	_ =	shalt  }
0x4f: {  	_ =	shalt  }
0x50: {  	_ =	shalt  }
0x51: {  	_ =	shalt  }
0x52: {  	_ =	shalt  }
0x53: {  	_ =	shalt  }
0x54: {  	_ =	shalt  }
0x55: {  	_ =	shalt  }
0x56: {  	_ =	shalt  }
0x57: {  	_ =	shalt  }
0x58: {  	_ =	shalt  }
0x59: {  	_ =	shalt  }
0x5a: {  	_ =	shalt  }
0x5b: {  	_ =	shalt  }
0x5c: {  	_ =	shalt  }
0x5d: {  	_ =	shalt  }
0x5e: {  	_ =	shalt  }
0x5f: {  	_ =	shalt  }
0x60: {  	_ =	shalt  }
0x61: {  	_ =	shalt  }
0x62: {  	_ =	shalt  }
0x63: {  	_ =	shalt  }
0x64: {  	_ =	shalt  }
0x65: {  	_ =	shalt  }
0x66: {  	_ =	shalt  }
0x67: {  	_ =	shalt  }
0x68: {  	_ =	shalt  }
0x69: {  	_ =	shalt  }
0x6a: {  	_ =	shalt  }
0x6b: {  	_ =	shalt  }
0x6c: {  	_ =	shalt  }
0x6d: {  	_ =	shalt  }
0x6e: {  	_ =	shalt  }
0x6f: {  	_ =	shalt  }
0x70: {  	_ =	shalt  }
0x71: {  	_ =	shalt  }
0x72: {  	_ =	shalt  }
0x73: {  	_ =	shalt  }
0x74: {  	_ =	shalt  }
0x75: {  	_ =	shalt  }
0x76: {  	_ =	shalt  }
0x77: {  	_ =	shalt  }
0x78: {  	_ =	shalt  }
0x79: {  	_ =	shalt  }
0x7a: {  	_ =	shalt  }
0x7b: {  	_ =	shalt  }
0x7c: {  	_ =	shalt  }
0x7d: {  	_ =	shalt  }
0x7e: {  	_ =	shalt  }
0x7f: {  	_ =	shalt  }
0x80: {  	_ =	shalt  }
0x81: {  	_ =	shalt  }
0x82: {  	_ =	shalt  }
0x83: {  	_ =	shalt  }
0x84: {  	_ =	shalt  }
0x85: {  	_ =	shalt  }
0x86: {  	_ =	shalt  }
0x87: {  	_ =	shalt  }
.Lfunc_end0:
.L_simem_size_0:
called_computation.2_lowered:
.L_overlay_start_0:
0x88: {  	s2 =	sld [smem:$0x3FD9]  }
0x89: {  	s3 =	sld [smem:$0x3FFE];
	_ =	sdelay $0x1  }
0x8a: {  	s1 =	srdreg.scid  }
0x8b: {  	s0 =	sand.u32 $0x1, s1  }
0x8c: {  	s17 =	sshll.u32 s0, $0xA;
	s2 =	sadd.s32 s3, s2  }
0x8d: {  	s2 =	sadd.s32 s2, s17  }
0x8e: {  	[smem:$0x3FBD] =	sst s2  }
0x8f: {  	_ = 	snop  }
0x90: {  	s2 =	sld [smem:$0x3FC9]  }
0x91: {  	s18 =	sld [smem:$0x3FD0];
	(tm) =	ssettm $0x1  }
0x92: {  	s4 =	sld [smem:$0x3FFB];
	_ =	sdelay $0x3  }
0x93: {  	_ =	strace s4  }
0x94: {  	s4 =	sld [smem:$0x3FFC];
	_ =	sdelay $0x3  }
0x95: {  	_ =	strace s4  }
0x96: {  	s4 =	sld [smem:$0x3FFD];
	_ =	sdelay $0x3  }
0x97: {  	_ =	strace s4  }
0x98: {  	_ =	strace $0x8FFFFFFF  }
0x99: {  	s19 =	sld [smem:$0x3FDB];
	_ =	sdelay $0x1  }
0x9a: {  	s5 =	simm.s32 $_scs_section_size  }
0x9b: {  	s6 =	simm.s32 $_size__tile_overlayer_lowered;
	s7 =	simm.s32 $_tile_overlayer_lowered  }
0x9c: {  	s22 =	simm.s32 $0x1BFF;
	s21 =	sshll.u32 s7, $0x1;
	s4 =	sadd.s32 s5, s19  }
0x9d: {  	s8 =	simm.s32 $0x0;
	s20 =	sshll.u32 s6, $0x1;
	s6 =	sadd.s32 s21, s4  }
0x9e: {  	[timem:s8], [sflag:s22] =	dma.local [hbm:s6], s20  }
0x9f: {  	_ =	swait.ge [sflag:s22], s20  }
0xa0: {  	s5 =	ssub.s32 $0x0, s20;
	[sflag:s22] =	ssyncset.done $0x0  }
0xa1: {  	[sflag:s22] =	ssyncadd.s32 s5;
	_ =	sdelay $0x1  }
0xa2: {  	s23 =	simm.s32 $0x1B8B  }
0xa3: {  	_ =	swait.ge [sflag:s23], $0x1  }
0xa4: {  	[sflag:s23] =	ssyncset.done $0x0  }
0xa5: {  	s25 =	simm.s32 $0x1B8E;
	s24 =	sld [smem:$0x3FFE];
	[sflag:s23] =	ssyncadd.s32 $0xFFFFFFFF  }
0xa6: {  	s26 =	simm.s32 $execute0_lowered;
	[smem:$0x3FD2] =	sst s25  }
0xa7: {  	s6 =	sshll.u32 s26, $0x1;
	_ =	strace $0x8000004C;
	[dreg:$0x1] =	wrdreg $0xFFFFFFFF  }
0xa8: {  	s28 =	simm.s32 $_size_execute0_lowered;
	s4 =	sadd.s32 s4, s6;
	[dreg:$0x0] =	wrdreg $0x0  }
0xa9: {  	s6 =	sshll.u32 s28, $0x1;
	[dreg:$0x2] =	wrdreg s4  }
0xaa: {  	[dreg:$0x3] =	wrdreg s6  }
0xab: {  	[dreg:$0x4] =	wrdreg $0xC0  }
0xac: {  	_ =	task [dreg:s8], $0x5FFFF  }
0xad: {  	[dreg:$0x1] =	wrdreg $0xFFFFFFFF  }
0xae: {  	[dreg:$0x0] =	wrdreg $0x60  }
0xaf: {  	[dreg:$0x2] =	wrdreg s2  }
0xb0: {  	[dreg:$0x3] =	wrdreg s24  }
0xb1: {  	[dreg:$0x4] =	wrdreg s18  }
0xb2: {  	[dreg:$0x5] =	wrdreg $0x9  }
0xb3: {  	_ =	task.clear_ibuf [dreg:s8], $0x6FFFF;
	_ =	strace $0x9000004C  }
0xb4: {  	s29 =	simm.s32 $0x9;
	_ =	strace $0x8000004E  }
0xb5: {  	_ =	swait.ge [sflag:s29], $0x1  }
0xb6: {  	[sflag:s29] =	ssyncadd.s32 $0xFFFFFFFF  }
0xb7: {  	_ =	strace $0x9000004E  }
0xb8: {  	_ =	sfence  }
0xb9: {  	s30 =	sld [smem:$0x0];
	_ =	sdelay $0x2  }
0xba: {  	s31 =	sshll.u32 s1, $0xD;
	s1 =	sshrl.u32 s1, $0x2  }
0xbb: {  	s3 =	sand.u32 $0x4000, s31;
	s1 =	sadd.s32 s1, s30  }
0xbc: {  	s0 =	sor.u32 s3, s0;
	s1 =	sshll.u32 s1, $0x11  }
0xbd: {  	s0 =	sor.u32 s1, s0  }
0xbe: {  	s0 =	sadd.s32 $0x8F2B, s0  }
0xbf: {  	[sflag:s0] =	ssyncadd.remote.s32 $0x1  }
0xc0: {  	_ =	sfence.sel $0xFFFF  }
0xc1: {  	[dreg:$0x0] =	wrdreg $0xFFFFFFFF;
	(pc) =	sbr.abs _section_cstart, $3  }
0xc2: {  	[dreg:$0x1] =	wrdreg $0xFFFFFFFF  }
0xc3: {  	_ =	task.clear_ibuf [dreg:s8], $0x2FFFF;
	_ =	strace $0x9FFFFFFF  }
0xc4: {  	(tm) =	ssettm $0x7FFFFFFF  }
0xc5: {  	_ =	shalt  }
tec
execute0_lowered:
.L_overlay_start_1:
0x0: {  	(tag) =	ssettag $0x1  }
0x1: {  	s1 =	rddreg [dreg:$0x0]  }
0x2: {  	s0 =	rddreg [dreg:$0x1]  }
0x3: {  	s2 =	rddreg [dreg:$0x2]  }
0x4: {  	s3 =	simm.s32 $0x0;
	s4 =	srdreg.scid;
	s7 =	stileid.u32  }
0x5: {  	s28 =	simm.s32 $0x1D100;
	s29 =	simm.s32 $0x1D800;
	s30 =	simm.s32 $0x1DF00  }
0x6: {  	s31 =	simm.s32 $0x1D480;
	s10 =	simm.s32 $0x1E980;
	s13 =	simm.s32 $0x3  }
0x7: {  	[smem:$0x7FF] =	sst s3;
	s4 =	sand.u32 $0x1, s4;
	s5 =	sadd.s32 $0x8800, s0  }
0x8: {  	s8 =	sadd.s32 $0x8400, s0;
	s15 =	sadd.s32 $0x3C00, s0;
	s16 =	sadd.s32 $0x7AE00, s0  }
0x9: {  	s17 =	sadd.s32 $0x2200, s0;
	_ =	strace $0x8000004D;
	[dreg:$0x4] =	wrdreg s8  }
0xa: {  	s11 =	sadd.s32 $0x7C000, s0;
	s6 =	sshll.u32 s4, $0x4;
	[dreg:$0x5] =	wrdreg s15  }
0xb: {  	[dreg:$0x6] =	wrdreg s16;
	s18 =	ssub.s32 $0x2, s4;
	s6 =	sor.u32 s7, s6  }
0xc: {  	[dreg:$0x7] =	wrdreg s17;
	s4 =	sshrl.u32 s18, $0x1;
	s9 =	smul.u32 $0x186A0, s6  }
0xd: {  	s8 =	simm.s32 $0x2;
	s15 =	simm.s32 $0x0;
	s0 =	ssub.s32 s18, s4  }
0xe: {  	s7 =	simm.s32 $0x1E600;
	s0 =	smax.u32 s0, $0x1;
	s19 =	sshrl.u32 s9, $0x3  }
0xf: {  	s6 =	simm.s32 $0x1;
	[dreg:$0xf] =	wrdreg s0;
	s20 =	sadd.s32 s1, s19  }
0x10: {  	s12 =	sadd.s32 $0x320, s9;
	s22 =	sadd.s32 s5, s19;
	[dreg:$0x8] =	wrdreg s20  }
0x11: {  	s21 =	sshrl.u32 s12, $0x3;
	s23 =	sadd.s32 s2, s19;
	[dreg:$0x9] =	wrdreg s22  }
0x12: {  	s0 =	simm.s32 $0x1DB80;
	[dreg:$0xa] =	wrdreg s23;
	s24 =	sadd.s32 s1, s21  }
0x13: {  	s26 =	sadd.s32 s11, s19;
	s25 =	sadd.s32 s5, s21;
	[dreg:$0xb] =	wrdreg s24  }
0x14: {  	s19 =	sadd.s32 $0x640, s9;
	s4 =	sadd.s32 s2, s21;
	[dreg:$0xc] =	wrdreg s25  }
0x15: {  	s20 =	sadd.s32 $0x960, s9;
	s23 =	simm.s32 $0x5;
	[dreg:$0xd] =	wrdreg s4  }
0x16: {  	s4 =	sadd.s32 $0x3070, s26;
	s24 =	simm.s32 $0x9000;
	s25 =	simm.s32 $0xF000  }
0x17: {  	s26 =	simm.s32 $0x10900;
	[dreg:$0xe] =	wrdreg s4;
	s4 =	simm.s32 $0x1E280  }
.LBB2_1:
0x18: {  	s14 =	rddreg [dreg:$0x6]  }
0x19: {  	[tilespmem:s3], [sflag:$0x5] =	stream.linear.gather [hbm4b:s14+s3], $0x9000, $0x38;
	[tilespmem:$0x1ED00] =	vst v63  }
0x1a: {  	_ =	swait.ge [sflag:s23], $0x9000  }
0x1b: {  	[sflag:s23] =	ssyncset.done $0x0  }
0x1c: {  	s17 =	rddreg [dreg:$0x5];
	[sflag:s23] =	ssyncadd.s32 $0xFFFF7000  }
0x1d: {  	[tilespmem:s24], [sflag:$0x5] =	stream.linear.gather [hbm4b:s17+s3], $0x6000, $0x38;
	[tilespmem:$0x1ED00] =	vst v63  }
0x1e: {  	_ =	swait.ge [sflag:s23], $0x6000  }
0x1f: {  	[sflag:s23] =	ssyncset.done $0x0  }
0x20: {  	s18 =	rddreg [dreg:$0x4];
	[sflag:s23] =	ssyncadd.s32 $0xFFFFA000  }
0x21: {  	[tilespmem:s25], [sflag:$0x5] =	stream.linear.gather [hbm4b:s18+s3], $0x1900, $0x38;
	[tilespmem:$0x1ED00] =	vst v63  }
0x22: {  	_ =	swait.ge [sflag:s23], $0x1900  }
0x23: {  	[sflag:s23] =	ssyncset.done $0x0  }
0x24: {  	s21 =	rddreg [dreg:$0x7];
	[sflag:s23] =	ssyncadd.s32 $0xFFFFE700  }
0x25: {  	[tilespmem:s26], [sflag:$0x5] =	stream.linear.gather [hbm4b:s21+s3], $0xC800, $0x38;
	[tilespmem:$0x1ED00] =	vst v63  }
0x26: {  	_ =	swait.ge [sflag:s23], $0xC800  }
0x27: {  	[sflag:s23] =	ssyncset.done $0x0  }
0x28: {  	s22 =	rddreg [dreg:$0x8];
	[sflag:s23] =	ssyncadd.s32 $0xFFFF3800  }
0x29: {  	[tilespmem:s28], [sflag:$0x1] =	stream.linear.gather [hbm4b:s22+s3], $0x320, $0x38;
	[tilespmem:$0x1ED00] =	vst v63  }
0x2a: {  	s16 =	rddreg [dreg:$0x9]  }
0x2b: {  	[tilespmem:s29], [sflag:$0x1] =	stream.linear.gather [hbm4b:s16+s3], $0x320, $0x38;
	[tilespmem:$0x1ED00] =	vst v63  }
0x2c: {  	s17 =	rddreg [dreg:$0xa]  }
0x2d: {  	[tilespmem:s30], [sflag:$0x1] =	stream.linear.gather [hbm4b:s17+s3], $0x320, $0x38;
	[tilespmem:$0x1ED00] =	vst v63  }
0x2e: {  	s18 =	rddreg [dreg:$0xb]  }
0x2f: {  	[tilespmem:s31], [sflag:$0x2] =	stream.linear.gather [hbm4b:s18+s3], $0x320, $0x38;
	[tilespmem:$0x1ED00] =	vst v63  }
0x30: {  	s21 =	rddreg [dreg:$0xc]  }
0x31: {  	[tilespmem:s0], [sflag:$0x2] =	stream.linear.gather [hbm4b:s21+s3], $0x320, $0x38;
	[tilespmem:$0x1ED00] =	vst v63  }
0x32: {  	s22 =	rddreg [dreg:$0xd];
	s16 =	simm.s32 $0x0  }
0x33: {  	[tilespmem:s4], [sflag:$0x2] =	stream.linear.gather [hbm4b:s22+s3], $0x320, $0x38;
	[tilespmem:$0x1ED00] =	vst v63  }
.LBB2_2:
0x34: {  	_ =	swait.ge [sflag:s6], $0x320  }
0x35: {  	[sflag:s6] =	ssyncset.done $0x0  }
0x36: {  	[sflag:s6] =	ssyncadd.s32 $0xFFFFFCE0  }
0x37: {  	_ =	swait.ge [sflag:s6], $0x320  }
0x38: {  	[sflag:s6] =	ssyncset.done $0x0  }
0x39: {  	[sflag:s6] =	ssyncadd.s32 $0xFFFFFCE0  }
0x3a: {  	_ =	swait.ge [sflag:s6], $0x320  }
0x3b: {  	p0 =	seq.s32 s16, $0x0;
	[sflag:s6] =	ssyncset.done $0x0  }
0x3c: {  	s14 =	simm.s32 @!p0 $0x3;
	[sflag:s6] =	ssyncadd.s32 $0xFFFFFCE0  }
0x3d: {  	_ =	swait.ge @!p0 [sflag:s14], $0x320  }
0x3e: {  	[sflag:s14] =	ssyncset.done @!p0 $0x0  }
0x3f: {  	s18 =	simm.s32 $0x0;
	[sflag:s14] =	ssyncadd.s32 @!p0 $0xFFFFFCE0  }
0x40: {  	v0 =	vld [tilespmem:s18+$0x1D800];
	_ =	sdelay $0x1  }
0x41: {  	v10 =	vld [tilespmem:s18+$0x1DF00];
	_ =	sdelay $0x2  }
0x42: {  	v1 =	vshrl.u32 v0, $0x4;
	_ =	sdelay $0x1  }
0x43: {  	v3 =	vld [tilespmem:s18+$0x1D100];
	v2 =	vshrl.u32 v10, $0x4;
	_ =	sdelay $0x2  }
0x44: {  	v1 =	vld.idx.msk [tilespmem:v1+s25+$0x0], $0xffff;
	_ =	sdelay $0x1  }
0x45: {  	v3 =	vmin.f32 v3, $5.999999520e+00;
	v2 =	vld.idx.msk [tilespmem:v2+s25+$0x0], $0xffff  }
0x46: {  	v4 =	vand.u32 $0xF, v0;
	v3 =	vmul.f32 $1.365166630e+03, v3  }
0x47: {  	v7 =	vand.u32 $0xF, v10;
	v5 =	vshll.u32 v4, $0x1  }
0x48: {  	v14 =	vshrl.u32 v0, $0x1;
	v6 =	vtrunc.f32 v3;
	v1 =	vshrl.u32 v1, v5  }
0x49: {  	v5 =	vcvt.f32.s32 v6;
	v6 =	vshll.u32 v7, $0x1;
	v1 =	vand.u32 $0x3, v1  }
0x4a: {  	v61 =	vand.u32 $0x7FFFFFF0, v14;
	v2 =	vshrl.u32 v2, v6;
	v6 =	vmul.u32 $0x3, v1  }
0x4b: {  	v4 =	vor.u32 v4, v61;
	v8 =	vadd.s32 $0x1, v5;
	v2 =	vand.u32 $0x3, v2  }
0x4c: {  	v9 =	vshrl.u32 v5, $0x1;
	vm0 =	vlt.s32 v8, $0x1FFF;
	v6 =	vadd.s32 v2, v6  }
0x4d: {  	v9 =	vand.u32 $0x7F, v9;
	v2 =	vshll.u32 v2, $0xD;
	v6 =	vshll.u32 v6, $0xD  }
0x4e: {  	v8 =	vnsel vm0, $0x1FFF, v8;
	v13 =	vadd.s32 v5, v2;
	v11 =	vadd.s32 v5, v6  }
0x4f: {  	v2 =	vadd.s32 v2, v8;
	v6 =	vadd.s32 v8, v6;
	v11 =	vshrl.u32 v11, $0x1  }
0x50: {  	v12 =	vshrl.u32 v8, $0x1;
	v6 =	vshrl.u32 v6, $0x1;
	v11 =	vand.u32 $0x7FFFFF80, v11  }
0x51: {  	v6 =	vand.u32 $0x7FFFFF80, v6;
	v9 =	vor.u32 v9, v11;
	v11 =	vand.u32 $0x7F, v12  }
0x52: {  	v6 =	vor.u32 v11, v6;
	v11 =	vshll.u32 v1, $0xD  }
0x53: {  	v1 =	vld.idx.msk [tilespmem:v13+s24+$0x0], $0xffff;
	v60 =	vadd.s32 v5, v11  }
0x54: {  	v62 =	vld.idx.msk [tilespmem:v2+s24+$0x0], $0xffff;
	v11 =	vadd.s32 v8, v11  }
0x55: {  	v2 =	vshrl.u32 v10, $0x1;
	v13 =	vld.idx.msk [tilespmem:v4+s26+$0x0], $0xffff  }
0x56: {  	v2 =	vand.u32 $0x7FFFFFF0, v2;
	v9 =	vld.idx.msk [tilespmem:v9+s3+$0x0], $0xffff  }
0x57: {  	v7 =	vor.u32 v7, v2;
	v6 =	vld.idx.msk [tilespmem:v6+s3+$0x0], $0xffff  }
0x58: {  	v63 =	vcvt.s32.f32 v5;
	v5 =	vxor.u32 $0xFFFFFFFF, v5;
	v2 =	vld.idx.msk [tilespmem:v60+s24+$0x0], $0xffff  }
0x59: {  	v8 =	vxor.u32 $0xFFFFFFFF, v8;
	v4 =	vshll.u32 v5, $0x4;
	v11 =	vld.idx.msk [tilespmem:v11+s24+$0x0], $0xffff  }
0x5a: {  	v5 =	vshll.u32 v8, $0x4;
	v4 =	vand.u32 $0x10, v4  }
0x5b: {  	v3 =	vsub.f32 v3, v63;
	v5 =	vand.u32 $0x10, v5;
	v4 =	vshll.u32 v9, v4  }
0x5c: {  	v8 =	vsub.f32 v62, v1;
	v6 =	vshll.u32 v6, v5;
	v5 =	vand.u32 $0xFFFF0000, v4;
	v4 =	vld.idx.msk [tilespmem:v7+s26+$0x0], $0xffff  }
0x5d: {  	v9 =	vandn.u32 $0x10, v0;
	v6 =	vand.u32 $0xFFFF0000, v6  }
0x5e: {  	s21 =	simm.s32 $0x10;
	v7 =	vmul.f32 v8, v3;
	v8 =	vsub.f32 v11, v2;
	v6 =	vsub.f32 v6, v5  }
0x5f: {  	s17 =	sshll.u32 s16, $0x1;
	s22 =	simm.s32 $0x80;
	v10 =	vandn.u32 $0x10, v10;
	v0 =	vld [tilespmem:s21+$0x1D800];
	v9 =	vshll.u32 v13, v9  }
.LBB2_3:
0x60: {  	p1 =	sne.s32 s22, $0xC40;
	v6 =	vmul.f32 v6, v3;
	v1 =	vadd.f32 v7, v1;
	v3 =	vmul.f32 v8, v3  }
0x61: {  	v7 =	vand.u32 $0xFFFF0000, v9;
	v4 =	vshll.u32 v4, v10;
	v11 =	vld [tilespmem:s21+$0x1DF00]  }
0x62: {  	v5 =	vadd.f32 v5, v6;
	v2 =	vadd.f32 v3, v2;
	v1 =	vmul.f32 v7, v1  }
0x63: {  	v3 =	vand.u32 $0xFFFF0000, v4  }
0x64: {  	v4 =	vshrl.u32 v0, $0x4;
	v1 =	vadd.f32 v5, v1;
	v2 =	vmul.f32 v3, v2;
	_ =	sdelay $0x1  }
0x65: {  	v3 =	vshrl.u32 v11, $0x4;
	v1 =	vadd.f32 v1, v2  }
0x66: {  	v2 =	vld [tilespmem:s21+$0x1D100]  }
0x67: {  	[tilespmem:s18+$0x1E600] =	vst v1;
	s18 =	smov.u32 s21  }
0x68: {  	v1 =	vld.idx.msk [tilespmem:v4+s25+$0x0], $0xffff;
	_ =	sdelay $0x1  }
0x69: {  	v3 =	vld.idx.msk [tilespmem:v3+s25+$0x0], $0xffff  }
0x6a: {  	v2 =	vmin.f32 v2, $5.999999520e+00  }
0x6b: {  	v4 =	vmul.f32 $1.365166630e+03, v2;
	v2 =	vand.u32 $0xF, v0  }
0x6c: {  	v5 =	vshll.u32 v2, $0x1  }
0x6d: {  	v7 =	vand.u32 $0xF, v11;
	v6 =	vtrunc.f32 v4;
	v1 =	vshrl.u32 v1, v5  }
0x6e: {  	v5 =	vcvt.f32.s32 v6;
	v6 =	vshll.u32 v7, $0x1;
	v1 =	vand.u32 $0x3, v1  }
0x6f: {  	v3 =	vshrl.u32 v3, v6;
	v6 =	vmul.u32 $0x3, v1  }
0x70: {  	v8 =	vadd.s32 $0x1, v5;
	v3 =	vand.u32 $0x3, v3  }
0x71: {  	v9 =	vshrl.u32 v5, $0x1;
	vm0 =	vlt.s32 v8, $0x1FFF;
	v6 =	vadd.s32 v3, v6  }
0x72: {  	v9 =	vand.u32 $0x7F, v9;
	v8 =	vnsel vm0, $0x1FFF, v8;
	v6 =	vshll.u32 v6, $0xD  }
0x73: {  	v3 =	vshll.u32 v3, $0xD;
	v10 =	vadd.s32 v5, v6;
	v12 =	vshrl.u32 v8, $0x1  }
0x74: {  	v13 =	vadd.s32 v5, v3;
	v6 =	vadd.s32 v8, v6;
	v10 =	vshrl.u32 v10, $0x1  }
0x75: {  	v3 =	vadd.s32 v3, v8;
	v6 =	vshrl.u32 v6, $0x1;
	v10 =	vand.u32 $0x7FFFFF80, v10  }
0x76: {  	v6 =	vand.u32 $0x7FFFFF80, v6;
	v9 =	vor.u32 v9, v10;
	v10 =	vand.u32 $0x7F, v12  }
0x77: {  	v6 =	vor.u32 v10, v6;
	v10 =	vshll.u32 v1, $0xD  }
0x78: {  	v14 =	vshrl.u32 v0, $0x1;
	v12 =	vadd.s32 v5, v10  }
0x79: {  	v10 =	vadd.s32 v8, v10;
	v1 =	vld.idx.msk [tilespmem:v13+s24+$0x0], $0xffff;
	v13 =	vand.u32 $0x7FFFFFF0, v14  }
0x7a: {  	v14 =	vld.idx.msk [tilespmem:v3+s24+$0x0], $0xffff;
	v3 =	vor.u32 v2, v13;
	v2 =	vshrl.u32 v11, $0x1  }
0x7b: {  	v9 =	vld.idx.msk [tilespmem:v9+s3+$0x0], $0xffff;
	v2 =	vand.u32 $0x7FFFFFF0, v2  }
0x7c: {  	v6 =	vld.idx.msk [tilespmem:v6+s3+$0x0], $0xffff;
	v7 =	vor.u32 v7, v2  }
0x7d: {  	v2 =	vld.idx.msk [tilespmem:v12+s24+$0x0], $0xffff  }
0x7e: {  	v10 =	vld.idx.msk [tilespmem:v10+s24+$0x0], $0xffff  }
0x7f: {  	v8 =	vxor.u32 $0xFFFFFFFF, v8;
	v12 =	vcvt.s32.f32 v5;
	v5 =	vxor.u32 $0xFFFFFFFF, v5;
	v13 =	vld.idx.msk [tilespmem:v3+s26+$0x0], $0xffff  }
0x80: {  	v8 =	vshll.u32 v8, $0x4;
	v5 =	vshll.u32 v5, $0x4  }
.Ltmp0:
0x81: {  	v8 =	vand.u32 $0x10, v8;
	v3 =	vsub.f32 v4, v12;
	v5 =	vand.u32 $0x10, v5;
	v4 =	vld.idx.msk [tilespmem:v7+s26+$0x0], $0xffff;
	(pc) =	sbr.rel @p1 .LBB2_3-.Ltmp0, $4  }
0x82: {  	v5 =	vshll.u32 v9, v5;
	v6 =	vshll.u32 v6, v8;
	v7 =	vsub.f32 v14, v1  }
0x83: {  	v9 =	vandn.u32 $0x10, v0;
	v5 =	vand.u32 $0xFFFF0000, v5;
	v6 =	vand.u32 $0xFFFF0000, v6  }
0x84: {  	s21 =	sshra.s32 s22, $0x2;
	v6 =	vsub.f32 v6, v5;
	v7 =	vmul.f32 v7, v3;
	v8 =	vsub.f32 v10, v2  }
0x85: {  	s22 =	sadd.s32 $0x40, s22;
	v10 =	vandn.u32 $0x10, v11;
	v9 =	vshll.u32 v13, v9;
	v0 =	vld [tilespmem:s21+$0x1D800]  }
0x86: {  	v6 =	vmul.f32 v6, v3;
	v1 =	vadd.f32 v7, v1;
	v3 =	vmul.f32 v8, v3  }
0x87: {  	v7 =	vld [tilespmem:s21+$0x1DF00];
	v8 =	vand.u32 $0xFFFF0000, v9;
	v4 =	vshll.u32 v4, v10  }
0x88: {  	v5 =	vadd.f32 v5, v6;
	v2 =	vadd.f32 v3, v2;
	v1 =	vmul.f32 v8, v1  }
0x89: {  	v3 =	vand.u32 $0xFFFF0000, v4  }
0x8a: {  	v4 =	vshrl.u32 v0, $0x4;
	v1 =	vadd.f32 v5, v1;
	v2 =	vmul.f32 v3, v2;
	_ =	sdelay $0x1  }
0x8b: {  	v3 =	vshrl.u32 v7, $0x4;
	v1 =	vadd.f32 v1, v2;
	v2 =	vld [tilespmem:s21+$0x1D100];
	_ =	sdelay $0x1  }
0x8c: {  	[tilespmem:s18+$0x1E600] =	vst v1  }
0x8d: {  	v1 =	vld.idx.msk [tilespmem:v4+s25+$0x0], $0xffff;
	_ =	sdelay $0x1  }
0x8e: {  	v3 =	vld.idx.msk [tilespmem:v3+s25+$0x0], $0xffff;
	v2 =	vmin.f32 v2, $5.999999520e+00  }
0x8f: {  	v4 =	vand.u32 $0xF, v0;
	v2 =	vmul.f32 $1.365166630e+03, v2  }
0x90: {  	v5 =	vshll.u32 v4, $0x1  }
0x91: {  	v8 =	vand.u32 $0xF, v7;
	v6 =	vtrunc.f32 v2;
	v1 =	vshrl.u32 v1, v5  }
0x92: {  	v5 =	vcvt.f32.s32 v6;
	v6 =	vshll.u32 v8, $0x1;
	v1 =	vand.u32 $0x3, v1  }
0x93: {  	v3 =	vshrl.u32 v3, v6;
	v6 =	vmul.u32 $0x3, v1  }
0x94: {  	v9 =	vadd.s32 $0x1, v5;
	v3 =	vand.u32 $0x3, v3  }
0x95: {  	v10 =	vshrl.u32 v5, $0x1;
	vm0 =	vlt.s32 v9, $0x1FFF;
	v6 =	vadd.s32 v3, v6  }
0x96: {  	v10 =	vand.u32 $0x7F, v10;
	v3 =	vshll.u32 v3, $0xD;
	v6 =	vshll.u32 v6, $0xD  }
0x97: {  	v9 =	vnsel vm0, $0x1FFF, v9;
	v13 =	vadd.s32 v5, v3;
	v11 =	vadd.s32 v5, v6  }
0x98: {  	v12 =	vshrl.u32 v9, $0x1;
	v6 =	vadd.s32 v9, v6;
	v11 =	vshrl.u32 v11, $0x1  }
0x99: {  	v3 =	vadd.s32 v3, v9;
	v6 =	vshrl.u32 v6, $0x1;
	v11 =	vand.u32 $0x7FFFFF80, v11  }
0x9a: {  	v6 =	vand.u32 $0x7FFFFF80, v6;
	v10 =	vor.u32 v10, v11;
	v11 =	vand.u32 $0x7F, v12  }
0x9b: {  	v1 =	vshll.u32 v1, $0xD;
	v6 =	vor.u32 v11, v6  }
0x9c: {  	v55 =	vshrl.u32 v0, $0x1;
	v11 =	vadd.s32 v5, v1  }
0x9d: {  	v12 =	vand.u32 $0x7FFFFFF0, v55;
	v13 =	vld.idx.msk [tilespmem:v13+s24+$0x0], $0xffff;
	v1 =	vadd.s32 v9, v1  }
0x9e: {  	v4 =	vor.u32 v4, v12;
	v3 =	vld.idx.msk [tilespmem:v3+s24+$0x0], $0xffff  }
0x9f: {  	v56 =	vshrl.u32 v7, $0x1;
	v10 =	vld.idx.msk [tilespmem:v10+s3+$0x0], $0xffff  }
0xa0: {  	v12 =	vand.u32 $0x7FFFFFF0, v56;
	v6 =	vld.idx.msk [tilespmem:v6+s3+$0x0], $0xffff  }
0xa1: {  	v57 =	vcvt.s32.f32 v5;
	v8 =	vor.u32 v8, v12;
	v11 =	vld.idx.msk [tilespmem:v11+s24+$0x0], $0xffff  }
0xa2: {  	v5 =	vxor.u32 $0xFFFFFFFF, v5;
	v9 =	vxor.u32 $0xFFFFFFFF, v9;
	v1 =	vld.idx.msk [tilespmem:v1+s24+$0x0], $0xffff  }
0xa3: {  	v2 =	vsub.f32 v2, v57;
	v5 =	vshll.u32 v5, $0x4;
	v9 =	vshll.u32 v9, $0x4;
	v4 =	vld.idx.msk [tilespmem:v4+s26+$0x0], $0xffff  }
0xa4: {  	v5 =	vand.u32 $0x10, v5;
	v9 =	vand.u32 $0x10, v9;
	v3 =	vsub.f32 v3, v13  }
0xa5: {  	v5 =	vshll.u32 v10, v5;
	v6 =	vshll.u32 v6, v9  }
0xa6: {  	v8 =	vld.idx.msk [tilespmem:v8+s26+$0x0], $0xffff;
	v3 =	vmul.f32 v3, v2;
	v5 =	vand.u32 $0xFFFF0000, v5;
	v6 =	vand.u32 $0xFFFF0000, v6  }
0xa7: {  	v0 =	vandn.u32 $0x10, v0;
	v1 =	vsub.f32 v1, v11;
	v6 =	vsub.f32 v6, v5  }
0xa8: {  	v0 =	vshll.u32 v4, v0;
	v3 =	vadd.f32 v3, v13  }
0xa9: {  	v0 =	vand.u32 $0xFFFF0000, v0;
	v1 =	vmul.f32 v1, v2;
	v6 =	vmul.f32 v6, v2  }
0xaa: {  	v4 =	vandn.u32 $0x10, v7;
	v0 =	vmul.f32 v0, v3  }
0xab: {  	v2 =	vshll.u32 v8, v4;
	v1 =	vadd.f32 v1, v11;
	v4 =	vadd.f32 v5, v6  }
0xac: {  	v2 =	vand.u32 $0xFFFF0000, v2  }
0xad: {  	s18 =	smul.u32 $0x640, s16;
	v1 =	vmul.f32 v2, v1;
	v0 =	vadd.f32 v4, v0;
	_ =	sdelay $0x1  }
0xae: {  	s14 =	sadd.s32 s9, s18;
	v0 =	vadd.f32 v0, v1  }
0xaf: {  	s14 =	sshrl.u32 s14, $0x3  }
0xb0: {  	s14 =	sadd.s32 s11, s14;
	[tilespmem:s21+$0x1E600] =	vst v0;
	s21 =	sadd.s32 s18, s19  }
0xb1: {  	[hbm4b:s14+s3] =	stream.linear.scatter [tilespmem:s7], [sflag:$0x3], $0x320, $0x38;
	[tilespmem:$0x1ED00] =	vst v63  }
0xb2: {  	s14 =	sshrl.u32 s21, $0x3  }
0xb3: {  	s22 =	sadd.s32 s1, s14  }
0xb4: {  	[tilespmem:s28], [sflag:$0x1] =	stream.linear.gather [hbm4b:s22+s3], $0x320, $0x38;
	[tilespmem:$0x1ED00] =	vst v63  }
0xb5: {  	s22 =	sadd.s32 s5, s14  }
0xb6: {  	[tilespmem:s29], [sflag:$0x1] =	stream.linear.gather [hbm4b:s22+s3], $0x320, $0x38;
	[tilespmem:$0x1ED00] =	vst v63  }
0xb7: {  	s14 =	sadd.s32 s2, s14  }
0xb8: {  	[tilespmem:s30], [sflag:$0x1] =	stream.linear.gather [hbm4b:s14+s3], $0x320, $0x38;
	[tilespmem:$0x1ED00] =	vst v63  }
0xb9: {  	_ =	swait.ge [sflag:s8], $0x320  }
0xba: {  	[sflag:s8] =	ssyncset.done $0x0  }
0xbb: {  	[sflag:s8] =	ssyncadd.s32 $0xFFFFFCE0  }
0xbc: {  	_ =	swait.ge [sflag:s8], $0x320  }
0xbd: {  	[sflag:s8] =	ssyncset.done $0x0  }
0xbe: {  	[sflag:s8] =	ssyncadd.s32 $0xFFFFFCE0  }
0xbf: {  	_ =	swait.ge [sflag:s8], $0x320  }
0xc0: {  	[sflag:s8] =	ssyncset.done $0x0  }
0xc1: {  	s14 =	simm.s32 @!p0 $0x4;
	[sflag:s8] =	ssyncadd.s32 $0xFFFFFCE0  }
0xc2: {  	_ =	swait.ge @!p0 [sflag:s14], $0x320  }
0xc3: {  	[sflag:s14] =	ssyncset.done @!p0 $0x0  }
0xc4: {  	s21 =	simm.s32 $0x0;
	[sflag:s14] =	ssyncadd.s32 @!p0 $0xFFFFFCE0  }
0xc5: {  	v0 =	vld [tilespmem:s21+$0x1DB80];
	_ =	sdelay $0x1  }
0xc6: {  	v10 =	vld [tilespmem:s21+$0x1E280];
	_ =	sdelay $0x2  }
0xc7: {  	v1 =	vshrl.u32 v0, $0x4;
	_ =	sdelay $0x1  }
0xc8: {  	v3 =	vld [tilespmem:s21+$0x1D480];
	v2 =	vshrl.u32 v10, $0x4;
	_ =	sdelay $0x2  }
0xc9: {  	v1 =	vld.idx.msk [tilespmem:v1+s25+$0x0], $0xffff;
	_ =	sdelay $0x1  }
0xca: {  	v3 =	vmin.f32 v3, $5.999999520e+00;
	v2 =	vld.idx.msk [tilespmem:v2+s25+$0x0], $0xffff  }
0xcb: {  	v4 =	vand.u32 $0xF, v0;
	v3 =	vmul.f32 $1.365166630e+03, v3  }
0xcc: {  	v7 =	vand.u32 $0xF, v10;
	v5 =	vshll.u32 v4, $0x1  }
0xcd: {  	v14 =	vshrl.u32 v0, $0x1;
	v6 =	vtrunc.f32 v3;
	v1 =	vshrl.u32 v1, v5  }
0xce: {  	v5 =	vcvt.f32.s32 v6;
	v6 =	vshll.u32 v7, $0x1;
	v1 =	vand.u32 $0x3, v1  }
0xcf: {  	v61 =	vand.u32 $0x7FFFFFF0, v14;
	v2 =	vshrl.u32 v2, v6;
	v6 =	vmul.u32 $0x3, v1  }
0xd0: {  	v4 =	vor.u32 v4, v61;
	v8 =	vadd.s32 $0x1, v5;
	v2 =	vand.u32 $0x3, v2  }
0xd1: {  	v9 =	vshrl.u32 v5, $0x1;
	vm15 =	vlt.s32 v8, $0x1FFF;
	v6 =	vadd.s32 v2, v6  }
0xd2: {  	v9 =	vand.u32 $0x7F, v9;
	v8 =	vnsel vm15, $0x1FFF, v8;
	v6 =	vshll.u32 v6, $0xD  }
0xd3: {  	v2 =	vshll.u32 v2, $0xD;
	v58 =	vshrl.u32 v8, $0x1;
	v11 =	vadd.s32 v5, v6  }
0xd4: {  	v59 =	vadd.s32 v5, v2;
	v6 =	vadd.s32 v8, v6;
	v11 =	vshrl.u32 v11, $0x1  }
0xd5: {  	v2 =	vadd.s32 v2, v8;
	v6 =	vshrl.u32 v6, $0x1;
	v11 =	vand.u32 $0x7FFFFF80, v11  }
0xd6: {  	v6 =	vand.u32 $0x7FFFFF80, v6;
	v9 =	vor.u32 v9, v11;
	v11 =	vand.u32 $0x7F, v58  }
0xd7: {  	v6 =	vor.u32 v11, v6;
	v11 =	vshll.u32 v1, $0xD  }
0xd8: {  	v13 =	vld.idx.msk [tilespmem:v4+s26+$0x0], $0xffff;
	v60 =	vadd.s32 v5, v11  }
0xd9: {  	v1 =	vld.idx.msk [tilespmem:v59+s24+$0x0], $0xffff;
	v11 =	vadd.s32 v8, v11  }
0xda: {  	v62 =	vld.idx.msk [tilespmem:v2+s24+$0x0], $0xffff;
	v2 =	vshrl.u32 v10, $0x1  }
0xdb: {  	v2 =	vand.u32 $0x7FFFFFF0, v2;
	v9 =	vld.idx.msk [tilespmem:v9+s3+$0x0], $0xffff  }
0xdc: {  	v7 =	vor.u32 v7, v2;
	v6 =	vld.idx.msk [tilespmem:v6+s3+$0x0], $0xffff  }
0xdd: {  	v63 =	vcvt.s32.f32 v5;
	v5 =	vxor.u32 $0xFFFFFFFF, v5;
	v2 =	vld.idx.msk [tilespmem:v60+s24+$0x0], $0xffff  }
0xde: {  	v8 =	vxor.u32 $0xFFFFFFFF, v8;
	v4 =	vshll.u32 v5, $0x4;
	v11 =	vld.idx.msk [tilespmem:v11+s24+$0x0], $0xffff  }
0xdf: {  	v5 =	vshll.u32 v8, $0x4;
	v4 =	vand.u32 $0x10, v4  }
0xe0: {  	v3 =	vsub.f32 v3, v63;
	v5 =	vand.u32 $0x10, v5;
	v4 =	vshll.u32 v9, v4  }
0xe1: {  	v8 =	vsub.f32 v62, v1;
	v6 =	vshll.u32 v6, v5;
	v5 =	vand.u32 $0xFFFF0000, v4;
	v4 =	vld.idx.msk [tilespmem:v7+s26+$0x0], $0xffff  }
0xe2: {  	v9 =	vandn.u32 $0x10, v0;
	v6 =	vand.u32 $0xFFFF0000, v6  }
0xe3: {  	s22 =	simm.s32 $0x10;
	v7 =	vmul.f32 v8, v3;
	v8 =	vsub.f32 v11, v2;
	v6 =	vsub.f32 v6, v5  }
0xe4: {  	s14 =	simm.s32 $0x80;
	v10 =	vandn.u32 $0x10, v10;
	v0 =	vld [tilespmem:s22+$0x1DB80];
	v9 =	vshll.u32 v13, v9  }
.LBB2_5:
0xe5: {  	p0 =	sne.s32 s14, $0xC40;
	v6 =	vmul.f32 v6, v3;
	v1 =	vadd.f32 v7, v1;
	v3 =	vmul.f32 v8, v3  }
0xe6: {  	v7 =	vand.u32 $0xFFFF0000, v9;
	v4 =	vshll.u32 v4, v10;
	v11 =	vld [tilespmem:s22+$0x1E280]  }
0xe7: {  	v5 =	vadd.f32 v5, v6;
	v2 =	vadd.f32 v3, v2;
	v1 =	vmul.f32 v7, v1  }
0xe8: {  	v3 =	vand.u32 $0xFFFF0000, v4  }
0xe9: {  	v4 =	vshrl.u32 v0, $0x4;
	v1 =	vadd.f32 v5, v1;
	v2 =	vmul.f32 v3, v2;
	_ =	sdelay $0x1  }
0xea: {  	v3 =	vshrl.u32 v11, $0x4;
	v1 =	vadd.f32 v1, v2  }
0xeb: {  	v2 =	vld [tilespmem:s22+$0x1D480]  }
0xec: {  	[tilespmem:s21+$0x1E980] =	vst v1;
	s21 =	smov.u32 s22  }
0xed: {  	v1 =	vld.idx.msk [tilespmem:v4+s25+$0x0], $0xffff;
	_ =	sdelay $0x1  }
0xee: {  	v3 =	vld.idx.msk [tilespmem:v3+s25+$0x0], $0xffff  }
0xef: {  	v2 =	vmin.f32 v2, $5.999999520e+00  }
0xf0: {  	v4 =	vmul.f32 $1.365166630e+03, v2;
	v2 =	vand.u32 $0xF, v0  }
0xf1: {  	v5 =	vshll.u32 v2, $0x1  }
0xf2: {  	v7 =	vand.u32 $0xF, v11;
	v6 =	vtrunc.f32 v4;
	v1 =	vshrl.u32 v1, v5  }
0xf3: {  	v5 =	vcvt.f32.s32 v6;
	v6 =	vshll.u32 v7, $0x1;
	v1 =	vand.u32 $0x3, v1  }
0xf4: {  	v3 =	vshrl.u32 v3, v6;
	v6 =	vmul.u32 $0x3, v1  }
0xf5: {  	v8 =	vadd.s32 $0x1, v5;
	v3 =	vand.u32 $0x3, v3  }
0xf6: {  	v9 =	vshrl.u32 v5, $0x1;
	vm0 =	vlt.s32 v8, $0x1FFF;
	v6 =	vadd.s32 v3, v6  }
0xf7: {  	v9 =	vand.u32 $0x7F, v9;
	v8 =	vnsel vm0, $0x1FFF, v8;
	v6 =	vshll.u32 v6, $0xD  }
0xf8: {  	v3 =	vshll.u32 v3, $0xD;
	v10 =	vadd.s32 v5, v6;
	v12 =	vshrl.u32 v8, $0x1  }
0xf9: {  	v13 =	vadd.s32 v5, v3;
	v6 =	vadd.s32 v8, v6;
	v10 =	vshrl.u32 v10, $0x1  }
0xfa: {  	v3 =	vadd.s32 v3, v8;
	v6 =	vshrl.u32 v6, $0x1;
	v10 =	vand.u32 $0x7FFFFF80, v10  }
0xfb: {  	v6 =	vand.u32 $0x7FFFFF80, v6;
	v9 =	vor.u32 v9, v10;
	v10 =	vand.u32 $0x7F, v12  }
0xfc: {  	v6 =	vor.u32 v10, v6;
	v10 =	vshll.u32 v1, $0xD  }
0xfd: {  	v14 =	vshrl.u32 v0, $0x1;
	v12 =	vadd.s32 v5, v10  }
0xfe: {  	v10 =	vadd.s32 v8, v10;
	v1 =	vld.idx.msk [tilespmem:v13+s24+$0x0], $0xffff;
	v13 =	vand.u32 $0x7FFFFFF0, v14  }
0xff: {  	v14 =	vld.idx.msk [tilespmem:v3+s24+$0x0], $0xffff;
	v3 =	vor.u32 v2, v13;
	v2 =	vshrl.u32 v11, $0x1  }
0x100: {  	v9 =	vld.idx.msk [tilespmem:v9+s3+$0x0], $0xffff;
	v2 =	vand.u32 $0x7FFFFFF0, v2  }
0x101: {  	v6 =	vld.idx.msk [tilespmem:v6+s3+$0x0], $0xffff;
	v7 =	vor.u32 v7, v2  }
0x102: {  	v2 =	vld.idx.msk [tilespmem:v12+s24+$0x0], $0xffff  }
0x103: {  	v10 =	vld.idx.msk [tilespmem:v10+s24+$0x0], $0xffff  }
0x104: {  	v8 =	vxor.u32 $0xFFFFFFFF, v8;
	v12 =	vcvt.s32.f32 v5;
	v5 =	vxor.u32 $0xFFFFFFFF, v5;
	v13 =	vld.idx.msk [tilespmem:v3+s26+$0x0], $0xffff  }
0x105: {  	v8 =	vshll.u32 v8, $0x4;
	v5 =	vshll.u32 v5, $0x4  }
.Ltmp1:
0x106: {  	v8 =	vand.u32 $0x10, v8;
	v3 =	vsub.f32 v4, v12;
	v5 =	vand.u32 $0x10, v5;
	v4 =	vld.idx.msk [tilespmem:v7+s26+$0x0], $0xffff;
	(pc) =	sbr.rel @p0 .LBB2_5-.Ltmp1, $4  }
0x107: {  	v5 =	vshll.u32 v9, v5;
	v6 =	vshll.u32 v6, v8;
	v7 =	vsub.f32 v14, v1  }
0x108: {  	v9 =	vandn.u32 $0x10, v0;
	v5 =	vand.u32 $0xFFFF0000, v5;
	v6 =	vand.u32 $0xFFFF0000, v6  }
0x109: {  	s22 =	sshra.s32 s14, $0x2;
	v6 =	vsub.f32 v6, v5;
	v7 =	vmul.f32 v7, v3;
	v8 =	vsub.f32 v10, v2  }
0x10a: {  	s14 =	sadd.s32 $0x40, s14;
	v10 =	vandn.u32 $0x10, v11;
	v9 =	vshll.u32 v13, v9;
	v0 =	vld [tilespmem:s22+$0x1DB80]  }
0x10b: {  	v6 =	vmul.f32 v6, v3;
	v1 =	vadd.f32 v7, v1;
	v39 =	vmul.f32 v8, v3  }
0x10c: {  	v40 =	vld [tilespmem:s22+$0x1E280];
	v41 =	vand.u32 $0xFFFF0000, v9;
	v4 =	vshll.u32 v4, v10  }
0x10d: {  	v5 =	vadd.f32 v5, v6;
	v2 =	vadd.f32 v39, v2;
	v1 =	vmul.f32 v41, v1  }
0x10e: {  	v42 =	vand.u32 $0xFFFF0000, v4  }
0x10f: {  	v43 =	vshrl.u32 v0, $0x4;
	v1 =	vadd.f32 v5, v1;
	v2 =	vmul.f32 v42, v2;
	_ =	sdelay $0x1  }
0x110: {  	v45 =	vld [tilespmem:s22+$0x1D480];
	v44 =	vshrl.u32 v40, $0x4;
	v1 =	vadd.f32 v1, v2;
	_ =	sdelay $0x1  }
0x111: {  	[tilespmem:s21+$0x1E980] =	vst v1  }
0x112: {  	v1 =	vld.idx.msk [tilespmem:v43+s25+$0x0], $0xffff;
	_ =	sdelay $0x1  }
0x113: {  	v2 =	vmin.f32 v45, $5.999999520e+00;
	v3 =	vld.idx.msk [tilespmem:v44+s25+$0x0], $0xffff  }
0x114: {  	v46 =	vand.u32 $0xF, v0;
	v2 =	vmul.f32 $1.365166630e+03, v2  }
0x115: {  	v47 =	vshll.u32 v46, $0x1  }
0x116: {  	v49 =	vand.u32 $0xF, v40;
	v48 =	vtrunc.f32 v2;
	v1 =	vshrl.u32 v1, v47  }
0x117: {  	v51 =	vshll.u32 v49, $0x1;
	v50 =	vcvt.f32.s32 v48;
	v1 =	vand.u32 $0x3, v1  }
0x118: {  	v3 =	vshrl.u32 v3, v51;
	v52 =	vmul.u32 $0x3, v1  }
0x119: {  	v53 =	vadd.s32 $0x1, v50;
	v3 =	vand.u32 $0x3, v3  }
0x11a: {  	v54 =	vshrl.u32 v50, $0x1;
	vm0 =	vlt.s32 v53, $0x1FFF;
	v6 =	vadd.s32 v3, v52  }
0x11b: {  	v10 =	vand.u32 $0x7F, v54;
	v9 =	vnsel vm0, $0x1FFF, v53;
	v6 =	vshll.u32 v6, $0xD  }
0x11c: {  	v12 =	vshrl.u32 v9, $0x1;
	v3 =	vshll.u32 v3, $0xD;
	v11 =	vadd.s32 v50, v6  }
0x11d: {  	v13 =	vadd.s32 v50, v3;
	v6 =	vadd.s32 v9, v6;
	v11 =	vshrl.u32 v11, $0x1  }
0x11e: {  	v3 =	vadd.s32 v3, v9;
	v6 =	vshrl.u32 v6, $0x1;
	v11 =	vand.u32 $0x7FFFFF80, v11  }
0x11f: {  	v55 =	vand.u32 $0x7F, v12;
	v6 =	vand.u32 $0x7FFFFF80, v6;
	v10 =	vor.u32 v10, v11  }
0x120: {  	v1 =	vshll.u32 v1, $0xD;
	v6 =	vor.u32 v55, v6  }
0x121: {  	v57 =	vshrl.u32 v0, $0x1;
	v56 =	vadd.s32 v50, v1;
	v1 =	vadd.s32 v9, v1  }
0x122: {  	v12 =	vand.u32 $0x7FFFFFF0, v57;
	v13 =	vld.idx.msk [tilespmem:v13+s24+$0x0], $0xffff  }
0x123: {  	v58 =	vshrl.u32 v40, $0x1;
	v4 =	vor.u32 v46, v12;
	v3 =	vld.idx.msk [tilespmem:v3+s24+$0x0], $0xffff  }
0x124: {  	v12 =	vand.u32 $0x7FFFFFF0, v58;
	v10 =	vld.idx.msk [tilespmem:v10+s3+$0x0], $0xffff  }
0x125: {  	v8 =	vor.u32 v49, v12;
	v6 =	vld.idx.msk [tilespmem:v6+s3+$0x0], $0xffff  }
0x126: {  	v1 =	vld.idx.msk [tilespmem:v1+s24+$0x0], $0xffff  }
0x127: {  	v59 =	vcvt.s32.f32 v50;
	v5 =	vxor.u32 $0xFFFFFFFF, v50;
	v9 =	vxor.u32 $0xFFFFFFFF, v9;
	v11 =	vld.idx.msk [tilespmem:v56+s24+$0x0], $0xffff  }
0x128: {  	v5 =	vshll.u32 v5, $0x4;
	v9 =	vshll.u32 v9, $0x4;
	v4 =	vld.idx.msk [tilespmem:v4+s26+$0x0], $0xffff  }
0x129: {  	v2 =	vsub.f32 v2, v59;
	v5 =	vand.u32 $0x10, v5;
	v9 =	vand.u32 $0x10, v9  }
0x12a: {  	v8 =	vld.idx.msk [tilespmem:v8+s26+$0x0], $0xffff;
	v3 =	vsub.f32 v3, v13;
	v5 =	vshll.u32 v10, v5;
	v6 =	vshll.u32 v6, v9  }
0x12b: {  	v60 =	vandn.u32 $0x10, v0;
	v5 =	vand.u32 $0xFFFF0000, v5;
	v6 =	vand.u32 $0xFFFF0000, v6  }
0x12c: {  	v1 =	vsub.f32 v1, v11;
	v3 =	vmul.f32 v3, v2;
	v6 =	vsub.f32 v6, v5  }
0x12d: {  	v61 =	vandn.u32 $0x10, v40;
	v0 =	vshll.u32 v4, v60  }
0x12e: {  	v1 =	vmul.f32 v1, v2;
	v3 =	vadd.f32 v3, v13;
	v6 =	vmul.f32 v6, v2  }
0x12f: {  	v0 =	vand.u32 $0xFFFF0000, v0;
	v62 =	vshll.u32 v8, v61  }
0x130: {  	v1 =	vadd.f32 v1, v11;
	v0 =	vmul.f32 v0, v3;
	v63 =	vadd.f32 v5, v6  }
0x131: {  	v2 =	vand.u32 $0xFFFF0000, v62  }
0x132: {  	v1 =	vmul.f32 v2, v1;
	v0 =	vadd.f32 v63, v0  }
0x133: {  	s17 =	smin.u32 s17, $0x79  }
0x134: {  	s14 =	sadd.s32 s18, s12;
	s17 =	smul.u32 $0x320, s17;
	v0 =	vadd.f32 v0, v1  }
0x135: {  	s14 =	sshrl.u32 s14, $0x3  }
0x136: {  	s14 =	sadd.s32 s11, s14;
	s18 =	sadd.s32 s17, s20;
	[tilespmem:s22+$0x1E980] =	vst v0  }
0x137: {  	[hbm4b:s14+s3] =	stream.linear.scatter [tilespmem:s10], [sflag:$0x4], $0x320, $0x38;
	[tilespmem:$0x1ED00] =	vst v63  }
0x138: {  	s16 =	sadd.s32 $0x1, s16;
	s14 =	sshrl.u32 s18, $0x3  }
0x139: {  	p0 =	sne.s32 s16, $0x3E;
	s21 =	sadd.s32 s1, s14  }
0x13a: {  	[tilespmem:s31], [sflag:$0x2] =	stream.linear.gather [hbm4b:s21+s3], $0x320, $0x38;
	[tilespmem:$0x1ED00] =	vst v63  }
.Ltmp2:
0x13b: {  	_ = 	snop;
	(pc) =	sbr.rel @p0 .LBB2_2-.Ltmp2, $4  }
0x13c: {  	s22 =	sadd.s32 s5, s14  }
0x13d: {  	[tilespmem:s0], [sflag:$0x2] =	stream.linear.gather [hbm4b:s22+s3], $0x320, $0x38;
	[tilespmem:$0x1ED00] =	vst v63  }
0x13e: {  	s14 =	sadd.s32 s2, s14  }
0x13f: {  	[tilespmem:s4], [sflag:$0x2] =	stream.linear.gather [hbm4b:s14+s3], $0x320, $0x38;
	[tilespmem:$0x1ED00] =	vst v63  }
0x140: {  	_ =	swait.ge [sflag:s6], $0x320  }
0x141: {  	[sflag:s6] =	ssyncset.done $0x0  }
0x142: {  	[sflag:s6] =	ssyncadd.s32 $0xFFFFFCE0  }
0x143: {  	_ =	swait.ge [sflag:s6], $0x320  }
0x144: {  	[sflag:s6] =	ssyncset.done $0x0  }
0x145: {  	[sflag:s6] =	ssyncadd.s32 $0xFFFFFCE0  }
0x146: {  	_ =	swait.ge [sflag:s6], $0x320  }
0x147: {  	[sflag:s6] =	ssyncset.done $0x0  }
0x148: {  	[sflag:s6] =	ssyncadd.s32 $0xFFFFFCE0  }
0x149: {  	_ =	swait.ge [sflag:s13], $0x320  }
0x14a: {  	[sflag:s13] =	ssyncset.done $0x0  }
0x14b: {  	s16 =	simm.s32 $0x0;
	[sflag:s13] =	ssyncadd.s32 $0xFFFFFCE0  }
0x14c: {  	v0 =	vld [tilespmem:s16+$0x1D800];
	_ =	sdelay $0x1  }
0x14d: {  	v10 =	vld [tilespmem:s16+$0x1DF00];
	_ =	sdelay $0x2  }
0x14e: {  	v1 =	vshrl.u32 v0, $0x4;
	_ =	sdelay $0x1  }
0x14f: {  	v3 =	vld [tilespmem:s16+$0x1D100];
	v2 =	vshrl.u32 v10, $0x4;
	_ =	sdelay $0x2  }
0x150: {  	v1 =	vld.idx.msk [tilespmem:v1+s25+$0x0], $0xffff;
	_ =	sdelay $0x1  }
0x151: {  	v3 =	vmin.f32 v3, $5.999999520e+00;
	v2 =	vld.idx.msk [tilespmem:v2+s25+$0x0], $0xffff  }
0x152: {  	v4 =	vand.u32 $0xF, v0;
	v3 =	vmul.f32 $1.365166630e+03, v3  }
0x153: {  	v7 =	vand.u32 $0xF, v10;
	v5 =	vshll.u32 v4, $0x1  }
0x154: {  	v14 =	vshrl.u32 v0, $0x1;
	v6 =	vtrunc.f32 v3;
	v1 =	vshrl.u32 v1, v5  }
0x155: {  	v5 =	vcvt.f32.s32 v6;
	v6 =	vshll.u32 v7, $0x1;
	v1 =	vand.u32 $0x3, v1  }
0x156: {  	v61 =	vand.u32 $0x7FFFFFF0, v14;
	v2 =	vshrl.u32 v2, v6;
	v6 =	vmul.u32 $0x3, v1  }
0x157: {  	v4 =	vor.u32 v4, v61;
	v8 =	vadd.s32 $0x1, v5;
	v2 =	vand.u32 $0x3, v2  }
0x158: {  	v9 =	vshrl.u32 v5, $0x1;
	vm0 =	vlt.s32 v8, $0x1FFF;
	v6 =	vadd.s32 v2, v6  }
0x159: {  	v9 =	vand.u32 $0x7F, v9;
	v2 =	vshll.u32 v2, $0xD;
	v6 =	vshll.u32 v6, $0xD  }
0x15a: {  	v8 =	vnsel vm0, $0x1FFF, v8;
	v13 =	vadd.s32 v5, v2;
	v11 =	vadd.s32 v5, v6  }
0x15b: {  	v2 =	vadd.s32 v2, v8;
	v6 =	vadd.s32 v8, v6;
	v11 =	vshrl.u32 v11, $0x1  }
0x15c: {  	v12 =	vshrl.u32 v8, $0x1;
	v6 =	vshrl.u32 v6, $0x1;
	v11 =	vand.u32 $0x7FFFFF80, v11  }
0x15d: {  	v6 =	vand.u32 $0x7FFFFF80, v6;
	v9 =	vor.u32 v9, v11;
	v11 =	vand.u32 $0x7F, v12  }
0x15e: {  	v6 =	vor.u32 v11, v6;
	v11 =	vshll.u32 v1, $0xD  }
0x15f: {  	v1 =	vld.idx.msk [tilespmem:v13+s24+$0x0], $0xffff;
	v60 =	vadd.s32 v5, v11  }
0x160: {  	v62 =	vld.idx.msk [tilespmem:v2+s24+$0x0], $0xffff;
	v11 =	vadd.s32 v8, v11  }
0x161: {  	v2 =	vshrl.u32 v10, $0x1;
	v13 =	vld.idx.msk [tilespmem:v4+s26+$0x0], $0xffff  }
0x162: {  	v2 =	vand.u32 $0x7FFFFFF0, v2;
	v9 =	vld.idx.msk [tilespmem:v9+s3+$0x0], $0xffff  }
0x163: {  	v7 =	vor.u32 v7, v2;
	v6 =	vld.idx.msk [tilespmem:v6+s3+$0x0], $0xffff  }
0x164: {  	v63 =	vcvt.s32.f32 v5;
	v5 =	vxor.u32 $0xFFFFFFFF, v5;
	v2 =	vld.idx.msk [tilespmem:v60+s24+$0x0], $0xffff  }
0x165: {  	v8 =	vxor.u32 $0xFFFFFFFF, v8;
	v4 =	vshll.u32 v5, $0x4;
	v11 =	vld.idx.msk [tilespmem:v11+s24+$0x0], $0xffff  }
0x166: {  	v5 =	vshll.u32 v8, $0x4;
	v4 =	vand.u32 $0x10, v4  }
0x167: {  	v3 =	vsub.f32 v3, v63;
	v5 =	vand.u32 $0x10, v5;
	v4 =	vshll.u32 v9, v4  }
0x168: {  	v8 =	vsub.f32 v62, v1;
	v6 =	vshll.u32 v6, v5;
	v5 =	vand.u32 $0xFFFF0000, v4;
	v4 =	vld.idx.msk [tilespmem:v7+s26+$0x0], $0xffff  }
0x169: {  	v9 =	vandn.u32 $0x10, v0;
	v6 =	vand.u32 $0xFFFF0000, v6  }
0x16a: {  	s17 =	simm.s32 $0x10;
	v7 =	vmul.f32 v8, v3;
	v8 =	vsub.f32 v11, v2;
	v6 =	vsub.f32 v6, v5  }
0x16b: {  	s14 =	simm.s32 $0x80;
	v10 =	vandn.u32 $0x10, v10;
	v0 =	vld [tilespmem:s17+$0x1D800];
	v9 =	vshll.u32 v13, v9  }
.LBB2_8:
0x16c: {  	p0 =	sne.s32 s14, $0xC40;
	v6 =	vmul.f32 v6, v3;
	v1 =	vadd.f32 v7, v1;
	v3 =	vmul.f32 v8, v3  }
0x16d: {  	v7 =	vand.u32 $0xFFFF0000, v9;
	v4 =	vshll.u32 v4, v10;
	v11 =	vld [tilespmem:s17+$0x1DF00]  }
0x16e: {  	v5 =	vadd.f32 v5, v6;
	v2 =	vadd.f32 v3, v2;
	v1 =	vmul.f32 v7, v1  }
0x16f: {  	v3 =	vand.u32 $0xFFFF0000, v4  }
0x170: {  	v4 =	vshrl.u32 v0, $0x4;
	v1 =	vadd.f32 v5, v1;
	v2 =	vmul.f32 v3, v2;
	_ =	sdelay $0x1  }
0x171: {  	v3 =	vshrl.u32 v11, $0x4;
	v1 =	vadd.f32 v1, v2  }
0x172: {  	v2 =	vld [tilespmem:s17+$0x1D100]  }
0x173: {  	[tilespmem:s16+$0x1E600] =	vst v1;
	s16 =	smov.u32 s17  }
0x174: {  	v1 =	vld.idx.msk [tilespmem:v4+s25+$0x0], $0xffff;
	_ =	sdelay $0x1  }
0x175: {  	v3 =	vld.idx.msk [tilespmem:v3+s25+$0x0], $0xffff  }
0x176: {  	v2 =	vmin.f32 v2, $5.999999520e+00  }
0x177: {  	v4 =	vmul.f32 $1.365166630e+03, v2;
	v2 =	vand.u32 $0xF, v0  }
0x178: {  	v5 =	vshll.u32 v2, $0x1  }
0x179: {  	v7 =	vand.u32 $0xF, v11;
	v6 =	vtrunc.f32 v4;
	v1 =	vshrl.u32 v1, v5  }
0x17a: {  	v5 =	vcvt.f32.s32 v6;
	v6 =	vshll.u32 v7, $0x1;
	v1 =	vand.u32 $0x3, v1  }
0x17b: {  	v3 =	vshrl.u32 v3, v6;
	v6 =	vmul.u32 $0x3, v1  }
0x17c: {  	v8 =	vadd.s32 $0x1, v5;
	v3 =	vand.u32 $0x3, v3  }
0x17d: {  	v9 =	vshrl.u32 v5, $0x1;
	vm0 =	vlt.s32 v8, $0x1FFF;
	v6 =	vadd.s32 v3, v6  }
0x17e: {  	v9 =	vand.u32 $0x7F, v9;
	v8 =	vnsel vm0, $0x1FFF, v8;
	v6 =	vshll.u32 v6, $0xD  }
0x17f: {  	v3 =	vshll.u32 v3, $0xD;
	v10 =	vadd.s32 v5, v6;
	v12 =	vshrl.u32 v8, $0x1  }
0x180: {  	v13 =	vadd.s32 v5, v3;
	v6 =	vadd.s32 v8, v6;
	v10 =	vshrl.u32 v10, $0x1  }
0x181: {  	v3 =	vadd.s32 v3, v8;
	v6 =	vshrl.u32 v6, $0x1;
	v10 =	vand.u32 $0x7FFFFF80, v10  }
0x182: {  	v6 =	vand.u32 $0x7FFFFF80, v6;
	v9 =	vor.u32 v9, v10;
	v10 =	vand.u32 $0x7F, v12  }
0x183: {  	v6 =	vor.u32 v10, v6;
	v10 =	vshll.u32 v1, $0xD  }
0x184: {  	v14 =	vshrl.u32 v0, $0x1;
	v12 =	vadd.s32 v5, v10  }
0x185: {  	v10 =	vadd.s32 v8, v10;
	v1 =	vld.idx.msk [tilespmem:v13+s24+$0x0], $0xffff;
	v13 =	vand.u32 $0x7FFFFFF0, v14  }
0x186: {  	v14 =	vld.idx.msk [tilespmem:v3+s24+$0x0], $0xffff;
	v3 =	vor.u32 v2, v13;
	v2 =	vshrl.u32 v11, $0x1  }
0x187: {  	v9 =	vld.idx.msk [tilespmem:v9+s3+$0x0], $0xffff;
	v2 =	vand.u32 $0x7FFFFFF0, v2  }
0x188: {  	v6 =	vld.idx.msk [tilespmem:v6+s3+$0x0], $0xffff;
	v7 =	vor.u32 v7, v2  }
0x189: {  	v2 =	vld.idx.msk [tilespmem:v12+s24+$0x0], $0xffff  }
0x18a: {  	v10 =	vld.idx.msk [tilespmem:v10+s24+$0x0], $0xffff  }
0x18b: {  	v8 =	vxor.u32 $0xFFFFFFFF, v8;
	v12 =	vcvt.s32.f32 v5;
	v5 =	vxor.u32 $0xFFFFFFFF, v5;
	v13 =	vld.idx.msk [tilespmem:v3+s26+$0x0], $0xffff  }
0x18c: {  	v8 =	vshll.u32 v8, $0x4;
	v5 =	vshll.u32 v5, $0x4  }
.Ltmp3:
0x18d: {  	v8 =	vand.u32 $0x10, v8;
	v3 =	vsub.f32 v4, v12;
	v5 =	vand.u32 $0x10, v5;
	v4 =	vld.idx.msk [tilespmem:v7+s26+$0x0], $0xffff;
	(pc) =	sbr.rel @p0 .LBB2_8-.Ltmp3, $4  }
0x18e: {  	v5 =	vshll.u32 v9, v5;
	v6 =	vshll.u32 v6, v8;
	v7 =	vsub.f32 v14, v1  }
0x18f: {  	v9 =	vandn.u32 $0x10, v0;
	v5 =	vand.u32 $0xFFFF0000, v5;
	v6 =	vand.u32 $0xFFFF0000, v6  }
0x190: {  	s17 =	sshra.s32 s14, $0x2;
	v6 =	vsub.f32 v6, v5;
	v7 =	vmul.f32 v7, v3;
	v8 =	vsub.f32 v10, v2  }
0x191: {  	s14 =	sadd.s32 $0x40, s14;
	v10 =	vandn.u32 $0x10, v11;
	v9 =	vshll.u32 v13, v9;
	v0 =	vld [tilespmem:s17+$0x1D800]  }
0x192: {  	v6 =	vmul.f32 v6, v3;
	v1 =	vadd.f32 v7, v1;
	v39 =	vmul.f32 v8, v3  }
0x193: {  	v40 =	vld [tilespmem:s17+$0x1DF00];
	v41 =	vand.u32 $0xFFFF0000, v9;
	v4 =	vshll.u32 v4, v10  }
0x194: {  	v5 =	vadd.f32 v5, v6;
	v2 =	vadd.f32 v39, v2;
	v1 =	vmul.f32 v41, v1  }
0x195: {  	v42 =	vand.u32 $0xFFFF0000, v4  }
0x196: {  	v43 =	vshrl.u32 v0, $0x4;
	v1 =	vadd.f32 v5, v1;
	v2 =	vmul.f32 v42, v2;
	_ =	sdelay $0x1  }
0x197: {  	v45 =	vld [tilespmem:s17+$0x1D100];
	v44 =	vshrl.u32 v40, $0x4;
	v1 =	vadd.f32 v1, v2;
	_ =	sdelay $0x1  }
0x198: {  	[tilespmem:s16+$0x1E600] =	vst v1  }
0x199: {  	v1 =	vld.idx.msk [tilespmem:v43+s25+$0x0], $0xffff;
	_ =	sdelay $0x1  }
0x19a: {  	v2 =	vmin.f32 v45, $5.999999520e+00;
	v3 =	vld.idx.msk [tilespmem:v44+s25+$0x0], $0xffff  }
0x19b: {  	v46 =	vand.u32 $0xF, v0;
	v2 =	vmul.f32 $1.365166630e+03, v2  }
0x19c: {  	v47 =	vshll.u32 v46, $0x1  }
0x19d: {  	v49 =	vand.u32 $0xF, v40;
	v48 =	vtrunc.f32 v2;
	v1 =	vshrl.u32 v1, v47  }
0x19e: {  	v51 =	vshll.u32 v49, $0x1;
	v50 =	vcvt.f32.s32 v48;
	v1 =	vand.u32 $0x3, v1  }
0x19f: {  	v3 =	vshrl.u32 v3, v51;
	v52 =	vmul.u32 $0x3, v1  }
0x1a0: {  	v53 =	vadd.s32 $0x1, v50;
	v3 =	vand.u32 $0x3, v3  }
0x1a1: {  	v54 =	vshrl.u32 v50, $0x1;
	vm0 =	vlt.s32 v53, $0x1FFF;
	v6 =	vadd.s32 v3, v52  }
0x1a2: {  	v10 =	vand.u32 $0x7F, v54;
	v9 =	vnsel vm0, $0x1FFF, v53;
	v6 =	vshll.u32 v6, $0xD  }
0x1a3: {  	v12 =	vshrl.u32 v9, $0x1;
	v3 =	vshll.u32 v3, $0xD;
	v11 =	vadd.s32 v50, v6  }
0x1a4: {  	v13 =	vadd.s32 v50, v3;
	v6 =	vadd.s32 v9, v6;
	v11 =	vshrl.u32 v11, $0x1  }
0x1a5: {  	v3 =	vadd.s32 v3, v9;
	v6 =	vshrl.u32 v6, $0x1;
	v11 =	vand.u32 $0x7FFFFF80, v11  }
0x1a6: {  	v55 =	vand.u32 $0x7F, v12;
	v6 =	vand.u32 $0x7FFFFF80, v6;
	v10 =	vor.u32 v10, v11  }
0x1a7: {  	v1 =	vshll.u32 v1, $0xD;
	v6 =	vor.u32 v55, v6  }
0x1a8: {  	v57 =	vshrl.u32 v0, $0x1;
	v56 =	vadd.s32 v50, v1;
	v1 =	vadd.s32 v9, v1  }
0x1a9: {  	v12 =	vand.u32 $0x7FFFFFF0, v57;
	v13 =	vld.idx.msk [tilespmem:v13+s24+$0x0], $0xffff  }
0x1aa: {  	v58 =	vshrl.u32 v40, $0x1;
	v4 =	vor.u32 v46, v12;
	v3 =	vld.idx.msk [tilespmem:v3+s24+$0x0], $0xffff  }
0x1ab: {  	v12 =	vand.u32 $0x7FFFFFF0, v58;
	v10 =	vld.idx.msk [tilespmem:v10+s3+$0x0], $0xffff  }
0x1ac: {  	v8 =	vor.u32 v49, v12;
	v6 =	vld.idx.msk [tilespmem:v6+s3+$0x0], $0xffff  }
0x1ad: {  	v1 =	vld.idx.msk [tilespmem:v1+s24+$0x0], $0xffff  }
0x1ae: {  	v59 =	vcvt.s32.f32 v50;
	v5 =	vxor.u32 $0xFFFFFFFF, v50;
	v9 =	vxor.u32 $0xFFFFFFFF, v9;
	v11 =	vld.idx.msk [tilespmem:v56+s24+$0x0], $0xffff  }
0x1af: {  	v5 =	vshll.u32 v5, $0x4;
	v9 =	vshll.u32 v9, $0x4;
	v4 =	vld.idx.msk [tilespmem:v4+s26+$0x0], $0xffff  }
0x1b0: {  	v2 =	vsub.f32 v2, v59;
	v5 =	vand.u32 $0x10, v5;
	v9 =	vand.u32 $0x10, v9  }
0x1b1: {  	v8 =	vld.idx.msk [tilespmem:v8+s26+$0x0], $0xffff;
	v3 =	vsub.f32 v3, v13;
	v5 =	vshll.u32 v10, v5;
	v6 =	vshll.u32 v6, v9  }
0x1b2: {  	v60 =	vandn.u32 $0x10, v0;
	v5 =	vand.u32 $0xFFFF0000, v5;
	v6 =	vand.u32 $0xFFFF0000, v6  }
0x1b3: {  	v1 =	vsub.f32 v1, v11;
	v3 =	vmul.f32 v3, v2;
	v6 =	vsub.f32 v6, v5  }
0x1b4: {  	v61 =	vandn.u32 $0x10, v40;
	v0 =	vshll.u32 v4, v60  }
0x1b5: {  	v1 =	vmul.f32 v1, v2;
	v3 =	vadd.f32 v3, v13;
	v6 =	vmul.f32 v6, v2  }
0x1b6: {  	v0 =	vand.u32 $0xFFFF0000, v0;
	v62 =	vshll.u32 v8, v61  }
0x1b7: {  	v1 =	vadd.f32 v1, v11;
	v0 =	vmul.f32 v0, v3;
	v63 =	vadd.f32 v5, v6  }
0x1b8: {  	v2 =	vand.u32 $0xFFFF0000, v62  }
0x1b9: {  	v1 =	vmul.f32 v2, v1;
	v0 =	vadd.f32 v63, v0;
	_ =	sdelay $0x1  }
0x1ba: {  	v0 =	vadd.f32 v0, v1;
	_ =	sdelay $0x1  }
0x1bb: {  	s14 =	rddreg [dreg:$0xe];
	[tilespmem:s17+$0x1E600] =	vst v0  }
0x1bc: {  	[hbm4b:s14+s3] =	stream.linear.scatter [tilespmem:s7], [sflag:$0x3], $0x320, $0x38;
	[tilespmem:$0x1ED00] =	vst v63  }
0x1bd: {  	_ =	swait.ge [sflag:s8], $0x320  }
0x1be: {  	[sflag:s8] =	ssyncset.done $0x0  }
0x1bf: {  	[sflag:s8] =	ssyncadd.s32 $0xFFFFFCE0  }
0x1c0: {  	_ =	swait.ge [sflag:s8], $0x320  }
0x1c1: {  	[sflag:s8] =	ssyncset.done $0x0  }
0x1c2: {  	[sflag:s8] =	ssyncadd.s32 $0xFFFFFCE0  }
0x1c3: {  	_ =	swait.ge [sflag:s8], $0x320  }
0x1c4: {  	[sflag:s8] =	ssyncset.done $0x0  }
0x1c5: {  	s21 =	simm.s32 $0x4;
	[sflag:s8] =	ssyncadd.s32 $0xFFFFFCE0  }
0x1c6: {  	_ =	swait.ge [sflag:s21], $0x320  }
0x1c7: {  	[sflag:s21] =	ssyncset.done $0x0  }
0x1c8: {  	[sflag:s21] =	ssyncadd.s32 $0xFFFFFCE0  }
0x1c9: {  	_ =	swait.ge [sflag:s13], $0x320  }
0x1ca: {  	s15 =	sadd.s32 $0x1, s15;
	s22 =	rddreg [dreg:$0xf]  }
0x1cb: {  	p0 =	sne.s32 s15, s22  }
.Ltmp4:
0x1cc: {  	_ = 	snop;
	(pc) =	sbr.rel @p0 .LBB2_1-.Ltmp4, $3  }
0x1cd: {  	_ =	sdelay $0x1  }
0x1ce: {  	[sflag:s13] =	ssyncset.done $0x0  }
0x1cf: {  	[sflag:s13] =	ssyncadd.s32 $0xFFFFFCE0  }
0x1d0: {  	_ =	sfence.sel $0x180000  }
0x1d1: {  	[bflag:$0x0] =	sbarrier.arrive $0xFFFF  }
0x1d2: {  	_ =	strace $0x9000004D  }
0x1d3: {  	s0 =	stileid.u32;
	[bflag:$0x2] =	sbarrier.arrive $0xFFFF  }
0x1d4: {  	p0 =	sne.s32 s0, $0x0;
	s0 =	rddreg [dreg:$0x3]  }
0x1d5: {  	s0 =	sadd.s32 @!p0 $0x100000, s0  }
0x1d6: {  	[sflag:s0] =	ssyncadd.tile.s32 @!p0 $0x1;
	_ =	shalt  }
.Lfunc_end2:
_tile_overlayer_lowered:
.L_overlay_start_2:
0x1d7: {  	(tag) =	ssettag $0x2  }
0x1d8: {  	s0 =	rddreg [dreg:$0x0];
	s2 =	stileid.u32  }
0x1d9: {  	s1 =	rddreg [dreg:$0x1];
	p0 =	sne.s32 s2, $0x0  }
0x1da: {  	s3 =	rddreg [dreg:$0x2];
	[bflag:$0x3] =	sbarrier.arrive $0xFFFF;
	s2 =	simm.s32 @!p0 $0x1C05  }
0x1db: {  	[timem:s3], [sflag:s2] =	dma.local @!p0 [hbm:s0], s1  }
0x1dc: {  	s0 =	simm.s32 @!p0 $0x5  }
0x1dd: {  	_ =	swait.ge @!p0 [sflag:s0], s1  }
0x1de: {  	s1 =	ssub.s32 @!p0 $0x0, s1;
	[sflag:s0] =	ssyncset.done @!p0 $0x0  }
0x1df: {  	[sflag:s0] =	ssyncadd.s32 @!p0 s1  }
0x1e0: {  	[bflag:$0x3] =	sbarrier.arrive $0xFFFF  }
0x1e1: {  	_ =	shalt  }

// kernel: kernel.5.cloned.1.call-start
scs
__scs_entry_jumppad:
0x0: {  	(pc) =	sbr.rel $0x88, $3  }
0x1: {  	(tag) =	ssettag $0x0;
	lr =	simm.s32 $0x1  }
0x2: {  	[smem:$0x3F96] =	sst lr;
	_ =	strace $0xD0000000  }
0x3: {  	_ = 	snop  }
0x4: {  	_ = 	snop  }
0x5: {  	_ = 	snop  }
0x6: {  	_ = 	snop  }
0x7: {  	_ = 	snop  }
__scs_overlays_trampoline_lowered:
0x8: {  	[smem:$0x3FA5] =	sst s0  }
0x9: {  	[smem:$0x3FA6] =	sst s1  }
0xa: {  	[smem:$0x3FA7] =	sst s2  }
0xb: {  	[smem:$0x3FA8] =	sst s3  }
0xc: {  	[smem:$0x3FA9] =	sst s4  }
0xd: {  	[smem:$0x3FAA] =	sst s5  }
0xe: {  	[smem:$0x3FAB] =	sst s6  }
0xf: {  	[smem:$0x3FAC] =	sst s7  }
0x10: {  	[smem:$0x3FAD] =	sst s8  }
0x11: {  	[smem:$0x3FAE] =	sst s9;
	s0 =	simm.s32 @!p0 $0x0  }
0x12: {  	s1 =	sld [smem:$0x3F94];
	s0 =	simm.s32 @p0 $0x1  }
0x13: {  	[smem:$0x3FAF] =	sst s0;
	s0 =	simm.s32 @!p1 $0x0  }
0x14: {  	s2 =	sld [smem:$0x3F93];
	s0 =	simm.s32 @p1 $0x1  }
0x15: {  	[smem:$0x3FB0] =	sst s0;
	s0 =	simm.s32 @!p2 $0x0  }
0x16: {  	s3 =	sld [smem:$0x3FDB];
	s0 =	simm.s32 @p2 $0x1  }
0x17: {  	s4 =	simm.s32 $0x1BF5;
	[smem:$0x3FB2] =	sst s0  }
0x18: {  	s0 =	sld [smem:$0x3F95];
	_ =	swait.ge [sflag:s4], $0x0  }
0x19: {  	s7 =	sld [smem:$0x3F96]  }
0x1a: {  	s8 =	sadd.s32 $0xFFFFE003, lr  }
0x1b: {  	s9 =	sadd.s32 $0xFFFFFEF7, lr;
	s5 =	simm.s32 $0xFFFFFFFF;
	p2 =	slt.u32 s8, $0xFFFFF086  }
0x1c: {  	p1 =	slt.u32 s9, $0xF7A;
	s5 =	simm.s32 @!p2 $0x0  }
0x1d: {  	s5 =	simm.s32 @p1 $0x1;
	p0 =	seq.s32 s7, s2  }
0x1e: {  	s7 =	smul.u32 @!p0 $0xF7A, s2;
	p2 =	seq.s32 @!p0 s5, $0x0  }
0x1f: {  	s9 =	smul.u32 $0xF7A, s1;
	s8 =	simm.s32 @!p0 $0x1BF5;
	p2 =	por !p2, p0  }
0x20: {  	[sflag:s8] =	ssyncset.s32 @!p0 $0xFFFFF086;
	s6 =	sadd.s32 @!p0 s3, s7;
	s7 =	simm.s32 @!p0 $0x108  }
0x21: {  	s3 =	sadd.s32 s3, s9;
	s6 =	sadd.s32 @!p0 $0x88, s6;
	s7 =	simm.s32 @p2 $0x1082  }
0x22: {  	[simem:s7], [sflag:s8] =	dma.local @!p0 [hbm:s6], $0xF7A  }
0x23: {  	s9 =	sor.u32 $0xD0000000, s2;
	s6 =	simm.s32 $0x108;
	_ =	swait.ge @!p0 [sflag:s8], $0x0  }
0x24: {  	s3 =	sadd.s32 $0x88, s3;
	s6 =	simm.s32 @!p1 $0x1082;
	[sflag:s4] =	ssyncset.s32 $0xFFFFF086  }
0x25: {  	[simem:s6], [sflag:s4] =	dma.local [hbm:s3], $0xF7A  }
0x26: {  	[smem:$0x3F96] =	sst s1;
	(tag) =	ssettag s2;
	_ =	strace s9  }
0x27: {  	s1 =	sld [smem:$0x3FA6]  }
0x28: {  	s2 =	sld [smem:$0x3FA7]  }
0x29: {  	s4 =	sld [smem:$0x3FA9]  }
0x2a: {  	p0 =	seq.s32 s5, $0x0;
	s5 =	sld [smem:$0x3FAA]  }
0x2b: {  	s6 =	sld [smem:$0x3FAB]  }
0x2c: {  	s7 =	sld [smem:$0x3FAC]  }
0x2d: {  	s3 =	simm.s32 $0x108;
	s8 =	sld [smem:$0x3FAD]  }
0x2e: {  	s3 =	simm.s32 @!p0 $0x1082;
	s9 =	sld [smem:$0x3FAE]  }
0x2f: {  	lr =	sadd.s32 s0, s3;
	s0 =	sld [smem:$0x3FA5]  }
0x30: {  	s3 =	sld [smem:$0x3FA8]  }
0x31: {  	[smem:$0x3FB1] =	sst s10  }
0x32: {  	s10 =	sld [smem:$0x3FAF];
	_ =	sdelay $0x3  }
0x33: {  	p0 =	seq.s32 s10, $0x1;
	s10 =	sld [smem:$0x3FB1];
	_ =	sdelay $0x3  }
0x34: {  	[smem:$0x3FB1] =	sst s10  }
0x35: {  	s10 =	sld [smem:$0x3FB0];
	_ =	sdelay $0x3  }
0x36: {  	p1 =	seq.s32 s10, $0x1;
	s10 =	sld [smem:$0x3FB1];
	_ =	sdelay $0x3  }
0x37: {  	[smem:$0x3FB1] =	sst s10  }
0x38: {  	s10 =	sld [smem:$0x3FB2]  }
0x39: {  	_ = 	snop;
	(pc) =	sbr.ind lr, $3  }
0x3a: {  	_ = 	snop  }
0x3b: {  	_ = 	snop  }
0x3c: {  	p2 =	seq.s32 s10, $0x1;
	s10 =	sld [smem:$0x3FB1]  }
0x3d: {  	_ =	shalt  }
0x3e: {  	_ =	shalt  }
0x3f: {  	_ =	shalt  }
0x40: {  	_ =	shalt  }
0x41: {  	_ =	shalt  }
0x42: {  	_ =	shalt  }
0x43: {  	_ =	shalt  }
0x44: {  	_ =	shalt  }
0x45: {  	_ =	shalt  }
0x46: {  	_ =	shalt  }
0x47: {  	_ =	shalt  }
0x48: {  	_ =	shalt  }
0x49: {  	_ =	shalt  }
0x4a: {  	_ =	shalt  }
0x4b: {  	_ =	shalt  }
0x4c: {  	_ =	shalt  }
0x4d: {  	_ =	shalt  }
0x4e: {  	_ =	shalt  }
0x4f: {  	_ =	shalt  }
0x50: {  	_ =	shalt  }
0x51: {  	_ =	shalt  }
0x52: {  	_ =	shalt  }
0x53: {  	_ =	shalt  }
0x54: {  	_ =	shalt  }
0x55: {  	_ =	shalt  }
0x56: {  	_ =	shalt  }
0x57: {  	_ =	shalt  }
0x58: {  	_ =	shalt  }
0x59: {  	_ =	shalt  }
0x5a: {  	_ =	shalt  }
0x5b: {  	_ =	shalt  }
0x5c: {  	_ =	shalt  }
0x5d: {  	_ =	shalt  }
0x5e: {  	_ =	shalt  }
0x5f: {  	_ =	shalt  }
0x60: {  	_ =	shalt  }
0x61: {  	_ =	shalt  }
0x62: {  	_ =	shalt  }
0x63: {  	_ =	shalt  }
0x64: {  	_ =	shalt  }
0x65: {  	_ =	shalt  }
0x66: {  	_ =	shalt  }
0x67: {  	_ =	shalt  }
0x68: {  	_ =	shalt  }
0x69: {  	_ =	shalt  }
0x6a: {  	_ =	shalt  }
0x6b: {  	_ =	shalt  }
0x6c: {  	_ =	shalt  }
0x6d: {  	_ =	shalt  }
0x6e: {  	_ =	shalt  }
0x6f: {  	_ =	shalt  }
0x70: {  	_ =	shalt  }
0x71: {  	_ =	shalt  }
0x72: {  	_ =	shalt  }
0x73: {  	_ =	shalt  }
0x74: {  	_ =	shalt  }
0x75: {  	_ =	shalt  }
0x76: {  	_ =	shalt  }
0x77: {  	_ =	shalt  }
0x78: {  	_ =	shalt  }
0x79: {  	_ =	shalt  }
0x7a: {  	_ =	shalt  }
0x7b: {  	_ =	shalt  }
0x7c: {  	_ =	shalt  }
0x7d: {  	_ =	shalt  }
0x7e: {  	_ =	shalt  }
0x7f: {  	_ =	shalt  }
0x80: {  	_ =	shalt  }
0x81: {  	_ =	shalt  }
0x82: {  	_ =	shalt  }
0x83: {  	_ =	shalt  }
0x84: {  	_ =	shalt  }
0x85: {  	_ =	shalt  }
0x86: {  	_ =	shalt  }
0x87: {  	_ =	shalt  }
.Lfunc_end0:
.L_simem_size_0:
called_computation_lowered:
.L_overlay_start_0:
0x88: {  	s2 =	sld [smem:$0x3FD9]  }
0x89: {  	s3 =	sld [smem:$0x3FFE];
	_ =	sdelay $0x1  }
0x8a: {  	s1 =	srdreg.scid  }
0x8b: {  	s0 =	sand.u32 $0x1, s1  }
0x8c: {  	s17 =	sshll.u32 s0, $0xA;
	s2 =	sadd.s32 s3, s2  }
0x8d: {  	s2 =	sadd.s32 s2, s17  }
0x8e: {  	[smem:$0x3FBD] =	sst s2  }
0x8f: {  	_ = 	snop  }
0x90: {  	s2 =	sld [smem:$0x3FC9]  }
0x91: {  	s18 =	sld [smem:$0x3FD0];
	(tm) =	ssettm $0x1  }
0x92: {  	s4 =	sld [smem:$0x3FFB];
	_ =	sdelay $0x3  }
0x93: {  	_ =	strace s4  }
0x94: {  	s4 =	sld [smem:$0x3FFC];
	_ =	sdelay $0x3  }
0x95: {  	_ =	strace s4  }
0x96: {  	s4 =	sld [smem:$0x3FFD];
	_ =	sdelay $0x3  }
0x97: {  	_ =	strace s4  }
0x98: {  	_ =	strace $0x8FFFFFFF  }
0x99: {  	s19 =	sld [smem:$0x3FDB];
	_ =	sdelay $0x1  }
0x9a: {  	s5 =	simm.s32 $_scs_section_size  }
0x9b: {  	s6 =	simm.s32 $_size__tile_overlayer_lowered;
	s7 =	simm.s32 $_tile_overlayer_lowered  }
0x9c: {  	s22 =	simm.s32 $0x1BFF;
	s21 =	sshll.u32 s7, $0x1;
	s4 =	sadd.s32 s5, s19  }
0x9d: {  	s8 =	simm.s32 $0x0;
	s20 =	sshll.u32 s6, $0x1;
	s6 =	sadd.s32 s21, s4  }
0x9e: {  	[timem:s8], [sflag:s22] =	dma.local [hbm:s6], s20  }
0x9f: {  	_ =	swait.ge [sflag:s22], s20  }
0xa0: {  	s5 =	ssub.s32 $0x0, s20;
	[sflag:s22] =	ssyncset.done $0x0  }
0xa1: {  	[sflag:s22] =	ssyncadd.s32 s5;
	_ =	sdelay $0x1  }
0xa2: {  	s23 =	simm.s32 $0x1B8B  }
0xa3: {  	_ =	swait.ge [sflag:s23], $0x1  }
0xa4: {  	[sflag:s23] =	ssyncset.done $0x0  }
0xa5: {  	s25 =	simm.s32 $0x1B8E;
	s24 =	sld [smem:$0x3FFE];
	[sflag:s23] =	ssyncadd.s32 $0xFFFFFFFF  }
0xa6: {  	s26 =	simm.s32 $execute0_lowered;
	[smem:$0x3FD2] =	sst s25  }
0xa7: {  	s6 =	sshll.u32 s26, $0x1;
	_ =	strace $0x80000046;
	[dreg:$0x1] =	wrdreg $0xFFFFFFFF  }
0xa8: {  	s28 =	simm.s32 $_size_execute0_lowered;
	s4 =	sadd.s32 s4, s6;
	[dreg:$0x0] =	wrdreg $0x0  }
0xa9: {  	s6 =	sshll.u32 s28, $0x1;
	[dreg:$0x2] =	wrdreg s4  }
0xaa: {  	[dreg:$0x3] =	wrdreg s6  }
0xab: {  	[dreg:$0x4] =	wrdreg $0xC0  }
0xac: {  	_ =	task [dreg:s8], $0x5FFFF  }
0xad: {  	[dreg:$0x1] =	wrdreg $0xFFFFFFFF  }
0xae: {  	[dreg:$0x0] =	wrdreg $0x60  }
0xaf: {  	[dreg:$0x2] =	wrdreg s2  }
0xb0: {  	[dreg:$0x3] =	wrdreg s24  }
0xb1: {  	[dreg:$0x4] =	wrdreg s18  }
0xb2: {  	[dreg:$0x5] =	wrdreg $0x1C6000  }
0xb3: {  	[dreg:$0x6] =	wrdreg $0x1DF000  }
0xb4: {  	[dreg:$0x7] =	wrdreg $0x9  }
0xb5: {  	_ =	task.clear_ibuf [dreg:s8], $0x8FFFF;
	_ =	strace $0x90000046  }
0xb6: {  	s29 =	simm.s32 $0x9;
	_ =	strace $0x80000048  }
0xb7: {  	_ =	swait.ge [sflag:s29], $0x1  }
0xb8: {  	[sflag:s29] =	ssyncadd.s32 $0xFFFFFFFF  }
0xb9: {  	_ =	strace $0x90000048  }
0xba: {  	_ =	sfence  }
0xbb: {  	s30 =	sld [smem:$0x0];
	_ =	sdelay $0x2  }
0xbc: {  	s31 =	sshll.u32 s1, $0xD;
	s1 =	sshrl.u32 s1, $0x2  }
0xbd: {  	s3 =	sand.u32 $0x4000, s31;
	s1 =	sadd.s32 s1, s30  }
0xbe: {  	s0 =	sor.u32 s3, s0;
	s1 =	sshll.u32 s1, $0x11  }
0xbf: {  	s0 =	sor.u32 s1, s0  }
0xc0: {  	s0 =	sadd.s32 $0x8F2B, s0  }
0xc1: {  	[sflag:s0] =	ssyncadd.remote.s32 $0x1  }
0xc2: {  	_ =	sfence.sel $0xFFFF  }
0xc3: {  	[dreg:$0x0] =	wrdreg $0xFFFFFFFF;
	(pc) =	sbr.abs _section_cstart, $3  }
0xc4: {  	[dreg:$0x1] =	wrdreg $0xFFFFFFFF  }
0xc5: {  	_ =	task.clear_ibuf [dreg:s8], $0x2FFFF;
	_ =	strace $0x9FFFFFFF  }
0xc6: {  	(tm) =	ssettm $0x7FFFFFFF  }
0xc7: {  	_ =	shalt  }
tec
execute0_lowered:
.L_overlay_start_1:
0x0: {  	(tag) =	ssettag $0x1  }
0x1: {  	s1 =	rddreg [dreg:$0x0]  }
0x2: {  	s0 =	rddreg [dreg:$0x1]  }
0x3: {  	s2 =	rddreg [dreg:$0x2]  }
0x4: {  	s3 =	rddreg [dreg:$0x3];
	s6 =	srdreg.scid  }
0x5: {  	s4 =	rddreg [dreg:$0x4];
	s5 =	simm.s32 $0x0;
	s6 =	sand.u32 $0x1, s6  }
0x6: {  	s12 =	stileid.u32;
	[smem:$0x7FF] =	sst s5;
	s8 =	sshll.u32 s6, $0x4  }
0x7: {  	s10 =	sadd.s32 $0x8400, s0;
	s11 =	sadd.s32 $0x2200, s0;
	s8 =	sor.u32 s12, s8  }
0x8: {  	_ =	strace $0x80000047;
	[dreg:$0x6] =	wrdreg s10;
	s8 =	smul.u32 $0x186A0, s8  }
0x9: {  	s22 =	sadd.s32 $0x2E00, s0;
	[dreg:$0x7] =	wrdreg s11  }
0xa: {  	[dreg:$0x8] =	wrdreg s22;
	s13 =	sadd.s32 $0x640, s8  }
0xb: {  	s29 =	simm.s32 $0x19900;
	s14 =	sadd.s32 $0x960, s8;
	[dreg:$0xc] =	wrdreg s13  }
0xc: {  	s30 =	simm.s32 $0x1AA80;
	s15 =	sadd.s32 $0xC80, s8;
	[dreg:$0xd] =	wrdreg s14  }
0xd: {  	s21 =	sshll.u32 s6, $0x7;
	s16 =	sadd.s32 $0xFA0, s8;
	[dreg:$0xe] =	wrdreg s15  }
0xe: {  	s6 =	ssub.s32 $0x2, s6;
	s18 =	sadd.s32 $0x12C0, s8;
	[dreg:$0xf] =	wrdreg s16  }
0xf: {  	s10 =	sshrl.u32 s8, $0x3;
	s8 =	sadd.s32 $0x15E0, s8;
	[dreg:$0x10] =	wrdreg s18  }
0x10: {  	s23 =	sshrl.u32 s6, $0x1;
	[dreg:$0x11] =	wrdreg s8;
	s22 =	sadd.s32 s1, s10  }
0x11: {  	s6 =	ssub.s32 s6, s23;
	s23 =	sadd.s32 s2, s10;
	[dreg:$0x15] =	wrdreg s22  }
0x12: {  	s24 =	sadd.s32 $0x64, s10;
	s18 =	smax.u32 s6, $0x1;
	[dreg:$0x16] =	wrdreg s23  }
0x13: {  	s7 =	sadd.s32 $0x8800, s0;
	s25 =	sadd.s32 s1, s24;
	[smem:$0x7F5] =	sst s18  }
0x14: {  	s9 =	smul.u32 $0x3200, s12;
	s26 =	sadd.s32 s2, s24;
	[dreg:$0x9] =	wrdreg s25  }
0x15: {  	s17 =	sadd.s32 $0x2FA8, s10;
	s11 =	sadd.s32 s7, s24;
	[dreg:$0xa] =	wrdreg s26  }
0x16: {  	s31 =	simm.s32 $0x1A000;
	s19 =	sadd.s32 s1, s17;
	[dreg:$0xb] =	wrdreg s11  }
0x17: {  	s9 =	sor.u32 s21, s9;
	s20 =	sadd.s32 s2, s17;
	[dreg:$0x12] =	wrdreg s19  }
0x18: {  	s9 =	sshrl.u32 s9, $0x3;
	s21 =	sadd.s32 s7, s17;
	[dreg:$0x13] =	wrdreg s20  }
0x19: {  	s0 =	sadd.s32 s9, s0;
	s24 =	sadd.s32 s7, s10;
	[dreg:$0x14] =	wrdreg s21  }
0x1a: {  	s14 =	smul.u32 $0x1900, s12;
	s17 =	sadd.s32 $0x6A400, s0;
	[dreg:$0x17] =	wrdreg s24  }
0x1b: {  	s28 =	simm.s32 $0x1BC00;
	s0 =	sadd.s32 $0x70800, s0;
	[dreg:$0x1e] =	wrdreg s17  }
0x1c: {  	s12 =	simm.s32 $0x4;
	[dreg:$0x1f] =	wrdreg s0;
	s21 =	sadd.s32 s14, s4  }
0x1d: {  	s25 =	sadd.s32 $0x300C, s10;
	s17 =	sadd.s32 s14, s3;
	[smem:$0x7F8] =	sst s21  }
0x1e: {  	s6 =	simm.s32 $0x0;
	s11 =	sadd.s32 s1, s25;
	[smem:$0x7FD] =	sst s17  }
0x1f: {  	s26 =	sadd.s32 $0x3070, s10;
	s13 =	sadd.s32 s2, s25;
	[dreg:$0x18] =	wrdreg s11  }
0x20: {  	s19 =	sadd.s32 $0x640, s14;
	s8 =	sadd.s32 s7, s25;
	[dreg:$0x19] =	wrdreg s13  }
0x21: {  	s22 =	sadd.s32 $0xC80, s14;
	s15 =	sadd.s32 s1, s26;
	[dreg:$0x1a] =	wrdreg s8  }
0x22: {  	s23 =	sadd.s32 $0x12C0, s14;
	s16 =	sadd.s32 s2, s26;
	[dreg:$0x1b] =	wrdreg s15  }
0x23: {  	s10 =	simm.s32 $0x3;
	s9 =	sadd.s32 s7, s26;
	[dreg:$0x1c] =	wrdreg s16  }
0x24: {  	s14 =	simm.s32 $0x5;
	s20 =	sadd.s32 s19, s3;
	[dreg:$0x1d] =	wrdreg s9  }
0x25: {  	s0 =	sadd.s32 s19, s4;
	s24 =	sadd.s32 s22, s3;
	[smem:$0x7F6] =	sst s20  }
0x26: {  	s25 =	sadd.s32 s23, s3;
	s26 =	sadd.s32 s23, s4;
	[smem:$0x7F7] =	sst s0  }
0x27: {  	s19 =	simm.s32 $0x8;
	s21 =	simm.s32 $0x1B880;
	[smem:$0x7F9] =	sst s24  }
0x28: {  	s23 =	simm.s32 $0x2;
	s0 =	sadd.s32 s22, s4;
	[smem:$0x7FB] =	sst s25  }
0x29: {  	[smem:$0x7FC] =	sst s26;
	s25 =	simm.s32 $0x6000;
	s26 =	simm.s32 $0x18000  }
0x2a: {  	s8 =	simm.s32 $0x1A380;
	s9 =	simm.s32 $0x1;
	s11 =	simm.s32 $0x320  }
0x2b: {  	s20 =	simm.s32 $0x1B180;
	s22 =	simm.s32 $0x1A700;
	s13 =	simm.s32 $0x1B500  }
0x2c: {  	v0 =	vimm.f32 $0.0e+00;
	s24 =	simm.s32 $0x6;
	s15 =	simm.s32 $0x7;
	[smem:$0x7FA] =	sst s0  }
.LBB2_1:
0x2d: {  	[smem:$0x7F4] =	sst s6  }
0x2e: {  	s0 =	rddreg [dreg:$0x7]  }
0x2f: {  	[tilespmem:s5], [sflag:$0x8] =	stream.linear.gather [hbm4b:s0+s5], $0x6000, $0x38;
	[tilespmem:$0x1F800] =	vst v63  }
0x30: {  	_ =	swait.ge [sflag:s19], $0x6000  }
0x31: {  	[sflag:s19] =	ssyncset.done $0x0  }
0x32: {  	s16 =	rddreg [dreg:$0x8];
	[sflag:s19] =	ssyncadd.s32 $0xFFFFA000  }
0x33: {  	[tilespmem:s25], [sflag:$0x8] =	stream.linear.gather [hbm4b:s16+s5], $0x12000, $0x38;
	[tilespmem:$0x1F800] =	vst v63  }
0x34: {  	_ =	swait.ge [sflag:s19], $0x12000  }
0x35: {  	[sflag:s19] =	ssyncset.done $0x0  }
0x36: {  	s18 =	rddreg [dreg:$0x6];
	[sflag:s19] =	ssyncadd.s32 $0xFFFEE000  }
0x37: {  	[tilespmem:s26], [sflag:$0x8] =	stream.linear.gather [hbm4b:s18+s5], $0x1900, $0x38;
	[tilespmem:$0x1F800] =	vst v63  }
0x38: {  	_ =	swait.ge [sflag:s19], $0x1900  }
0x39: {  	[sflag:s19] =	ssyncset.done $0x0  }
0x3a: {  	s6 =	simm.s32 $0x0;
	s0 =	simm.s32 $0x40;
	[sflag:s19] =	ssyncadd.s32 $0xFFFFE700  }
.LBB2_2:
0x3b: {  	p0 =	sne.s32 s0, $0x18C0;
	[tilespmem:s6+$0x1BF80] =	vst v0;
	s6 =	smov.u32 s0;
	s0 =	sadd.s32 $0x40, s0  }
.Ltmp0:
0x3c: {  	(pc) =	sbr.rel @p0 .LBB2_2-.Ltmp0, $2  }
0x3d: {  	_ =	sdelay $0x2  }
0x3e: {  	s6 =	sshra.s32 s6, $0x2  }
0x3f: {  	[tilespmem:s6+$0x1BF80] =	vst v0;
	s6 =	simm.s32 $0x1BF80  }
0x40: {  	[spmem:s17] =	stream.linear.scatter [tilespmem:s6], [sflag:$0x8], $0x640, $0x38;
	[tilespmem:$0x1F800] =	vst v63  }
0x41: {  	_ =	swait.ge [sflag:s19], $0x640  }
0x42: {  	s0 =	sld [smem:$0x7F8]  }
0x43: {  	[sflag:s19] =	ssyncset.done $0x0  }
0x44: {  	[sflag:s19] =	ssyncadd.s32 $0xFFFFF9C0  }
0x45: {  	[spmem:s0] =	stream.linear.scatter [tilespmem:s6], [sflag:$0x8], $0x640, $0x38;
	[tilespmem:$0x1F800] =	vst v63  }
0x46: {  	_ =	swait.ge [sflag:s19], $0x640  }
0x47: {  	s16 =	sld [smem:$0x7F6]  }
0x48: {  	[sflag:s19] =	ssyncset.done $0x0  }
0x49: {  	[sflag:s19] =	ssyncadd.s32 $0xFFFFF9C0  }
0x4a: {  	[spmem:s16] =	stream.linear.scatter [tilespmem:s6], [sflag:$0x8], $0x640, $0x38;
	[tilespmem:$0x1F800] =	vst v63  }
0x4b: {  	_ =	swait.ge [sflag:s19], $0x640  }
0x4c: {  	s17 =	sld [smem:$0x7F7]  }
0x4d: {  	[sflag:s19] =	ssyncset.done $0x0  }
0x4e: {  	[sflag:s19] =	ssyncadd.s32 $0xFFFFF9C0  }
0x4f: {  	[spmem:s17] =	stream.linear.scatter [tilespmem:s6], [sflag:$0x8], $0x640, $0x38;
	[tilespmem:$0x1F800] =	vst v63  }
0x50: {  	_ =	swait.ge [sflag:s19], $0x640  }
0x51: {  	s18 =	sld [smem:$0x7F9]  }
0x52: {  	[sflag:s19] =	ssyncset.done $0x0  }
0x53: {  	[sflag:s19] =	ssyncadd.s32 $0xFFFFF9C0  }
0x54: {  	[spmem:s18] =	stream.linear.scatter [tilespmem:s6], [sflag:$0x8], $0x640, $0x38;
	[tilespmem:$0x1F800] =	vst v63  }
0x55: {  	_ =	swait.ge [sflag:s19], $0x640  }
0x56: {  	s16 =	sld [smem:$0x7FA]  }
0x57: {  	[sflag:s19] =	ssyncset.done $0x0  }
0x58: {  	[sflag:s19] =	ssyncadd.s32 $0xFFFFF9C0  }
0x59: {  	[spmem:s16] =	stream.linear.scatter [tilespmem:s6], [sflag:$0x8], $0x640, $0x38;
	[tilespmem:$0x1F800] =	vst v63  }
0x5a: {  	_ =	swait.ge [sflag:s19], $0x640  }
0x5b: {  	s17 =	sld [smem:$0x7FB]  }
0x5c: {  	[sflag:s19] =	ssyncset.done $0x0  }
0x5d: {  	[sflag:s19] =	ssyncadd.s32 $0xFFFFF9C0  }
0x5e: {  	[spmem:s17] =	stream.linear.scatter [tilespmem:s6], [sflag:$0x8], $0x640, $0x38;
	[tilespmem:$0x1F800] =	vst v63  }
0x5f: {  	_ =	swait.ge [sflag:s19], $0x640  }
0x60: {  	s18 =	sld [smem:$0x7FC]  }
0x61: {  	[sflag:s19] =	ssyncset.done $0x0  }
0x62: {  	[sflag:s19] =	ssyncadd.s32 $0xFFFFF9C0  }
0x63: {  	[spmem:s18] =	stream.linear.scatter [tilespmem:s6], [sflag:$0x8], $0x640, $0x38;
	[tilespmem:$0x1F800] =	vst v63  }
0x64: {  	_ =	swait.ge [sflag:s19], $0x640  }
0x65: {  	[sflag:s19] =	ssyncset.done $0x0  }
0x66: {  	[sflag:s19] =	ssyncadd.s32 $0xFFFFF9C0  }
0x67: {  	[bflag:$0x0] =	sbarrier.arrive $0xFFFF  }
0x68: {  	s16 =	simm.s32 $0x0;
	s19 =	rddreg [dreg:$0x15]  }
0x69: {  	[tilespmem:s29], [sflag:$0x1] =	stream.linear.gather [hbm4b:s19+s16], $0x320, $0x38;
	[tilespmem:$0x1F800] =	vst v63  }
0x6a: {  	s6 =	rddreg [dreg:$0x16]  }
0x6b: {  	[tilespmem:s30], [sflag:$0x1] =	stream.linear.gather [hbm4b:s6+s16], $0x320, $0x38;
	[tilespmem:$0x1F800] =	vst v63  }
0x6c: {  	s17 =	rddreg [dreg:$0x17]  }
0x6d: {  	[tilespmem:s31], [sflag:$0x3] =	stream.linear.gather [hbm4b:s17+s16], $0x320, $0x38;
	[tilespmem:$0x1F800] =	vst v63  }
0x6e: {  	s18 =	rddreg [dreg:$0x9];
	s19 =	simm.s32 $0x19C80  }
0x6f: {  	[tilespmem:s19], [sflag:$0x2] =	stream.linear.gather [hbm4b:s18+s16], $0x320, $0x38;
	[tilespmem:$0x1F800] =	vst v63  }
0x70: {  	s17 =	rddreg [dreg:$0xa];
	s18 =	simm.s32 $0x1AE00  }
0x71: {  	[tilespmem:s18], [sflag:$0x2] =	stream.linear.gather [hbm4b:s17+s16], $0x320, $0x38;
	[tilespmem:$0x1F800] =	vst v63  }
0x72: {  	s19 =	rddreg [dreg:$0xb]  }
0x73: {  	[tilespmem:s8], [sflag:$0x4] =	stream.linear.gather [hbm4b:s19+s16], $0x320, $0x38;
	[tilespmem:$0x1F800] =	vst v63  }
.LBB2_4:
0x74: {  	_ =	swait.ge [sflag:s9], $0x320  }
0x75: {  	[sflag:s9] =	ssyncset.done $0x0  }
0x76: {  	[sflag:s9] =	ssyncadd.s32 $0xFFFFFCE0  }
0x77: {  	_ =	swait.ge [sflag:s9], $0x320  }
0x78: {  	[sflag:s9] =	ssyncset.done $0x0  }
0x79: {  	[sflag:s9] =	ssyncadd.s32 $0xFFFFFCE0  }
0x7a: {  	_ =	swait.ge [sflag:s10], $0x320  }
0x7b: {  	[sflag:s10] =	ssyncset.done $0x0  }
0x7c: {  	s17 =	simm.s32 $0x0;
	[sflag:s10] =	ssyncadd.s32 $0xFFFFFCE0  }
0x7d: {  	v1 =	vld [tilespmem:s17+$0x1AA80];
	_ =	sdelay $0x4  }
0x7e: {  	v2 =	vld [tilespmem:s17+$0x19900];
	v3 =	vshrl.u32 v1, $0x4;
	_ =	sdelay $0x3  }
0x7f: {  	v4 =	vld [tilespmem:s17+$0x1A000]  }
0x80: {  	v2 =	vmin.f32 v2, $5.999999520e+00;
	v3 =	vld.idx.msk [tilespmem:v3+s26+$0x0], $0xffff  }
0x81: {  	v2 =	vmul.f32 $1.365166630e+03, v2;
	_ =	sdelay $0x1  }
0x82: {  	v1 =	vshll.u32 v1, $0x1;
	v5 =	vtrunc.f32 v2  }
0x83: {  	v1 =	vand.u32 $0x1E, v1;
	v5 =	vcvt.f32.s32 v5  }
0x84: {  	v1 =	vshrl.u32 v3, v1;
	v3 =	vshrl.u32 v4, $0x4  }
0x85: {  	v6 =	vadd.s32 $0x1, v5;
	v1 =	vand.u32 $0x3, v1  }
0x86: {  	vm0 =	vlt.s32 v6, $0x1FFF;
	v7 =	vshll.u32 v1, $0xD  }
0x87: {  	v6 =	vnsel vm0, $0x1FFF, v6;
	v8 =	vadd.s32 v5, v7  }
0x88: {  	v7 =	vadd.s32 v6, v7  }
0x89: {  	v3 =	vld.idx.msk [tilespmem:v3+s26+$0x0], $0xffff;
	_ =	sdelay $0x2  }
0x8a: {  	v4 =	vshll.u32 v4, $0x1;
	v8 =	vld.idx.msk [tilespmem:v8+s5+$0x0], $0xffff  }
0x8b: {  	v4 =	vand.u32 $0x1E, v4;
	v7 =	vld.idx.msk [tilespmem:v7+s5+$0x0], $0xffff  }
0x8c: {  	v3 =	vshrl.u32 v3, v4  }
0x8d: {  	v3 =	vand.u32 $0x3, v3  }
0x8e: {  	v4 =	vcvt.s32.f32 v5;
	v3 =	vmul.u32 $0x3, v3;
	_ =	sdelay $0x1  }
0x8f: {  	v9 =	vsub.f32 v2, v4;
	v2 =	vsub.f32 v7, v8;
	v1 =	vadd.s32 v1, v3  }
0x90: {  	v1 =	vshll.u32 v1, $0xD  }
0x91: {  	v2 =	vmul.f32 v2, v9;
	v3 =	vadd.s32 v5, v1  }
0x92: {  	v1 =	vadd.s32 v6, v1  }
0x93: {  	v2 =	vadd.f32 v2, v8;
	_ =	sdelay $0x1  }
0x94: {  	[tilespmem:s17+$0x1B180] =	vst v2  }
0x95: {  	v2 =	vld.idx.msk [tilespmem:v3+s25+$0x0], $0xffff  }
0x96: {  	v1 =	vld.idx.msk [tilespmem:v1+s25+$0x0], $0xffff  }
0x97: {  	s19 =	simm.s32 $0x10  }
0x98: {  	v3 =	vld [tilespmem:s19+$0x1AA80]  }
0x99: {  	v5 =	vld [tilespmem:s19+$0x19900];
	_ =	sdelay $0x1  }
0x9a: {  	v6 =	vsub.f32 v1, v2;
	_ =	sdelay $0x1  }
0x9b: {  	v4 =	vshrl.u32 v3, $0x4;
	v6 =	vmul.f32 v6, v9  }
0x9c: {  	s18 =	simm.s32 $0x80;
	v5 =	vmin.f32 v5, $5.999999520e+00;
	v1 =	vld [tilespmem:s19+$0x1A000];
	v3 =	vshll.u32 v3, $0x1  }
.LBB2_5:
0x9d: {  	p0 =	sne.s32 s18, $0xC40;
	v2 =	vadd.f32 v6, v2;
	s0 =	smov.u32 s18;
	s18 =	sadd.s32 $0x40, s18  }
0x9e: {  	_ = 	snop  }
0x9f: {  	[tilespmem:s17+$0x1B880] =	vst v2;
	s17 =	smov.u32 s19  }
0xa0: {  	v2 =	vld.idx.msk [tilespmem:v4+s26+$0x0], $0xffff  }
0xa1: {  	v4 =	vmul.f32 $1.365166630e+03, v5;
	_ =	sdelay $0x1  }
0xa2: {  	v5 =	vtrunc.f32 v4  }
0xa3: {  	v5 =	vcvt.f32.s32 v5  }
0xa4: {  	v3 =	vand.u32 $0x1E, v3  }
0xa5: {  	v6 =	vadd.s32 $0x1, v5;
	v2 =	vshrl.u32 v2, v3;
	v3 =	vshrl.u32 v1, $0x4  }
0xa6: {  	v7 =	vcvt.s32.f32 v5;
	vm0 =	vlt.s32 v6, $0x1FFF;
	v2 =	vand.u32 $0x3, v2  }
0xa7: {  	v6 =	vnsel vm0, $0x1FFF, v6;
	v8 =	vshll.u32 v2, $0xD  }
0xa8: {  	v9 =	vadd.s32 v5, v8;
	v8 =	vadd.s32 v6, v8;
	_ =	sdelay $0x1  }
0xa9: {  	v3 =	vld.idx.msk [tilespmem:v3+s26+$0x0], $0xffff;
	_ =	sdelay $0x2  }
0xaa: {  	v9 =	vld.idx.msk [tilespmem:v9+s5+$0x0], $0xffff  }
0xab: {  	v1 =	vshll.u32 v1, $0x1;
	v8 =	vld.idx.msk [tilespmem:v8+s5+$0x0], $0xffff  }
0xac: {  	v1 =	vand.u32 $0x1E, v1  }
0xad: {  	v1 =	vshrl.u32 v3, v1  }
0xae: {  	v1 =	vand.u32 $0x3, v1  }
0xaf: {  	v1 =	vmul.u32 $0x3, v1  }
0xb0: {  	v7 =	vsub.f32 v4, v7  }
0xb1: {  	v3 =	vsub.f32 v8, v9;
	v1 =	vadd.s32 v2, v1  }
0xb2: {  	v1 =	vshll.u32 v1, $0xD  }
0xb3: {  	v2 =	vmul.f32 v3, v7;
	v3 =	vadd.s32 v5, v1;
	v1 =	vadd.s32 v6, v1;
	_ =	sdelay $0x1  }
0xb4: {  	v2 =	vadd.f32 v2, v9;
	_ =	sdelay $0x1  }
0xb5: {  	[tilespmem:s17+$0x1B180] =	vst v2  }
0xb6: {  	v2 =	vld.idx.msk [tilespmem:v3+s25+$0x0], $0xffff  }
0xb7: {  	v3 =	vld.idx.msk [tilespmem:v1+s25+$0x0], $0xffff;
	_ =	sdelay $0x1  }
0xb8: {  	s19 =	sshra.s32 s0, $0x2  }
0xb9: {  	v5 =	vld [tilespmem:s19+$0x1AA80]  }
0xba: {  	v8 =	vld [tilespmem:s19+$0x19900]  }
.Ltmp1:
0xbb: {  	v1 =	vld [tilespmem:s19+$0x1A000];
	(pc) =	sbr.rel @p0 .LBB2_5-.Ltmp1, $3  }
0xbc: {  	v6 =	vsub.f32 v3, v2;
	_ =	sdelay $0x1  }
0xbd: {  	v6 =	vmul.f32 v6, v7;
	v4 =	vshrl.u32 v5, $0x4;
	v3 =	vshll.u32 v5, $0x1  }
0xbe: {  	v5 =	vmin.f32 v8, $5.999999520e+00  }
0xbf: {  	_ = 	snop  }
0xc0: {  	v2 =	vadd.f32 v6, v2;
	_ =	sdelay $0x1  }
0xc1: {  	[tilespmem:s17+$0x1B880] =	vst v2  }
0xc2: {  	v2 =	vld.idx.msk [tilespmem:v4+s26+$0x0], $0xffff  }
0xc3: {  	v4 =	vmul.f32 $1.365166630e+03, v5;
	_ =	sdelay $0x1  }
0xc4: {  	v5 =	vtrunc.f32 v4  }
0xc5: {  	v3 =	vand.u32 $0x1E, v3;
	v5 =	vcvt.f32.s32 v5  }
0xc6: {  	v2 =	vshrl.u32 v2, v3;
	v3 =	vshrl.u32 v1, $0x4  }
0xc7: {  	v6 =	vadd.s32 $0x1, v5;
	v2 =	vand.u32 $0x3, v2  }
0xc8: {  	vm0 =	vlt.s32 v6, $0x1FFF;
	v7 =	vshll.u32 v2, $0xD  }
0xc9: {  	v6 =	vnsel vm0, $0x1FFF, v6;
	v8 =	vadd.s32 v5, v7  }
0xca: {  	v7 =	vadd.s32 v6, v7  }
0xcb: {  	v3 =	vld.idx.msk [tilespmem:v3+s26+$0x0], $0xffff;
	_ =	sdelay $0x2  }
0xcc: {  	v1 =	vshll.u32 v1, $0x1;
	v8 =	vld.idx.msk [tilespmem:v8+s5+$0x0], $0xffff  }
0xcd: {  	v1 =	vand.u32 $0x1E, v1;
	v7 =	vld.idx.msk [tilespmem:v7+s5+$0x0], $0xffff  }
0xce: {  	v1 =	vshrl.u32 v3, v1  }
0xcf: {  	v1 =	vand.u32 $0x3, v1  }
0xd0: {  	v3 =	vcvt.s32.f32 v5;
	v1 =	vmul.u32 $0x3, v1;
	_ =	sdelay $0x1  }
0xd1: {  	v3 =	vsub.f32 v4, v3;
	v4 =	vsub.f32 v7, v8;
	v1 =	vadd.s32 v2, v1  }
0xd2: {  	v1 =	vshll.u32 v1, $0xD  }
0xd3: {  	v2 =	vmul.f32 v4, v3;
	v4 =	vadd.s32 v5, v1  }
0xd4: {  	v1 =	vadd.s32 v6, v1  }
0xd5: {  	v2 =	vadd.f32 v2, v8;
	_ =	sdelay $0x1  }
0xd6: {  	[tilespmem:s19+$0x1B180] =	vst v2  }
0xd7: {  	v2 =	vld.idx.msk [tilespmem:v4+s25+$0x0], $0xffff  }
0xd8: {  	v1 =	vld.idx.msk [tilespmem:v1+s25+$0x0], $0xffff;
	_ =	sdelay $0x4  }
0xd9: {  	v1 =	vsub.f32 v1, v2;
	_ =	sdelay $0x1  }
0xda: {  	v1 =	vmul.f32 v1, v3;
	_ =	sdelay $0x1  }
0xdb: {  	v1 =	vadd.f32 v1, v2;
	_ =	sdelay $0x1  }
0xdc: {  	p0 =	seq.s32 s16, $0x0;
	[tilespmem:s19+$0x1B880] =	vst v1  }
0xdd: {  	[spmem:s3] =	stream.indirect.scatter.add.f32 [tilespmem:s20], [sflag:$0x6], $0x1, s31, s11, $0xb8;
	[tilespmem:$0x1F800] =	vst v63  }
0xde: {  	s0 =	simm.s32 @!p0 $0x7  }
0xdf: {  	[spmem:s4] =	stream.indirect.scatter.add.f32 [tilespmem:s21], [sflag:$0x6], $0x1, s31, s11, $0xb8;
	[tilespmem:$0x1F800] =	vst v63  }
0xe0: {  	_ =	swait.ge @!p0 [sflag:s0], $0x320  }
0xe1: {  	[sflag:s0] =	ssyncset.done @!p0 $0x0  }
0xe2: {  	[sflag:s0] =	ssyncadd.s32 @!p0 $0xFFFFFCE0  }
0xe3: {  	s17 =	smul.u32 $0x12C0, s16;
	_ =	swait.ge @!p0 [sflag:s0], $0x320  }
0xe4: {  	s6 =	rddreg [dreg:$0xc]  }
0xe5: {  	s6 =	sadd.s32 s17, s6  }
0xe6: {  	[sflag:s0] =	ssyncset.done @!p0 $0x0;
	s6 =	sshrl.u32 s6, $0x3  }
0xe7: {  	s18 =	simm.s32 $0x0;
	[sflag:s0] =	ssyncadd.s32 @!p0 $0xFFFFFCE0;
	s19 =	sadd.s32 s1, s6  }
0xe8: {  	[tilespmem:s29], [sflag:$0x1] =	stream.linear.gather [hbm4b:s19+s18], $0x320, $0x38;
	[tilespmem:$0x1F800] =	vst v63  }
0xe9: {  	s19 =	sadd.s32 s2, s6  }
0xea: {  	[tilespmem:s30], [sflag:$0x1] =	stream.linear.gather [hbm4b:s19+s18], $0x320, $0x38;
	[tilespmem:$0x1F800] =	vst v63  }
0xeb: {  	s19 =	sadd.s32 s7, s6  }
0xec: {  	[tilespmem:s22], [sflag:$0x5] =	stream.linear.gather [hbm4b:s19+s18], $0x320, $0x38;
	[tilespmem:$0x1F800] =	vst v63  }
0xed: {  	_ =	swait.ge [sflag:s23], $0x320  }
0xee: {  	[sflag:s23] =	ssyncset.done $0x0  }
0xef: {  	[sflag:s23] =	ssyncadd.s32 $0xFFFFFCE0  }
0xf0: {  	_ =	swait.ge [sflag:s23], $0x320  }
0xf1: {  	[sflag:s23] =	ssyncset.done $0x0  }
0xf2: {  	[sflag:s23] =	ssyncadd.s32 $0xFFFFFCE0  }
0xf3: {  	_ =	swait.ge [sflag:s12], $0x320  }
0xf4: {  	[sflag:s12] =	ssyncset.done $0x0  }
0xf5: {  	s18 =	simm.s32 $0x0;
	[sflag:s12] =	ssyncadd.s32 $0xFFFFFCE0  }
0xf6: {  	v1 =	vld [tilespmem:s18+$0x1AE00];
	_ =	sdelay $0x4  }
0xf7: {  	v2 =	vld [tilespmem:s18+$0x19C80];
	v3 =	vshrl.u32 v1, $0x4;
	_ =	sdelay $0x3  }
0xf8: {  	v4 =	vld [tilespmem:s18+$0x1A380]  }
0xf9: {  	v2 =	vmin.f32 v2, $5.999999520e+00;
	v3 =	vld.idx.msk [tilespmem:v3+s26+$0x0], $0xffff  }
0xfa: {  	v2 =	vmul.f32 $1.365166630e+03, v2;
	_ =	sdelay $0x1  }
0xfb: {  	v1 =	vshll.u32 v1, $0x1;
	v5 =	vtrunc.f32 v2  }
0xfc: {  	v1 =	vand.u32 $0x1E, v1;
	v5 =	vcvt.f32.s32 v5  }
0xfd: {  	v1 =	vshrl.u32 v3, v1;
	v3 =	vshrl.u32 v4, $0x4  }
0xfe: {  	v6 =	vadd.s32 $0x1, v5;
	v1 =	vand.u32 $0x3, v1  }
0xff: {  	vm15 =	vlt.s32 v6, $0x1FFF;
	v7 =	vshll.u32 v1, $0xD  }
0x100: {  	v6 =	vnsel vm15, $0x1FFF, v6;
	v8 =	vadd.s32 v5, v7  }
0x101: {  	v7 =	vadd.s32 v6, v7  }
0x102: {  	v3 =	vld.idx.msk [tilespmem:v3+s26+$0x0], $0xffff;
	_ =	sdelay $0x2  }
0x103: {  	v4 =	vshll.u32 v4, $0x1;
	v8 =	vld.idx.msk [tilespmem:v8+s5+$0x0], $0xffff  }
0x104: {  	v4 =	vand.u32 $0x1E, v4;
	v7 =	vld.idx.msk [tilespmem:v7+s5+$0x0], $0xffff  }
0x105: {  	v3 =	vshrl.u32 v3, v4  }
0x106: {  	v3 =	vand.u32 $0x3, v3  }
0x107: {  	v4 =	vcvt.s32.f32 v5;
	v3 =	vmul.u32 $0x3, v3;
	_ =	sdelay $0x1  }
0x108: {  	v9 =	vsub.f32 v2, v4;
	v2 =	vsub.f32 v7, v8;
	v1 =	vadd.s32 v1, v3  }
0x109: {  	v1 =	vshll.u32 v1, $0xD  }
0x10a: {  	v2 =	vmul.f32 v2, v9;
	v3 =	vadd.s32 v5, v1  }
0x10b: {  	v1 =	vadd.s32 v6, v1  }
0x10c: {  	v2 =	vadd.f32 v2, v8;
	_ =	sdelay $0x1  }
0x10d: {  	[tilespmem:s18+$0x1B500] =	vst v2  }
0x10e: {  	v2 =	vld.idx.msk [tilespmem:v3+s25+$0x0], $0xffff  }
0x10f: {  	v1 =	vld.idx.msk [tilespmem:v1+s25+$0x0], $0xffff  }
0x110: {  	s0 =	simm.s32 $0x10  }
0x111: {  	v3 =	vld [tilespmem:s0+$0x1AE00]  }
0x112: {  	v5 =	vld [tilespmem:s0+$0x19C80];
	_ =	sdelay $0x1  }
0x113: {  	v6 =	vsub.f32 v1, v2;
	_ =	sdelay $0x1  }
0x114: {  	v4 =	vshrl.u32 v3, $0x4;
	v6 =	vmul.f32 v6, v9  }
0x115: {  	s19 =	simm.s32 $0x80;
	v5 =	vmin.f32 v5, $5.999999520e+00;
	v1 =	vld [tilespmem:s0+$0x1A380];
	v3 =	vshll.u32 v3, $0x1  }
.LBB2_7:
0x116: {  	p0 =	sne.s32 s19, $0xC40;
	v2 =	vadd.f32 v6, v2;
	s6 =	smov.u32 s19;
	s19 =	sadd.s32 $0x40, s19  }
0x117: {  	_ = 	snop  }
0x118: {  	[tilespmem:s18+$0x1BC00] =	vst v2;
	s18 =	smov.u32 s0  }
0x119: {  	v2 =	vld.idx.msk [tilespmem:v4+s26+$0x0], $0xffff  }
0x11a: {  	v4 =	vmul.f32 $1.365166630e+03, v5;
	_ =	sdelay $0x1  }
0x11b: {  	v5 =	vtrunc.f32 v4  }
0x11c: {  	v5 =	vcvt.f32.s32 v5  }
0x11d: {  	v3 =	vand.u32 $0x1E, v3  }
0x11e: {  	v6 =	vadd.s32 $0x1, v5;
	v2 =	vshrl.u32 v2, v3;
	v3 =	vshrl.u32 v1, $0x4  }
0x11f: {  	v7 =	vcvt.s32.f32 v5;
	vm0 =	vlt.s32 v6, $0x1FFF;
	v2 =	vand.u32 $0x3, v2  }
0x120: {  	v6 =	vnsel vm0, $0x1FFF, v6;
	v8 =	vshll.u32 v2, $0xD  }
0x121: {  	v9 =	vadd.s32 v5, v8;
	v8 =	vadd.s32 v6, v8;
	_ =	sdelay $0x1  }
0x122: {  	v3 =	vld.idx.msk [tilespmem:v3+s26+$0x0], $0xffff;
	_ =	sdelay $0x2  }
0x123: {  	v9 =	vld.idx.msk [tilespmem:v9+s5+$0x0], $0xffff  }
0x124: {  	v1 =	vshll.u32 v1, $0x1;
	v8 =	vld.idx.msk [tilespmem:v8+s5+$0x0], $0xffff  }
0x125: {  	v1 =	vand.u32 $0x1E, v1  }
0x126: {  	v1 =	vshrl.u32 v3, v1  }
0x127: {  	v1 =	vand.u32 $0x3, v1  }
0x128: {  	v1 =	vmul.u32 $0x3, v1  }
0x129: {  	v7 =	vsub.f32 v4, v7  }
0x12a: {  	v3 =	vsub.f32 v8, v9;
	v1 =	vadd.s32 v2, v1  }
0x12b: {  	v1 =	vshll.u32 v1, $0xD  }
0x12c: {  	v2 =	vmul.f32 v3, v7;
	v3 =	vadd.s32 v5, v1;
	v1 =	vadd.s32 v6, v1;
	_ =	sdelay $0x1  }
0x12d: {  	v2 =	vadd.f32 v2, v9;
	_ =	sdelay $0x1  }
0x12e: {  	[tilespmem:s18+$0x1B500] =	vst v2  }
0x12f: {  	v2 =	vld.idx.msk [tilespmem:v3+s25+$0x0], $0xffff  }
0x130: {  	v3 =	vld.idx.msk [tilespmem:v1+s25+$0x0], $0xffff;
	_ =	sdelay $0x1  }
0x131: {  	s0 =	sshra.s32 s6, $0x2  }
0x132: {  	v5 =	vld [tilespmem:s0+$0x1AE00]  }
0x133: {  	v8 =	vld [tilespmem:s0+$0x19C80]  }
.Ltmp2:
0x134: {  	v1 =	vld [tilespmem:s0+$0x1A380];
	(pc) =	sbr.rel @p0 .LBB2_7-.Ltmp2, $3  }
0x135: {  	v6 =	vsub.f32 v3, v2;
	_ =	sdelay $0x1  }
0x136: {  	v6 =	vmul.f32 v6, v7;
	v4 =	vshrl.u32 v5, $0x4;
	v3 =	vshll.u32 v5, $0x1  }
0x137: {  	v5 =	vmin.f32 v8, $5.999999520e+00  }
0x138: {  	_ = 	snop  }
0x139: {  	v2 =	vadd.f32 v6, v2;
	_ =	sdelay $0x1  }
0x13a: {  	[tilespmem:s18+$0x1BC00] =	vst v2  }
0x13b: {  	v2 =	vld.idx.msk [tilespmem:v4+s26+$0x0], $0xffff  }
0x13c: {  	v4 =	vmul.f32 $1.365166630e+03, v5;
	_ =	sdelay $0x1  }
0x13d: {  	v5 =	vtrunc.f32 v4  }
0x13e: {  	v3 =	vand.u32 $0x1E, v3;
	v5 =	vcvt.f32.s32 v5  }
0x13f: {  	v2 =	vshrl.u32 v2, v3;
	v3 =	vshrl.u32 v1, $0x4  }
0x140: {  	v6 =	vadd.s32 $0x1, v5;
	v2 =	vand.u32 $0x3, v2  }
0x141: {  	vm0 =	vlt.s32 v6, $0x1FFF;
	v7 =	vshll.u32 v2, $0xD  }
0x142: {  	v6 =	vnsel vm0, $0x1FFF, v6;
	v8 =	vadd.s32 v5, v7  }
0x143: {  	v7 =	vadd.s32 v6, v7  }
0x144: {  	v3 =	vld.idx.msk [tilespmem:v3+s26+$0x0], $0xffff;
	_ =	sdelay $0x2  }
0x145: {  	v1 =	vshll.u32 v1, $0x1;
	v8 =	vld.idx.msk [tilespmem:v8+s5+$0x0], $0xffff  }
0x146: {  	v1 =	vand.u32 $0x1E, v1;
	v7 =	vld.idx.msk [tilespmem:v7+s5+$0x0], $0xffff  }
0x147: {  	v1 =	vshrl.u32 v3, v1  }
0x148: {  	v1 =	vand.u32 $0x3, v1  }
0x149: {  	v3 =	vcvt.s32.f32 v5;
	v1 =	vmul.u32 $0x3, v1;
	_ =	sdelay $0x1  }
0x14a: {  	v3 =	vsub.f32 v4, v3;
	v4 =	vsub.f32 v7, v8;
	v1 =	vadd.s32 v2, v1  }
0x14b: {  	v1 =	vshll.u32 v1, $0xD  }
0x14c: {  	v2 =	vmul.f32 v4, v3;
	v4 =	vadd.s32 v5, v1  }
0x14d: {  	v1 =	vadd.s32 v6, v1  }
0x14e: {  	v2 =	vadd.f32 v2, v8;
	_ =	sdelay $0x1  }
0x14f: {  	[tilespmem:s0+$0x1B500] =	vst v2  }
0x150: {  	v2 =	vld.idx.msk [tilespmem:v4+s25+$0x0], $0xffff  }
0x151: {  	v1 =	vld.idx.msk [tilespmem:v1+s25+$0x0], $0xffff;
	_ =	sdelay $0x4  }
0x152: {  	v1 =	vsub.f32 v1, v2;
	_ =	sdelay $0x1  }
0x153: {  	v1 =	vmul.f32 v1, v3;
	_ =	sdelay $0x1  }
0x154: {  	v1 =	vadd.f32 v1, v2;
	_ =	sdelay $0x1  }
0x155: {  	[tilespmem:s0+$0x1BC00] =	vst v1  }
0x156: {  	[spmem:s3] =	stream.indirect.scatter.add.f32 [tilespmem:s13], [sflag:$0x7], $0x1, s8, s11, $0xb8;
	[tilespmem:$0x1F800] =	vst v63  }
0x157: {  	_ = 	snop  }
0x158: {  	[spmem:s4] =	stream.indirect.scatter.add.f32 [tilespmem:s28], [sflag:$0x7], $0x1, s8, s11, $0xb8;
	[tilespmem:$0x1F800] =	vst v63  }
0x159: {  	_ =	swait.ge [sflag:s24], $0x320  }
0x15a: {  	[sflag:s24] =	ssyncset.done $0x0  }
0x15b: {  	[sflag:s24] =	ssyncadd.s32 $0xFFFFFCE0  }
0x15c: {  	_ =	swait.ge [sflag:s24], $0x320  }
0x15d: {  	s19 =	rddreg [dreg:$0xd]  }
0x15e: {  	s0 =	sadd.s32 s17, s19  }
0x15f: {  	s18 =	simm.s32 $0x0;
	[sflag:s24] =	ssyncset.done $0x0;
	s0 =	sshrl.u32 s0, $0x3  }
0x160: {  	[sflag:s24] =	ssyncadd.s32 $0xFFFFFCE0;
	s19 =	simm.s32 $0x19C80;
	s6 =	sadd.s32 s1, s0  }
0x161: {  	[tilespmem:s19], [sflag:$0x2] =	stream.linear.gather [hbm4b:s6+s18], $0x320, $0x38;
	[tilespmem:$0x1F800] =	vst v63  }
0x162: {  	s6 =	sadd.s32 s2, s0;
	s19 =	simm.s32 $0x1AE00  }
0x163: {  	[tilespmem:s19], [sflag:$0x2] =	stream.linear.gather [hbm4b:s6+s18], $0x320, $0x38;
	[tilespmem:$0x1F800] =	vst v63  }
0x164: {  	s0 =	sadd.s32 s7, s0  }
0x165: {  	[tilespmem:s31], [sflag:$0x3] =	stream.linear.gather [hbm4b:s0+s18], $0x320, $0x38;
	[tilespmem:$0x1F800] =	vst v63  }
0x166: {  	_ =	swait.ge [sflag:s9], $0x320  }
0x167: {  	[sflag:s9] =	ssyncset.done $0x0  }
0x168: {  	[sflag:s9] =	ssyncadd.s32 $0xFFFFFCE0  }
0x169: {  	_ =	swait.ge [sflag:s9], $0x320  }
0x16a: {  	[sflag:s9] =	ssyncset.done $0x0  }
0x16b: {  	[sflag:s9] =	ssyncadd.s32 $0xFFFFFCE0  }
0x16c: {  	_ =	swait.ge [sflag:s14], $0x320  }
0x16d: {  	[sflag:s14] =	ssyncset.done $0x0  }
0x16e: {  	s18 =	simm.s32 $0x0;
	[sflag:s14] =	ssyncadd.s32 $0xFFFFFCE0  }
0x16f: {  	v1 =	vld [tilespmem:s18+$0x1AA80];
	_ =	sdelay $0x4  }
0x170: {  	v2 =	vld [tilespmem:s18+$0x19900];
	v3 =	vshrl.u32 v1, $0x4;
	_ =	sdelay $0x3  }
0x171: {  	v4 =	vld [tilespmem:s18+$0x1A700]  }
0x172: {  	v2 =	vmin.f32 v2, $5.999999520e+00;
	v3 =	vld.idx.msk [tilespmem:v3+s26+$0x0], $0xffff  }
0x173: {  	v2 =	vmul.f32 $1.365166630e+03, v2;
	_ =	sdelay $0x1  }
0x174: {  	v1 =	vshll.u32 v1, $0x1;
	v5 =	vtrunc.f32 v2  }
0x175: {  	v1 =	vand.u32 $0x1E, v1;
	v5 =	vcvt.f32.s32 v5  }
0x176: {  	v1 =	vshrl.u32 v3, v1;
	v3 =	vshrl.u32 v4, $0x4  }
0x177: {  	v6 =	vadd.s32 $0x1, v5;
	v1 =	vand.u32 $0x3, v1  }
0x178: {  	vm15 =	vlt.s32 v6, $0x1FFF;
	v7 =	vshll.u32 v1, $0xD  }
0x179: {  	v6 =	vnsel vm15, $0x1FFF, v6;
	v8 =	vadd.s32 v5, v7  }
0x17a: {  	v7 =	vadd.s32 v6, v7  }
0x17b: {  	v3 =	vld.idx.msk [tilespmem:v3+s26+$0x0], $0xffff;
	_ =	sdelay $0x2  }
0x17c: {  	v4 =	vshll.u32 v4, $0x1;
	v8 =	vld.idx.msk [tilespmem:v8+s5+$0x0], $0xffff  }
0x17d: {  	v4 =	vand.u32 $0x1E, v4;
	v7 =	vld.idx.msk [tilespmem:v7+s5+$0x0], $0xffff  }
0x17e: {  	v3 =	vshrl.u32 v3, v4  }
0x17f: {  	v3 =	vand.u32 $0x3, v3  }
0x180: {  	v4 =	vcvt.s32.f32 v5;
	v3 =	vmul.u32 $0x3, v3;
	_ =	sdelay $0x1  }
0x181: {  	v9 =	vsub.f32 v2, v4;
	v2 =	vsub.f32 v7, v8;
	v1 =	vadd.s32 v1, v3  }
0x182: {  	v1 =	vshll.u32 v1, $0xD  }
0x183: {  	v2 =	vmul.f32 v2, v9;
	v3 =	vadd.s32 v5, v1  }
0x184: {  	v1 =	vadd.s32 v6, v1  }
0x185: {  	v2 =	vadd.f32 v2, v8;
	_ =	sdelay $0x1  }
0x186: {  	[tilespmem:s18+$0x1B180] =	vst v2  }
0x187: {  	v2 =	vld.idx.msk [tilespmem:v3+s25+$0x0], $0xffff  }
0x188: {  	v1 =	vld.idx.msk [tilespmem:v1+s25+$0x0], $0xffff  }
0x189: {  	s0 =	simm.s32 $0x10  }
0x18a: {  	v3 =	vld [tilespmem:s0+$0x1AA80]  }
0x18b: {  	v5 =	vld [tilespmem:s0+$0x19900];
	_ =	sdelay $0x1  }
0x18c: {  	v6 =	vsub.f32 v1, v2;
	_ =	sdelay $0x1  }
0x18d: {  	v4 =	vshrl.u32 v3, $0x4;
	v6 =	vmul.f32 v6, v9  }
0x18e: {  	s19 =	simm.s32 $0x80;
	v5 =	vmin.f32 v5, $5.999999520e+00;
	v1 =	vld [tilespmem:s0+$0x1A700];
	v3 =	vshll.u32 v3, $0x1  }
.LBB2_9:
0x18f: {  	p0 =	sne.s32 s19, $0xC40;
	v2 =	vadd.f32 v6, v2;
	s6 =	smov.u32 s19;
	s19 =	sadd.s32 $0x40, s19  }
0x190: {  	_ = 	snop  }
0x191: {  	[tilespmem:s18+$0x1B880] =	vst v2;
	s18 =	smov.u32 s0  }
0x192: {  	v2 =	vld.idx.msk [tilespmem:v4+s26+$0x0], $0xffff  }
0x193: {  	v4 =	vmul.f32 $1.365166630e+03, v5;
	_ =	sdelay $0x1  }
0x194: {  	v5 =	vtrunc.f32 v4  }
0x195: {  	v5 =	vcvt.f32.s32 v5  }
0x196: {  	v3 =	vand.u32 $0x1E, v3  }
0x197: {  	v6 =	vadd.s32 $0x1, v5;
	v2 =	vshrl.u32 v2, v3;
	v3 =	vshrl.u32 v1, $0x4  }
0x198: {  	v7 =	vcvt.s32.f32 v5;
	vm0 =	vlt.s32 v6, $0x1FFF;
	v2 =	vand.u32 $0x3, v2  }
0x199: {  	v6 =	vnsel vm0, $0x1FFF, v6;
	v8 =	vshll.u32 v2, $0xD  }
0x19a: {  	v9 =	vadd.s32 v5, v8;
	v8 =	vadd.s32 v6, v8;
	_ =	sdelay $0x1  }
0x19b: {  	v3 =	vld.idx.msk [tilespmem:v3+s26+$0x0], $0xffff;
	_ =	sdelay $0x2  }
0x19c: {  	v9 =	vld.idx.msk [tilespmem:v9+s5+$0x0], $0xffff  }
0x19d: {  	v1 =	vshll.u32 v1, $0x1;
	v8 =	vld.idx.msk [tilespmem:v8+s5+$0x0], $0xffff  }
0x19e: {  	v1 =	vand.u32 $0x1E, v1  }
0x19f: {  	v1 =	vshrl.u32 v3, v1  }
0x1a0: {  	v1 =	vand.u32 $0x3, v1  }
0x1a1: {  	v1 =	vmul.u32 $0x3, v1  }
0x1a2: {  	v7 =	vsub.f32 v4, v7  }
0x1a3: {  	v3 =	vsub.f32 v8, v9;
	v1 =	vadd.s32 v2, v1  }
0x1a4: {  	v1 =	vshll.u32 v1, $0xD  }
0x1a5: {  	v2 =	vmul.f32 v3, v7;
	v3 =	vadd.s32 v5, v1;
	v1 =	vadd.s32 v6, v1;
	_ =	sdelay $0x1  }
0x1a6: {  	v2 =	vadd.f32 v2, v9;
	_ =	sdelay $0x1  }
0x1a7: {  	[tilespmem:s18+$0x1B180] =	vst v2  }
0x1a8: {  	v2 =	vld.idx.msk [tilespmem:v3+s25+$0x0], $0xffff  }
0x1a9: {  	v3 =	vld.idx.msk [tilespmem:v1+s25+$0x0], $0xffff;
	_ =	sdelay $0x1  }
0x1aa: {  	s0 =	sshra.s32 s6, $0x2  }
0x1ab: {  	v5 =	vld [tilespmem:s0+$0x1AA80]  }
0x1ac: {  	v8 =	vld [tilespmem:s0+$0x19900]  }
.Ltmp3:
0x1ad: {  	v1 =	vld [tilespmem:s0+$0x1A700];
	(pc) =	sbr.rel @p0 .LBB2_9-.Ltmp3, $3  }
0x1ae: {  	v6 =	vsub.f32 v3, v2;
	_ =	sdelay $0x1  }
0x1af: {  	v6 =	vmul.f32 v6, v7;
	v4 =	vshrl.u32 v5, $0x4;
	v3 =	vshll.u32 v5, $0x1  }
0x1b0: {  	v5 =	vmin.f32 v8, $5.999999520e+00  }
0x1b1: {  	_ = 	snop  }
0x1b2: {  	v2 =	vadd.f32 v6, v2;
	_ =	sdelay $0x1  }
0x1b3: {  	[tilespmem:s18+$0x1B880] =	vst v2  }
0x1b4: {  	v2 =	vld.idx.msk [tilespmem:v4+s26+$0x0], $0xffff  }
0x1b5: {  	v4 =	vmul.f32 $1.365166630e+03, v5;
	_ =	sdelay $0x1  }
0x1b6: {  	v5 =	vtrunc.f32 v4  }
0x1b7: {  	v3 =	vand.u32 $0x1E, v3;
	v5 =	vcvt.f32.s32 v5  }
0x1b8: {  	v2 =	vshrl.u32 v2, v3;
	v3 =	vshrl.u32 v1, $0x4  }
0x1b9: {  	v6 =	vadd.s32 $0x1, v5;
	v2 =	vand.u32 $0x3, v2  }
0x1ba: {  	vm0 =	vlt.s32 v6, $0x1FFF;
	v7 =	vshll.u32 v2, $0xD  }
0x1bb: {  	v6 =	vnsel vm0, $0x1FFF, v6;
	v8 =	vadd.s32 v5, v7  }
0x1bc: {  	v7 =	vadd.s32 v6, v7  }
0x1bd: {  	v3 =	vld.idx.msk [tilespmem:v3+s26+$0x0], $0xffff;
	_ =	sdelay $0x2  }
0x1be: {  	v1 =	vshll.u32 v1, $0x1;
	v8 =	vld.idx.msk [tilespmem:v8+s5+$0x0], $0xffff  }
0x1bf: {  	v1 =	vand.u32 $0x1E, v1;
	v7 =	vld.idx.msk [tilespmem:v7+s5+$0x0], $0xffff  }
0x1c0: {  	v1 =	vshrl.u32 v3, v1  }
0x1c1: {  	v1 =	vand.u32 $0x3, v1  }
0x1c2: {  	v3 =	vcvt.s32.f32 v5;
	v1 =	vmul.u32 $0x3, v1;
	_ =	sdelay $0x1  }
0x1c3: {  	v3 =	vsub.f32 v4, v3;
	v4 =	vsub.f32 v7, v8;
	v1 =	vadd.s32 v2, v1  }
0x1c4: {  	v1 =	vshll.u32 v1, $0xD  }
0x1c5: {  	v2 =	vmul.f32 v4, v3;
	v4 =	vadd.s32 v5, v1  }
0x1c6: {  	v1 =	vadd.s32 v6, v1  }
0x1c7: {  	v2 =	vadd.f32 v2, v8;
	_ =	sdelay $0x1  }
0x1c8: {  	[tilespmem:s0+$0x1B180] =	vst v2  }
0x1c9: {  	v2 =	vld.idx.msk [tilespmem:v4+s25+$0x0], $0xffff  }
0x1ca: {  	v1 =	vld.idx.msk [tilespmem:v1+s25+$0x0], $0xffff;
	_ =	sdelay $0x4  }
0x1cb: {  	v1 =	vsub.f32 v1, v2;
	_ =	sdelay $0x1  }
0x1cc: {  	v1 =	vmul.f32 v1, v3;
	_ =	sdelay $0x1  }
0x1cd: {  	v1 =	vadd.f32 v1, v2;
	_ =	sdelay $0x1  }
0x1ce: {  	[tilespmem:s0+$0x1B880] =	vst v1  }
0x1cf: {  	[spmem:s3] =	stream.indirect.scatter.add.f32 [tilespmem:s20], [sflag:$0x6], $0x1, s22, s11, $0xb8;
	[tilespmem:$0x1F800] =	vst v63  }
0x1d0: {  	_ = 	snop  }
0x1d1: {  	[spmem:s4] =	stream.indirect.scatter.add.f32 [tilespmem:s21], [sflag:$0x6], $0x1, s22, s11, $0xb8;
	[tilespmem:$0x1F800] =	vst v63  }
0x1d2: {  	_ =	swait.ge [sflag:s15], $0x320  }
0x1d3: {  	[sflag:s15] =	ssyncset.done $0x0  }
0x1d4: {  	[sflag:s15] =	ssyncadd.s32 $0xFFFFFCE0  }
0x1d5: {  	_ =	swait.ge [sflag:s15], $0x320  }
0x1d6: {  	s18 =	rddreg [dreg:$0xe]  }
0x1d7: {  	s0 =	sadd.s32 s17, s18  }
0x1d8: {  	[sflag:s15] =	ssyncset.done $0x0;
	s0 =	sshrl.u32 s0, $0x3  }
0x1d9: {  	[sflag:s15] =	ssyncadd.s32 $0xFFFFFCE0;
	s18 =	simm.s32 $0x0;
	s6 =	sadd.s32 s1, s0  }
0x1da: {  	[tilespmem:s29], [sflag:$0x1] =	stream.linear.gather [hbm4b:s6+s18], $0x320, $0x38;
	[tilespmem:$0x1F800] =	vst v63  }
0x1db: {  	s19 =	sadd.s32 s2, s0  }
0x1dc: {  	[tilespmem:s30], [sflag:$0x1] =	stream.linear.gather [hbm4b:s19+s18], $0x320, $0x38;
	[tilespmem:$0x1F800] =	vst v63  }
0x1dd: {  	s0 =	sadd.s32 s7, s0  }
0x1de: {  	[tilespmem:s8], [sflag:$0x4] =	stream.linear.gather [hbm4b:s0+s18], $0x320, $0x38;
	[tilespmem:$0x1F800] =	vst v63  }
0x1df: {  	_ =	swait.ge [sflag:s23], $0x320  }
0x1e0: {  	[sflag:s23] =	ssyncset.done $0x0  }
0x1e1: {  	[sflag:s23] =	ssyncadd.s32 $0xFFFFFCE0  }
0x1e2: {  	_ =	swait.ge [sflag:s23], $0x320  }
0x1e3: {  	[sflag:s23] =	ssyncset.done $0x0  }
0x1e4: {  	[sflag:s23] =	ssyncadd.s32 $0xFFFFFCE0  }
0x1e5: {  	_ =	swait.ge [sflag:s10], $0x320  }
0x1e6: {  	[sflag:s10] =	ssyncset.done $0x0  }
0x1e7: {  	s18 =	simm.s32 $0x0;
	[sflag:s10] =	ssyncadd.s32 $0xFFFFFCE0  }
0x1e8: {  	v1 =	vld [tilespmem:s18+$0x1AE00];
	_ =	sdelay $0x4  }
0x1e9: {  	v2 =	vld [tilespmem:s18+$0x19C80];
	v3 =	vshrl.u32 v1, $0x4;
	_ =	sdelay $0x3  }
0x1ea: {  	v4 =	vld [tilespmem:s18+$0x1A000]  }
0x1eb: {  	v2 =	vmin.f32 v2, $5.999999520e+00;
	v3 =	vld.idx.msk [tilespmem:v3+s26+$0x0], $0xffff  }
0x1ec: {  	v2 =	vmul.f32 $1.365166630e+03, v2;
	_ =	sdelay $0x1  }
0x1ed: {  	v1 =	vshll.u32 v1, $0x1;
	v5 =	vtrunc.f32 v2  }
0x1ee: {  	v1 =	vand.u32 $0x1E, v1;
	v5 =	vcvt.f32.s32 v5  }
0x1ef: {  	v1 =	vshrl.u32 v3, v1;
	v3 =	vshrl.u32 v4, $0x4  }
0x1f0: {  	v6 =	vadd.s32 $0x1, v5;
	v1 =	vand.u32 $0x3, v1  }
0x1f1: {  	vm15 =	vlt.s32 v6, $0x1FFF;
	v7 =	vshll.u32 v1, $0xD  }
0x1f2: {  	v6 =	vnsel vm15, $0x1FFF, v6;
	v8 =	vadd.s32 v5, v7  }
0x1f3: {  	v7 =	vadd.s32 v6, v7  }
0x1f4: {  	v3 =	vld.idx.msk [tilespmem:v3+s26+$0x0], $0xffff;
	_ =	sdelay $0x2  }
0x1f5: {  	v4 =	vshll.u32 v4, $0x1;
	v8 =	vld.idx.msk [tilespmem:v8+s5+$0x0], $0xffff  }
0x1f6: {  	v4 =	vand.u32 $0x1E, v4;
	v7 =	vld.idx.msk [tilespmem:v7+s5+$0x0], $0xffff  }
0x1f7: {  	v3 =	vshrl.u32 v3, v4  }
0x1f8: {  	v3 =	vand.u32 $0x3, v3  }
0x1f9: {  	v4 =	vcvt.s32.f32 v5;
	v3 =	vmul.u32 $0x3, v3;
	_ =	sdelay $0x1  }
0x1fa: {  	v9 =	vsub.f32 v2, v4;
	v2 =	vsub.f32 v7, v8;
	v1 =	vadd.s32 v1, v3  }
0x1fb: {  	v1 =	vshll.u32 v1, $0xD  }
0x1fc: {  	v2 =	vmul.f32 v2, v9;
	v3 =	vadd.s32 v5, v1  }
0x1fd: {  	v1 =	vadd.s32 v6, v1  }
0x1fe: {  	v2 =	vadd.f32 v2, v8;
	_ =	sdelay $0x1  }
0x1ff: {  	[tilespmem:s18+$0x1B500] =	vst v2  }
0x200: {  	v2 =	vld.idx.msk [tilespmem:v3+s25+$0x0], $0xffff  }
0x201: {  	v1 =	vld.idx.msk [tilespmem:v1+s25+$0x0], $0xffff  }
0x202: {  	s0 =	simm.s32 $0x10  }
0x203: {  	v3 =	vld [tilespmem:s0+$0x1AE00]  }
0x204: {  	v5 =	vld [tilespmem:s0+$0x19C80];
	_ =	sdelay $0x1  }
0x205: {  	v6 =	vsub.f32 v1, v2;
	_ =	sdelay $0x1  }
0x206: {  	v4 =	vshrl.u32 v3, $0x4;
	v6 =	vmul.f32 v6, v9  }
0x207: {  	s19 =	simm.s32 $0x80;
	v5 =	vmin.f32 v5, $5.999999520e+00;
	v1 =	vld [tilespmem:s0+$0x1A000];
	v3 =	vshll.u32 v3, $0x1  }
.LBB2_11:
0x208: {  	p0 =	sne.s32 s19, $0xC40;
	v2 =	vadd.f32 v6, v2;
	s6 =	smov.u32 s19;
	s19 =	sadd.s32 $0x40, s19  }
0x209: {  	_ = 	snop  }
0x20a: {  	[tilespmem:s18+$0x1BC00] =	vst v2;
	s18 =	smov.u32 s0  }
0x20b: {  	v2 =	vld.idx.msk [tilespmem:v4+s26+$0x0], $0xffff  }
0x20c: {  	v4 =	vmul.f32 $1.365166630e+03, v5;
	_ =	sdelay $0x1  }
0x20d: {  	v5 =	vtrunc.f32 v4  }
0x20e: {  	v5 =	vcvt.f32.s32 v5  }
0x20f: {  	v3 =	vand.u32 $0x1E, v3  }
0x210: {  	v6 =	vadd.s32 $0x1, v5;
	v2 =	vshrl.u32 v2, v3;
	v3 =	vshrl.u32 v1, $0x4  }
0x211: {  	v7 =	vcvt.s32.f32 v5;
	vm0 =	vlt.s32 v6, $0x1FFF;
	v2 =	vand.u32 $0x3, v2  }
0x212: {  	v6 =	vnsel vm0, $0x1FFF, v6;
	v8 =	vshll.u32 v2, $0xD  }
0x213: {  	v9 =	vadd.s32 v5, v8;
	v8 =	vadd.s32 v6, v8;
	_ =	sdelay $0x1  }
0x214: {  	v3 =	vld.idx.msk [tilespmem:v3+s26+$0x0], $0xffff;
	_ =	sdelay $0x2  }
0x215: {  	v9 =	vld.idx.msk [tilespmem:v9+s5+$0x0], $0xffff  }
0x216: {  	v1 =	vshll.u32 v1, $0x1;
	v8 =	vld.idx.msk [tilespmem:v8+s5+$0x0], $0xffff  }
0x217: {  	v1 =	vand.u32 $0x1E, v1  }
0x218: {  	v1 =	vshrl.u32 v3, v1  }
0x219: {  	v1 =	vand.u32 $0x3, v1  }
0x21a: {  	v1 =	vmul.u32 $0x3, v1  }
0x21b: {  	v7 =	vsub.f32 v4, v7  }
0x21c: {  	v3 =	vsub.f32 v8, v9;
	v1 =	vadd.s32 v2, v1  }
0x21d: {  	v1 =	vshll.u32 v1, $0xD  }
0x21e: {  	v2 =	vmul.f32 v3, v7;
	v3 =	vadd.s32 v5, v1;
	v1 =	vadd.s32 v6, v1;
	_ =	sdelay $0x1  }
0x21f: {  	v2 =	vadd.f32 v2, v9;
	_ =	sdelay $0x1  }
0x220: {  	[tilespmem:s18+$0x1B500] =	vst v2  }
0x221: {  	v2 =	vld.idx.msk [tilespmem:v3+s25+$0x0], $0xffff  }
0x222: {  	v3 =	vld.idx.msk [tilespmem:v1+s25+$0x0], $0xffff;
	_ =	sdelay $0x1  }
0x223: {  	s0 =	sshra.s32 s6, $0x2  }
0x224: {  	v5 =	vld [tilespmem:s0+$0x1AE00]  }
0x225: {  	v8 =	vld [tilespmem:s0+$0x19C80]  }
.Ltmp4:
0x226: {  	v1 =	vld [tilespmem:s0+$0x1A000];
	(pc) =	sbr.rel @p0 .LBB2_11-.Ltmp4, $3  }
0x227: {  	v6 =	vsub.f32 v3, v2;
	_ =	sdelay $0x1  }
0x228: {  	v6 =	vmul.f32 v6, v7;
	v4 =	vshrl.u32 v5, $0x4;
	v3 =	vshll.u32 v5, $0x1  }
0x229: {  	v5 =	vmin.f32 v8, $5.999999520e+00  }
0x22a: {  	_ = 	snop  }
0x22b: {  	v2 =	vadd.f32 v6, v2;
	_ =	sdelay $0x1  }
0x22c: {  	[tilespmem:s18+$0x1BC00] =	vst v2  }
0x22d: {  	v2 =	vld.idx.msk [tilespmem:v4+s26+$0x0], $0xffff  }
0x22e: {  	v4 =	vmul.f32 $1.365166630e+03, v5;
	_ =	sdelay $0x1  }
0x22f: {  	v5 =	vtrunc.f32 v4  }
0x230: {  	v3 =	vand.u32 $0x1E, v3;
	v5 =	vcvt.f32.s32 v5  }
0x231: {  	v2 =	vshrl.u32 v2, v3;
	v3 =	vshrl.u32 v1, $0x4  }
0x232: {  	v6 =	vadd.s32 $0x1, v5;
	v2 =	vand.u32 $0x3, v2  }
0x233: {  	vm0 =	vlt.s32 v6, $0x1FFF;
	v7 =	vshll.u32 v2, $0xD  }
0x234: {  	v6 =	vnsel vm0, $0x1FFF, v6;
	v8 =	vadd.s32 v5, v7  }
0x235: {  	v7 =	vadd.s32 v6, v7  }
0x236: {  	v3 =	vld.idx.msk [tilespmem:v3+s26+$0x0], $0xffff;
	_ =	sdelay $0x2  }
0x237: {  	v1 =	vshll.u32 v1, $0x1;
	v8 =	vld.idx.msk [tilespmem:v8+s5+$0x0], $0xffff  }
0x238: {  	v1 =	vand.u32 $0x1E, v1;
	v7 =	vld.idx.msk [tilespmem:v7+s5+$0x0], $0xffff  }
0x239: {  	v1 =	vshrl.u32 v3, v1  }
0x23a: {  	v1 =	vand.u32 $0x3, v1  }
0x23b: {  	v3 =	vcvt.s32.f32 v5;
	v1 =	vmul.u32 $0x3, v1;
	_ =	sdelay $0x1  }
0x23c: {  	v3 =	vsub.f32 v4, v3;
	v4 =	vsub.f32 v7, v8;
	v1 =	vadd.s32 v2, v1  }
0x23d: {  	v1 =	vshll.u32 v1, $0xD  }
0x23e: {  	v2 =	vmul.f32 v4, v3;
	v4 =	vadd.s32 v5, v1  }
0x23f: {  	v1 =	vadd.s32 v6, v1  }
0x240: {  	v2 =	vadd.f32 v2, v8;
	_ =	sdelay $0x1  }
0x241: {  	[tilespmem:s0+$0x1B500] =	vst v2  }
0x242: {  	v2 =	vld.idx.msk [tilespmem:v4+s25+$0x0], $0xffff  }
0x243: {  	v1 =	vld.idx.msk [tilespmem:v1+s25+$0x0], $0xffff;
	_ =	sdelay $0x4  }
0x244: {  	v1 =	vsub.f32 v1, v2;
	_ =	sdelay $0x1  }
0x245: {  	v1 =	vmul.f32 v1, v3;
	_ =	sdelay $0x1  }
0x246: {  	v1 =	vadd.f32 v1, v2;
	_ =	sdelay $0x1  }
0x247: {  	[tilespmem:s0+$0x1BC00] =	vst v1  }
0x248: {  	[spmem:s3] =	stream.indirect.scatter.add.f32 [tilespmem:s13], [sflag:$0x7], $0x1, s31, s11, $0xb8;
	[tilespmem:$0x1F800] =	vst v63  }
0x249: {  	_ = 	snop  }
0x24a: {  	[spmem:s4] =	stream.indirect.scatter.add.f32 [tilespmem:s28], [sflag:$0x7], $0x1, s31, s11, $0xb8;
	[tilespmem:$0x1F800] =	vst v63  }
0x24b: {  	_ =	swait.ge [sflag:s24], $0x320  }
0x24c: {  	[sflag:s24] =	ssyncset.done $0x0  }
0x24d: {  	[sflag:s24] =	ssyncadd.s32 $0xFFFFFCE0  }
0x24e: {  	_ =	swait.ge [sflag:s24], $0x320  }
0x24f: {  	s19 =	rddreg [dreg:$0xf]  }
0x250: {  	s0 =	sadd.s32 s17, s19  }
0x251: {  	s18 =	simm.s32 $0x0;
	[sflag:s24] =	ssyncset.done $0x0;
	s0 =	sshrl.u32 s0, $0x3  }
0x252: {  	[sflag:s24] =	ssyncadd.s32 $0xFFFFFCE0;
	s19 =	simm.s32 $0x19C80;
	s6 =	sadd.s32 s1, s0  }
0x253: {  	[tilespmem:s19], [sflag:$0x2] =	stream.linear.gather [hbm4b:s6+s18], $0x320, $0x38;
	[tilespmem:$0x1F800] =	vst v63  }
0x254: {  	s6 =	sadd.s32 s2, s0;
	s19 =	simm.s32 $0x1AE00  }
0x255: {  	[tilespmem:s19], [sflag:$0x2] =	stream.linear.gather [hbm4b:s6+s18], $0x320, $0x38;
	[tilespmem:$0x1F800] =	vst v63  }
0x256: {  	s0 =	sadd.s32 s7, s0  }
0x257: {  	[tilespmem:s22], [sflag:$0x5] =	stream.linear.gather [hbm4b:s0+s18], $0x320, $0x38;
	[tilespmem:$0x1F800] =	vst v63  }
0x258: {  	_ =	swait.ge [sflag:s9], $0x320  }
0x259: {  	[sflag:s9] =	ssyncset.done $0x0  }
0x25a: {  	[sflag:s9] =	ssyncadd.s32 $0xFFFFFCE0  }
0x25b: {  	_ =	swait.ge [sflag:s9], $0x320  }
0x25c: {  	[sflag:s9] =	ssyncset.done $0x0  }
0x25d: {  	[sflag:s9] =	ssyncadd.s32 $0xFFFFFCE0  }
0x25e: {  	_ =	swait.ge [sflag:s12], $0x320  }
0x25f: {  	[sflag:s12] =	ssyncset.done $0x0  }
0x260: {  	s18 =	simm.s32 $0x0;
	[sflag:s12] =	ssyncadd.s32 $0xFFFFFCE0  }
0x261: {  	v1 =	vld [tilespmem:s18+$0x1AA80];
	_ =	sdelay $0x4  }
0x262: {  	v2 =	vld [tilespmem:s18+$0x19900];
	v3 =	vshrl.u32 v1, $0x4;
	_ =	sdelay $0x3  }
0x263: {  	v4 =	vld [tilespmem:s18+$0x1A380]  }
0x264: {  	v2 =	vmin.f32 v2, $5.999999520e+00;
	v3 =	vld.idx.msk [tilespmem:v3+s26+$0x0], $0xffff  }
0x265: {  	v2 =	vmul.f32 $1.365166630e+03, v2;
	_ =	sdelay $0x1  }
0x266: {  	v1 =	vshll.u32 v1, $0x1;
	v5 =	vtrunc.f32 v2  }
0x267: {  	v1 =	vand.u32 $0x1E, v1;
	v5 =	vcvt.f32.s32 v5  }
0x268: {  	v1 =	vshrl.u32 v3, v1;
	v3 =	vshrl.u32 v4, $0x4  }
0x269: {  	v6 =	vadd.s32 $0x1, v5;
	v1 =	vand.u32 $0x3, v1  }
0x26a: {  	vm15 =	vlt.s32 v6, $0x1FFF;
	v7 =	vshll.u32 v1, $0xD  }
0x26b: {  	v6 =	vnsel vm15, $0x1FFF, v6;
	v8 =	vadd.s32 v5, v7  }
0x26c: {  	v7 =	vadd.s32 v6, v7  }
0x26d: {  	v3 =	vld.idx.msk [tilespmem:v3+s26+$0x0], $0xffff;
	_ =	sdelay $0x2  }
0x26e: {  	v4 =	vshll.u32 v4, $0x1;
	v8 =	vld.idx.msk [tilespmem:v8+s5+$0x0], $0xffff  }
0x26f: {  	v4 =	vand.u32 $0x1E, v4;
	v7 =	vld.idx.msk [tilespmem:v7+s5+$0x0], $0xffff  }
0x270: {  	v3 =	vshrl.u32 v3, v4  }
0x271: {  	v3 =	vand.u32 $0x3, v3  }
0x272: {  	v4 =	vcvt.s32.f32 v5;
	v3 =	vmul.u32 $0x3, v3;
	_ =	sdelay $0x1  }
0x273: {  	v9 =	vsub.f32 v2, v4;
	v2 =	vsub.f32 v7, v8;
	v1 =	vadd.s32 v1, v3  }
0x274: {  	v1 =	vshll.u32 v1, $0xD  }
0x275: {  	v2 =	vmul.f32 v2, v9;
	v3 =	vadd.s32 v5, v1  }
0x276: {  	v1 =	vadd.s32 v6, v1  }
0x277: {  	v2 =	vadd.f32 v2, v8;
	_ =	sdelay $0x1  }
0x278: {  	[tilespmem:s18+$0x1B180] =	vst v2  }
0x279: {  	v2 =	vld.idx.msk [tilespmem:v3+s25+$0x0], $0xffff  }
0x27a: {  	v1 =	vld.idx.msk [tilespmem:v1+s25+$0x0], $0xffff  }
0x27b: {  	s0 =	simm.s32 $0x10  }
0x27c: {  	v3 =	vld [tilespmem:s0+$0x1AA80]  }
0x27d: {  	v5 =	vld [tilespmem:s0+$0x19900];
	_ =	sdelay $0x1  }
0x27e: {  	v6 =	vsub.f32 v1, v2;
	_ =	sdelay $0x1  }
0x27f: {  	v4 =	vshrl.u32 v3, $0x4;
	v6 =	vmul.f32 v6, v9  }
0x280: {  	s19 =	simm.s32 $0x80;
	v5 =	vmin.f32 v5, $5.999999520e+00;
	v1 =	vld [tilespmem:s0+$0x1A380];
	v3 =	vshll.u32 v3, $0x1  }
.LBB2_13:
0x281: {  	p0 =	sne.s32 s19, $0xC40;
	v2 =	vadd.f32 v6, v2;
	s6 =	smov.u32 s19;
	s19 =	sadd.s32 $0x40, s19  }
0x282: {  	_ = 	snop  }
0x283: {  	[tilespmem:s18+$0x1B880] =	vst v2;
	s18 =	smov.u32 s0  }
0x284: {  	v2 =	vld.idx.msk [tilespmem:v4+s26+$0x0], $0xffff  }
0x285: {  	v4 =	vmul.f32 $1.365166630e+03, v5;
	_ =	sdelay $0x1  }
0x286: {  	v5 =	vtrunc.f32 v4  }
0x287: {  	v5 =	vcvt.f32.s32 v5  }
0x288: {  	v3 =	vand.u32 $0x1E, v3  }
0x289: {  	v6 =	vadd.s32 $0x1, v5;
	v2 =	vshrl.u32 v2, v3;
	v3 =	vshrl.u32 v1, $0x4  }
0x28a: {  	v7 =	vcvt.s32.f32 v5;
	vm0 =	vlt.s32 v6, $0x1FFF;
	v2 =	vand.u32 $0x3, v2  }
0x28b: {  	v6 =	vnsel vm0, $0x1FFF, v6;
	v8 =	vshll.u32 v2, $0xD  }
0x28c: {  	v9 =	vadd.s32 v5, v8;
	v8 =	vadd.s32 v6, v8;
	_ =	sdelay $0x1  }
0x28d: {  	v3 =	vld.idx.msk [tilespmem:v3+s26+$0x0], $0xffff;
	_ =	sdelay $0x2  }
0x28e: {  	v9 =	vld.idx.msk [tilespmem:v9+s5+$0x0], $0xffff  }
0x28f: {  	v1 =	vshll.u32 v1, $0x1;
	v8 =	vld.idx.msk [tilespmem:v8+s5+$0x0], $0xffff  }
0x290: {  	v1 =	vand.u32 $0x1E, v1  }
0x291: {  	v1 =	vshrl.u32 v3, v1  }
0x292: {  	v1 =	vand.u32 $0x3, v1  }
0x293: {  	v1 =	vmul.u32 $0x3, v1  }
0x294: {  	v7 =	vsub.f32 v4, v7  }
0x295: {  	v3 =	vsub.f32 v8, v9;
	v1 =	vadd.s32 v2, v1  }
0x296: {  	v1 =	vshll.u32 v1, $0xD  }
0x297: {  	v2 =	vmul.f32 v3, v7;
	v3 =	vadd.s32 v5, v1;
	v1 =	vadd.s32 v6, v1;
	_ =	sdelay $0x1  }
0x298: {  	v2 =	vadd.f32 v2, v9;
	_ =	sdelay $0x1  }
0x299: {  	[tilespmem:s18+$0x1B180] =	vst v2  }
0x29a: {  	v2 =	vld.idx.msk [tilespmem:v3+s25+$0x0], $0xffff  }
0x29b: {  	v3 =	vld.idx.msk [tilespmem:v1+s25+$0x0], $0xffff;
	_ =	sdelay $0x1  }
0x29c: {  	s0 =	sshra.s32 s6, $0x2  }
0x29d: {  	v5 =	vld [tilespmem:s0+$0x1AA80]  }
0x29e: {  	v8 =	vld [tilespmem:s0+$0x19900]  }
.Ltmp5:
0x29f: {  	v1 =	vld [tilespmem:s0+$0x1A380];
	(pc) =	sbr.rel @p0 .LBB2_13-.Ltmp5, $3  }
0x2a0: {  	v6 =	vsub.f32 v3, v2;
	_ =	sdelay $0x1  }
0x2a1: {  	v6 =	vmul.f32 v6, v7;
	v4 =	vshrl.u32 v5, $0x4;
	v3 =	vshll.u32 v5, $0x1  }
0x2a2: {  	v5 =	vmin.f32 v8, $5.999999520e+00  }
0x2a3: {  	_ = 	snop  }
0x2a4: {  	v2 =	vadd.f32 v6, v2;
	_ =	sdelay $0x1  }
0x2a5: {  	[tilespmem:s18+$0x1B880] =	vst v2  }
0x2a6: {  	v2 =	vld.idx.msk [tilespmem:v4+s26+$0x0], $0xffff  }
0x2a7: {  	v4 =	vmul.f32 $1.365166630e+03, v5;
	_ =	sdelay $0x1  }
0x2a8: {  	v5 =	vtrunc.f32 v4  }
0x2a9: {  	v3 =	vand.u32 $0x1E, v3;
	v5 =	vcvt.f32.s32 v5  }
0x2aa: {  	v2 =	vshrl.u32 v2, v3;
	v3 =	vshrl.u32 v1, $0x4  }
0x2ab: {  	v6 =	vadd.s32 $0x1, v5;
	v2 =	vand.u32 $0x3, v2  }
0x2ac: {  	vm0 =	vlt.s32 v6, $0x1FFF;
	v7 =	vshll.u32 v2, $0xD  }
0x2ad: {  	v6 =	vnsel vm0, $0x1FFF, v6;
	v8 =	vadd.s32 v5, v7  }
0x2ae: {  	v7 =	vadd.s32 v6, v7  }
0x2af: {  	v3 =	vld.idx.msk [tilespmem:v3+s26+$0x0], $0xffff;
	_ =	sdelay $0x2  }
0x2b0: {  	v1 =	vshll.u32 v1, $0x1;
	v8 =	vld.idx.msk [tilespmem:v8+s5+$0x0], $0xffff  }
0x2b1: {  	v1 =	vand.u32 $0x1E, v1;
	v7 =	vld.idx.msk [tilespmem:v7+s5+$0x0], $0xffff  }
0x2b2: {  	v1 =	vshrl.u32 v3, v1  }
0x2b3: {  	v1 =	vand.u32 $0x3, v1  }
0x2b4: {  	v3 =	vcvt.s32.f32 v5;
	v1 =	vmul.u32 $0x3, v1;
	_ =	sdelay $0x1  }
0x2b5: {  	v3 =	vsub.f32 v4, v3;
	v4 =	vsub.f32 v7, v8;
	v1 =	vadd.s32 v2, v1  }
0x2b6: {  	v1 =	vshll.u32 v1, $0xD  }
0x2b7: {  	v2 =	vmul.f32 v4, v3;
	v4 =	vadd.s32 v5, v1  }
0x2b8: {  	v1 =	vadd.s32 v6, v1  }
0x2b9: {  	v2 =	vadd.f32 v2, v8;
	_ =	sdelay $0x1  }
0x2ba: {  	[tilespmem:s0+$0x1B180] =	vst v2  }
0x2bb: {  	v2 =	vld.idx.msk [tilespmem:v4+s25+$0x0], $0xffff  }
0x2bc: {  	v1 =	vld.idx.msk [tilespmem:v1+s25+$0x0], $0xffff;
	_ =	sdelay $0x4  }
0x2bd: {  	v1 =	vsub.f32 v1, v2;
	_ =	sdelay $0x1  }
0x2be: {  	v1 =	vmul.f32 v1, v3;
	_ =	sdelay $0x1  }
0x2bf: {  	v1 =	vadd.f32 v1, v2;
	_ =	sdelay $0x1  }
0x2c0: {  	[tilespmem:s0+$0x1B880] =	vst v1  }
0x2c1: {  	[spmem:s3] =	stream.indirect.scatter.add.f32 [tilespmem:s20], [sflag:$0x6], $0x1, s8, s11, $0xb8;
	[tilespmem:$0x1F800] =	vst v63  }
0x2c2: {  	_ = 	snop  }
0x2c3: {  	[spmem:s4] =	stream.indirect.scatter.add.f32 [tilespmem:s21], [sflag:$0x6], $0x1, s8, s11, $0xb8;
	[tilespmem:$0x1F800] =	vst v63  }
0x2c4: {  	_ =	swait.ge [sflag:s15], $0x320  }
0x2c5: {  	[sflag:s15] =	ssyncset.done $0x0  }
0x2c6: {  	[sflag:s15] =	ssyncadd.s32 $0xFFFFFCE0  }
0x2c7: {  	_ =	swait.ge [sflag:s15], $0x320  }
0x2c8: {  	s18 =	rddreg [dreg:$0x10]  }
0x2c9: {  	s0 =	sadd.s32 s17, s18  }
0x2ca: {  	[sflag:s15] =	ssyncset.done $0x0;
	s0 =	sshrl.u32 s0, $0x3  }
0x2cb: {  	[sflag:s15] =	ssyncadd.s32 $0xFFFFFCE0;
	s18 =	simm.s32 $0x0;
	s6 =	sadd.s32 s1, s0  }
0x2cc: {  	[tilespmem:s29], [sflag:$0x1] =	stream.linear.gather [hbm4b:s6+s18], $0x320, $0x38;
	[tilespmem:$0x1F800] =	vst v63  }
0x2cd: {  	s19 =	sadd.s32 s2, s0  }
0x2ce: {  	[tilespmem:s30], [sflag:$0x1] =	stream.linear.gather [hbm4b:s19+s18], $0x320, $0x38;
	[tilespmem:$0x1F800] =	vst v63  }
0x2cf: {  	s0 =	sadd.s32 s7, s0  }
0x2d0: {  	[tilespmem:s31], [sflag:$0x3] =	stream.linear.gather [hbm4b:s0+s18], $0x320, $0x38;
	[tilespmem:$0x1F800] =	vst v63  }
0x2d1: {  	_ =	swait.ge [sflag:s23], $0x320  }
0x2d2: {  	[sflag:s23] =	ssyncset.done $0x0  }
0x2d3: {  	[sflag:s23] =	ssyncadd.s32 $0xFFFFFCE0  }
0x2d4: {  	_ =	swait.ge [sflag:s23], $0x320  }
0x2d5: {  	[sflag:s23] =	ssyncset.done $0x0  }
0x2d6: {  	[sflag:s23] =	ssyncadd.s32 $0xFFFFFCE0  }
0x2d7: {  	_ =	swait.ge [sflag:s14], $0x320  }
0x2d8: {  	[sflag:s14] =	ssyncset.done $0x0  }
0x2d9: {  	s18 =	simm.s32 $0x0;
	[sflag:s14] =	ssyncadd.s32 $0xFFFFFCE0  }
0x2da: {  	v1 =	vld [tilespmem:s18+$0x1AE00];
	_ =	sdelay $0x4  }
0x2db: {  	v2 =	vld [tilespmem:s18+$0x19C80];
	v3 =	vshrl.u32 v1, $0x4;
	_ =	sdelay $0x3  }
0x2dc: {  	v4 =	vld [tilespmem:s18+$0x1A700]  }
0x2dd: {  	v2 =	vmin.f32 v2, $5.999999520e+00;
	v3 =	vld.idx.msk [tilespmem:v3+s26+$0x0], $0xffff  }
0x2de: {  	v2 =	vmul.f32 $1.365166630e+03, v2;
	_ =	sdelay $0x1  }
0x2df: {  	v1 =	vshll.u32 v1, $0x1;
	v5 =	vtrunc.f32 v2  }
0x2e0: {  	v1 =	vand.u32 $0x1E, v1;
	v5 =	vcvt.f32.s32 v5  }
0x2e1: {  	v1 =	vshrl.u32 v3, v1;
	v3 =	vshrl.u32 v4, $0x4  }
0x2e2: {  	v6 =	vadd.s32 $0x1, v5;
	v1 =	vand.u32 $0x3, v1  }
0x2e3: {  	vm15 =	vlt.s32 v6, $0x1FFF;
	v7 =	vshll.u32 v1, $0xD  }
0x2e4: {  	v6 =	vnsel vm15, $0x1FFF, v6;
	v8 =	vadd.s32 v5, v7  }
0x2e5: {  	v7 =	vadd.s32 v6, v7  }
0x2e6: {  	v3 =	vld.idx.msk [tilespmem:v3+s26+$0x0], $0xffff;
	_ =	sdelay $0x2  }
0x2e7: {  	v4 =	vshll.u32 v4, $0x1;
	v8 =	vld.idx.msk [tilespmem:v8+s5+$0x0], $0xffff  }
0x2e8: {  	v4 =	vand.u32 $0x1E, v4;
	v7 =	vld.idx.msk [tilespmem:v7+s5+$0x0], $0xffff  }
0x2e9: {  	v3 =	vshrl.u32 v3, v4  }
0x2ea: {  	v3 =	vand.u32 $0x3, v3  }
0x2eb: {  	v4 =	vcvt.s32.f32 v5;
	v3 =	vmul.u32 $0x3, v3;
	_ =	sdelay $0x1  }
0x2ec: {  	v9 =	vsub.f32 v2, v4;
	v2 =	vsub.f32 v7, v8;
	v1 =	vadd.s32 v1, v3  }
0x2ed: {  	v1 =	vshll.u32 v1, $0xD  }
0x2ee: {  	v2 =	vmul.f32 v2, v9;
	v3 =	vadd.s32 v5, v1  }
0x2ef: {  	v1 =	vadd.s32 v6, v1  }
0x2f0: {  	v2 =	vadd.f32 v2, v8;
	_ =	sdelay $0x1  }
0x2f1: {  	[tilespmem:s18+$0x1B500] =	vst v2  }
0x2f2: {  	v2 =	vld.idx.msk [tilespmem:v3+s25+$0x0], $0xffff  }
0x2f3: {  	v1 =	vld.idx.msk [tilespmem:v1+s25+$0x0], $0xffff  }
0x2f4: {  	s0 =	simm.s32 $0x10  }
0x2f5: {  	v3 =	vld [tilespmem:s0+$0x1AE00]  }
0x2f6: {  	v5 =	vld [tilespmem:s0+$0x19C80];
	_ =	sdelay $0x1  }
0x2f7: {  	v6 =	vsub.f32 v1, v2;
	_ =	sdelay $0x1  }
0x2f8: {  	v4 =	vshrl.u32 v3, $0x4;
	v6 =	vmul.f32 v6, v9  }
0x2f9: {  	s19 =	simm.s32 $0x80;
	v5 =	vmin.f32 v5, $5.999999520e+00;
	v1 =	vld [tilespmem:s0+$0x1A700];
	v3 =	vshll.u32 v3, $0x1  }
.LBB2_15:
0x2fa: {  	p0 =	sne.s32 s19, $0xC40;
	v2 =	vadd.f32 v6, v2;
	s6 =	smov.u32 s19;
	s19 =	sadd.s32 $0x40, s19  }
0x2fb: {  	_ = 	snop  }
0x2fc: {  	[tilespmem:s18+$0x1BC00] =	vst v2;
	s18 =	smov.u32 s0  }
0x2fd: {  	v2 =	vld.idx.msk [tilespmem:v4+s26+$0x0], $0xffff  }
0x2fe: {  	v4 =	vmul.f32 $1.365166630e+03, v5;
	_ =	sdelay $0x1  }
0x2ff: {  	v5 =	vtrunc.f32 v4  }
0x300: {  	v5 =	vcvt.f32.s32 v5  }
0x301: {  	v3 =	vand.u32 $0x1E, v3  }
0x302: {  	v6 =	vadd.s32 $0x1, v5;
	v2 =	vshrl.u32 v2, v3;
	v3 =	vshrl.u32 v1, $0x4  }
0x303: {  	v7 =	vcvt.s32.f32 v5;
	vm0 =	vlt.s32 v6, $0x1FFF;
	v2 =	vand.u32 $0x3, v2  }
0x304: {  	v6 =	vnsel vm0, $0x1FFF, v6;
	v8 =	vshll.u32 v2, $0xD  }
0x305: {  	v9 =	vadd.s32 v5, v8;
	v8 =	vadd.s32 v6, v8;
	_ =	sdelay $0x1  }
0x306: {  	v3 =	vld.idx.msk [tilespmem:v3+s26+$0x0], $0xffff;
	_ =	sdelay $0x2  }
0x307: {  	v9 =	vld.idx.msk [tilespmem:v9+s5+$0x0], $0xffff  }
0x308: {  	v1 =	vshll.u32 v1, $0x1;
	v8 =	vld.idx.msk [tilespmem:v8+s5+$0x0], $0xffff  }
0x309: {  	v1 =	vand.u32 $0x1E, v1  }
0x30a: {  	v1 =	vshrl.u32 v3, v1  }
0x30b: {  	v1 =	vand.u32 $0x3, v1  }
0x30c: {  	v1 =	vmul.u32 $0x3, v1  }
0x30d: {  	v7 =	vsub.f32 v4, v7  }
0x30e: {  	v3 =	vsub.f32 v8, v9;
	v1 =	vadd.s32 v2, v1  }
0x30f: {  	v1 =	vshll.u32 v1, $0xD  }
0x310: {  	v2 =	vmul.f32 v3, v7;
	v3 =	vadd.s32 v5, v1;
	v1 =	vadd.s32 v6, v1;
	_ =	sdelay $0x1  }
0x311: {  	v2 =	vadd.f32 v2, v9;
	_ =	sdelay $0x1  }
0x312: {  	[tilespmem:s18+$0x1B500] =	vst v2  }
0x313: {  	v2 =	vld.idx.msk [tilespmem:v3+s25+$0x0], $0xffff  }
0x314: {  	v3 =	vld.idx.msk [tilespmem:v1+s25+$0x0], $0xffff;
	_ =	sdelay $0x1  }
0x315: {  	s0 =	sshra.s32 s6, $0x2  }
0x316: {  	v5 =	vld [tilespmem:s0+$0x1AE00]  }
0x317: {  	v8 =	vld [tilespmem:s0+$0x19C80]  }
.Ltmp6:
0x318: {  	v1 =	vld [tilespmem:s0+$0x1A700];
	(pc) =	sbr.rel @p0 .LBB2_15-.Ltmp6, $3  }
0x319: {  	v6 =	vsub.f32 v3, v2;
	_ =	sdelay $0x1  }
0x31a: {  	v6 =	vmul.f32 v6, v7;
	v4 =	vshrl.u32 v5, $0x4;
	v3 =	vshll.u32 v5, $0x1  }
0x31b: {  	v5 =	vmin.f32 v8, $5.999999520e+00  }
0x31c: {  	_ = 	snop  }
0x31d: {  	v2 =	vadd.f32 v6, v2;
	_ =	sdelay $0x1  }
0x31e: {  	[tilespmem:s18+$0x1BC00] =	vst v2  }
0x31f: {  	v2 =	vld.idx.msk [tilespmem:v4+s26+$0x0], $0xffff  }
0x320: {  	v60 =	vmul.f32 $1.365166630e+03, v5;
	_ =	sdelay $0x1  }
0x321: {  	v5 =	vtrunc.f32 v60  }
0x322: {  	v3 =	vand.u32 $0x1E, v3;
	v5 =	vcvt.f32.s32 v5  }
0x323: {  	v2 =	vshrl.u32 v2, v3;
	v3 =	vshrl.u32 v1, $0x4  }
0x324: {  	v61 =	vadd.s32 $0x1, v5;
	v2 =	vand.u32 $0x3, v2  }
0x325: {  	vm0 =	vlt.s32 v61, $0x1FFF;
	v7 =	vshll.u32 v2, $0xD  }
0x326: {  	v6 =	vnsel vm0, $0x1FFF, v61;
	v8 =	vadd.s32 v5, v7  }
0x327: {  	v7 =	vadd.s32 v6, v7  }
0x328: {  	v3 =	vld.idx.msk [tilespmem:v3+s26+$0x0], $0xffff;
	_ =	sdelay $0x2  }
0x329: {  	v1 =	vshll.u32 v1, $0x1;
	v8 =	vld.idx.msk [tilespmem:v8+s5+$0x0], $0xffff  }
0x32a: {  	v1 =	vand.u32 $0x1E, v1;
	v7 =	vld.idx.msk [tilespmem:v7+s5+$0x0], $0xffff  }
0x32b: {  	v1 =	vshrl.u32 v3, v1  }
0x32c: {  	v1 =	vand.u32 $0x3, v1  }
0x32d: {  	v3 =	vcvt.s32.f32 v5;
	v1 =	vmul.u32 $0x3, v1;
	_ =	sdelay $0x1  }
0x32e: {  	v3 =	vsub.f32 v60, v3;
	v62 =	vsub.f32 v7, v8;
	v1 =	vadd.s32 v2, v1  }
0x32f: {  	v1 =	vshll.u32 v1, $0xD  }
0x330: {  	v2 =	vmul.f32 v62, v3;
	v63 =	vadd.s32 v5, v1  }
0x331: {  	v1 =	vadd.s32 v6, v1  }
0x332: {  	v2 =	vadd.f32 v2, v8;
	_ =	sdelay $0x1  }
0x333: {  	[tilespmem:s0+$0x1B500] =	vst v2  }
0x334: {  	v2 =	vld.idx.msk [tilespmem:v63+s25+$0x0], $0xffff  }
0x335: {  	v1 =	vld.idx.msk [tilespmem:v1+s25+$0x0], $0xffff;
	_ =	sdelay $0x4  }
0x336: {  	v1 =	vsub.f32 v1, v2;
	_ =	sdelay $0x1  }
0x337: {  	v1 =	vmul.f32 v1, v3;
	_ =	sdelay $0x1  }
0x338: {  	v1 =	vadd.f32 v1, v2;
	_ =	sdelay $0x1  }
0x339: {  	[tilespmem:s0+$0x1BC00] =	vst v1  }
0x33a: {  	[spmem:s3] =	stream.indirect.scatter.add.f32 [tilespmem:s13], [sflag:$0x7], $0x1, s22, s11, $0xb8;
	[tilespmem:$0x1F800] =	vst v63  }
0x33b: {  	_ = 	snop  }
0x33c: {  	[spmem:s4] =	stream.indirect.scatter.add.f32 [tilespmem:s28], [sflag:$0x7], $0x1, s22, s11, $0xb8;
	[tilespmem:$0x1F800] =	vst v63  }
0x33d: {  	_ =	swait.ge [sflag:s24], $0x320  }
0x33e: {  	[sflag:s24] =	ssyncset.done $0x0  }
0x33f: {  	[sflag:s24] =	ssyncadd.s32 $0xFFFFFCE0  }
0x340: {  	_ =	swait.ge [sflag:s24], $0x320  }
0x341: {  	s18 =	rddreg [dreg:$0x11]  }
0x342: {  	s19 =	simm.s32 $0x19C80;
	s0 =	sadd.s32 s17, s18  }
0x343: {  	s16 =	sadd.s32 $0x1, s16;
	[sflag:s24] =	ssyncset.done $0x0;
	s0 =	sshrl.u32 s0, $0x3  }
0x344: {  	p0 =	sne.s32 s16, $0x14;
	[sflag:s24] =	ssyncadd.s32 $0xFFFFFCE0;
	s6 =	sadd.s32 s1, s0  }
0x345: {  	[tilespmem:s19], [sflag:$0x2] =	stream.linear.gather [hbm4b:s6+s5], $0x320, $0x38;
	[tilespmem:$0x1F800] =	vst v63  }
.Ltmp7:
0x346: {  	_ = 	snop;
	(pc) =	sbr.rel @p0 .LBB2_4-.Ltmp7, $4  }
0x347: {  	s18 =	sadd.s32 s2, s0;
	s19 =	simm.s32 $0x1AE00  }
0x348: {  	[tilespmem:s19], [sflag:$0x2] =	stream.linear.gather [hbm4b:s18+s5], $0x320, $0x38;
	[tilespmem:$0x1F800] =	vst v63  }
0x349: {  	s0 =	sadd.s32 s7, s0  }
0x34a: {  	[tilespmem:s8], [sflag:$0x4] =	stream.linear.gather [hbm4b:s0+s5], $0x320, $0x38;
	[tilespmem:$0x1F800] =	vst v63  }
0x34b: {  	_ =	swait.ge [sflag:s9], $0x320  }
0x34c: {  	[sflag:s9] =	ssyncset.done $0x0  }
0x34d: {  	[sflag:s9] =	ssyncadd.s32 $0xFFFFFCE0  }
0x34e: {  	_ =	swait.ge [sflag:s9], $0x320  }
0x34f: {  	[sflag:s9] =	ssyncset.done $0x0  }
0x350: {  	[sflag:s9] =	ssyncadd.s32 $0xFFFFFCE0  }
0x351: {  	_ =	swait.ge [sflag:s10], $0x320  }
0x352: {  	[sflag:s10] =	ssyncset.done $0x0  }
0x353: {  	s16 =	simm.s32 $0x0;
	[sflag:s10] =	ssyncadd.s32 $0xFFFFFCE0  }
0x354: {  	v1 =	vld [tilespmem:s16+$0x1AA80];
	_ =	sdelay $0x4  }
0x355: {  	v2 =	vld [tilespmem:s16+$0x19900];
	v3 =	vshrl.u32 v1, $0x4;
	_ =	sdelay $0x3  }
0x356: {  	v4 =	vld [tilespmem:s16+$0x1A000]  }
0x357: {  	v2 =	vmin.f32 v2, $5.999999520e+00;
	v3 =	vld.idx.msk [tilespmem:v3+s26+$0x0], $0xffff  }
0x358: {  	v2 =	vmul.f32 $1.365166630e+03, v2;
	_ =	sdelay $0x1  }
0x359: {  	v1 =	vshll.u32 v1, $0x1;
	v5 =	vtrunc.f32 v2  }
0x35a: {  	v1 =	vand.u32 $0x1E, v1;
	v5 =	vcvt.f32.s32 v5  }
0x35b: {  	v1 =	vshrl.u32 v3, v1;
	v3 =	vshrl.u32 v4, $0x4  }
0x35c: {  	v6 =	vadd.s32 $0x1, v5;
	v1 =	vand.u32 $0x3, v1  }
0x35d: {  	vm0 =	vlt.s32 v6, $0x1FFF;
	v7 =	vshll.u32 v1, $0xD  }
0x35e: {  	v6 =	vnsel vm0, $0x1FFF, v6;
	v8 =	vadd.s32 v5, v7  }
0x35f: {  	v7 =	vadd.s32 v6, v7  }
0x360: {  	v3 =	vld.idx.msk [tilespmem:v3+s26+$0x0], $0xffff;
	_ =	sdelay $0x2  }
0x361: {  	v4 =	vshll.u32 v4, $0x1;
	v8 =	vld.idx.msk [tilespmem:v8+s5+$0x0], $0xffff  }
0x362: {  	v4 =	vand.u32 $0x1E, v4;
	v7 =	vld.idx.msk [tilespmem:v7+s5+$0x0], $0xffff  }
0x363: {  	v3 =	vshrl.u32 v3, v4  }
0x364: {  	v3 =	vand.u32 $0x3, v3  }
0x365: {  	v4 =	vcvt.s32.f32 v5;
	v3 =	vmul.u32 $0x3, v3;
	_ =	sdelay $0x1  }
0x366: {  	v9 =	vsub.f32 v2, v4;
	v2 =	vsub.f32 v7, v8;
	v1 =	vadd.s32 v1, v3  }
0x367: {  	v1 =	vshll.u32 v1, $0xD  }
0x368: {  	v2 =	vmul.f32 v2, v9;
	v3 =	vadd.s32 v5, v1  }
0x369: {  	v1 =	vadd.s32 v6, v1  }
0x36a: {  	v2 =	vadd.f32 v2, v8;
	_ =	sdelay $0x1  }
0x36b: {  	[tilespmem:s16+$0x1B180] =	vst v2  }
0x36c: {  	v2 =	vld.idx.msk [tilespmem:v3+s25+$0x0], $0xffff  }
0x36d: {  	v1 =	vld.idx.msk [tilespmem:v1+s25+$0x0], $0xffff  }
0x36e: {  	s0 =	simm.s32 $0x10  }
0x36f: {  	v3 =	vld [tilespmem:s0+$0x1AA80]  }
0x370: {  	v5 =	vld [tilespmem:s0+$0x19900];
	_ =	sdelay $0x1  }
0x371: {  	v6 =	vsub.f32 v1, v2;
	_ =	sdelay $0x1  }
0x372: {  	v4 =	vshrl.u32 v3, $0x4;
	v6 =	vmul.f32 v6, v9  }
0x373: {  	s17 =	simm.s32 $0x80;
	v5 =	vmin.f32 v5, $5.999999520e+00;
	v1 =	vld [tilespmem:s0+$0x1A000];
	v3 =	vshll.u32 v3, $0x1  }
.LBB2_18:
0x374: {  	p0 =	sne.s32 s17, $0xC40;
	v2 =	vadd.f32 v6, v2;
	s6 =	smov.u32 s17;
	s17 =	sadd.s32 $0x40, s17  }
0x375: {  	_ = 	snop  }
0x376: {  	[tilespmem:s16+$0x1B880] =	vst v2;
	s16 =	smov.u32 s0  }
0x377: {  	v2 =	vld.idx.msk [tilespmem:v4+s26+$0x0], $0xffff  }
0x378: {  	v4 =	vmul.f32 $1.365166630e+03, v5;
	_ =	sdelay $0x1  }
0x379: {  	v5 =	vtrunc.f32 v4  }
0x37a: {  	v5 =	vcvt.f32.s32 v5  }
0x37b: {  	v3 =	vand.u32 $0x1E, v3  }
0x37c: {  	v6 =	vadd.s32 $0x1, v5;
	v2 =	vshrl.u32 v2, v3;
	v3 =	vshrl.u32 v1, $0x4  }
0x37d: {  	v7 =	vcvt.s32.f32 v5;
	vm0 =	vlt.s32 v6, $0x1FFF;
	v2 =	vand.u32 $0x3, v2  }
0x37e: {  	v6 =	vnsel vm0, $0x1FFF, v6;
	v8 =	vshll.u32 v2, $0xD  }
0x37f: {  	v9 =	vadd.s32 v5, v8;
	v8 =	vadd.s32 v6, v8;
	_ =	sdelay $0x1  }
0x380: {  	v3 =	vld.idx.msk [tilespmem:v3+s26+$0x0], $0xffff;
	_ =	sdelay $0x2  }
0x381: {  	v9 =	vld.idx.msk [tilespmem:v9+s5+$0x0], $0xffff  }
0x382: {  	v1 =	vshll.u32 v1, $0x1;
	v8 =	vld.idx.msk [tilespmem:v8+s5+$0x0], $0xffff  }
0x383: {  	v1 =	vand.u32 $0x1E, v1  }
0x384: {  	v1 =	vshrl.u32 v3, v1  }
0x385: {  	v1 =	vand.u32 $0x3, v1  }
0x386: {  	v1 =	vmul.u32 $0x3, v1  }
0x387: {  	v7 =	vsub.f32 v4, v7  }
0x388: {  	v3 =	vsub.f32 v8, v9;
	v1 =	vadd.s32 v2, v1  }
0x389: {  	v1 =	vshll.u32 v1, $0xD  }
0x38a: {  	v2 =	vmul.f32 v3, v7;
	v3 =	vadd.s32 v5, v1;
	v1 =	vadd.s32 v6, v1;
	_ =	sdelay $0x1  }
0x38b: {  	v2 =	vadd.f32 v2, v9;
	_ =	sdelay $0x1  }
0x38c: {  	[tilespmem:s16+$0x1B180] =	vst v2  }
0x38d: {  	v2 =	vld.idx.msk [tilespmem:v3+s25+$0x0], $0xffff  }
0x38e: {  	v3 =	vld.idx.msk [tilespmem:v1+s25+$0x0], $0xffff;
	_ =	sdelay $0x1  }
0x38f: {  	s0 =	sshra.s32 s6, $0x2  }
0x390: {  	v5 =	vld [tilespmem:s0+$0x1AA80]  }
0x391: {  	v8 =	vld [tilespmem:s0+$0x19900]  }
.Ltmp8:
0x392: {  	v1 =	vld [tilespmem:s0+$0x1A000];
	(pc) =	sbr.rel @p0 .LBB2_18-.Ltmp8, $3  }
0x393: {  	v6 =	vsub.f32 v3, v2;
	_ =	sdelay $0x1  }
0x394: {  	v6 =	vmul.f32 v6, v7;
	v4 =	vshrl.u32 v5, $0x4;
	v3 =	vshll.u32 v5, $0x1  }
0x395: {  	v5 =	vmin.f32 v8, $5.999999520e+00  }
0x396: {  	_ = 	snop  }
0x397: {  	v2 =	vadd.f32 v6, v2;
	_ =	sdelay $0x1  }
0x398: {  	[tilespmem:s16+$0x1B880] =	vst v2  }
0x399: {  	v2 =	vld.idx.msk [tilespmem:v4+s26+$0x0], $0xffff  }
0x39a: {  	v4 =	vmul.f32 $1.365166630e+03, v5;
	_ =	sdelay $0x1  }
0x39b: {  	v5 =	vtrunc.f32 v4  }
0x39c: {  	v3 =	vand.u32 $0x1E, v3;
	v5 =	vcvt.f32.s32 v5  }
0x39d: {  	v2 =	vshrl.u32 v2, v3;
	v3 =	vshrl.u32 v1, $0x4  }
0x39e: {  	v6 =	vadd.s32 $0x1, v5;
	v2 =	vand.u32 $0x3, v2  }
0x39f: {  	vm0 =	vlt.s32 v6, $0x1FFF;
	v7 =	vshll.u32 v2, $0xD  }
0x3a0: {  	v6 =	vnsel vm0, $0x1FFF, v6;
	v8 =	vadd.s32 v5, v7  }
0x3a1: {  	v7 =	vadd.s32 v6, v7  }
0x3a2: {  	v3 =	vld.idx.msk [tilespmem:v3+s26+$0x0], $0xffff;
	_ =	sdelay $0x2  }
0x3a3: {  	v1 =	vshll.u32 v1, $0x1;
	v8 =	vld.idx.msk [tilespmem:v8+s5+$0x0], $0xffff  }
0x3a4: {  	v1 =	vand.u32 $0x1E, v1;
	v7 =	vld.idx.msk [tilespmem:v7+s5+$0x0], $0xffff  }
0x3a5: {  	v1 =	vshrl.u32 v3, v1  }
0x3a6: {  	v1 =	vand.u32 $0x3, v1  }
0x3a7: {  	v3 =	vcvt.s32.f32 v5;
	v1 =	vmul.u32 $0x3, v1;
	_ =	sdelay $0x1  }
0x3a8: {  	v3 =	vsub.f32 v4, v3;
	v4 =	vsub.f32 v7, v8;
	v1 =	vadd.s32 v2, v1  }
0x3a9: {  	v1 =	vshll.u32 v1, $0xD  }
0x3aa: {  	v2 =	vmul.f32 v4, v3;
	v4 =	vadd.s32 v5, v1  }
0x3ab: {  	v1 =	vadd.s32 v6, v1  }
0x3ac: {  	v2 =	vadd.f32 v2, v8;
	_ =	sdelay $0x1  }
0x3ad: {  	[tilespmem:s0+$0x1B180] =	vst v2  }
0x3ae: {  	v2 =	vld.idx.msk [tilespmem:v4+s25+$0x0], $0xffff  }
0x3af: {  	v1 =	vld.idx.msk [tilespmem:v1+s25+$0x0], $0xffff;
	_ =	sdelay $0x4  }
0x3b0: {  	v1 =	vsub.f32 v1, v2;
	_ =	sdelay $0x1  }
0x3b1: {  	v1 =	vmul.f32 v1, v3;
	_ =	sdelay $0x1  }
0x3b2: {  	v1 =	vadd.f32 v1, v2;
	_ =	sdelay $0x1  }
0x3b3: {  	[tilespmem:s0+$0x1B880] =	vst v1  }
0x3b4: {  	[spmem:s3] =	stream.indirect.scatter.add.f32 [tilespmem:s20], [sflag:$0x6], $0x1, s31, s11, $0xb8;
	[tilespmem:$0x1F800] =	vst v63  }
0x3b5: {  	_ = 	snop  }
0x3b6: {  	[spmem:s4] =	stream.indirect.scatter.add.f32 [tilespmem:s21], [sflag:$0x6], $0x1, s31, s11, $0xb8;
	[tilespmem:$0x1F800] =	vst v63  }
0x3b7: {  	_ =	swait.ge [sflag:s15], $0x320  }
0x3b8: {  	[sflag:s15] =	ssyncset.done $0x0  }
0x3b9: {  	[sflag:s15] =	ssyncadd.s32 $0xFFFFFCE0  }
0x3ba: {  	_ =	swait.ge [sflag:s15], $0x320  }
0x3bb: {  	[sflag:s15] =	ssyncset.done $0x0  }
0x3bc: {  	s17 =	simm.s32 $0x0;
	s6 =	rddreg [dreg:$0x12];
	[sflag:s15] =	ssyncadd.s32 $0xFFFFFCE0  }
0x3bd: {  	[tilespmem:s29], [sflag:$0x1] =	stream.linear.gather [hbm4b:s6+s17], $0x320, $0x38;
	[tilespmem:$0x1F800] =	vst v63  }
0x3be: {  	s18 =	rddreg [dreg:$0x13]  }
0x3bf: {  	[tilespmem:s30], [sflag:$0x1] =	stream.linear.gather [hbm4b:s18+s17], $0x320, $0x38;
	[tilespmem:$0x1F800] =	vst v63  }
0x3c0: {  	s19 =	rddreg [dreg:$0x14]  }
0x3c1: {  	[tilespmem:s22], [sflag:$0x5] =	stream.linear.gather [hbm4b:s19+s17], $0x320, $0x38;
	[tilespmem:$0x1F800] =	vst v63  }
0x3c2: {  	_ =	swait.ge [sflag:s23], $0x320  }
0x3c3: {  	[sflag:s23] =	ssyncset.done $0x0  }
0x3c4: {  	[sflag:s23] =	ssyncadd.s32 $0xFFFFFCE0  }
0x3c5: {  	_ =	swait.ge [sflag:s23], $0x320  }
0x3c6: {  	[sflag:s23] =	ssyncset.done $0x0  }
0x3c7: {  	[sflag:s23] =	ssyncadd.s32 $0xFFFFFCE0  }
0x3c8: {  	_ =	swait.ge [sflag:s12], $0x320  }
0x3c9: {  	[sflag:s12] =	ssyncset.done $0x0  }
0x3ca: {  	s16 =	simm.s32 $0x0;
	[sflag:s12] =	ssyncadd.s32 $0xFFFFFCE0  }
0x3cb: {  	v1 =	vld [tilespmem:s16+$0x1AE00];
	_ =	sdelay $0x4  }
0x3cc: {  	v2 =	vld [tilespmem:s16+$0x19C80];
	v3 =	vshrl.u32 v1, $0x4;
	_ =	sdelay $0x3  }
0x3cd: {  	v4 =	vld [tilespmem:s16+$0x1A380]  }
0x3ce: {  	v2 =	vmin.f32 v2, $5.999999520e+00;
	v3 =	vld.idx.msk [tilespmem:v3+s26+$0x0], $0xffff  }
0x3cf: {  	v2 =	vmul.f32 $1.365166630e+03, v2;
	_ =	sdelay $0x1  }
0x3d0: {  	v1 =	vshll.u32 v1, $0x1;
	v5 =	vtrunc.f32 v2  }
0x3d1: {  	v1 =	vand.u32 $0x1E, v1;
	v5 =	vcvt.f32.s32 v5  }
0x3d2: {  	v1 =	vshrl.u32 v3, v1;
	v3 =	vshrl.u32 v4, $0x4  }
0x3d3: {  	v6 =	vadd.s32 $0x1, v5;
	v1 =	vand.u32 $0x3, v1  }
0x3d4: {  	vm15 =	vlt.s32 v6, $0x1FFF;
	v7 =	vshll.u32 v1, $0xD  }
0x3d5: {  	v6 =	vnsel vm15, $0x1FFF, v6;
	v8 =	vadd.s32 v5, v7  }
0x3d6: {  	v7 =	vadd.s32 v6, v7  }
0x3d7: {  	v3 =	vld.idx.msk [tilespmem:v3+s26+$0x0], $0xffff;
	_ =	sdelay $0x2  }
0x3d8: {  	v4 =	vshll.u32 v4, $0x1;
	v8 =	vld.idx.msk [tilespmem:v8+s5+$0x0], $0xffff  }
0x3d9: {  	v4 =	vand.u32 $0x1E, v4;
	v7 =	vld.idx.msk [tilespmem:v7+s5+$0x0], $0xffff  }
0x3da: {  	v3 =	vshrl.u32 v3, v4  }
0x3db: {  	v3 =	vand.u32 $0x3, v3  }
0x3dc: {  	v4 =	vcvt.s32.f32 v5;
	v3 =	vmul.u32 $0x3, v3;
	_ =	sdelay $0x1  }
0x3dd: {  	v9 =	vsub.f32 v2, v4;
	v2 =	vsub.f32 v7, v8;
	v1 =	vadd.s32 v1, v3  }
0x3de: {  	v1 =	vshll.u32 v1, $0xD  }
0x3df: {  	v2 =	vmul.f32 v2, v9;
	v3 =	vadd.s32 v5, v1  }
0x3e0: {  	v1 =	vadd.s32 v6, v1  }
0x3e1: {  	v2 =	vadd.f32 v2, v8;
	_ =	sdelay $0x1  }
0x3e2: {  	[tilespmem:s16+$0x1B500] =	vst v2  }
0x3e3: {  	v2 =	vld.idx.msk [tilespmem:v3+s25+$0x0], $0xffff  }
0x3e4: {  	v1 =	vld.idx.msk [tilespmem:v1+s25+$0x0], $0xffff  }
0x3e5: {  	s0 =	simm.s32 $0x10  }
0x3e6: {  	v3 =	vld [tilespmem:s0+$0x1AE00]  }
0x3e7: {  	v5 =	vld [tilespmem:s0+$0x19C80];
	_ =	sdelay $0x1  }
0x3e8: {  	v6 =	vsub.f32 v1, v2;
	_ =	sdelay $0x1  }
0x3e9: {  	v4 =	vshrl.u32 v3, $0x4;
	v6 =	vmul.f32 v6, v9  }
0x3ea: {  	s17 =	simm.s32 $0x80;
	s19 =	simm.s32 $0x8;
	v5 =	vmin.f32 v5, $5.999999520e+00;
	v1 =	vld [tilespmem:s0+$0x1A380];
	v3 =	vshll.u32 v3, $0x1  }
.LBB2_20:
0x3eb: {  	p0 =	sne.s32 s17, $0xC40;
	v2 =	vadd.f32 v6, v2;
	s6 =	smov.u32 s17;
	s17 =	sadd.s32 $0x40, s17  }
0x3ec: {  	_ = 	snop  }
0x3ed: {  	[tilespmem:s16+$0x1BC00] =	vst v2;
	s16 =	smov.u32 s0  }
0x3ee: {  	v2 =	vld.idx.msk [tilespmem:v4+s26+$0x0], $0xffff  }
0x3ef: {  	v4 =	vmul.f32 $1.365166630e+03, v5;
	_ =	sdelay $0x1  }
0x3f0: {  	v5 =	vtrunc.f32 v4  }
0x3f1: {  	v5 =	vcvt.f32.s32 v5  }
0x3f2: {  	v3 =	vand.u32 $0x1E, v3  }
0x3f3: {  	v6 =	vadd.s32 $0x1, v5;
	v2 =	vshrl.u32 v2, v3;
	v3 =	vshrl.u32 v1, $0x4  }
0x3f4: {  	v7 =	vcvt.s32.f32 v5;
	vm0 =	vlt.s32 v6, $0x1FFF;
	v2 =	vand.u32 $0x3, v2  }
0x3f5: {  	v6 =	vnsel vm0, $0x1FFF, v6;
	v8 =	vshll.u32 v2, $0xD  }
0x3f6: {  	v9 =	vadd.s32 v5, v8;
	v8 =	vadd.s32 v6, v8;
	_ =	sdelay $0x1  }
0x3f7: {  	v3 =	vld.idx.msk [tilespmem:v3+s26+$0x0], $0xffff;
	_ =	sdelay $0x2  }
0x3f8: {  	v9 =	vld.idx.msk [tilespmem:v9+s5+$0x0], $0xffff  }
0x3f9: {  	v1 =	vshll.u32 v1, $0x1;
	v8 =	vld.idx.msk [tilespmem:v8+s5+$0x0], $0xffff  }
0x3fa: {  	v1 =	vand.u32 $0x1E, v1  }
0x3fb: {  	v1 =	vshrl.u32 v3, v1  }
0x3fc: {  	v1 =	vand.u32 $0x3, v1  }
0x3fd: {  	v1 =	vmul.u32 $0x3, v1  }
0x3fe: {  	v7 =	vsub.f32 v4, v7  }
0x3ff: {  	v3 =	vsub.f32 v8, v9;
	v1 =	vadd.s32 v2, v1  }
0x400: {  	v1 =	vshll.u32 v1, $0xD  }
0x401: {  	v2 =	vmul.f32 v3, v7;
	v3 =	vadd.s32 v5, v1;
	v1 =	vadd.s32 v6, v1;
	_ =	sdelay $0x1  }
0x402: {  	v2 =	vadd.f32 v2, v9;
	_ =	sdelay $0x1  }
0x403: {  	[tilespmem:s16+$0x1B500] =	vst v2  }
0x404: {  	v2 =	vld.idx.msk [tilespmem:v3+s25+$0x0], $0xffff  }
0x405: {  	v3 =	vld.idx.msk [tilespmem:v1+s25+$0x0], $0xffff;
	_ =	sdelay $0x1  }
0x406: {  	s0 =	sshra.s32 s6, $0x2  }
0x407: {  	v5 =	vld [tilespmem:s0+$0x1AE00]  }
0x408: {  	v8 =	vld [tilespmem:s0+$0x19C80]  }
.Ltmp9:
0x409: {  	v1 =	vld [tilespmem:s0+$0x1A380];
	(pc) =	sbr.rel @p0 .LBB2_20-.Ltmp9, $3  }
0x40a: {  	v6 =	vsub.f32 v3, v2;
	_ =	sdelay $0x1  }
0x40b: {  	v6 =	vmul.f32 v6, v7;
	v4 =	vshrl.u32 v5, $0x4;
	v3 =	vshll.u32 v5, $0x1  }
0x40c: {  	v5 =	vmin.f32 v8, $5.999999520e+00  }
0x40d: {  	_ = 	snop  }
0x40e: {  	v2 =	vadd.f32 v6, v2;
	_ =	sdelay $0x1  }
0x40f: {  	[tilespmem:s16+$0x1BC00] =	vst v2  }
0x410: {  	v2 =	vld.idx.msk [tilespmem:v4+s26+$0x0], $0xffff  }
0x411: {  	v4 =	vmul.f32 $1.365166630e+03, v5;
	_ =	sdelay $0x1  }
0x412: {  	v5 =	vtrunc.f32 v4  }
0x413: {  	v3 =	vand.u32 $0x1E, v3;
	v5 =	vcvt.f32.s32 v5  }
0x414: {  	v2 =	vshrl.u32 v2, v3;
	v3 =	vshrl.u32 v1, $0x4  }
0x415: {  	v6 =	vadd.s32 $0x1, v5;
	v2 =	vand.u32 $0x3, v2  }
0x416: {  	vm0 =	vlt.s32 v6, $0x1FFF;
	v7 =	vshll.u32 v2, $0xD  }
0x417: {  	v6 =	vnsel vm0, $0x1FFF, v6;
	v8 =	vadd.s32 v5, v7  }
0x418: {  	v7 =	vadd.s32 v6, v7  }
0x419: {  	v3 =	vld.idx.msk [tilespmem:v3+s26+$0x0], $0xffff;
	_ =	sdelay $0x2  }
0x41a: {  	v1 =	vshll.u32 v1, $0x1;
	v8 =	vld.idx.msk [tilespmem:v8+s5+$0x0], $0xffff  }
0x41b: {  	v1 =	vand.u32 $0x1E, v1;
	v7 =	vld.idx.msk [tilespmem:v7+s5+$0x0], $0xffff  }
0x41c: {  	v1 =	vshrl.u32 v3, v1  }
0x41d: {  	v1 =	vand.u32 $0x3, v1  }
0x41e: {  	v3 =	vcvt.s32.f32 v5;
	v1 =	vmul.u32 $0x3, v1;
	_ =	sdelay $0x1  }
0x41f: {  	v3 =	vsub.f32 v4, v3;
	v4 =	vsub.f32 v7, v8;
	v1 =	vadd.s32 v2, v1  }
0x420: {  	v1 =	vshll.u32 v1, $0xD  }
0x421: {  	v2 =	vmul.f32 v4, v3;
	v4 =	vadd.s32 v5, v1  }
0x422: {  	v1 =	vadd.s32 v6, v1  }
0x423: {  	v2 =	vadd.f32 v2, v8;
	_ =	sdelay $0x1  }
0x424: {  	[tilespmem:s0+$0x1B500] =	vst v2  }
0x425: {  	v2 =	vld.idx.msk [tilespmem:v4+s25+$0x0], $0xffff  }
0x426: {  	v1 =	vld.idx.msk [tilespmem:v1+s25+$0x0], $0xffff;
	_ =	sdelay $0x4  }
0x427: {  	v1 =	vsub.f32 v1, v2;
	_ =	sdelay $0x1  }
0x428: {  	v1 =	vmul.f32 v1, v3;
	_ =	sdelay $0x1  }
0x429: {  	v1 =	vadd.f32 v1, v2;
	_ =	sdelay $0x1  }
0x42a: {  	[tilespmem:s0+$0x1BC00] =	vst v1  }
0x42b: {  	[spmem:s3] =	stream.indirect.scatter.add.f32 [tilespmem:s13], [sflag:$0x7], $0x1, s8, s11, $0xb8;
	[tilespmem:$0x1F800] =	vst v63  }
0x42c: {  	_ = 	snop  }
0x42d: {  	[spmem:s4] =	stream.indirect.scatter.add.f32 [tilespmem:s28], [sflag:$0x7], $0x1, s8, s11, $0xb8;
	[tilespmem:$0x1F800] =	vst v63  }
0x42e: {  	_ =	swait.ge [sflag:s24], $0x320  }
0x42f: {  	[sflag:s24] =	ssyncset.done $0x0  }
0x430: {  	[sflag:s24] =	ssyncadd.s32 $0xFFFFFCE0  }
0x431: {  	_ =	swait.ge [sflag:s24], $0x320  }
0x432: {  	s18 =	simm.s32 $0x19C80;
	[sflag:s24] =	ssyncset.done $0x0  }
0x433: {  	s0 =	simm.s32 $0x0;
	s6 =	rddreg [dreg:$0x18];
	[sflag:s24] =	ssyncadd.s32 $0xFFFFFCE0  }
0x434: {  	[tilespmem:s18], [sflag:$0x2] =	stream.linear.gather [hbm4b:s6+s0], $0x320, $0x38;
	[tilespmem:$0x1F800] =	vst v63  }
0x435: {  	s17 =	simm.s32 $0x1AE00;
	s16 =	rddreg [dreg:$0x19]  }
0x436: {  	[tilespmem:s17], [sflag:$0x2] =	stream.linear.gather [hbm4b:s16+s0], $0x320, $0x38;
	[tilespmem:$0x1F800] =	vst v63  }
0x437: {  	s18 =	rddreg [dreg:$0x1a]  }
0x438: {  	[tilespmem:s31], [sflag:$0x3] =	stream.linear.gather [hbm4b:s18+s0], $0x320, $0x38;
	[tilespmem:$0x1F800] =	vst v63  }
0x439: {  	_ =	swait.ge [sflag:s9], $0x320  }
0x43a: {  	[sflag:s9] =	ssyncset.done $0x0  }
0x43b: {  	[sflag:s9] =	ssyncadd.s32 $0xFFFFFCE0  }
0x43c: {  	_ =	swait.ge [sflag:s9], $0x320  }
0x43d: {  	[sflag:s9] =	ssyncset.done $0x0  }
0x43e: {  	[sflag:s9] =	ssyncadd.s32 $0xFFFFFCE0  }
0x43f: {  	_ =	swait.ge [sflag:s14], $0x320  }
0x440: {  	[sflag:s14] =	ssyncset.done $0x0  }
0x441: {  	s16 =	simm.s32 $0x0;
	[sflag:s14] =	ssyncadd.s32 $0xFFFFFCE0  }
0x442: {  	v1 =	vld [tilespmem:s16+$0x1AA80];
	_ =	sdelay $0x4  }
0x443: {  	v2 =	vld [tilespmem:s16+$0x19900];
	v3 =	vshrl.u32 v1, $0x4;
	_ =	sdelay $0x3  }
0x444: {  	v4 =	vld [tilespmem:s16+$0x1A700]  }
0x445: {  	v2 =	vmin.f32 v2, $5.999999520e+00;
	v3 =	vld.idx.msk [tilespmem:v3+s26+$0x0], $0xffff  }
0x446: {  	v2 =	vmul.f32 $1.365166630e+03, v2;
	_ =	sdelay $0x1  }
0x447: {  	v1 =	vshll.u32 v1, $0x1;
	v5 =	vtrunc.f32 v2  }
0x448: {  	v1 =	vand.u32 $0x1E, v1;
	v5 =	vcvt.f32.s32 v5  }
0x449: {  	v1 =	vshrl.u32 v3, v1;
	v3 =	vshrl.u32 v4, $0x4  }
0x44a: {  	v6 =	vadd.s32 $0x1, v5;
	v1 =	vand.u32 $0x3, v1  }
0x44b: {  	vm15 =	vlt.s32 v6, $0x1FFF;
	v7 =	vshll.u32 v1, $0xD  }
0x44c: {  	v6 =	vnsel vm15, $0x1FFF, v6;
	v8 =	vadd.s32 v5, v7  }
0x44d: {  	v7 =	vadd.s32 v6, v7  }
0x44e: {  	v3 =	vld.idx.msk [tilespmem:v3+s26+$0x0], $0xffff;
	_ =	sdelay $0x2  }
0x44f: {  	v4 =	vshll.u32 v4, $0x1;
	v8 =	vld.idx.msk [tilespmem:v8+s5+$0x0], $0xffff  }
0x450: {  	v4 =	vand.u32 $0x1E, v4;
	v7 =	vld.idx.msk [tilespmem:v7+s5+$0x0], $0xffff  }
0x451: {  	v3 =	vshrl.u32 v3, v4  }
0x452: {  	v3 =	vand.u32 $0x3, v3  }
0x453: {  	v4 =	vcvt.s32.f32 v5;
	v3 =	vmul.u32 $0x3, v3;
	_ =	sdelay $0x1  }
0x454: {  	v9 =	vsub.f32 v2, v4;
	v2 =	vsub.f32 v7, v8;
	v1 =	vadd.s32 v1, v3  }
0x455: {  	v1 =	vshll.u32 v1, $0xD  }
0x456: {  	v2 =	vmul.f32 v2, v9;
	v3 =	vadd.s32 v5, v1  }
0x457: {  	v1 =	vadd.s32 v6, v1  }
0x458: {  	v2 =	vadd.f32 v2, v8;
	_ =	sdelay $0x1  }
0x459: {  	[tilespmem:s16+$0x1B180] =	vst v2  }
0x45a: {  	v2 =	vld.idx.msk [tilespmem:v3+s25+$0x0], $0xffff  }
0x45b: {  	v1 =	vld.idx.msk [tilespmem:v1+s25+$0x0], $0xffff  }
0x45c: {  	s0 =	simm.s32 $0x10  }
0x45d: {  	v3 =	vld [tilespmem:s0+$0x1AA80]  }
0x45e: {  	v5 =	vld [tilespmem:s0+$0x19900];
	_ =	sdelay $0x1  }
0x45f: {  	v6 =	vsub.f32 v1, v2;
	_ =	sdelay $0x1  }
0x460: {  	v4 =	vshrl.u32 v3, $0x4;
	v6 =	vmul.f32 v6, v9  }
0x461: {  	s17 =	simm.s32 $0x80;
	v5 =	vmin.f32 v5, $5.999999520e+00;
	v1 =	vld [tilespmem:s0+$0x1A700];
	v3 =	vshll.u32 v3, $0x1  }
.LBB2_22:
0x462: {  	p0 =	sne.s32 s17, $0xC40;
	v2 =	vadd.f32 v6, v2;
	s6 =	smov.u32 s17;
	s17 =	sadd.s32 $0x40, s17  }
0x463: {  	_ = 	snop  }
0x464: {  	[tilespmem:s16+$0x1B880] =	vst v2;
	s16 =	smov.u32 s0  }
0x465: {  	v2 =	vld.idx.msk [tilespmem:v4+s26+$0x0], $0xffff  }
0x466: {  	v4 =	vmul.f32 $1.365166630e+03, v5;
	_ =	sdelay $0x1  }
0x467: {  	v5 =	vtrunc.f32 v4  }
0x468: {  	v5 =	vcvt.f32.s32 v5  }
0x469: {  	v3 =	vand.u32 $0x1E, v3  }
0x46a: {  	v6 =	vadd.s32 $0x1, v5;
	v2 =	vshrl.u32 v2, v3;
	v3 =	vshrl.u32 v1, $0x4  }
0x46b: {  	v7 =	vcvt.s32.f32 v5;
	vm0 =	vlt.s32 v6, $0x1FFF;
	v2 =	vand.u32 $0x3, v2  }
0x46c: {  	v6 =	vnsel vm0, $0x1FFF, v6;
	v8 =	vshll.u32 v2, $0xD  }
0x46d: {  	v9 =	vadd.s32 v5, v8;
	v8 =	vadd.s32 v6, v8;
	_ =	sdelay $0x1  }
0x46e: {  	v3 =	vld.idx.msk [tilespmem:v3+s26+$0x0], $0xffff;
	_ =	sdelay $0x2  }
0x46f: {  	v9 =	vld.idx.msk [tilespmem:v9+s5+$0x0], $0xffff  }
0x470: {  	v1 =	vshll.u32 v1, $0x1;
	v8 =	vld.idx.msk [tilespmem:v8+s5+$0x0], $0xffff  }
0x471: {  	v1 =	vand.u32 $0x1E, v1  }
0x472: {  	v1 =	vshrl.u32 v3, v1  }
0x473: {  	v1 =	vand.u32 $0x3, v1  }
0x474: {  	v1 =	vmul.u32 $0x3, v1  }
0x475: {  	v7 =	vsub.f32 v4, v7  }
0x476: {  	v3 =	vsub.f32 v8, v9;
	v1 =	vadd.s32 v2, v1  }
0x477: {  	v1 =	vshll.u32 v1, $0xD  }
0x478: {  	v2 =	vmul.f32 v3, v7;
	v3 =	vadd.s32 v5, v1;
	v1 =	vadd.s32 v6, v1;
	_ =	sdelay $0x1  }
0x479: {  	v2 =	vadd.f32 v2, v9;
	_ =	sdelay $0x1  }
0x47a: {  	[tilespmem:s16+$0x1B180] =	vst v2  }
0x47b: {  	v2 =	vld.idx.msk [tilespmem:v3+s25+$0x0], $0xffff  }
0x47c: {  	v3 =	vld.idx.msk [tilespmem:v1+s25+$0x0], $0xffff;
	_ =	sdelay $0x1  }
0x47d: {  	s0 =	sshra.s32 s6, $0x2  }
0x47e: {  	v5 =	vld [tilespmem:s0+$0x1AA80]  }
0x47f: {  	v8 =	vld [tilespmem:s0+$0x19900]  }
.Ltmp10:
0x480: {  	v1 =	vld [tilespmem:s0+$0x1A700];
	(pc) =	sbr.rel @p0 .LBB2_22-.Ltmp10, $3  }
0x481: {  	v6 =	vsub.f32 v3, v2;
	_ =	sdelay $0x1  }
0x482: {  	v6 =	vmul.f32 v6, v7;
	v4 =	vshrl.u32 v5, $0x4;
	v3 =	vshll.u32 v5, $0x1  }
0x483: {  	v5 =	vmin.f32 v8, $5.999999520e+00  }
0x484: {  	_ = 	snop  }
0x485: {  	v2 =	vadd.f32 v6, v2;
	_ =	sdelay $0x1  }
0x486: {  	[tilespmem:s16+$0x1B880] =	vst v2  }
0x487: {  	v2 =	vld.idx.msk [tilespmem:v4+s26+$0x0], $0xffff  }
0x488: {  	v4 =	vmul.f32 $1.365166630e+03, v5;
	_ =	sdelay $0x1  }
0x489: {  	v5 =	vtrunc.f32 v4  }
0x48a: {  	v3 =	vand.u32 $0x1E, v3;
	v5 =	vcvt.f32.s32 v5  }
0x48b: {  	v2 =	vshrl.u32 v2, v3;
	v3 =	vshrl.u32 v1, $0x4  }
0x48c: {  	v6 =	vadd.s32 $0x1, v5;
	v2 =	vand.u32 $0x3, v2  }
0x48d: {  	vm0 =	vlt.s32 v6, $0x1FFF;
	v7 =	vshll.u32 v2, $0xD  }
0x48e: {  	v6 =	vnsel vm0, $0x1FFF, v6;
	v8 =	vadd.s32 v5, v7  }
0x48f: {  	v7 =	vadd.s32 v6, v7  }
0x490: {  	v3 =	vld.idx.msk [tilespmem:v3+s26+$0x0], $0xffff;
	_ =	sdelay $0x2  }
0x491: {  	v1 =	vshll.u32 v1, $0x1;
	v8 =	vld.idx.msk [tilespmem:v8+s5+$0x0], $0xffff  }
0x492: {  	v1 =	vand.u32 $0x1E, v1;
	v7 =	vld.idx.msk [tilespmem:v7+s5+$0x0], $0xffff  }
0x493: {  	v1 =	vshrl.u32 v3, v1  }
0x494: {  	v1 =	vand.u32 $0x3, v1  }
0x495: {  	v3 =	vcvt.s32.f32 v5;
	v1 =	vmul.u32 $0x3, v1;
	_ =	sdelay $0x1  }
0x496: {  	v3 =	vsub.f32 v4, v3;
	v4 =	vsub.f32 v7, v8;
	v1 =	vadd.s32 v2, v1  }
0x497: {  	v1 =	vshll.u32 v1, $0xD  }
0x498: {  	v2 =	vmul.f32 v4, v3;
	v4 =	vadd.s32 v5, v1  }
0x499: {  	v1 =	vadd.s32 v6, v1  }
0x49a: {  	v2 =	vadd.f32 v2, v8;
	_ =	sdelay $0x1  }
0x49b: {  	[tilespmem:s0+$0x1B180] =	vst v2  }
0x49c: {  	v2 =	vld.idx.msk [tilespmem:v4+s25+$0x0], $0xffff  }
0x49d: {  	v1 =	vld.idx.msk [tilespmem:v1+s25+$0x0], $0xffff;
	_ =	sdelay $0x4  }
0x49e: {  	v1 =	vsub.f32 v1, v2;
	_ =	sdelay $0x1  }
0x49f: {  	v1 =	vmul.f32 v1, v3;
	_ =	sdelay $0x1  }
0x4a0: {  	v1 =	vadd.f32 v1, v2;
	_ =	sdelay $0x1  }
0x4a1: {  	[tilespmem:s0+$0x1B880] =	vst v1  }
0x4a2: {  	[spmem:s3] =	stream.indirect.scatter.add.f32 [tilespmem:s20], [sflag:$0x6], $0x1, s22, s11, $0xb8;
	[tilespmem:$0x1F800] =	vst v63  }
0x4a3: {  	_ = 	snop  }
0x4a4: {  	[spmem:s4] =	stream.indirect.scatter.add.f32 [tilespmem:s21], [sflag:$0x6], $0x1, s22, s11, $0xb8;
	[tilespmem:$0x1F800] =	vst v63  }
0x4a5: {  	_ =	swait.ge [sflag:s15], $0x320  }
0x4a6: {  	[sflag:s15] =	ssyncset.done $0x0  }
0x4a7: {  	[sflag:s15] =	ssyncadd.s32 $0xFFFFFCE0  }
0x4a8: {  	_ =	swait.ge [sflag:s15], $0x320  }
0x4a9: {  	[sflag:s15] =	ssyncset.done $0x0  }
0x4aa: {  	s16 =	simm.s32 $0x0;
	s6 =	rddreg [dreg:$0x1b];
	[sflag:s15] =	ssyncadd.s32 $0xFFFFFCE0  }
0x4ab: {  	[tilespmem:s29], [sflag:$0x1] =	stream.linear.gather [hbm4b:s6+s16], $0x320, $0x38;
	[tilespmem:$0x1F800] =	vst v63  }
0x4ac: {  	s17 =	rddreg [dreg:$0x1c]  }
0x4ad: {  	[tilespmem:s30], [sflag:$0x1] =	stream.linear.gather [hbm4b:s17+s16], $0x320, $0x38;
	[tilespmem:$0x1F800] =	vst v63  }
0x4ae: {  	s18 =	rddreg [dreg:$0x1d]  }
0x4af: {  	[tilespmem:s8], [sflag:$0x4] =	stream.linear.gather [hbm4b:s18+s16], $0x320, $0x38;
	[tilespmem:$0x1F800] =	vst v63  }
0x4b0: {  	_ =	swait.ge [sflag:s23], $0x320  }
0x4b1: {  	[sflag:s23] =	ssyncset.done $0x0  }
0x4b2: {  	[sflag:s23] =	ssyncadd.s32 $0xFFFFFCE0  }
0x4b3: {  	_ =	swait.ge [sflag:s23], $0x320  }
0x4b4: {  	[sflag:s23] =	ssyncset.done $0x0  }
0x4b5: {  	[sflag:s23] =	ssyncadd.s32 $0xFFFFFCE0  }
0x4b6: {  	_ =	swait.ge [sflag:s10], $0x320  }
0x4b7: {  	[sflag:s10] =	ssyncset.done $0x0  }
0x4b8: {  	s16 =	simm.s32 $0x0;
	[sflag:s10] =	ssyncadd.s32 $0xFFFFFCE0  }
0x4b9: {  	v1 =	vld [tilespmem:s16+$0x1AE00];
	_ =	sdelay $0x4  }
0x4ba: {  	v2 =	vld [tilespmem:s16+$0x19C80];
	v3 =	vshrl.u32 v1, $0x4;
	_ =	sdelay $0x3  }
0x4bb: {  	v4 =	vld [tilespmem:s16+$0x1A000]  }
0x4bc: {  	v2 =	vmin.f32 v2, $5.999999520e+00;
	v3 =	vld.idx.msk [tilespmem:v3+s26+$0x0], $0xffff  }
0x4bd: {  	v2 =	vmul.f32 $1.365166630e+03, v2;
	_ =	sdelay $0x1  }
0x4be: {  	v1 =	vshll.u32 v1, $0x1;
	v5 =	vtrunc.f32 v2  }
0x4bf: {  	v1 =	vand.u32 $0x1E, v1;
	v5 =	vcvt.f32.s32 v5  }
0x4c0: {  	v1 =	vshrl.u32 v3, v1;
	v3 =	vshrl.u32 v4, $0x4  }
0x4c1: {  	v6 =	vadd.s32 $0x1, v5;
	v1 =	vand.u32 $0x3, v1  }
0x4c2: {  	vm15 =	vlt.s32 v6, $0x1FFF;
	v7 =	vshll.u32 v1, $0xD  }
0x4c3: {  	v6 =	vnsel vm15, $0x1FFF, v6;
	v8 =	vadd.s32 v5, v7  }
0x4c4: {  	v7 =	vadd.s32 v6, v7  }
0x4c5: {  	v3 =	vld.idx.msk [tilespmem:v3+s26+$0x0], $0xffff;
	_ =	sdelay $0x2  }
0x4c6: {  	v4 =	vshll.u32 v4, $0x1;
	v8 =	vld.idx.msk [tilespmem:v8+s5+$0x0], $0xffff  }
0x4c7: {  	v4 =	vand.u32 $0x1E, v4;
	v7 =	vld.idx.msk [tilespmem:v7+s5+$0x0], $0xffff  }
0x4c8: {  	v3 =	vshrl.u32 v3, v4  }
0x4c9: {  	v3 =	vand.u32 $0x3, v3  }
0x4ca: {  	v4 =	vcvt.s32.f32 v5;
	v3 =	vmul.u32 $0x3, v3;
	_ =	sdelay $0x1  }
0x4cb: {  	v9 =	vsub.f32 v2, v4;
	v2 =	vsub.f32 v7, v8;
	v1 =	vadd.s32 v1, v3  }
0x4cc: {  	v1 =	vshll.u32 v1, $0xD  }
0x4cd: {  	v2 =	vmul.f32 v2, v9;
	v3 =	vadd.s32 v5, v1  }
0x4ce: {  	v1 =	vadd.s32 v6, v1  }
0x4cf: {  	v2 =	vadd.f32 v2, v8;
	_ =	sdelay $0x1  }
0x4d0: {  	[tilespmem:s16+$0x1B500] =	vst v2  }
0x4d1: {  	v2 =	vld.idx.msk [tilespmem:v3+s25+$0x0], $0xffff  }
0x4d2: {  	v1 =	vld.idx.msk [tilespmem:v1+s25+$0x0], $0xffff  }
0x4d3: {  	s0 =	simm.s32 $0x10  }
0x4d4: {  	v3 =	vld [tilespmem:s0+$0x1AE00]  }
0x4d5: {  	v5 =	vld [tilespmem:s0+$0x19C80];
	_ =	sdelay $0x1  }
0x4d6: {  	v6 =	vsub.f32 v1, v2;
	_ =	sdelay $0x1  }
0x4d7: {  	v4 =	vshrl.u32 v3, $0x4;
	v6 =	vmul.f32 v6, v9  }
0x4d8: {  	s17 =	simm.s32 $0x80;
	v5 =	vmin.f32 v5, $5.999999520e+00;
	v1 =	vld [tilespmem:s0+$0x1A000];
	v3 =	vshll.u32 v3, $0x1  }
.LBB2_24:
0x4d9: {  	p0 =	sne.s32 s17, $0xC40;
	v2 =	vadd.f32 v6, v2;
	s6 =	smov.u32 s17;
	s17 =	sadd.s32 $0x40, s17  }
0x4da: {  	_ = 	snop  }
0x4db: {  	[tilespmem:s16+$0x1BC00] =	vst v2;
	s16 =	smov.u32 s0  }
0x4dc: {  	v2 =	vld.idx.msk [tilespmem:v4+s26+$0x0], $0xffff  }
0x4dd: {  	v4 =	vmul.f32 $1.365166630e+03, v5;
	_ =	sdelay $0x1  }
0x4de: {  	v5 =	vtrunc.f32 v4  }
0x4df: {  	v5 =	vcvt.f32.s32 v5  }
0x4e0: {  	v3 =	vand.u32 $0x1E, v3  }
0x4e1: {  	v6 =	vadd.s32 $0x1, v5;
	v2 =	vshrl.u32 v2, v3;
	v3 =	vshrl.u32 v1, $0x4  }
0x4e2: {  	v7 =	vcvt.s32.f32 v5;
	vm0 =	vlt.s32 v6, $0x1FFF;
	v2 =	vand.u32 $0x3, v2  }
0x4e3: {  	v6 =	vnsel vm0, $0x1FFF, v6;
	v8 =	vshll.u32 v2, $0xD  }
0x4e4: {  	v9 =	vadd.s32 v5, v8;
	v8 =	vadd.s32 v6, v8;
	_ =	sdelay $0x1  }
0x4e5: {  	v3 =	vld.idx.msk [tilespmem:v3+s26+$0x0], $0xffff;
	_ =	sdelay $0x2  }
0x4e6: {  	v9 =	vld.idx.msk [tilespmem:v9+s5+$0x0], $0xffff  }
0x4e7: {  	v1 =	vshll.u32 v1, $0x1;
	v8 =	vld.idx.msk [tilespmem:v8+s5+$0x0], $0xffff  }
0x4e8: {  	v1 =	vand.u32 $0x1E, v1  }
0x4e9: {  	v1 =	vshrl.u32 v3, v1  }
0x4ea: {  	v1 =	vand.u32 $0x3, v1  }
0x4eb: {  	v1 =	vmul.u32 $0x3, v1  }
0x4ec: {  	v7 =	vsub.f32 v4, v7  }
0x4ed: {  	v3 =	vsub.f32 v8, v9;
	v1 =	vadd.s32 v2, v1  }
0x4ee: {  	v1 =	vshll.u32 v1, $0xD  }
0x4ef: {  	v2 =	vmul.f32 v3, v7;
	v3 =	vadd.s32 v5, v1;
	v1 =	vadd.s32 v6, v1;
	_ =	sdelay $0x1  }
0x4f0: {  	v2 =	vadd.f32 v2, v9;
	_ =	sdelay $0x1  }
0x4f1: {  	[tilespmem:s16+$0x1B500] =	vst v2  }
0x4f2: {  	v2 =	vld.idx.msk [tilespmem:v3+s25+$0x0], $0xffff  }
0x4f3: {  	v3 =	vld.idx.msk [tilespmem:v1+s25+$0x0], $0xffff;
	_ =	sdelay $0x1  }
0x4f4: {  	s0 =	sshra.s32 s6, $0x2  }
0x4f5: {  	v5 =	vld [tilespmem:s0+$0x1AE00]  }
0x4f6: {  	v8 =	vld [tilespmem:s0+$0x19C80]  }
.Ltmp11:
0x4f7: {  	v1 =	vld [tilespmem:s0+$0x1A000];
	(pc) =	sbr.rel @p0 .LBB2_24-.Ltmp11, $3  }
0x4f8: {  	v6 =	vsub.f32 v3, v2;
	_ =	sdelay $0x1  }
0x4f9: {  	v6 =	vmul.f32 v6, v7;
	v4 =	vshrl.u32 v5, $0x4;
	v3 =	vshll.u32 v5, $0x1  }
0x4fa: {  	v5 =	vmin.f32 v8, $5.999999520e+00  }
0x4fb: {  	_ = 	snop  }
0x4fc: {  	v2 =	vadd.f32 v6, v2;
	_ =	sdelay $0x1  }
0x4fd: {  	[tilespmem:s16+$0x1BC00] =	vst v2  }
0x4fe: {  	v2 =	vld.idx.msk [tilespmem:v4+s26+$0x0], $0xffff  }
0x4ff: {  	v4 =	vmul.f32 $1.365166630e+03, v5;
	_ =	sdelay $0x1  }
0x500: {  	v5 =	vtrunc.f32 v4  }
0x501: {  	v3 =	vand.u32 $0x1E, v3;
	v5 =	vcvt.f32.s32 v5  }
0x502: {  	v2 =	vshrl.u32 v2, v3;
	v3 =	vshrl.u32 v1, $0x4  }
0x503: {  	v6 =	vadd.s32 $0x1, v5;
	v2 =	vand.u32 $0x3, v2  }
0x504: {  	vm0 =	vlt.s32 v6, $0x1FFF;
	v7 =	vshll.u32 v2, $0xD  }
0x505: {  	v6 =	vnsel vm0, $0x1FFF, v6;
	v8 =	vadd.s32 v5, v7  }
0x506: {  	v7 =	vadd.s32 v6, v7  }
0x507: {  	v3 =	vld.idx.msk [tilespmem:v3+s26+$0x0], $0xffff;
	_ =	sdelay $0x2  }
0x508: {  	v1 =	vshll.u32 v1, $0x1;
	v8 =	vld.idx.msk [tilespmem:v8+s5+$0x0], $0xffff  }
0x509: {  	v1 =	vand.u32 $0x1E, v1;
	v7 =	vld.idx.msk [tilespmem:v7+s5+$0x0], $0xffff  }
0x50a: {  	v1 =	vshrl.u32 v3, v1  }
0x50b: {  	v1 =	vand.u32 $0x3, v1  }
0x50c: {  	v3 =	vcvt.s32.f32 v5;
	v1 =	vmul.u32 $0x3, v1;
	_ =	sdelay $0x1  }
0x50d: {  	v3 =	vsub.f32 v4, v3;
	v4 =	vsub.f32 v7, v8;
	v1 =	vadd.s32 v2, v1  }
0x50e: {  	v1 =	vshll.u32 v1, $0xD  }
0x50f: {  	v2 =	vmul.f32 v4, v3;
	v4 =	vadd.s32 v5, v1  }
0x510: {  	v1 =	vadd.s32 v6, v1  }
0x511: {  	v2 =	vadd.f32 v2, v8;
	_ =	sdelay $0x1  }
0x512: {  	[tilespmem:s0+$0x1B500] =	vst v2  }
0x513: {  	v2 =	vld.idx.msk [tilespmem:v4+s25+$0x0], $0xffff  }
0x514: {  	v1 =	vld.idx.msk [tilespmem:v1+s25+$0x0], $0xffff;
	_ =	sdelay $0x4  }
0x515: {  	v1 =	vsub.f32 v1, v2;
	_ =	sdelay $0x1  }
0x516: {  	v1 =	vmul.f32 v1, v3;
	_ =	sdelay $0x1  }
0x517: {  	v1 =	vadd.f32 v1, v2;
	_ =	sdelay $0x1  }
0x518: {  	[tilespmem:s0+$0x1BC00] =	vst v1  }
0x519: {  	[spmem:s3] =	stream.indirect.scatter.add.f32 [tilespmem:s13], [sflag:$0x7], $0x1, s31, s11, $0xb8;
	[tilespmem:$0x1F800] =	vst v63  }
0x51a: {  	_ = 	snop  }
0x51b: {  	[spmem:s4] =	stream.indirect.scatter.add.f32 [tilespmem:s28], [sflag:$0x7], $0x1, s31, s11, $0xb8;
	[tilespmem:$0x1F800] =	vst v63  }
0x51c: {  	_ =	swait.ge [sflag:s24], $0x320  }
0x51d: {  	[sflag:s24] =	ssyncset.done $0x0  }
0x51e: {  	[sflag:s24] =	ssyncadd.s32 $0xFFFFFCE0  }
0x51f: {  	_ =	swait.ge [sflag:s24], $0x320  }
0x520: {  	[sflag:s24] =	ssyncset.done $0x0  }
0x521: {  	[sflag:s24] =	ssyncadd.s32 $0xFFFFFCE0  }
0x522: {  	_ =	swait.ge [sflag:s9], $0x320  }
0x523: {  	[sflag:s9] =	ssyncset.done $0x0  }
0x524: {  	[sflag:s9] =	ssyncadd.s32 $0xFFFFFCE0  }
0x525: {  	_ =	swait.ge [sflag:s9], $0x320  }
0x526: {  	[sflag:s9] =	ssyncset.done $0x0  }
0x527: {  	[sflag:s9] =	ssyncadd.s32 $0xFFFFFCE0  }
0x528: {  	_ =	swait.ge [sflag:s12], $0x320  }
0x529: {  	[sflag:s12] =	ssyncset.done $0x0  }
0x52a: {  	s16 =	simm.s32 $0x0;
	[sflag:s12] =	ssyncadd.s32 $0xFFFFFCE0  }
0x52b: {  	v1 =	vld [tilespmem:s16+$0x1AA80];
	_ =	sdelay $0x4  }
0x52c: {  	v2 =	vld [tilespmem:s16+$0x19900];
	v3 =	vshrl.u32 v1, $0x4;
	_ =	sdelay $0x3  }
0x52d: {  	v4 =	vld [tilespmem:s16+$0x1A380]  }
0x52e: {  	v2 =	vmin.f32 v2, $5.999999520e+00;
	v3 =	vld.idx.msk [tilespmem:v3+s26+$0x0], $0xffff  }
0x52f: {  	v2 =	vmul.f32 $1.365166630e+03, v2;
	_ =	sdelay $0x1  }
0x530: {  	v1 =	vshll.u32 v1, $0x1;
	v5 =	vtrunc.f32 v2  }
0x531: {  	v1 =	vand.u32 $0x1E, v1;
	v5 =	vcvt.f32.s32 v5  }
0x532: {  	v1 =	vshrl.u32 v3, v1;
	v3 =	vshrl.u32 v4, $0x4  }
0x533: {  	v6 =	vadd.s32 $0x1, v5;
	v1 =	vand.u32 $0x3, v1  }
0x534: {  	vm15 =	vlt.s32 v6, $0x1FFF;
	v7 =	vshll.u32 v1, $0xD  }
0x535: {  	v6 =	vnsel vm15, $0x1FFF, v6;
	v8 =	vadd.s32 v5, v7  }
0x536: {  	v7 =	vadd.s32 v6, v7  }
0x537: {  	v3 =	vld.idx.msk [tilespmem:v3+s26+$0x0], $0xffff;
	_ =	sdelay $0x2  }
0x538: {  	v4 =	vshll.u32 v4, $0x1;
	v8 =	vld.idx.msk [tilespmem:v8+s5+$0x0], $0xffff  }
0x539: {  	v4 =	vand.u32 $0x1E, v4;
	v7 =	vld.idx.msk [tilespmem:v7+s5+$0x0], $0xffff  }
0x53a: {  	v3 =	vshrl.u32 v3, v4  }
0x53b: {  	v3 =	vand.u32 $0x3, v3  }
0x53c: {  	v4 =	vcvt.s32.f32 v5;
	v3 =	vmul.u32 $0x3, v3;
	_ =	sdelay $0x1  }
0x53d: {  	v9 =	vsub.f32 v2, v4;
	v2 =	vsub.f32 v7, v8;
	v1 =	vadd.s32 v1, v3  }
0x53e: {  	v1 =	vshll.u32 v1, $0xD  }
0x53f: {  	v2 =	vmul.f32 v2, v9;
	v3 =	vadd.s32 v5, v1  }
0x540: {  	v1 =	vadd.s32 v6, v1  }
0x541: {  	v2 =	vadd.f32 v2, v8;
	_ =	sdelay $0x1  }
0x542: {  	[tilespmem:s16+$0x1B180] =	vst v2  }
0x543: {  	v2 =	vld.idx.msk [tilespmem:v3+s25+$0x0], $0xffff  }
0x544: {  	v1 =	vld.idx.msk [tilespmem:v1+s25+$0x0], $0xffff  }
0x545: {  	s0 =	simm.s32 $0x10  }
0x546: {  	v3 =	vld [tilespmem:s0+$0x1AA80]  }
0x547: {  	v5 =	vld [tilespmem:s0+$0x19900];
	_ =	sdelay $0x1  }
0x548: {  	v6 =	vsub.f32 v1, v2;
	_ =	sdelay $0x1  }
0x549: {  	v4 =	vshrl.u32 v3, $0x4;
	v6 =	vmul.f32 v6, v9  }
0x54a: {  	s17 =	simm.s32 $0x80;
	v5 =	vmin.f32 v5, $5.999999520e+00;
	v1 =	vld [tilespmem:s0+$0x1A380];
	v3 =	vshll.u32 v3, $0x1  }
.LBB2_26:
0x54b: {  	p0 =	sne.s32 s17, $0xC40;
	v2 =	vadd.f32 v6, v2;
	s6 =	smov.u32 s17;
	s17 =	sadd.s32 $0x40, s17  }
0x54c: {  	_ = 	snop  }
0x54d: {  	[tilespmem:s16+$0x1B880] =	vst v2;
	s16 =	smov.u32 s0  }
0x54e: {  	v2 =	vld.idx.msk [tilespmem:v4+s26+$0x0], $0xffff  }
0x54f: {  	v4 =	vmul.f32 $1.365166630e+03, v5;
	_ =	sdelay $0x1  }
0x550: {  	v5 =	vtrunc.f32 v4  }
0x551: {  	v5 =	vcvt.f32.s32 v5  }
0x552: {  	v3 =	vand.u32 $0x1E, v3  }
0x553: {  	v6 =	vadd.s32 $0x1, v5;
	v2 =	vshrl.u32 v2, v3;
	v3 =	vshrl.u32 v1, $0x4  }
0x554: {  	v7 =	vcvt.s32.f32 v5;
	vm0 =	vlt.s32 v6, $0x1FFF;
	v2 =	vand.u32 $0x3, v2  }
0x555: {  	v6 =	vnsel vm0, $0x1FFF, v6;
	v8 =	vshll.u32 v2, $0xD  }
0x556: {  	v9 =	vadd.s32 v5, v8;
	v8 =	vadd.s32 v6, v8;
	_ =	sdelay $0x1  }
0x557: {  	v3 =	vld.idx.msk [tilespmem:v3+s26+$0x0], $0xffff;
	_ =	sdelay $0x2  }
0x558: {  	v9 =	vld.idx.msk [tilespmem:v9+s5+$0x0], $0xffff  }
0x559: {  	v1 =	vshll.u32 v1, $0x1;
	v8 =	vld.idx.msk [tilespmem:v8+s5+$0x0], $0xffff  }
0x55a: {  	v1 =	vand.u32 $0x1E, v1  }
0x55b: {  	v1 =	vshrl.u32 v3, v1  }
0x55c: {  	v1 =	vand.u32 $0x3, v1  }
0x55d: {  	v1 =	vmul.u32 $0x3, v1  }
0x55e: {  	v7 =	vsub.f32 v4, v7  }
0x55f: {  	v3 =	vsub.f32 v8, v9;
	v1 =	vadd.s32 v2, v1  }
0x560: {  	v1 =	vshll.u32 v1, $0xD  }
0x561: {  	v2 =	vmul.f32 v3, v7;
	v3 =	vadd.s32 v5, v1;
	v1 =	vadd.s32 v6, v1;
	_ =	sdelay $0x1  }
0x562: {  	v2 =	vadd.f32 v2, v9;
	_ =	sdelay $0x1  }
0x563: {  	[tilespmem:s16+$0x1B180] =	vst v2  }
0x564: {  	v2 =	vld.idx.msk [tilespmem:v3+s25+$0x0], $0xffff  }
0x565: {  	v3 =	vld.idx.msk [tilespmem:v1+s25+$0x0], $0xffff;
	_ =	sdelay $0x1  }
0x566: {  	s0 =	sshra.s32 s6, $0x2  }
0x567: {  	v5 =	vld [tilespmem:s0+$0x1AA80]  }
0x568: {  	v8 =	vld [tilespmem:s0+$0x19900]  }
.Ltmp12:
0x569: {  	v1 =	vld [tilespmem:s0+$0x1A380];
	(pc) =	sbr.rel @p0 .LBB2_26-.Ltmp12, $3  }
0x56a: {  	v6 =	vsub.f32 v3, v2;
	_ =	sdelay $0x1  }
0x56b: {  	v6 =	vmul.f32 v6, v7;
	v4 =	vshrl.u32 v5, $0x4;
	v3 =	vshll.u32 v5, $0x1  }
0x56c: {  	v5 =	vmin.f32 v8, $5.999999520e+00  }
0x56d: {  	_ = 	snop  }
0x56e: {  	v2 =	vadd.f32 v6, v2;
	_ =	sdelay $0x1  }
0x56f: {  	[tilespmem:s16+$0x1B880] =	vst v2  }
0x570: {  	v2 =	vld.idx.msk [tilespmem:v4+s26+$0x0], $0xffff  }
0x571: {  	v60 =	vmul.f32 $1.365166630e+03, v5;
	_ =	sdelay $0x1  }
0x572: {  	v5 =	vtrunc.f32 v60  }
0x573: {  	v3 =	vand.u32 $0x1E, v3;
	v5 =	vcvt.f32.s32 v5  }
0x574: {  	v2 =	vshrl.u32 v2, v3;
	v3 =	vshrl.u32 v1, $0x4  }
0x575: {  	v61 =	vadd.s32 $0x1, v5;
	v2 =	vand.u32 $0x3, v2  }
0x576: {  	vm0 =	vlt.s32 v61, $0x1FFF;
	v7 =	vshll.u32 v2, $0xD  }
0x577: {  	v6 =	vnsel vm0, $0x1FFF, v61;
	v8 =	vadd.s32 v5, v7  }
0x578: {  	v7 =	vadd.s32 v6, v7  }
0x579: {  	v3 =	vld.idx.msk [tilespmem:v3+s26+$0x0], $0xffff;
	_ =	sdelay $0x2  }
0x57a: {  	v1 =	vshll.u32 v1, $0x1;
	v8 =	vld.idx.msk [tilespmem:v8+s5+$0x0], $0xffff  }
0x57b: {  	v1 =	vand.u32 $0x1E, v1;
	v7 =	vld.idx.msk [tilespmem:v7+s5+$0x0], $0xffff  }
0x57c: {  	v1 =	vshrl.u32 v3, v1  }
0x57d: {  	v1 =	vand.u32 $0x3, v1  }
0x57e: {  	v3 =	vcvt.s32.f32 v5;
	v1 =	vmul.u32 $0x3, v1;
	_ =	sdelay $0x1  }
0x57f: {  	v3 =	vsub.f32 v60, v3;
	v62 =	vsub.f32 v7, v8;
	v1 =	vadd.s32 v2, v1  }
0x580: {  	v1 =	vshll.u32 v1, $0xD  }
0x581: {  	v2 =	vmul.f32 v62, v3;
	v63 =	vadd.s32 v5, v1  }
0x582: {  	v1 =	vadd.s32 v6, v1  }
0x583: {  	v2 =	vadd.f32 v2, v8;
	_ =	sdelay $0x1  }
0x584: {  	[tilespmem:s0+$0x1B180] =	vst v2  }
0x585: {  	v2 =	vld.idx.msk [tilespmem:v63+s25+$0x0], $0xffff  }
0x586: {  	v1 =	vld.idx.msk [tilespmem:v1+s25+$0x0], $0xffff;
	_ =	sdelay $0x4  }
0x587: {  	v1 =	vsub.f32 v1, v2;
	_ =	sdelay $0x1  }
0x588: {  	v1 =	vmul.f32 v1, v3;
	_ =	sdelay $0x1  }
0x589: {  	v1 =	vadd.f32 v1, v2;
	_ =	sdelay $0x1  }
0x58a: {  	[tilespmem:s0+$0x1B880] =	vst v1  }
0x58b: {  	[spmem:s3] =	stream.indirect.scatter.add.f32 [tilespmem:s20], [sflag:$0x6], $0x1, s8, s11, $0xb8;
	[tilespmem:$0x1F800] =	vst v63  }
0x58c: {  	_ = 	snop  }
0x58d: {  	[spmem:s4] =	stream.indirect.scatter.add.f32 [tilespmem:s21], [sflag:$0x6], $0x1, s8, s11, $0xb8;
	[tilespmem:$0x1F800] =	vst v63  }
0x58e: {  	_ =	swait.ge [sflag:s15], $0x320  }
0x58f: {  	[sflag:s15] =	ssyncset.done $0x0  }
0x590: {  	[sflag:s15] =	ssyncadd.s32 $0xFFFFFCE0  }
0x591: {  	_ =	swait.ge [sflag:s15], $0x320  }
0x592: {  	[sflag:s15] =	ssyncset.done $0x0  }
0x593: {  	[sflag:s15] =	ssyncadd.s32 $0xFFFFFCE0  }
0x594: {  	_ =	swait.ge [sflag:s24], $0x320  }
0x595: {  	[sflag:s24] =	ssyncset.done $0x0  }
0x596: {  	[sflag:s24] =	ssyncadd.s32 $0xFFFFFCE0  }
0x597: {  	_ =	swait.ge [sflag:s24], $0x320  }
0x598: {  	[sflag:s24] =	ssyncset.done $0x0  }
0x599: {  	[sflag:s24] =	ssyncadd.s32 $0xFFFFFCE0  }
0x59a: {  	[bflag:$0x0] =	sbarrier.arrive $0xFFFF  }
0x59b: {  	s17 =	sld [smem:$0x7FD]  }
0x59c: {  	s13 =	stileid.u32  }
0x59d: {  	s18 =	simm.s32 $0x20;
	s0 =	sshll.u32 s13, $0x6;
	s13 =	simm.s32 $0x10  }
0x59e: {  	s0 =	sor.u32 $0x1C08, s0;
	s16 =	rddreg [dreg:$0x1e];
	s6 =	sshrl.u32 s17, $0x3  }
0x59f: {  	[hbm:s16@s18], [sflag:s0] =	dma.strided [spmem:s6@s13], $0x320, s9, $0x10   }
0x5a0: {  	_ =	swait.ge [sflag:s19], $0x320  }
0x5a1: {  	s16 =	sld [smem:$0x7F8];
	_ =	sdelay $0x1  }
0x5a2: {  	[sflag:s19] =	ssyncset.done $0x0  }
0x5a3: {  	[sflag:s19] =	ssyncadd.s32 $0xFFFFFCE0;
	s6 =	sshrl.u32 s16, $0x3;
	s16 =	rddreg [dreg:$0x1f]  }
0x5a4: {  	[hbm:s16@s18], [sflag:s0] =	dma.strided [spmem:s6@s13], $0x320, s9, $0x10   }
0x5a5: {  	_ =	swait.ge [sflag:s19], $0x320  }
0x5a6: {  	s16 =	sld [smem:$0x7F4]  }
0x5a7: {  	s18 =	sld [smem:$0x7F5];
	_ =	sdelay $0x1  }
0x5a8: {  	s6 =	sadd.s32 $0x1, s16  }
0x5a9: {  	p0 =	sne.s32 s6, s18  }
.Ltmp13:
0x5aa: {  	_ = 	snop;
	(pc) =	sbr.rel @p0 .LBB2_1-.Ltmp13, $3  }
0x5ab: {  	_ =	sdelay $0x1  }
0x5ac: {  	[sflag:s19] =	ssyncset.done $0x0  }
0x5ad: {  	s13 =	simm.s32 $0x1B500;
	[sflag:s19] =	ssyncadd.s32 $0xFFFFFCE0  }
0x5ae: {  	_ =	sfence.sel $0x180000  }
0x5af: {  	[bflag:$0x0] =	sbarrier.arrive $0xFFFF  }
0x5b0: {  	_ =	strace $0x90000047  }
0x5b1: {  	s0 =	stileid.u32;
	[bflag:$0x2] =	sbarrier.arrive $0xFFFF  }
0x5b2: {  	p0 =	sne.s32 s0, $0x0;
	s0 =	rddreg [dreg:$0x5]  }
0x5b3: {  	s0 =	sadd.s32 @!p0 $0x100000, s0  }
0x5b4: {  	[sflag:s0] =	ssyncadd.tile.s32 @!p0 $0x1;
	_ =	shalt  }
.Lfunc_end2:
_tile_overlayer_lowered:
.L_overlay_start_2:
0x5b5: {  	(tag) =	ssettag $0x2  }
0x5b6: {  	s0 =	rddreg [dreg:$0x0];
	s2 =	stileid.u32  }
0x5b7: {  	s1 =	rddreg [dreg:$0x1];
	p0 =	sne.s32 s2, $0x0  }
0x5b8: {  	s3 =	rddreg [dreg:$0x2];
	[bflag:$0x3] =	sbarrier.arrive $0xFFFF;
	s2 =	simm.s32 @!p0 $0x1C08  }
0x5b9: {  	[timem:s3], [sflag:s2] =	dma.local @!p0 [hbm:s0], s1  }
0x5ba: {  	s0 =	simm.s32 @!p0 $0x8  }
0x5bb: {  	_ =	swait.ge @!p0 [sflag:s0], s1  }
0x5bc: {  	s1 =	ssub.s32 @!p0 $0x0, s1;
	[sflag:s0] =	ssyncset.done @!p0 $0x0  }
0x5bd: {  	[sflag:s0] =	ssyncadd.s32 @!p0 s1  }
0x5be: {  	[bflag:$0x3] =	sbarrier.arrive $0xFFFF  }
0x5bf: {  	_ =	shalt  }

// kernel: kernel.8.cloned.1.call-start
scs
__scs_entry_jumppad:
0x0: {  	(pc) =	sbr.rel $0x88, $3  }
0x1: {  	(tag) =	ssettag $0x0;
	lr =	simm.s32 $0x1  }
0x2: {  	[smem:$0x3F96] =	sst lr;
	_ =	strace $0xD0000000  }
0x3: {  	_ = 	snop  }
0x4: {  	_ = 	snop  }
0x5: {  	_ = 	snop  }
0x6: {  	_ = 	snop  }
0x7: {  	_ = 	snop  }
__scs_overlays_trampoline_lowered:
0x8: {  	[smem:$0x3FA5] =	sst s0  }
0x9: {  	[smem:$0x3FA6] =	sst s1  }
0xa: {  	[smem:$0x3FA7] =	sst s2  }
0xb: {  	[smem:$0x3FA8] =	sst s3  }
0xc: {  	[smem:$0x3FA9] =	sst s4  }
0xd: {  	[smem:$0x3FAA] =	sst s5  }
0xe: {  	[smem:$0x3FAB] =	sst s6  }
0xf: {  	[smem:$0x3FAC] =	sst s7  }
0x10: {  	[smem:$0x3FAD] =	sst s8  }
0x11: {  	[smem:$0x3FAE] =	sst s9;
	s0 =	simm.s32 @!p0 $0x0  }
0x12: {  	s1 =	sld [smem:$0x3F94];
	s0 =	simm.s32 @p0 $0x1  }
0x13: {  	[smem:$0x3FAF] =	sst s0;
	s0 =	simm.s32 @!p1 $0x0  }
0x14: {  	s2 =	sld [smem:$0x3F93];
	s0 =	simm.s32 @p1 $0x1  }
0x15: {  	[smem:$0x3FB0] =	sst s0;
	s0 =	simm.s32 @!p2 $0x0  }
0x16: {  	s3 =	sld [smem:$0x3FDB];
	s0 =	simm.s32 @p2 $0x1  }
0x17: {  	s4 =	simm.s32 $0x1BF5;
	[smem:$0x3FB2] =	sst s0  }
0x18: {  	s0 =	sld [smem:$0x3F95];
	_ =	swait.ge [sflag:s4], $0x0  }
0x19: {  	s7 =	sld [smem:$0x3F96]  }
0x1a: {  	s8 =	sadd.s32 $0xFFFFE003, lr  }
0x1b: {  	s9 =	sadd.s32 $0xFFFFFEF7, lr;
	s5 =	simm.s32 $0xFFFFFFFF;
	p2 =	slt.u32 s8, $0xFFFFF086  }
0x1c: {  	p1 =	slt.u32 s9, $0xF7A;
	s5 =	simm.s32 @!p2 $0x0  }
0x1d: {  	s5 =	simm.s32 @p1 $0x1;
	p0 =	seq.s32 s7, s2  }
0x1e: {  	s7 =	smul.u32 @!p0 $0xF7A, s2;
	p2 =	seq.s32 @!p0 s5, $0x0  }
0x1f: {  	s9 =	smul.u32 $0xF7A, s1;
	s8 =	simm.s32 @!p0 $0x1BF5;
	p2 =	por !p2, p0  }
0x20: {  	[sflag:s8] =	ssyncset.s32 @!p0 $0xFFFFF086;
	s6 =	sadd.s32 @!p0 s3, s7;
	s7 =	simm.s32 @!p0 $0x108  }
0x21: {  	s3 =	sadd.s32 s3, s9;
	s6 =	sadd.s32 @!p0 $0x88, s6;
	s7 =	simm.s32 @p2 $0x1082  }
0x22: {  	[simem:s7], [sflag:s8] =	dma.local @!p0 [hbm:s6], $0xF7A  }
0x23: {  	s9 =	sor.u32 $0xD0000000, s2;
	s6 =	simm.s32 $0x108;
	_ =	swait.ge @!p0 [sflag:s8], $0x0  }
0x24: {  	s3 =	sadd.s32 $0x88, s3;
	s6 =	simm.s32 @!p1 $0x1082;
	[sflag:s4] =	ssyncset.s32 $0xFFFFF086  }
0x25: {  	[simem:s6], [sflag:s4] =	dma.local [hbm:s3], $0xF7A  }
0x26: {  	[smem:$0x3F96] =	sst s1;
	(tag) =	ssettag s2;
	_ =	strace s9  }
0x27: {  	s1 =	sld [smem:$0x3FA6]  }
0x28: {  	s2 =	sld [smem:$0x3FA7]  }
0x29: {  	s4 =	sld [smem:$0x3FA9]  }
0x2a: {  	p0 =	seq.s32 s5, $0x0;
	s5 =	sld [smem:$0x3FAA]  }
0x2b: {  	s6 =	sld [smem:$0x3FAB]  }
0x2c: {  	s7 =	sld [smem:$0x3FAC]  }
0x2d: {  	s3 =	simm.s32 $0x108;
	s8 =	sld [smem:$0x3FAD]  }
0x2e: {  	s3 =	simm.s32 @!p0 $0x1082;
	s9 =	sld [smem:$0x3FAE]  }
0x2f: {  	lr =	sadd.s32 s0, s3;
	s0 =	sld [smem:$0x3FA5]  }
0x30: {  	s3 =	sld [smem:$0x3FA8]  }
0x31: {  	[smem:$0x3FB1] =	sst s10  }
0x32: {  	s10 =	sld [smem:$0x3FAF];
	_ =	sdelay $0x3  }
0x33: {  	p0 =	seq.s32 s10, $0x1;
	s10 =	sld [smem:$0x3FB1];
	_ =	sdelay $0x3  }
0x34: {  	[smem:$0x3FB1] =	sst s10  }
0x35: {  	s10 =	sld [smem:$0x3FB0];
	_ =	sdelay $0x3  }
0x36: {  	p1 =	seq.s32 s10, $0x1;
	s10 =	sld [smem:$0x3FB1];
	_ =	sdelay $0x3  }
0x37: {  	[smem:$0x3FB1] =	sst s10  }
0x38: {  	s10 =	sld [smem:$0x3FB2]  }
0x39: {  	_ = 	snop;
	(pc) =	sbr.ind lr, $3  }
0x3a: {  	_ = 	snop  }
0x3b: {  	_ = 	snop  }
0x3c: {  	p2 =	seq.s32 s10, $0x1;
	s10 =	sld [smem:$0x3FB1]  }
0x3d: {  	_ =	shalt  }
0x3e: {  	_ =	shalt  }
0x3f: {  	_ =	shalt  }
0x40: {  	_ =	shalt  }
0x41: {  	_ =	shalt  }
0x42: {  	_ =	shalt  }
0x43: {  	_ =	shalt  }
0x44: {  	_ =	shalt  }
0x45: {  	_ =	shalt  }
0x46: {  	_ =	shalt  }
0x47: {  	_ =	shalt  }
0x48: {  	_ =	shalt  }
0x49: {  	_ =	shalt  }
0x4a: {  	_ =	shalt  }
0x4b: {  	_ =	shalt  }
0x4c: {  	_ =	shalt  }
0x4d: {  	_ =	shalt  }
0x4e: {  	_ =	shalt  }
0x4f: {  	_ =	shalt  }
0x50: {  	_ =	shalt  }
0x51: {  	_ =	shalt  }
0x52: {  	_ =	shalt  }
0x53: {  	_ =	shalt  }
0x54: {  	_ =	shalt  }
0x55: {  	_ =	shalt  }
0x56: {  	_ =	shalt  }
0x57: {  	_ =	shalt  }
0x58: {  	_ =	shalt  }
0x59: {  	_ =	shalt  }
0x5a: {  	_ =	shalt  }
0x5b: {  	_ =	shalt  }
0x5c: {  	_ =	shalt  }
0x5d: {  	_ =	shalt  }
0x5e: {  	_ =	shalt  }
0x5f: {  	_ =	shalt  }
0x60: {  	_ =	shalt  }
0x61: {  	_ =	shalt  }
0x62: {  	_ =	shalt  }
0x63: {  	_ =	shalt  }
0x64: {  	_ =	shalt  }
0x65: {  	_ =	shalt  }
0x66: {  	_ =	shalt  }
0x67: {  	_ =	shalt  }
0x68: {  	_ =	shalt  }
0x69: {  	_ =	shalt  }
0x6a: {  	_ =	shalt  }
0x6b: {  	_ =	shalt  }
0x6c: {  	_ =	shalt  }
0x6d: {  	_ =	shalt  }
0x6e: {  	_ =	shalt  }
0x6f: {  	_ =	shalt  }
0x70: {  	_ =	shalt  }
0x71: {  	_ =	shalt  }
0x72: {  	_ =	shalt  }
0x73: {  	_ =	shalt  }
0x74: {  	_ =	shalt  }
0x75: {  	_ =	shalt  }
0x76: {  	_ =	shalt  }
0x77: {  	_ =	shalt  }
0x78: {  	_ =	shalt  }
0x79: {  	_ =	shalt  }
0x7a: {  	_ =	shalt  }
0x7b: {  	_ =	shalt  }
0x7c: {  	_ =	shalt  }
0x7d: {  	_ =	shalt  }
0x7e: {  	_ =	shalt  }
0x7f: {  	_ =	shalt  }
0x80: {  	_ =	shalt  }
0x81: {  	_ =	shalt  }
0x82: {  	_ =	shalt  }
0x83: {  	_ =	shalt  }
0x84: {  	_ =	shalt  }
0x85: {  	_ =	shalt  }
0x86: {  	_ =	shalt  }
0x87: {  	_ =	shalt  }
.Lfunc_end0:
.L_simem_size_0:
called_computation.1_lowered:
.L_overlay_start_0:
0x88: {  	s2 =	sld [smem:$0x3FD9]  }
0x89: {  	s3 =	sld [smem:$0x3FFE];
	_ =	sdelay $0x1  }
0x8a: {  	s1 =	srdreg.scid  }
0x8b: {  	s0 =	sand.u32 $0x1, s1  }
0x8c: {  	s16 =	sshll.u32 s0, $0xA;
	s2 =	sadd.s32 s3, s2  }
0x8d: {  	s2 =	sadd.s32 s2, s16  }
0x8e: {  	[smem:$0x3FBD] =	sst s2  }
0x8f: {  	_ = 	snop  }
0x90: {  	(tm) =	ssettm $0x1  }
0x91: {  	s17 =	sld [smem:$0x3FFB];
	_ =	sdelay $0x3  }
0x92: {  	_ =	strace s17  }
0x93: {  	s2 =	sld [smem:$0x3FFC];
	_ =	sdelay $0x3  }
0x94: {  	_ =	strace s2  }
0x95: {  	s2 =	sld [smem:$0x3FFD];
	_ =	sdelay $0x3  }
0x96: {  	_ =	strace s2  }
0x97: {  	_ =	strace $0x8FFFFFFF  }
0x98: {  	s18 =	sld [smem:$0x3FDB];
	_ =	sdelay $0x1  }
0x99: {  	s19 =	simm.s32 $_scs_section_size  }
0x9a: {  	s4 =	simm.s32 $_size__tile_overlayer_lowered;
	s5 =	simm.s32 $_tile_overlayer_lowered  }
0x9b: {  	s22 =	simm.s32 $0x1BFF;
	s21 =	sshll.u32 s5, $0x1;
	s2 =	sadd.s32 s19, s18  }
0x9c: {  	s6 =	simm.s32 $0x0;
	s20 =	sshll.u32 s4, $0x1;
	s4 =	sadd.s32 s21, s2  }
0x9d: {  	[timem:s6], [sflag:s22] =	dma.local [hbm:s4], s20  }
0x9e: {  	_ =	swait.ge [sflag:s22], s20  }
0x9f: {  	s3 =	ssub.s32 $0x0, s20;
	[sflag:s22] =	ssyncset.done $0x0  }
0xa0: {  	[sflag:s22] =	ssyncadd.s32 s3;
	_ =	sdelay $0x1  }
0xa1: {  	s23 =	simm.s32 $0x1B8B  }
0xa2: {  	_ =	swait.ge [sflag:s23], $0x1  }
0xa3: {  	[sflag:s23] =	ssyncset.done $0x0  }
0xa4: {  	s25 =	simm.s32 $0x1B8E;
	s24 =	sld [smem:$0x3FFE];
	[sflag:s23] =	ssyncadd.s32 $0xFFFFFFFF  }
0xa5: {  	s26 =	simm.s32 $execute0_lowered;
	[smem:$0x3FD2] =	sst s25  }
0xa6: {  	s4 =	sshll.u32 s26, $0x1;
	_ =	strace $0x80000049;
	[dreg:$0x1] =	wrdreg $0xFFFFFFFF  }
0xa7: {  	s28 =	simm.s32 $_size_execute0_lowered;
	s2 =	sadd.s32 s2, s4;
	[dreg:$0x0] =	wrdreg $0x0  }
0xa8: {  	s4 =	sshll.u32 s28, $0x1;
	[dreg:$0x2] =	wrdreg s2  }
0xa9: {  	[dreg:$0x3] =	wrdreg s4  }
0xaa: {  	[dreg:$0x4] =	wrdreg $0xC0  }
0xab: {  	_ =	task [dreg:s6], $0x5FFFF  }
0xac: {  	[dreg:$0x1] =	wrdreg $0xFFFFFFFF  }
0xad: {  	[dreg:$0x0] =	wrdreg $0x60  }
0xae: {  	[dreg:$0x2] =	wrdreg s24  }
0xaf: {  	[dreg:$0x3] =	wrdreg $0x9  }
0xb0: {  	_ =	task.clear_ibuf [dreg:s6], $0x4FFFF;
	_ =	strace $0x90000049  }
0xb1: {  	s29 =	simm.s32 $0x9;
	_ =	strace $0x8000004B  }
0xb2: {  	_ =	swait.ge [sflag:s29], $0x1  }
0xb3: {  	[sflag:s29] =	ssyncadd.s32 $0xFFFFFFFF  }
0xb4: {  	_ =	strace $0x9000004B  }
0xb5: {  	_ =	sfence  }
0xb6: {  	s30 =	sld [smem:$0x0];
	_ =	sdelay $0x2  }
0xb7: {  	s31 =	sshll.u32 s1, $0xD;
	s1 =	sshrl.u32 s1, $0x2  }
0xb8: {  	s3 =	sand.u32 $0x4000, s31;
	s1 =	sadd.s32 s1, s30  }
0xb9: {  	s0 =	sor.u32 s3, s0;
	s1 =	sshll.u32 s1, $0x11  }
0xba: {  	s0 =	sor.u32 s1, s0  }
0xbb: {  	s0 =	sadd.s32 $0x8F2B, s0  }
0xbc: {  	[sflag:s0] =	ssyncadd.remote.s32 $0x1  }
0xbd: {  	_ =	sfence.sel $0xFFFF  }
0xbe: {  	[dreg:$0x0] =	wrdreg $0xFFFFFFFF;
	(pc) =	sbr.abs _section_cstart, $3  }
0xbf: {  	[dreg:$0x1] =	wrdreg $0xFFFFFFFF  }
0xc0: {  	_ =	task.clear_ibuf [dreg:s6], $0x2FFFF;
	_ =	strace $0x9FFFFFFF  }
0xc1: {  	(tm) =	ssettm $0x7FFFFFFF  }
tec
execute0_lowered:
.L_overlay_start_1:
0x0: {  	(tag) =	ssettag $0x1  }
0x1: {  	s0 =	rddreg [dreg:$0x0]  }
0x2: {  	s1 =	srdreg.scid;
	s2 =	simm.s32 $0x0;
	s15 =	simm.s32 $0x1  }
0x3: {  	s16 =	simm.s32 $0x3000;
	s17 =	simm.s32 $0x6000;
	s18 =	simm.s32 $0x6080  }
0x4: {  	s19 =	simm.s32 $0x80;
	s20 =	simm.s32 $0x100;
	s21 =	simm.s32 $0x6100  }
0x5: {  	s22 =	simm.s32 $0x6D80;
	s23 =	simm.s32 $0x7A00;
	s24 =	simm.s32 $0x8680  }
0x6: {  	s25 =	simm.s32 $0x9300;
	s26 =	simm.s32 $0x9F80;
	s28 =	simm.s32 $0xAC00  }
0x7: {  	s29 =	simm.s32 $0x0;
	s7 =	sand.u32 $0x1, s1;
	[smem:$0x7FF] =	sst s2  }
0x8: {  	s1 =	stileid.u32;
	s8 =	sadd.s32 $0x6A400, s0;
	s3 =	sshll.u32 s7, $0x4  }
0x9: {  	s10 =	sadd.s32 $0x70800, s0;
	s4 =	sadd.s32 $0x77600, s0;
	s9 =	sor.u32 s1, s3  }
0xa: {  	s5 =	sadd.s32 $0x76C00, s0;
	s7 =	ssub.s32 $0x2, s7;
	s11 =	smul.u32 $0x190, s9  }
0xb: {  	s6 =	sadd.s32 $0x76E00, s0;
	s30 =	sshrl.u32 s7, $0x1;
	s12 =	smul.u32 $0xC8, s9  }
0xc: {  	_ =	strace $0x8000004A;
	s9 =	smul.u32 $0x320, s9;
	s14 =	ssub.s32 s7, s30  }
0xd: {  	s3 =	sadd.s32 $0x77000, s0;
	s14 =	smax.u32 s14, $0x1;
	s13 =	sadd.s32 s11, s0  }
0xe: {  	s0 =	sadd.s32 s12, s0;
	s7 =	sadd.s32 s8, s9;
	s31 =	sor.u32 $0x10, s9  }
0xf: {  	s9 =	sadd.s32 s10, s9;
	s8 =	sadd.s32 s8, s31;
	s10 =	sadd.s32 s10, s31  }
0x10: {  	s11 =	sadd.s32 $0x5200, s13;
	s12 =	sadd.s32 $0x77C00, s13;
	s13 =	sadd.s32 $0x2200, s0  }
.LBB2_1:
0x11: {  	[tilespmem:s2], [sflag:$0x1] =	stream.linear.gather [hbm4b:s3+s2], $0x3000, $0x38;
	[tilespmem:$0xB280] =	vst v63  }
0x12: {  	_ =	swait.ge [sflag:s15], $0x3000  }
0x13: {  	[sflag:s15] =	ssyncset.done $0x0  }
0x14: {  	[sflag:s15] =	ssyncadd.s32 $0xFFFFD000  }
0x15: {  	[tilespmem:s16], [sflag:$0x1] =	stream.linear.gather [hbm4b:s4+s2], $0x3000, $0x38;
	[tilespmem:$0xB280] =	vst v63  }
0x16: {  	_ =	swait.ge [sflag:s15], $0x3000  }
0x17: {  	[sflag:s15] =	ssyncset.done $0x0  }
0x18: {  	[sflag:s15] =	ssyncadd.s32 $0xFFFFD000  }
0x19: {  	[tilespmem:s17], [sflag:$0x1] =	stream.linear.gather [hbm4b:s5+s2], $0x80, $0x38;
	[tilespmem:$0xB280] =	vst v63  }
0x1a: {  	_ =	swait.ge [sflag:s15], $0x80  }
0x1b: {  	[sflag:s15] =	ssyncset.done $0x0  }
0x1c: {  	[sflag:s15] =	ssyncadd.s32 $0xFFFFFF80  }
0x1d: {  	[tilespmem:s18], [sflag:$0x1] =	stream.linear.gather [hbm4b:s6+s2], $0x80, $0x38;
	[tilespmem:$0xB280] =	vst v63  }
0x1e: {  	_ =	swait.ge [sflag:s15], $0x80  }
0x1f: {  	[sflag:s15] =	ssyncset.done $0x0  }
0x20: {  	[sflag:s15] =	ssyncadd.s32 $0xFFFFFF80  }
0x21: {  	[tilespmem:s21], [sflag:$0x1] =	stream.strided.gather [hbm4b:s7+s19], $0xC80, s20, s19, $0x38;
	[tilespmem:$0xB280] =	vst v63  }
0x22: {  	_ =	swait.ge [sflag:s15], $0xC80  }
0x23: {  	[sflag:s15] =	ssyncset.done $0x0  }
0x24: {  	[sflag:s15] =	ssyncadd.s32 $0xFFFFF380  }
0x25: {  	[tilespmem:s22], [sflag:$0x1] =	stream.strided.gather [hbm4b:s8+s19], $0xC80, s20, s19, $0x38;
	[tilespmem:$0xB280] =	vst v63  }
0x26: {  	_ =	swait.ge [sflag:s15], $0xC80  }
0x27: {  	[sflag:s15] =	ssyncset.done $0x0  }
0x28: {  	[sflag:s15] =	ssyncadd.s32 $0xFFFFF380  }
0x29: {  	[tilespmem:s23], [sflag:$0x1] =	stream.strided.gather [hbm4b:s9+s19], $0xC80, s20, s19, $0x38;
	[tilespmem:$0xB280] =	vst v63  }
0x2a: {  	_ =	swait.ge [sflag:s15], $0xC80  }
0x2b: {  	[sflag:s15] =	ssyncset.done $0x0  }
0x2c: {  	[sflag:s15] =	ssyncadd.s32 $0xFFFFF380  }
0x2d: {  	[tilespmem:s24], [sflag:$0x1] =	stream.strided.gather [hbm4b:s10+s19], $0xC80, s20, s19, $0x38;
	[tilespmem:$0xB280] =	vst v63  }
0x2e: {  	_ =	swait.ge [sflag:s15], $0xC80  }
0x2f: {  	[sflag:s15] =	ssyncset.done $0x0  }
0x30: {  	[sflag:s15] =	ssyncadd.s32 $0xFFFFF380  }
0x31: {  	[tilespmem:s25], [sflag:$0x1] =	stream.linear.gather [hbm4b:s11+s2], $0xC80, $0x38;
	[tilespmem:$0xB280] =	vst v63  }
0x32: {  	_ =	swait.ge [sflag:s15], $0xC80  }
0x33: {  	[sflag:s15] =	ssyncset.done $0x0  }
0x34: {  	s30 =	simm.s32 $0xAC00;
	s31 =	simm.s32 $0x0;
	[sflag:s15] =	ssyncadd.s32 $0xFFFFF380  }
.LBB2_2:
0x35: {  	s0 =	sshra.s32 s31, $0x2  }
0x36: {  	v0 =	vld [tilespmem:s0+$0x9300];
	_ =	sdelay $0x4  }
0x37: {  	v1 =	vld [tilespmem:s0+$0x6100]  }
0x38: {  	v2 =	vld [tilespmem:s0+$0x6D80];
	_ =	sdelay $0x1  }
0x39: {  	v3 =	vld.idx.msk [tilespmem:v0+s17+$0x0], $0xffff;
	_ =	sdelay $0x1  }
0x3a: {  	v4 =	vld.idx.msk [tilespmem:v0+s18+$0x0], $0xffff  }
0x3b: {  	v1 =	vadd.f32 v2, v1;
	_ =	sdelay $0x1  }
0x3c: {  	v1 =	vsub.f32 v1, v3;
	_ =	sdelay $0x1  }
0x3d: {  	v1 =	vmul.f32 v4, v1;
	_ =	sdelay $0x1  }
0x3e: {  	v1 =	vmax.f32 v1, $0.0e+00  }
0x3f: {  	v1 =	vmin.f32 v1, $4.095000000e+03  }
0x40: {  	v46 =	vtrunc.f32 v1  }
0x41: {  	v2 =	vcvt.f32.s32 v46;
	_ =	sdelay $0x1  }
0x42: {  	v47 =	vadd.s32 $0x1, v2  }
0x43: {  	v0 =	vshll.u32 v0, $0xC;
	vm0 =	vlt.s32 v47, $0xFFF  }
0x44: {  	v48 =	vadd.s32 v2, v0;
	v3 =	vnsel vm0, $0xFFF, v47  }
0x45: {  	v0 =	vadd.s32 v0, v3;
	_ =	sdelay $0x3  }
0x46: {  	v49 =	vld.idx.msk [tilespmem:v48+s2+$0x0], $0xffff  }
0x47: {  	v5 =	vld.idx.msk [tilespmem:v0+s2+$0x0], $0xffff  }
0x48: {  	v6 =	vld [tilespmem:s0+$0x7A00]  }
0x49: {  	v7 =	vld [tilespmem:s0+$0x8680]  }
0x4a: {  	v2 =	vcvt.s32.f32 v2;
	_ =	sdelay $0x1  }
0x4b: {  	v1 =	vsub.f32 v1, v2;
	v50 =	vsub.f32 v5, v49  }
0x4c: {  	v51 =	vld [tilespmem:s0+$0x9310]  }
0x4d: {  	v6 =	vadd.f32 v7, v6;
	v2 =	vmul.f32 v1, v50;
	_ =	sdelay $0x1  }
0x4e: {  	v52 =	vmul.f32 $5.000000000e-01, v6;
	v2 =	vadd.f32 v2, v49  }
0x4f: {  	v53 =	vld [tilespmem:s0+$0x6110]  }
0x50: {  	v54 =	vld [tilespmem:s0+$0x6D90];
	v2 =	vadd.f32 v52, v2  }
0x51: {  	v4 =	vld.idx.msk [tilespmem:v48+s16+$0x0], $0xffff  }
0x52: {  	v0 =	vld.idx.msk [tilespmem:v0+s16+$0x0], $0xffff;
	[tilespmem:s0+$0x9F80] =	vst v2  }
0x53: {  	v2 =	vld.idx.msk [tilespmem:v51+s17+$0x0], $0xffff;
	_ =	sdelay $0x1  }
0x54: {  	v55 =	vld.idx.msk [tilespmem:v51+s18+$0x0], $0xffff  }
0x55: {  	v3 =	vadd.f32 v54, v53;
	_ =	sdelay $0x1  }
0x56: {  	v2 =	vsub.f32 v3, v2;
	_ =	sdelay $0x1  }
0x57: {  	v2 =	vmul.f32 v55, v2;
	_ =	sdelay $0x1  }
0x58: {  	v2 =	vmax.f32 v2, $0.0e+00  }
0x59: {  	v2 =	vmin.f32 v2, $4.095000000e+03  }
0x5a: {  	v56 =	vtrunc.f32 v2  }
0x5b: {  	v3 =	vcvt.f32.s32 v56;
	_ =	sdelay $0x1  }
0x5c: {  	v57 =	vadd.s32 $0x1, v3  }
0x5d: {  	v5 =	vshll.u32 v51, $0xC;
	vm15 =	vlt.s32 v57, $0xFFF  }
0x5e: {  	v58 =	vadd.s32 v3, v5;
	v6 =	vnsel vm15, $0xFFF, v57  }
0x5f: {  	v5 =	vadd.s32 v5, v6;
	_ =	sdelay $0x1  }
0x60: {  	v9 =	vld [tilespmem:s0+$0x7A10]  }
0x61: {  	v10 =	vld [tilespmem:s0+$0x8690]  }
0x62: {  	v59 =	vld.idx.msk [tilespmem:v58+s2+$0x0], $0xffff  }
0x63: {  	v8 =	vld.idx.msk [tilespmem:v5+s2+$0x0], $0xffff  }
0x64: {  	v7 =	vld.idx.msk [tilespmem:v58+s16+$0x0], $0xffff  }
0x65: {  	v5 =	vld.idx.msk [tilespmem:v5+s16+$0x0], $0xffff  }
0x66: {  	v3 =	vcvt.s32.f32 v3;
	_ =	sdelay $0x1  }
0x67: {  	v2 =	vsub.f32 v2, v3;
	v60 =	vsub.f32 v8, v59  }
0x68: {  	v0 =	vsub.f32 v0, v4  }
0x69: {  	v61 =	vadd.f32 v10, v9;
	v5 =	vsub.f32 v5, v7;
	v3 =	vmul.f32 v2, v60  }
0x6a: {  	v0 =	vmul.f32 v1, v0  }
0x6b: {  	p0 =	sne.s32 s31, $0x3180;
	v63 =	vmul.f32 $5.000000000e-01, v61;
	v2 =	vmul.f32 v2, v5;
	v62 =	vadd.f32 v3, v59  }
.Ltmp0:
0x6c: {  	v0 =	vadd.f32 v0, v4;
	(pc) =	sbr.rel @p0 .LBB2_2-.Ltmp0, $3  }
0x6d: {  	v2 =	vadd.f32 v2, v7;
	v1 =	vadd.f32 v63, v62;
	_ =	sdelay $0x1  }
0x6e: {  	v0 =	vpack.i.f32.bf16 v2, v0;
	[tilespmem:s0+$0x9F90] =	vst v1  }
0x6f: {  	s31 =	sadd.s32 $0x80, s31;
	[tilespmem:s30+$0x0] =	vst v0;
	s30 =	sadd.s32 $0x10, s30  }
0x70: {  	[hbm4b:s12+s2] =	stream.linear.scatter [tilespmem:s26], [sflag:$0x1], $0xC80, $0x38;
	[tilespmem:$0xB280] =	vst v63  }
0x71: {  	s29 =	sadd.s32 $0x1, s29;
	_ =	swait.ge [sflag:s15], $0xC80  }
0x72: {  	p0 =	sne.s32 s29, s14;
	[sflag:s15] =	ssyncset.done $0x0  }
.Ltmp1:
0x73: {  	[sflag:s15] =	ssyncadd.s32 $0xFFFFF380;
	(pc) =	sbr.rel @p0 .LBB2_1-.Ltmp1, $4  }
0x74: {  	[hbm4b:s13+s2] =	stream.linear.scatter [tilespmem:s28], [sflag:$0x1], $0x640, $0x38;
	[tilespmem:$0xB280] =	vst v63  }
0x75: {  	_ =	swait.ge [sflag:s15], $0x640  }
0x76: {  	[sflag:s15] =	ssyncset.done $0x0  }
0x77: {  	[sflag:s15] =	ssyncadd.s32 $0xFFFFF9C0  }
0x78: {  	_ =	sfence.sel $0x180000  }
0x79: {  	[bflag:$0x0] =	sbarrier.arrive $0xFFFF  }
0x7a: {  	_ =	strace $0x9000004A  }
0x7b: {  	[bflag:$0x2] =	sbarrier.arrive $0xFFFF  }
0x7c: {  	p0 =	sne.s32 s1, $0x0;
	s0 =	rddreg [dreg:$0x1]  }
0x7d: {  	s0 =	sadd.s32 @!p0 $0x100000, s0  }
0x7e: {  	[sflag:s0] =	ssyncadd.tile.s32 @!p0 $0x1;
	_ =	shalt  }
.Lfunc_end2:
_tile_overlayer_lowered:
.L_overlay_start_2:
0x7f: {  	(tag) =	ssettag $0x2  }
0x80: {  	s0 =	rddreg [dreg:$0x0];
	s2 =	stileid.u32  }
0x81: {  	s1 =	rddreg [dreg:$0x1];
	p0 =	sne.s32 s2, $0x0  }
0x82: {  	s3 =	rddreg [dreg:$0x2];
	[bflag:$0x3] =	sbarrier.arrive $0xFFFF;
	s2 =	simm.s32 @!p0 $0x1C01  }
0x83: {  	[timem:s3], [sflag:s2] =	dma.local @!p0 [hbm:s0], s1  }
0x84: {  	s0 =	simm.s32 @!p0 $0x1  }
0x85: {  	_ =	swait.ge @!p0 [sflag:s0], s1  }
0x86: {  	s1 =	ssub.s32 @!p0 $0x0, s1;
	[sflag:s0] =	ssyncset.done @!p0 $0x0  }
0x87: {  	[sflag:s0] =	ssyncadd.s32 @!p0 s1  }
0x88: {  	[bflag:$0x3] =	sbarrier.arrive $0xFFFF  }
0x89: {  	_ =	shalt  }

</sc_bundles>
